<compile_context>
chip_gen: v7x
topology: tpu7x:2x2x1
jax: 0.10.2.dev20260603
libtpu: 0.0.44.dev20260713+nightly
codegen_flags: <defaults>
</compile_context>

<pallas_src>
import math

import jax
import jax.numpy as jnp
from jax import lax
from jax.experimental import pallas as pl
from jax.experimental.pallas import tpu as pltpu
from jax.experimental.pallas import tpu_sc as plsc

_LANES = 16
_NB = 5


def _sc_embed_lookup(xt, embed, *, nw, nch, ch, d, scale):
    mesh = plsc.VectorSubcoreMesh(core_axis_name="c", subcore_axis_name="s")
    ngrp = nch // _NB

    def body(idx_hbm, table_hbm, out_hbm, idx_v, rows_v, *sems):
        gsem, ssem = sems[:_NB], sems[_NB:]
        nc = 2
        wid = lax.axis_index("s") * nc + lax.axis_index("c")
        base = wid * ch
        pltpu.sync_copy(idx_hbm.at[:, pl.ds(base, ch)], idx_v)

        def start_gather(j, b):
            pltpu.make_async_copy(
                table_hbm.at[idx_v.at[j]], rows_v.at[b], gsem[b]).start()

        def wait_gather(j, b):
            pltpu.make_async_copy(
                table_hbm.at[idx_v.at[j]], rows_v.at[b], gsem[b]).wait()

        def start_store(j, b):
            pltpu.make_async_copy(
                rows_v.at[b], out_hbm.at[j].at[pl.ds(base, ch)],
                ssem[b]).start()

        def wait_store(j, b):
            pltpu.make_async_copy(
                rows_v.at[b], out_hbm.at[j].at[pl.ds(base, ch)],
                ssem[b]).wait()

        def scale_slot(b):
            @plsc.parallel_loop(0, ch, unroll=1)
            def _(r):
                for t in range(d // _LANES):
                    sl = pl.ds(t * _LANES, _LANES)
                    rows_v[b, r, sl] = rows_v[b, r, sl] * scale

        for b in range(_NB - 1):
            start_gather(b, b)

        for b in range(_NB):
            wait_gather(b, b)
            scale_slot(b)
            if b > 0:
                wait_store(b - 1, b - 1)
            start_gather(b + _NB - 1, (b + _NB - 1) % _NB)
            start_store(b, b)

        def grp(g, carry):
            for b in range(_NB):
                j = g * _NB + b
                wait_gather(j, b)
                scale_slot(b)
                start_store(j, b)
                wait_store(j - 1, (b - 1) % _NB)
                start_gather(j + _NB - 1, (b + _NB - 1) % _NB)
            return carry

        lax.fori_loop(1, ngrp - 1, grp, 0)

        j0 = (ngrp - 1) * _NB
        for b in range(_NB):
            j = j0 + b
            wait_gather(j, b)
            scale_slot(b)
            wait_store(j - 1, (b - 1) % _NB)
            if b == 0:
                start_gather(j + _NB - 1, (b + _NB - 1) % _NB)
            start_store(j, b)
        wait_store(nch - 1, _NB - 1)

    f = pl.kernel(
        body,
        out_type=jax.ShapeDtypeStruct((nch, nw * ch, d), jnp.float32),
        mesh=mesh,
        scratch_types=[
            pltpu.VMEM((nch, ch), jnp.int32),
            pltpu.VMEM((_NB, ch, d), jnp.float32),
        ] + [pltpu.SemaphoreType.DMA] * (2 * _NB),
    )
    return f(xt, embed)


def kernel(x, embed):
    b, s = x.shape
    v, d = embed.shape
    nw = 32
    ch = b // nw
    nch = s
    assert b == nw * ch and d % _LANES == 0 and ch <= 128
    assert nch % _NB == 0 and nch // _NB >= 2
    scale = math.sqrt(float(d))
    xt = jnp.swapaxes(x.astype(jnp.int32), 0, 1)
    out = _sc_embed_lookup(xt, embed, nw=nw, nch=nch, ch=ch, d=d, scale=scale)
    return jnp.swapaxes(out, 0, 1)

# --- scband reference (transcript-rebuilt; emitter-appended) ---
"""Pipeline reference for scband-input-embeddings-78572131713620 (READ-ONLY COPY).

The authoritative reference and input builder live on the scoring server;
editing this copy changes nothing except your own understanding.
"""

import jax, jax.numpy as jnp
import numpy as np

D_MODEL = 128
VOCAB_SIZE = 1000000

def setup_inputs(seed: int = 0) -> dict:
    key = jax.random.key(seed)
    k1, k2 = jax.random.split(key)
    x = jax.random.randint(k1, (4096, 50), 0, VOCAB_SIZE, dtype=jnp.int64 if jax.config.jax_enable_x64 else jnp.int32)
    embed = jax.random.normal(k2, (VOCAB_SIZE, D_MODEL), dtype=jnp.float32) * 0.02
    return {"x": x, "embed": embed}

def reference(x, embed):
    # Faithful translation: nn.Embedding lookup scaled by sqrt(d_model)
    out = jnp.take(embed, x, axis=0)
    return out * jnp.sqrt(jnp.asarray(D_MODEL, dtype=jnp.float32))

if __name__ == "__main__":
    import jax
    _d = setup_inputs()
    print(jax.jit(kernel)(*tuple(_d.values())))

</pallas_src>

<mosaic_0001>
#map = affine_map<(d0, d1) -> (0, 0)>
#map1 = affine_map<(d0, d1) -> (0, 0, 0)>
module attributes {stable_mosaic.version = 14 : i64} {
  func.func @body(%arg0: i32, %arg1: i32, %arg2: memref<50x4096xi32, #tpu.memory_space<hbm>>, %arg3: memref<1000000x128xf32, #tpu.memory_space<hbm>>, %arg4: memref<50x4096x128xf32, #tpu.memory_space<hbm>>, %arg5: memref<50x128xi32, #tpu.memory_space<vmem>>, %arg6: memref<5x128x128xf32, #tpu.memory_space<vmem>>, %arg7: memref<!tpu.dma_semaphore, #tpu.memory_space<semaphore_mem>>, %arg8: memref<!tpu.dma_semaphore, #tpu.memory_space<semaphore_mem>>, %arg9: memref<!tpu.dma_semaphore, #tpu.memory_space<semaphore_mem>>, %arg10: memref<!tpu.dma_semaphore, #tpu.memory_space<semaphore_mem>>, %arg11: memref<!tpu.dma_semaphore, #tpu.memory_space<semaphore_mem>>, %arg12: memref<!tpu.dma_semaphore, #tpu.memory_space<semaphore_mem>>, %arg13: memref<!tpu.dma_semaphore, #tpu.memory_space<semaphore_mem>>, %arg14: memref<!tpu.dma_semaphore, #tpu.memory_space<semaphore_mem>>, %arg15: memref<!tpu.dma_semaphore, #tpu.memory_space<semaphore_mem>>, %arg16: memref<!tpu.dma_semaphore, #tpu.memory_space<semaphore_mem>>) attributes {dimension_semantics = [#tpu.dimension_semantics<core_parallel>, #tpu.dimension_semantics<subcore_parallel>], iteration_bounds = array<i64: 2, 16>, scalar_prefetch = 0 : i64, scratch_operands = 12 : i64, tpu.core_type = #tpu.core_type<sc_vector_subcore>, window_params = [{transform_indices = #map}, {transform_indices = #map}, {transform_indices = #map1}]} {
    %mul3A = arith.constant 2 : i32
    %mul3A_0 = arith.muli %arg1, %mul3A : i32
    %add3A = arith.addi %mul3A_0, %arg0 : i32
    %mul3A_1 = arith.constant 128 : i32
    %mul3A_2 = arith.muli %add3A, %mul3A_1 : i32
    "tpu.region"() ({
      %run_scoped3A = tpu.sem_alloc : memref<!tpu.dma_semaphore, #tpu.memory_space<semaphore_mem>>
      %dma_start3A_715 = arith.constant 0 : i32
      %dma_start3A_716 = tpu.memref_slice %arg2[%dma_start3A_715, %mul3A_2] : memref<50x4096xi32, #tpu.memory_space<hbm>> -> memref<50x128xi32, #tpu.memory_space<hbm>>
      %dma_start3A_717 = arith.constant 0 : i32
      %dma_start3A_718 = tpu.memref_slice %arg2[%dma_start3A_717, %mul3A_2] : memref<50x4096xi32, #tpu.memory_space<hbm>> -> memref<50x128xi32, #tpu.memory_space<hbm>>
      tpu.enqueue_dma source(%dma_start3A_718 : memref<50x128xi32, #tpu.memory_space<hbm>>) target(%arg5 : memref<50x128xi32, #tpu.memory_space<vmem>>) target_semaphore(%run_scoped3A : memref<!tpu.dma_semaphore, #tpu.memory_space<semaphore_mem>>)
      %dma_wait3A_719 = arith.constant 0 : i32
      %dma_wait3A_720 = tpu.memref_slice %arg2[%dma_wait3A_719, %mul3A_2] : memref<50x4096xi32, #tpu.memory_space<hbm>> -> memref<50x128xi32, #tpu.memory_space<hbm>>
      %dma_wait3A_721 = arith.constant 0 : i32
      %dma_wait3A_722 = tpu.memref_slice %arg2[%dma_wait3A_721, %mul3A_2] : memref<50x4096xi32, #tpu.memory_space<hbm>> -> memref<50x128xi32, #tpu.memory_space<hbm>>
      tpu.wait_dma2 semaphore(%run_scoped3A : memref<!tpu.dma_semaphore, #tpu.memory_space<semaphore_mem>>) src(%dma_wait3A_722 : memref<50x128xi32, #tpu.memory_space<hbm>>) dst(%arg5 : memref<50x128xi32, #tpu.memory_space<vmem>>)
      tpu.yield
    }) : () -> ()
    %dma_start3A = arith.constant 0 : i32
    %dma_start3A_3 = arith.constant 0 : i32
    %dma_start3A_4 = arith.constant 0 : i32
    %dma_start3A_5 = arith.constant 0 : i32
    %dma_start3A_6 = tpu.memref_slice %arg6[%dma_start3A_3, %dma_start3A_4, %dma_start3A_5] : memref<5x128x128xf32, #tpu.memory_space<vmem>> -> memref<1x128x128xf32, #tpu.memory_space<vmem>>
    %dma_start3A_7 = tpu.memref_squeeze %dma_start3A_6 : memref<1x128x128xf32, #tpu.memory_space<vmem>> -> memref<128x128xf32, #tpu.memory_space<vmem>>
    %dma_start3A_8 = arith.constant 0 : i32
    %dma_start3A_9 = tpu.memref_slice %arg5[%dma_start3A, %dma_start3A_8] : memref<50x128xi32, #tpu.memory_space<vmem>> -> memref<1x128xi32, #tpu.memory_space<vmem>>
    %dma_start3A_10 = tpu.memref_squeeze %dma_start3A_9 : memref<1x128xi32, #tpu.memory_space<vmem>> -> memref<128xi32, #tpu.memory_space<vmem>>
    %dma_start3A_11 = arith.constant 0 : i32
    %dma_start3A_12 = arith.constant 0 : i32
    %dma_start3A_13 = tpu.memref_slice %arg3[%dma_start3A_11, %dma_start3A_12] : memref<1000000x128xf32, #tpu.memory_space<hbm>> -> memref<1000000x128xf32, #tpu.memory_space<hbm>>
    tpu.enqueue_indirect_dma source(%dma_start3A_13 : memref<1000000x128xf32, #tpu.memory_space<hbm>>) target(%dma_start3A_7 : memref<128x128xf32, #tpu.memory_space<vmem>>) offsets(%dma_start3A_10 : memref<128xi32, #tpu.memory_space<vmem>>) semaphore(%arg7 : memref<!tpu.dma_semaphore, #tpu.memory_space<semaphore_mem>>)
    %dma_start3A_14 = arith.constant 1 : i32
    %dma_start3A_15 = arith.constant 1 : i32
    %dma_start3A_16 = arith.constant 0 : i32
    %dma_start3A_17 = arith.constant 0 : i32
    %dma_start3A_18 = tpu.memref_slice %arg6[%dma_start3A_15, %dma_start3A_16, %dma_start3A_17] : memref<5x128x128xf32, #tpu.memory_space<vmem>> -> memref<1x128x128xf32, #tpu.memory_space<vmem>>
    %dma_start3A_19 = tpu.memref_squeeze %dma_start3A_18 : memref<1x128x128xf32, #tpu.memory_space<vmem>> -> memref<128x128xf32, #tpu.memory_space<vmem>>
    %dma_start3A_20 = arith.constant 0 : i32
    %dma_start3A_21 = tpu.memref_slice %arg5[%dma_start3A_14, %dma_start3A_20] : memref<50x128xi32, #tpu.memory_space<vmem>> -> memref<1x128xi32, #tpu.memory_space<vmem>>
    %dma_start3A_22 = tpu.memref_squeeze %dma_start3A_21 : memref<1x128xi32, #tpu.memory_space<vmem>> -> memref<128xi32, #tpu.memory_space<vmem>>
    %dma_start3A_23 = arith.constant 0 : i32
    %dma_start3A_24 = arith.constant 0 : i32
    %dma_start3A_25 = tpu.memref_slice %arg3[%dma_start3A_23, %dma_start3A_24] : memref<1000000x128xf32, #tpu.memory_space<hbm>> -> memref<1000000x128xf32, #tpu.memory_space<hbm>>
    tpu.enqueue_indirect_dma source(%dma_start3A_25 : memref<1000000x128xf32, #tpu.memory_space<hbm>>) target(%dma_start3A_19 : memref<128x128xf32, #tpu.memory_space<vmem>>) offsets(%dma_start3A_22 : memref<128xi32, #tpu.memory_space<vmem>>) semaphore(%arg8 : memref<!tpu.dma_semaphore, #tpu.memory_space<semaphore_mem>>)
    %dma_start3A_26 = arith.constant 2 : i32
    %dma_start3A_27 = arith.constant 2 : i32
    %dma_start3A_28 = arith.constant 0 : i32
    %dma_start3A_29 = arith.constant 0 : i32
    %dma_start3A_30 = tpu.memref_slice %arg6[%dma_start3A_27, %dma_start3A_28, %dma_start3A_29] : memref<5x128x128xf32, #tpu.memory_space<vmem>> -> memref<1x128x128xf32, #tpu.memory_space<vmem>>
    %dma_start3A_31 = tpu.memref_squeeze %dma_start3A_30 : memref<1x128x128xf32, #tpu.memory_space<vmem>> -> memref<128x128xf32, #tpu.memory_space<vmem>>
    %dma_start3A_32 = arith.constant 0 : i32
    %dma_start3A_33 = tpu.memref_slice %arg5[%dma_start3A_26, %dma_start3A_32] : memref<50x128xi32, #tpu.memory_space<vmem>> -> memref<1x128xi32, #tpu.memory_space<vmem>>
    %dma_start3A_34 = tpu.memref_squeeze %dma_start3A_33 : memref<1x128xi32, #tpu.memory_space<vmem>> -> memref<128xi32, #tpu.memory_space<vmem>>
    %dma_start3A_35 = arith.constant 0 : i32
    %dma_start3A_36 = arith.constant 0 : i32
    %dma_start3A_37 = tpu.memref_slice %arg3[%dma_start3A_35, %dma_start3A_36] : memref<1000000x128xf32, #tpu.memory_space<hbm>> -> memref<1000000x128xf32, #tpu.memory_space<hbm>>
    tpu.enqueue_indirect_dma source(%dma_start3A_37 : memref<1000000x128xf32, #tpu.memory_space<hbm>>) target(%dma_start3A_31 : memref<128x128xf32, #tpu.memory_space<vmem>>) offsets(%dma_start3A_34 : memref<128xi32, #tpu.memory_space<vmem>>) semaphore(%arg9 : memref<!tpu.dma_semaphore, #tpu.memory_space<semaphore_mem>>)
    %dma_start3A_38 = arith.constant 3 : i32
    %dma_start3A_39 = arith.constant 3 : i32
    %dma_start3A_40 = arith.constant 0 : i32
    %dma_start3A_41 = arith.constant 0 : i32
    %dma_start3A_42 = tpu.memref_slice %arg6[%dma_start3A_39, %dma_start3A_40, %dma_start3A_41] : memref<5x128x128xf32, #tpu.memory_space<vmem>> -> memref<1x128x128xf32, #tpu.memory_space<vmem>>
    %dma_start3A_43 = tpu.memref_squeeze %dma_start3A_42 : memref<1x128x128xf32, #tpu.memory_space<vmem>> -> memref<128x128xf32, #tpu.memory_space<vmem>>
    %dma_start3A_44 = arith.constant 0 : i32
    %dma_start3A_45 = tpu.memref_slice %arg5[%dma_start3A_38, %dma_start3A_44] : memref<50x128xi32, #tpu.memory_space<vmem>> -> memref<1x128xi32, #tpu.memory_space<vmem>>
    %dma_start3A_46 = tpu.memref_squeeze %dma_start3A_45 : memref<1x128xi32, #tpu.memory_space<vmem>> -> memref<128xi32, #tpu.memory_space<vmem>>
    %dma_start3A_47 = arith.constant 0 : i32
    %dma_start3A_48 = arith.constant 0 : i32
    %dma_start3A_49 = tpu.memref_slice %arg3[%dma_start3A_47, %dma_start3A_48] : memref<1000000x128xf32, #tpu.memory_space<hbm>> -> memref<1000000x128xf32, #tpu.memory_space<hbm>>
    tpu.enqueue_indirect_dma source(%dma_start3A_49 : memref<1000000x128xf32, #tpu.memory_space<hbm>>) target(%dma_start3A_43 : memref<128x128xf32, #tpu.memory_space<vmem>>) offsets(%dma_start3A_46 : memref<128xi32, #tpu.memory_space<vmem>>) semaphore(%arg10 : memref<!tpu.dma_semaphore, #tpu.memory_space<semaphore_mem>>)
    %dma_wait3A = arith.constant 0 : i32
    %dma_wait3A_50 = arith.constant 0 : i32
    %dma_wait3A_51 = arith.constant 0 : i32
    %dma_wait3A_52 = arith.constant 0 : i32
    %dma_wait3A_53 = tpu.memref_slice %arg6[%dma_wait3A_50, %dma_wait3A_51, %dma_wait3A_52] : memref<5x128x128xf32, #tpu.memory_space<vmem>> -> memref<1x128x128xf32, #tpu.memory_space<vmem>>
    %dma_wait3A_54 = tpu.memref_squeeze %dma_wait3A_53 : memref<1x128x128xf32, #tpu.memory_space<vmem>> -> memref<128x128xf32, #tpu.memory_space<vmem>>
    %dma_wait3A_55 = arith.constant 0 : i32
    %dma_wait3A_56 = tpu.memref_slice %arg5[%dma_wait3A, %dma_wait3A_55] : memref<50x128xi32, #tpu.memory_space<vmem>> -> memref<1x128xi32, #tpu.memory_space<vmem>>
    %dma_wait3A_57 = tpu.memref_squeeze %dma_wait3A_56 : memref<1x128xi32, #tpu.memory_space<vmem>> -> memref<128xi32, #tpu.memory_space<vmem>>
    %dma_wait3A_58 = arith.constant 0 : i32
    %dma_wait3A_59 = arith.constant 0 : i32
    %dma_wait3A_60 = tpu.memref_slice %arg3[%dma_wait3A_58, %dma_wait3A_59] : memref<1000000x128xf32, #tpu.memory_space<hbm>> -> memref<1000000x128xf32, #tpu.memory_space<hbm>>
    tpu.wait_indirect_dma semaphore(%arg7 : memref<!tpu.dma_semaphore, #tpu.memory_space<semaphore_mem>>) src(%dma_wait3A_60 : memref<1000000x128xf32, #tpu.memory_space<hbm>>) dst(%dma_wait3A_54 : memref<128x128xf32, #tpu.memory_space<vmem>>)
    %parallel_loop3A = arith.constant 0 : i32
    %parallel_loop3A_61 = arith.constant 128 : i32
    %parallel_loop3A_62 = arith.constant 1 : i32
    scf.for %parallel_loop3A_715 = %parallel_loop3A to %parallel_loop3A_61 step %parallel_loop3A_62  : i32 {
      %parallel_loop3A_716 = arith.constant 0 : i32
      %parallel_loop3A_717 = arith.index_cast %parallel_loop3A_716 : i32 to index
      %parallel_loop3A_718 = arith.index_cast %parallel_loop3A_715 : i32 to index
      %parallel_loop3A_719 = arith.constant 0 : index
      %parallel_loop3A_720 = tpu.vector_load %arg6[%parallel_loop3A_717, %parallel_loop3A_718, %parallel_loop3A_719] {strides = array<i32>} : memref<5x128x128xf32, #tpu.memory_space<vmem>>, vector<1x1x16xf32>,
      %parallel_loop3A_721 = vector.shape_cast %parallel_loop3A_720 : vector<1x1x16xf32> to vector<16xf32>
      %parallel_loop3A_722 = arith.constant 11.3137083 : f32
      %parallel_loop3A_723 = vector.broadcast %parallel_loop3A_722 : f32 to vector<16xf32>
      %parallel_loop3A_724 = arith.mulf %parallel_loop3A_721, %parallel_loop3A_723 : vector<16xf32>
      %parallel_loop3A_725 = arith.constant 0 : i32
      %parallel_loop3A_726 = arith.index_cast %parallel_loop3A_725 : i32 to index
      %parallel_loop3A_727 = arith.index_cast %parallel_loop3A_715 : i32 to index
      %parallel_loop3A_728 = arith.constant 0 : index
      %parallel_loop3A_729 = tpu.vector_load %arg6[%parallel_loop3A_726, %parallel_loop3A_727, %parallel_loop3A_728] {strides = array<i32>} : memref<5x128x128xf32, #tpu.memory_space<vmem>>, vector<1x1x16xf32>,
      %parallel_loop3A_730 = vector.shape_cast %parallel_loop3A_729 : vector<1x1x16xf32> to vector<16xf32>
      %parallel_loop3A_731 = vector.shape_cast %parallel_loop3A_724 : vector<16xf32> to vector<1x1x16xf32>
      tpu.vector_store %arg6[%parallel_loop3A_726, %parallel_loop3A_727, %parallel_loop3A_728], %parallel_loop3A_731 {strides = array<i32>} : memref<5x128x128xf32, #tpu.memory_space<vmem>>, vector<1x1x16xf32>,
      %parallel_loop3A_732 = arith.constant 0 : i32
      %parallel_loop3A_733 = arith.index_cast %parallel_loop3A_732 : i32 to index
      %parallel_loop3A_734 = arith.index_cast %parallel_loop3A_715 : i32 to index
      %parallel_loop3A_735 = arith.constant 16 : index
      %parallel_loop3A_736 = tpu.vector_load %arg6[%parallel_loop3A_733, %parallel_loop3A_734, %parallel_loop3A_735] {strides = array<i32>} : memref<5x128x128xf32, #tpu.memory_space<vmem>>, vector<1x1x16xf32>,
      %parallel_loop3A_737 = vector.shape_cast %parallel_loop3A_736 : vector<1x1x16xf32> to vector<16xf32>
      %parallel_loop3A_738 = arith.constant 11.3137083 : f32
      %parallel_loop3A_739 = vector.broadcast %parallel_loop3A_738 : f32 to vector<16xf32>
      %parallel_loop3A_740 = arith.mulf %parallel_loop3A_737, %parallel_loop3A_739 : vector<16xf32>
      %parallel_loop3A_741 = arith.constant 0 : i32
      %parallel_loop3A_742 = arith.index_cast %parallel_loop3A_741 : i32 to index
      %parallel_loop3A_743 = arith.index_cast %parallel_loop3A_715 : i32 to index
      %parallel_loop3A_744 = arith.constant 16 : index
      %parallel_loop3A_745 = tpu.vector_load %arg6[%parallel_loop3A_742, %parallel_loop3A_743, %parallel_loop3A_744] {strides = array<i32>} : memref<5x128x128xf32, #tpu.memory_space<vmem>>, vector<1x1x16xf32>,
      %parallel_loop3A_746 = vector.shape_cast %parallel_loop3A_745 : vector<1x1x16xf32> to vector<16xf32>
      %parallel_loop3A_747 = vector.shape_cast %parallel_loop3A_740 : vector<16xf32> to vector<1x1x16xf32>
      tpu.vector_store %arg6[%parallel_loop3A_742, %parallel_loop3A_743, %parallel_loop3A_744], %parallel_loop3A_747 {strides = array<i32>} : memref<5x128x128xf32, #tpu.memory_space<vmem>>, vector<1x1x16xf32>,
      %parallel_loop3A_748 = arith.constant 0 : i32
      %parallel_loop3A_749 = arith.index_cast %parallel_loop3A_748 : i32 to index
      %parallel_loop3A_750 = arith.index_cast %parallel_loop3A_715 : i32 to index
      %parallel_loop3A_751 = arith.constant 32 : index
      %parallel_loop3A_752 = tpu.vector_load %arg6[%parallel_loop3A_749, %parallel_loop3A_750, %parallel_loop3A_751] {strides = array<i32>} : memref<5x128x128xf32, #tpu.memory_space<vmem>>, vector<1x1x16xf32>,
      %parallel_loop3A_753 = vector.shape_cast %parallel_loop3A_752 : vector<1x1x16xf32> to vector<16xf32>
      %parallel_loop3A_754 = arith.constant 11.3137083 : f32
      %parallel_loop3A_755 = vector.broadcast %parallel_loop3A_754 : f32 to vector<16xf32>
      %parallel_loop3A_756 = arith.mulf %parallel_loop3A_753, %parallel_loop3A_755 : vector<16xf32>
      %parallel_loop3A_757 = arith.constant 0 : i32
      %parallel_loop3A_758 = arith.index_cast %parallel_loop3A_757 : i32 to index
      %parallel_loop3A_759 = arith.index_cast %parallel_loop3A_715 : i32 to index
      %parallel_loop3A_760 = arith.constant 32 : index
      %parallel_loop3A_761 = tpu.vector_load %arg6[%parallel_loop3A_758, %parallel_loop3A_759, %parallel_loop3A_760] {strides = array<i32>} : memref<5x128x128xf32, #tpu.memory_space<vmem>>, vector<1x1x16xf32>,
      %parallel_loop3A_762 = vector.shape_cast %parallel_loop3A_761 : vector<1x1x16xf32> to vector<16xf32>
      %parallel_loop3A_763 = vector.shape_cast %parallel_loop3A_756 : vector<16xf32> to vector<1x1x16xf32>
      tpu.vector_store %arg6[%parallel_loop3A_758, %parallel_loop3A_759, %parallel_loop3A_760], %parallel_loop3A_763 {strides = array<i32>} : memref<5x128x128xf32, #tpu.memory_space<vmem>>, vector<1x1x16xf32>,
      %parallel_loop3A_764 = arith.constant 0 : i32
      %parallel_loop3A_765 = arith.index_cast %parallel_loop3A_764 : i32 to index
      %parallel_loop3A_766 = arith.index_cast %parallel_loop3A_715 : i32 to index
      %parallel_loop3A_767 = arith.constant 48 : index
      %parallel_loop3A_768 = tpu.vector_load %arg6[%parallel_loop3A_765, %parallel_loop3A_766, %parallel_loop3A_767] {strides = array<i32>} : memref<5x128x128xf32, #tpu.memory_space<vmem>>, vector<1x1x16xf32>,
      %parallel_loop3A_769 = vector.shape_cast %parallel_loop3A_768 : vector<1x1x16xf32> to vector<16xf32>
      %parallel_loop3A_770 = arith.constant 11.3137083 : f32
      %parallel_loop3A_771 = vector.broadcast %parallel_loop3A_770 : f32 to vector<16xf32>
      %parallel_loop3A_772 = arith.mulf %parallel_loop3A_769, %parallel_loop3A_771 : vector<16xf32>
      %parallel_loop3A_773 = arith.constant 0 : i32
      %parallel_loop3A_774 = arith.index_cast %parallel_loop3A_773 : i32 to index
      %parallel_loop3A_775 = arith.index_cast %parallel_loop3A_715 : i32 to index
      %parallel_loop3A_776 = arith.constant 48 : index
      %parallel_loop3A_777 = tpu.vector_load %arg6[%parallel_loop3A_774, %parallel_loop3A_775, %parallel_loop3A_776] {strides = array<i32>} : memref<5x128x128xf32, #tpu.memory_space<vmem>>, vector<1x1x16xf32>,
      %parallel_loop3A_778 = vector.shape_cast %parallel_loop3A_777 : vector<1x1x16xf32> to vector<16xf32>
      %parallel_loop3A_779 = vector.shape_cast %parallel_loop3A_772 : vector<16xf32> to vector<1x1x16xf32>
      tpu.vector_store %arg6[%parallel_loop3A_774, %parallel_loop3A_775, %parallel_loop3A_776], %parallel_loop3A_779 {strides = array<i32>} : memref<5x128x128xf32, #tpu.memory_space<vmem>>, vector<1x1x16xf32>,
      %parallel_loop3A_780 = arith.constant 0 : i32
      %parallel_loop3A_781 = arith.index_cast %parallel_loop3A_780 : i32 to index
      %parallel_loop3A_782 = arith.index_cast %parallel_loop3A_715 : i32 to index
      %parallel_loop3A_783 = arith.constant 64 : index
      %parallel_loop3A_784 = tpu.vector_load %arg6[%parallel_loop3A_781, %parallel_loop3A_782, %parallel_loop3A_783] {strides = array<i32>} : memref<5x128x128xf32, #tpu.memory_space<vmem>>, vector<1x1x16xf32>,
      %parallel_loop3A_785 = vector.shape_cast %parallel_loop3A_784 : vector<1x1x16xf32> to vector<16xf32>
      %parallel_loop3A_786 = arith.constant 11.3137083 : f32
      %parallel_loop3A_787 = vector.broadcast %parallel_loop3A_786 : f32 to vector<16xf32>
      %parallel_loop3A_788 = arith.mulf %parallel_loop3A_785, %parallel_loop3A_787 : vector<16xf32>
      %parallel_loop3A_789 = arith.constant 0 : i32
      %parallel_loop3A_790 = arith.index_cast %parallel_loop3A_789 : i32 to index
      %parallel_loop3A_791 = arith.index_cast %parallel_loop3A_715 : i32 to index
      %parallel_loop3A_792 = arith.constant 64 : index
      %parallel_loop3A_793 = tpu.vector_load %arg6[%parallel_loop3A_790, %parallel_loop3A_791, %parallel_loop3A_792] {strides = array<i32>} : memref<5x128x128xf32, #tpu.memory_space<vmem>>, vector<1x1x16xf32>,
      %parallel_loop3A_794 = vector.shape_cast %parallel_loop3A_793 : vector<1x1x16xf32> to vector<16xf32>
      %parallel_loop3A_795 = vector.shape_cast %parallel_loop3A_788 : vector<16xf32> to vector<1x1x16xf32>
      tpu.vector_store %arg6[%parallel_loop3A_790, %parallel_loop3A_791, %parallel_loop3A_792], %parallel_loop3A_795 {strides = array<i32>} : memref<5x128x128xf32, #tpu.memory_space<vmem>>, vector<1x1x16xf32>,
      %parallel_loop3A_796 = arith.constant 0 : i32
      %parallel_loop3A_797 = arith.index_cast %parallel_loop3A_796 : i32 to index
      %parallel_loop3A_798 = arith.index_cast %parallel_loop3A_715 : i32 to index
      %parallel_loop3A_799 = arith.constant 80 : index
      %parallel_loop3A_800 = tpu.vector_load %arg6[%parallel_loop3A_797, %parallel_loop3A_798, %parallel_loop3A_799] {strides = array<i32>} : memref<5x128x128xf32, #tpu.memory_space<vmem>>, vector<1x1x16xf32>,
      %parallel_loop3A_801 = vector.shape_cast %parallel_loop3A_800 : vector<1x1x16xf32> to vector<16xf32>
      %parallel_loop3A_802 = arith.constant 11.3137083 : f32
      %parallel_loop3A_803 = vector.broadcast %parallel_loop3A_802 : f32 to vector<16xf32>
      %parallel_loop3A_804 = arith.mulf %parallel_loop3A_801, %parallel_loop3A_803 : vector<16xf32>
      %parallel_loop3A_805 = arith.constant 0 : i32
      %parallel_loop3A_806 = arith.index_cast %parallel_loop3A_805 : i32 to index
      %parallel_loop3A_807 = arith.index_cast %parallel_loop3A_715 : i32 to index
      %parallel_loop3A_808 = arith.constant 80 : index
      %parallel_loop3A_809 = tpu.vector_load %arg6[%parallel_loop3A_806, %parallel_loop3A_807, %parallel_loop3A_808] {strides = array<i32>} : memref<5x128x128xf32, #tpu.memory_space<vmem>>, vector<1x1x16xf32>,
      %parallel_loop3A_810 = vector.shape_cast %parallel_loop3A_809 : vector<1x1x16xf32> to vector<16xf32>
      %parallel_loop3A_811 = vector.shape_cast %parallel_loop3A_804 : vector<16xf32> to vector<1x1x16xf32>
      tpu.vector_store %arg6[%parallel_loop3A_806, %parallel_loop3A_807, %parallel_loop3A_808], %parallel_loop3A_811 {strides = array<i32>} : memref<5x128x128xf32, #tpu.memory_space<vmem>>, vector<1x1x16xf32>,
      %parallel_loop3A_812 = arith.constant 0 : i32
      %parallel_loop3A_813 = arith.index_cast %parallel_loop3A_812 : i32 to index
      %parallel_loop3A_814 = arith.index_cast %parallel_loop3A_715 : i32 to index
      %parallel_loop3A_815 = arith.constant 96 : index
      %parallel_loop3A_816 = tpu.vector_load %arg6[%parallel_loop3A_813, %parallel_loop3A_814, %parallel_loop3A_815] {strides = array<i32>} : memref<5x128x128xf32, #tpu.memory_space<vmem>>, vector<1x1x16xf32>,
      %parallel_loop3A_817 = vector.shape_cast %parallel_loop3A_816 : vector<1x1x16xf32> to vector<16xf32>
      %parallel_loop3A_818 = arith.constant 11.3137083 : f32
      %parallel_loop3A_819 = vector.broadcast %parallel_loop3A_818 : f32 to vector<16xf32>
      %parallel_loop3A_820 = arith.mulf %parallel_loop3A_817, %parallel_loop3A_819 : vector<16xf32>
      %parallel_loop3A_821 = arith.constant 0 : i32
      %parallel_loop3A_822 = arith.index_cast %parallel_loop3A_821 : i32 to index
      %parallel_loop3A_823 = arith.index_cast %parallel_loop3A_715 : i32 to index
      %parallel_loop3A_824 = arith.constant 96 : index
      %parallel_loop3A_825 = tpu.vector_load %arg6[%parallel_loop3A_822, %parallel_loop3A_823, %parallel_loop3A_824] {strides = array<i32>} : memref<5x128x128xf32, #tpu.memory_space<vmem>>, vector<1x1x16xf32>,
      %parallel_loop3A_826 = vector.shape_cast %parallel_loop3A_825 : vector<1x1x16xf32> to vector<16xf32>
      %parallel_loop3A_827 = vector.shape_cast %parallel_loop3A_820 : vector<16xf32> to vector<1x1x16xf32>
      tpu.vector_store %arg6[%parallel_loop3A_822, %parallel_loop3A_823, %parallel_loop3A_824], %parallel_loop3A_827 {strides = array<i32>} : memref<5x128x128xf32, #tpu.memory_space<vmem>>, vector<1x1x16xf32>,
      %parallel_loop3A_828 = arith.constant 0 : i32
      %parallel_loop3A_829 = arith.index_cast %parallel_loop3A_828 : i32 to index
      %parallel_loop3A_830 = arith.index_cast %parallel_loop3A_715 : i32 to index
      %parallel_loop3A_831 = arith.constant 112 : index
      %parallel_loop3A_832 = tpu.vector_load %arg6[%parallel_loop3A_829, %parallel_loop3A_830, %parallel_loop3A_831] {strides = array<i32>} : memref<5x128x128xf32, #tpu.memory_space<vmem>>, vector<1x1x16xf32>,
      %parallel_loop3A_833 = vector.shape_cast %parallel_loop3A_832 : vector<1x1x16xf32> to vector<16xf32>
      %parallel_loop3A_834 = arith.constant 11.3137083 : f32
      %parallel_loop3A_835 = vector.broadcast %parallel_loop3A_834 : f32 to vector<16xf32>
      %parallel_loop3A_836 = arith.mulf %parallel_loop3A_833, %parallel_loop3A_835 : vector<16xf32>
      %parallel_loop3A_837 = arith.constant 0 : i32
      %parallel_loop3A_838 = arith.index_cast %parallel_loop3A_837 : i32 to index
      %parallel_loop3A_839 = arith.index_cast %parallel_loop3A_715 : i32 to index
      %parallel_loop3A_840 = arith.constant 112 : index
      %parallel_loop3A_841 = tpu.vector_load %arg6[%parallel_loop3A_838, %parallel_loop3A_839, %parallel_loop3A_840] {strides = array<i32>} : memref<5x128x128xf32, #tpu.memory_space<vmem>>, vector<1x1x16xf32>,
      %parallel_loop3A_842 = vector.shape_cast %parallel_loop3A_841 : vector<1x1x16xf32> to vector<16xf32>
      %parallel_loop3A_843 = vector.shape_cast %parallel_loop3A_836 : vector<16xf32> to vector<1x1x16xf32>
      tpu.vector_store %arg6[%parallel_loop3A_838, %parallel_loop3A_839, %parallel_loop3A_840], %parallel_loop3A_843 {strides = array<i32>} : memref<5x128x128xf32, #tpu.memory_space<vmem>>, vector<1x1x16xf32>,
    } {sc.loop_unroll_factor = 1 : i64, sc.parallel_access}
    %dma_start3A_63 = arith.constant 4 : i32
    %dma_start3A_64 = arith.constant 4 : i32
    %dma_start3A_65 = arith.constant 0 : i32
    %dma_start3A_66 = arith.constant 0 : i32
    %dma_start3A_67 = tpu.memref_slice %arg6[%dma_start3A_64, %dma_start3A_65, %dma_start3A_66] : memref<5x128x128xf32, #tpu.memory_space<vmem>> -> memref<1x128x128xf32, #tpu.memory_space<vmem>>
    %dma_start3A_68 = tpu.memref_squeeze %dma_start3A_67 : memref<1x128x128xf32, #tpu.memory_space<vmem>> -> memref<128x128xf32, #tpu.memory_space<vmem>>
    %dma_start3A_69 = arith.constant 0 : i32
    %dma_start3A_70 = tpu.memref_slice %arg5[%dma_start3A_63, %dma_start3A_69] : memref<50x128xi32, #tpu.memory_space<vmem>> -> memref<1x128xi32, #tpu.memory_space<vmem>>
    %dma_start3A_71 = tpu.memref_squeeze %dma_start3A_70 : memref<1x128xi32, #tpu.memory_space<vmem>> -> memref<128xi32, #tpu.memory_space<vmem>>
    %dma_start3A_72 = arith.constant 0 : i32
    %dma_start3A_73 = arith.constant 0 : i32
    %dma_start3A_74 = tpu.memref_slice %arg3[%dma_start3A_72, %dma_start3A_73] : memref<1000000x128xf32, #tpu.memory_space<hbm>> -> memref<1000000x128xf32, #tpu.memory_space<hbm>>
    tpu.enqueue_indirect_dma source(%dma_start3A_74 : memref<1000000x128xf32, #tpu.memory_space<hbm>>) target(%dma_start3A_68 : memref<128x128xf32, #tpu.memory_space<vmem>>) offsets(%dma_start3A_71 : memref<128xi32, #tpu.memory_space<vmem>>) semaphore(%arg11 : memref<!tpu.dma_semaphore, #tpu.memory_space<semaphore_mem>>)
    %dma_start3A_75 = arith.constant 0 : i32
    %dma_start3A_76 = arith.constant 0 : i32
    %dma_start3A_77 = arith.constant 0 : i32
    %dma_start3A_78 = arith.constant 0 : i32
    %dma_start3A_79 = tpu.memref_slice %arg6[%dma_start3A_75, %dma_start3A_77, %dma_start3A_78] : memref<5x128x128xf32, #tpu.memory_space<vmem>> -> memref<1x128x128xf32, #tpu.memory_space<vmem>>
    %dma_start3A_80 = tpu.memref_squeeze %dma_start3A_79 : memref<1x128x128xf32, #tpu.memory_space<vmem>> -> memref<128x128xf32, #tpu.memory_space<vmem>>
    %dma_start3A_81 = arith.constant 0 : i32
    %dma_start3A_82 = arith.constant 0 : i32
    %dma_start3A_83 = tpu.memref_slice %arg4[%dma_start3A_76, %dma_start3A_81, %dma_start3A_82] : memref<50x4096x128xf32, #tpu.memory_space<hbm>> -> memref<1x4096x128xf32, #tpu.memory_space<hbm>>
    %dma_start3A_84 = tpu.memref_squeeze %dma_start3A_83 : memref<1x4096x128xf32, #tpu.memory_space<hbm>> -> memref<4096x128xf32, #tpu.memory_space<hbm>>
    %dma_start3A_85 = arith.constant 0 : i32
    %dma_start3A_86 = tpu.memref_slice %dma_start3A_84[%mul3A_2, %dma_start3A_85] : memref<4096x128xf32, #tpu.memory_space<hbm>> -> memref<128x128xf32, #tpu.memory_space<hbm>>
    %dma_start3A_87 = arith.constant 0 : i32
    %dma_start3A_88 = arith.constant 0 : i32
    %dma_start3A_89 = tpu.memref_slice %arg4[%dma_start3A_76, %dma_start3A_87, %dma_start3A_88] : memref<50x4096x128xf32, #tpu.memory_space<hbm>> -> memref<1x4096x128xf32, #tpu.memory_space<hbm>>
    %dma_start3A_90 = tpu.memref_squeeze %dma_start3A_89 : memref<1x4096x128xf32, #tpu.memory_space<hbm>> -> memref<4096x128xf32, #tpu.memory_space<hbm>>
    %dma_start3A_91 = arith.constant 0 : i32
    %dma_start3A_92 = tpu.memref_slice %dma_start3A_90[%mul3A_2, %dma_start3A_91] : memref<4096x128xf32, #tpu.memory_space<hbm>> -> memref<128x128xf32, #tpu.memory_space<hbm>>
    %dma_start3A_93 = arith.constant 0 : i32
    %dma_start3A_94 = arith.constant 0 : i32
    %dma_start3A_95 = tpu.memref_slice %arg6[%dma_start3A_75, %dma_start3A_93, %dma_start3A_94] : memref<5x128x128xf32, #tpu.memory_space<vmem>> -> memref<1x128x128xf32, #tpu.memory_space<vmem>>
    %dma_start3A_96 = tpu.memref_squeeze %dma_start3A_95 : memref<1x128x128xf32, #tpu.memory_space<vmem>> -> memref<128x128xf32, #tpu.memory_space<vmem>>
    tpu.enqueue_dma source(%dma_start3A_96 : memref<128x128xf32, #tpu.memory_space<vmem>>) target(%dma_start3A_92 : memref<128x128xf32, #tpu.memory_space<hbm>>) target_semaphore(%arg12 : memref<!tpu.dma_semaphore, #tpu.memory_space<semaphore_mem>>)
    %dma_wait3A_97 = arith.constant 1 : i32
    %dma_wait3A_98 = arith.constant 1 : i32
    %dma_wait3A_99 = arith.constant 0 : i32
    %dma_wait3A_100 = arith.constant 0 : i32
    %dma_wait3A_101 = tpu.memref_slice %arg6[%dma_wait3A_98, %dma_wait3A_99, %dma_wait3A_100] : memref<5x128x128xf32, #tpu.memory_space<vmem>> -> memref<1x128x128xf32, #tpu.memory_space<vmem>>
    %dma_wait3A_102 = tpu.memref_squeeze %dma_wait3A_101 : memref<1x128x128xf32, #tpu.memory_space<vmem>> -> memref<128x128xf32, #tpu.memory_space<vmem>>
    %dma_wait3A_103 = arith.constant 0 : i32
    %dma_wait3A_104 = tpu.memref_slice %arg5[%dma_wait3A_97, %dma_wait3A_103] : memref<50x128xi32, #tpu.memory_space<vmem>> -> memref<1x128xi32, #tpu.memory_space<vmem>>
    %dma_wait3A_105 = tpu.memref_squeeze %dma_wait3A_104 : memref<1x128xi32, #tpu.memory_space<vmem>> -> memref<128xi32, #tpu.memory_space<vmem>>
    %dma_wait3A_106 = arith.constant 0 : i32
    %dma_wait3A_107 = arith.constant 0 : i32
    %dma_wait3A_108 = tpu.memref_slice %arg3[%dma_wait3A_106, %dma_wait3A_107] : memref<1000000x128xf32, #tpu.memory_space<hbm>> -> memref<1000000x128xf32, #tpu.memory_space<hbm>>
    tpu.wait_indirect_dma semaphore(%arg8 : memref<!tpu.dma_semaphore, #tpu.memory_space<semaphore_mem>>) src(%dma_wait3A_108 : memref<1000000x128xf32, #tpu.memory_space<hbm>>) dst(%dma_wait3A_102 : memref<128x128xf32, #tpu.memory_space<vmem>>)
    %parallel_loop3A_109 = arith.constant 0 : i32
    %parallel_loop3A_110 = arith.constant 128 : i32
    %parallel_loop3A_111 = arith.constant 1 : i32
    scf.for %parallel_loop3A_715 = %parallel_loop3A_109 to %parallel_loop3A_110 step %parallel_loop3A_111  : i32 {
      %parallel_loop3A_716 = arith.constant 1 : i32
      %parallel_loop3A_717 = arith.index_cast %parallel_loop3A_716 : i32 to index
      %parallel_loop3A_718 = arith.index_cast %parallel_loop3A_715 : i32 to index
      %parallel_loop3A_719 = arith.constant 0 : index
      %parallel_loop3A_720 = tpu.vector_load %arg6[%parallel_loop3A_717, %parallel_loop3A_718, %parallel_loop3A_719] {strides = array<i32>} : memref<5x128x128xf32, #tpu.memory_space<vmem>>, vector<1x1x16xf32>,
      %parallel_loop3A_721 = vector.shape_cast %parallel_loop3A_720 : vector<1x1x16xf32> to vector<16xf32>
      %parallel_loop3A_722 = arith.constant 11.3137083 : f32
      %parallel_loop3A_723 = vector.broadcast %parallel_loop3A_722 : f32 to vector<16xf32>
      %parallel_loop3A_724 = arith.mulf %parallel_loop3A_721, %parallel_loop3A_723 : vector<16xf32>
      %parallel_loop3A_725 = arith.constant 1 : i32
      %parallel_loop3A_726 = arith.index_cast %parallel_loop3A_725 : i32 to index
      %parallel_loop3A_727 = arith.index_cast %parallel_loop3A_715 : i32 to index
      %parallel_loop3A_728 = arith.constant 0 : index
      %parallel_loop3A_729 = tpu.vector_load %arg6[%parallel_loop3A_726, %parallel_loop3A_727, %parallel_loop3A_728] {strides = array<i32>} : memref<5x128x128xf32, #tpu.memory_space<vmem>>, vector<1x1x16xf32>,
      %parallel_loop3A_730 = vector.shape_cast %parallel_loop3A_729 : vector<1x1x16xf32> to vector<16xf32>
      %parallel_loop3A_731 = vector.shape_cast %parallel_loop3A_724 : vector<16xf32> to vector<1x1x16xf32>
      tpu.vector_store %arg6[%parallel_loop3A_726, %parallel_loop3A_727, %parallel_loop3A_728], %parallel_loop3A_731 {strides = array<i32>} : memref<5x128x128xf32, #tpu.memory_space<vmem>>, vector<1x1x16xf32>,
      %parallel_loop3A_732 = arith.constant 1 : i32
      %parallel_loop3A_733 = arith.index_cast %parallel_loop3A_732 : i32 to index
      %parallel_loop3A_734 = arith.index_cast %parallel_loop3A_715 : i32 to index
      %parallel_loop3A_735 = arith.constant 16 : index
      %parallel_loop3A_736 = tpu.vector_load %arg6[%parallel_loop3A_733, %parallel_loop3A_734, %parallel_loop3A_735] {strides = array<i32>} : memref<5x128x128xf32, #tpu.memory_space<vmem>>, vector<1x1x16xf32>,
      %parallel_loop3A_737 = vector.shape_cast %parallel_loop3A_736 : vector<1x1x16xf32> to vector<16xf32>
      %parallel_loop3A_738 = arith.constant 11.3137083 : f32
      %parallel_loop3A_739 = vector.broadcast %parallel_loop3A_738 : f32 to vector<16xf32>
      %parallel_loop3A_740 = arith.mulf %parallel_loop3A_737, %parallel_loop3A_739 : vector<16xf32>
      %parallel_loop3A_741 = arith.constant 1 : i32
      %parallel_loop3A_742 = arith.index_cast %parallel_loop3A_741 : i32 to index
      %parallel_loop3A_743 = arith.index_cast %parallel_loop3A_715 : i32 to index
      %parallel_loop3A_744 = arith.constant 16 : index
      %parallel_loop3A_745 = tpu.vector_load %arg6[%parallel_loop3A_742, %parallel_loop3A_743, %parallel_loop3A_744] {strides = array<i32>} : memref<5x128x128xf32, #tpu.memory_space<vmem>>, vector<1x1x16xf32>,
      %parallel_loop3A_746 = vector.shape_cast %parallel_loop3A_745 : vector<1x1x16xf32> to vector<16xf32>
      %parallel_loop3A_747 = vector.shape_cast %parallel_loop3A_740 : vector<16xf32> to vector<1x1x16xf32>
      tpu.vector_store %arg6[%parallel_loop3A_742, %parallel_loop3A_743, %parallel_loop3A_744], %parallel_loop3A_747 {strides = array<i32>} : memref<5x128x128xf32, #tpu.memory_space<vmem>>, vector<1x1x16xf32>,
      %parallel_loop3A_748 = arith.constant 1 : i32
      %parallel_loop3A_749 = arith.index_cast %parallel_loop3A_748 : i32 to index
      %parallel_loop3A_750 = arith.index_cast %parallel_loop3A_715 : i32 to index
      %parallel_loop3A_751 = arith.constant 32 : index
      %parallel_loop3A_752 = tpu.vector_load %arg6[%parallel_loop3A_749, %parallel_loop3A_750, %parallel_loop3A_751] {strides = array<i32>} : memref<5x128x128xf32, #tpu.memory_space<vmem>>, vector<1x1x16xf32>,
      %parallel_loop3A_753 = vector.shape_cast %parallel_loop3A_752 : vector<1x1x16xf32> to vector<16xf32>
      %parallel_loop3A_754 = arith.constant 11.3137083 : f32
      %parallel_loop3A_755 = vector.broadcast %parallel_loop3A_754 : f32 to vector<16xf32>
      %parallel_loop3A_756 = arith.mulf %parallel_loop3A_753, %parallel_loop3A_755 : vector<16xf32>
      %parallel_loop3A_757 = arith.constant 1 : i32
      %parallel_loop3A_758 = arith.index_cast %parallel_loop3A_757 : i32 to index
      %parallel_loop3A_759 = arith.index_cast %parallel_loop3A_715 : i32 to index
      %parallel_loop3A_760 = arith.constant 32 : index
      %parallel_loop3A_761 = tpu.vector_load %arg6[%parallel_loop3A_758, %parallel_loop3A_759, %parallel_loop3A_760] {strides = array<i32>} : memref<5x128x128xf32, #tpu.memory_space<vmem>>, vector<1x1x16xf32>,
      %parallel_loop3A_762 = vector.shape_cast %parallel_loop3A_761 : vector<1x1x16xf32> to vector<16xf32>
      %parallel_loop3A_763 = vector.shape_cast %parallel_loop3A_756 : vector<16xf32> to vector<1x1x16xf32>
      tpu.vector_store %arg6[%parallel_loop3A_758, %parallel_loop3A_759, %parallel_loop3A_760], %parallel_loop3A_763 {strides = array<i32>} : memref<5x128x128xf32, #tpu.memory_space<vmem>>, vector<1x1x16xf32>,
      %parallel_loop3A_764 = arith.constant 1 : i32
      %parallel_loop3A_765 = arith.index_cast %parallel_loop3A_764 : i32 to index
      %parallel_loop3A_766 = arith.index_cast %parallel_loop3A_715 : i32 to index
      %parallel_loop3A_767 = arith.constant 48 : index
      %parallel_loop3A_768 = tpu.vector_load %arg6[%parallel_loop3A_765, %parallel_loop3A_766, %parallel_loop3A_767] {strides = array<i32>} : memref<5x128x128xf32, #tpu.memory_space<vmem>>, vector<1x1x16xf32>,
      %parallel_loop3A_769 = vector.shape_cast %parallel_loop3A_768 : vector<1x1x16xf32> to vector<16xf32>
      %parallel_loop3A_770 = arith.constant 11.3137083 : f32
      %parallel_loop3A_771 = vector.broadcast %parallel_loop3A_770 : f32 to vector<16xf32>
      %parallel_loop3A_772 = arith.mulf %parallel_loop3A_769, %parallel_loop3A_771 : vector<16xf32>
      %parallel_loop3A_773 = arith.constant 1 : i32
      %parallel_loop3A_774 = arith.index_cast %parallel_loop3A_773 : i32 to index
      %parallel_loop3A_775 = arith.index_cast %parallel_loop3A_715 : i32 to index
      %parallel_loop3A_776 = arith.constant 48 : index
      %parallel_loop3A_777 = tpu.vector_load %arg6[%parallel_loop3A_774, %parallel_loop3A_775, %parallel_loop3A_776] {strides = array<i32>} : memref<5x128x128xf32, #tpu.memory_space<vmem>>, vector<1x1x16xf32>,
      %parallel_loop3A_778 = vector.shape_cast %parallel_loop3A_777 : vector<1x1x16xf32> to vector<16xf32>
      %parallel_loop3A_779 = vector.shape_cast %parallel_loop3A_772 : vector<16xf32> to vector<1x1x16xf32>
      tpu.vector_store %arg6[%parallel_loop3A_774, %parallel_loop3A_775, %parallel_loop3A_776], %parallel_loop3A_779 {strides = array<i32>} : memref<5x128x128xf32, #tpu.memory_space<vmem>>, vector<1x1x16xf32>,
      %parallel_loop3A_780 = arith.constant 1 : i32
      %parallel_loop3A_781 = arith.index_cast %parallel_loop3A_780 : i32 to index
      %parallel_loop3A_782 = arith.index_cast %parallel_loop3A_715 : i32 to index
      %parallel_loop3A_783 = arith.constant 64 : index
      %parallel_loop3A_784 = tpu.vector_load %arg6[%parallel_loop3A_781, %parallel_loop3A_782, %parallel_loop3A_783] {strides = array<i32>} : memref<5x128x128xf32, #tpu.memory_space<vmem>>, vector<1x1x16xf32>,
      %parallel_loop3A_785 = vector.shape_cast %parallel_loop3A_784 : vector<1x1x16xf32> to vector<16xf32>
      %parallel_loop3A_786 = arith.constant 11.3137083 : f32
      %parallel_loop3A_787 = vector.broadcast %parallel_loop3A_786 : f32 to vector<16xf32>
      %parallel_loop3A_788 = arith.mulf %parallel_loop3A_785, %parallel_loop3A_787 : vector<16xf32>
      %parallel_loop3A_789 = arith.constant 1 : i32
      %parallel_loop3A_790 = arith.index_cast %parallel_loop3A_789 : i32 to index
      %parallel_loop3A_791 = arith.index_cast %parallel_loop3A_715 : i32 to index
      %parallel_loop3A_792 = arith.constant 64 : index
      %parallel_loop3A_793 = tpu.vector_load %arg6[%parallel_loop3A_790, %parallel_loop3A_791, %parallel_loop3A_792] {strides = array<i32>} : memref<5x128x128xf32, #tpu.memory_space<vmem>>, vector<1x1x16xf32>,
      %parallel_loop3A_794 = vector.shape_cast %parallel_loop3A_793 : vector<1x1x16xf32> to vector<16xf32>
      %parallel_loop3A_795 = vector.shape_cast %parallel_loop3A_788 : vector<16xf32> to vector<1x1x16xf32>
      tpu.vector_store %arg6[%parallel_loop3A_790, %parallel_loop3A_791, %parallel_loop3A_792], %parallel_loop3A_795 {strides = array<i32>} : memref<5x128x128xf32, #tpu.memory_space<vmem>>, vector<1x1x16xf32>,
      %parallel_loop3A_796 = arith.constant 1 : i32
      %parallel_loop3A_797 = arith.index_cast %parallel_loop3A_796 : i32 to index
      %parallel_loop3A_798 = arith.index_cast %parallel_loop3A_715 : i32 to index
      %parallel_loop3A_799 = arith.constant 80 : index
      %parallel_loop3A_800 = tpu.vector_load %arg6[%parallel_loop3A_797, %parallel_loop3A_798, %parallel_loop3A_799] {strides = array<i32>} : memref<5x128x128xf32, #tpu.memory_space<vmem>>, vector<1x1x16xf32>,
      %parallel_loop3A_801 = vector.shape_cast %parallel_loop3A_800 : vector<1x1x16xf32> to vector<16xf32>
      %parallel_loop3A_802 = arith.constant 11.3137083 : f32
      %parallel_loop3A_803 = vector.broadcast %parallel_loop3A_802 : f32 to vector<16xf32>
      %parallel_loop3A_804 = arith.mulf %parallel_loop3A_801, %parallel_loop3A_803 : vector<16xf32>
      %parallel_loop3A_805 = arith.constant 1 : i32
      %parallel_loop3A_806 = arith.index_cast %parallel_loop3A_805 : i32 to index
      %parallel_loop3A_807 = arith.index_cast %parallel_loop3A_715 : i32 to index
      %parallel_loop3A_808 = arith.constant 80 : index
      %parallel_loop3A_809 = tpu.vector_load %arg6[%parallel_loop3A_806, %parallel_loop3A_807, %parallel_loop3A_808] {strides = array<i32>} : memref<5x128x128xf32, #tpu.memory_space<vmem>>, vector<1x1x16xf32>,
      %parallel_loop3A_810 = vector.shape_cast %parallel_loop3A_809 : vector<1x1x16xf32> to vector<16xf32>
      %parallel_loop3A_811 = vector.shape_cast %parallel_loop3A_804 : vector<16xf32> to vector<1x1x16xf32>
      tpu.vector_store %arg6[%parallel_loop3A_806, %parallel_loop3A_807, %parallel_loop3A_808], %parallel_loop3A_811 {strides = array<i32>} : memref<5x128x128xf32, #tpu.memory_space<vmem>>, vector<1x1x16xf32>,
      %parallel_loop3A_812 = arith.constant 1 : i32
      %parallel_loop3A_813 = arith.index_cast %parallel_loop3A_812 : i32 to index
      %parallel_loop3A_814 = arith.index_cast %parallel_loop3A_715 : i32 to index
      %parallel_loop3A_815 = arith.constant 96 : index
      %parallel_loop3A_816 = tpu.vector_load %arg6[%parallel_loop3A_813, %parallel_loop3A_814, %parallel_loop3A_815] {strides = array<i32>} : memref<5x128x128xf32, #tpu.memory_space<vmem>>, vector<1x1x16xf32>,
      %parallel_loop3A_817 = vector.shape_cast %parallel_loop3A_816 : vector<1x1x16xf32> to vector<16xf32>
      %parallel_loop3A_818 = arith.constant 11.3137083 : f32
      %parallel_loop3A_819 = vector.broadcast %parallel_loop3A_818 : f32 to vector<16xf32>
      %parallel_loop3A_820 = arith.mulf %parallel_loop3A_817, %parallel_loop3A_819 : vector<16xf32>
      %parallel_loop3A_821 = arith.constant 1 : i32
      %parallel_loop3A_822 = arith.index_cast %parallel_loop3A_821 : i32 to index
      %parallel_loop3A_823 = arith.index_cast %parallel_loop3A_715 : i32 to index
      %parallel_loop3A_824 = arith.constant 96 : index
      %parallel_loop3A_825 = tpu.vector_load %arg6[%parallel_loop3A_822, %parallel_loop3A_823, %parallel_loop3A_824] {strides = array<i32>} : memref<5x128x128xf32, #tpu.memory_space<vmem>>, vector<1x1x16xf32>,
      %parallel_loop3A_826 = vector.shape_cast %parallel_loop3A_825 : vector<1x1x16xf32> to vector<16xf32>
      %parallel_loop3A_827 = vector.shape_cast %parallel_loop3A_820 : vector<16xf32> to vector<1x1x16xf32>
      tpu.vector_store %arg6[%parallel_loop3A_822, %parallel_loop3A_823, %parallel_loop3A_824], %parallel_loop3A_827 {strides = array<i32>} : memref<5x128x128xf32, #tpu.memory_space<vmem>>, vector<1x1x16xf32>,
      %parallel_loop3A_828 = arith.constant 1 : i32
      %parallel_loop3A_829 = arith.index_cast %parallel_loop3A_828 : i32 to index
      %parallel_loop3A_830 = arith.index_cast %parallel_loop3A_715 : i32 to index
      %parallel_loop3A_831 = arith.constant 112 : index
      %parallel_loop3A_832 = tpu.vector_load %arg6[%parallel_loop3A_829, %parallel_loop3A_830, %parallel_loop3A_831] {strides = array<i32>} : memref<5x128x128xf32, #tpu.memory_space<vmem>>, vector<1x1x16xf32>,
      %parallel_loop3A_833 = vector.shape_cast %parallel_loop3A_832 : vector<1x1x16xf32> to vector<16xf32>
      %parallel_loop3A_834 = arith.constant 11.3137083 : f32
      %parallel_loop3A_835 = vector.broadcast %parallel_loop3A_834 : f32 to vector<16xf32>
      %parallel_loop3A_836 = arith.mulf %parallel_loop3A_833, %parallel_loop3A_835 : vector<16xf32>
      %parallel_loop3A_837 = arith.constant 1 : i32
      %parallel_loop3A_838 = arith.index_cast %parallel_loop3A_837 : i32 to index
      %parallel_loop3A_839 = arith.index_cast %parallel_loop3A_715 : i32 to index
      %parallel_loop3A_840 = arith.constant 112 : index
      %parallel_loop3A_841 = tpu.vector_load %arg6[%parallel_loop3A_838, %parallel_loop3A_839, %parallel_loop3A_840] {strides = array<i32>} : memref<5x128x128xf32, #tpu.memory_space<vmem>>, vector<1x1x16xf32>,
      %parallel_loop3A_842 = vector.shape_cast %parallel_loop3A_841 : vector<1x1x16xf32> to vector<16xf32>
      %parallel_loop3A_843 = vector.shape_cast %parallel_loop3A_836 : vector<16xf32> to vector<1x1x16xf32>
      tpu.vector_store %arg6[%parallel_loop3A_838, %parallel_loop3A_839, %parallel_loop3A_840], %parallel_loop3A_843 {strides = array<i32>} : memref<5x128x128xf32, #tpu.memory_space<vmem>>, vector<1x1x16xf32>,
    } {sc.loop_unroll_factor = 1 : i64, sc.parallel_access}
    %dma_wait3A_112 = arith.constant 0 : i32
    %dma_wait3A_113 = arith.constant 0 : i32
    %dma_wait3A_114 = arith.constant 0 : i32
    %dma_wait3A_115 = arith.constant 0 : i32
    %dma_wait3A_116 = tpu.memref_slice %arg6[%dma_wait3A_112, %dma_wait3A_114, %dma_wait3A_115] : memref<5x128x128xf32, #tpu.memory_space<vmem>> -> memref<1x128x128xf32, #tpu.memory_space<vmem>>
    %dma_wait3A_117 = tpu.memref_squeeze %dma_wait3A_116 : memref<1x128x128xf32, #tpu.memory_space<vmem>> -> memref<128x128xf32, #tpu.memory_space<vmem>>
    %dma_wait3A_118 = arith.constant 0 : i32
    %dma_wait3A_119 = arith.constant 0 : i32
    %dma_wait3A_120 = tpu.memref_slice %arg4[%dma_wait3A_113, %dma_wait3A_118, %dma_wait3A_119] : memref<50x4096x128xf32, #tpu.memory_space<hbm>> -> memref<1x4096x128xf32, #tpu.memory_space<hbm>>
    %dma_wait3A_121 = tpu.memref_squeeze %dma_wait3A_120 : memref<1x4096x128xf32, #tpu.memory_space<hbm>> -> memref<4096x128xf32, #tpu.memory_space<hbm>>
    %dma_wait3A_122 = arith.constant 0 : i32
    %dma_wait3A_123 = tpu.memref_slice %dma_wait3A_121[%mul3A_2, %dma_wait3A_122] : memref<4096x128xf32, #tpu.memory_space<hbm>> -> memref<128x128xf32, #tpu.memory_space<hbm>>
    %dma_wait3A_124 = arith.constant 0 : i32
    %dma_wait3A_125 = arith.constant 0 : i32
    %dma_wait3A_126 = tpu.memref_slice %arg4[%dma_wait3A_113, %dma_wait3A_124, %dma_wait3A_125] : memref<50x4096x128xf32, #tpu.memory_space<hbm>> -> memref<1x4096x128xf32, #tpu.memory_space<hbm>>
    %dma_wait3A_127 = tpu.memref_squeeze %dma_wait3A_126 : memref<1x4096x128xf32, #tpu.memory_space<hbm>> -> memref<4096x128xf32, #tpu.memory_space<hbm>>
    %dma_wait3A_128 = arith.constant 0 : i32
    %dma_wait3A_129 = tpu.memref_slice %dma_wait3A_127[%mul3A_2, %dma_wait3A_128] : memref<4096x128xf32, #tpu.memory_space<hbm>> -> memref<128x128xf32, #tpu.memory_space<hbm>>
    %dma_wait3A_130 = arith.constant 0 : i32
    %dma_wait3A_131 = arith.constant 0 : i32
    %dma_wait3A_132 = tpu.memref_slice %arg6[%dma_wait3A_112, %dma_wait3A_130, %dma_wait3A_131] : memref<5x128x128xf32, #tpu.memory_space<vmem>> -> memref<1x128x128xf32, #tpu.memory_space<vmem>>
    %dma_wait3A_133 = tpu.memref_squeeze %dma_wait3A_132 : memref<1x128x128xf32, #tpu.memory_space<vmem>> -> memref<128x128xf32, #tpu.memory_space<vmem>>
    tpu.wait_dma2 semaphore(%arg12 : memref<!tpu.dma_semaphore, #tpu.memory_space<semaphore_mem>>) src(%dma_wait3A_133 : memref<128x128xf32, #tpu.memory_space<vmem>>) dst(%dma_wait3A_129 : memref<128x128xf32, #tpu.memory_space<hbm>>)
    %dma_start3A_134 = arith.constant 5 : i32
    %dma_start3A_135 = arith.constant 0 : i32
    %dma_start3A_136 = arith.constant 0 : i32
    %dma_start3A_137 = arith.constant 0 : i32
    %dma_start3A_138 = tpu.memref_slice %arg6[%dma_start3A_135, %dma_start3A_136, %dma_start3A_137] : memref<5x128x128xf32, #tpu.memory_space<vmem>> -> memref<1x128x128xf32, #tpu.memory_space<vmem>>
    %dma_start3A_139 = tpu.memref_squeeze %dma_start3A_138 : memref<1x128x128xf32, #tpu.memory_space<vmem>> -> memref<128x128xf32, #tpu.memory_space<vmem>>
    %dma_start3A_140 = arith.constant 0 : i32
    %dma_start3A_141 = tpu.memref_slice %arg5[%dma_start3A_134, %dma_start3A_140] : memref<50x128xi32, #tpu.memory_space<vmem>> -> memref<1x128xi32, #tpu.memory_space<vmem>>
    %dma_start3A_142 = tpu.memref_squeeze %dma_start3A_141 : memref<1x128xi32, #tpu.memory_space<vmem>> -> memref<128xi32, #tpu.memory_space<vmem>>
    %dma_start3A_143 = arith.constant 0 : i32
    %dma_start3A_144 = arith.constant 0 : i32
    %dma_start3A_145 = tpu.memref_slice %arg3[%dma_start3A_143, %dma_start3A_144] : memref<1000000x128xf32, #tpu.memory_space<hbm>> -> memref<1000000x128xf32, #tpu.memory_space<hbm>>
    tpu.enqueue_indirect_dma source(%dma_start3A_145 : memref<1000000x128xf32, #tpu.memory_space<hbm>>) target(%dma_start3A_139 : memref<128x128xf32, #tpu.memory_space<vmem>>) offsets(%dma_start3A_142 : memref<128xi32, #tpu.memory_space<vmem>>) semaphore(%arg7 : memref<!tpu.dma_semaphore, #tpu.memory_space<semaphore_mem>>)
    %dma_start3A_146 = arith.constant 1 : i32
    %dma_start3A_147 = arith.constant 1 : i32
    %dma_start3A_148 = arith.constant 0 : i32
    %dma_start3A_149 = arith.constant 0 : i32
    %dma_start3A_150 = tpu.memref_slice %arg6[%dma_start3A_146, %dma_start3A_148, %dma_start3A_149] : memref<5x128x128xf32, #tpu.memory_space<vmem>> -> memref<1x128x128xf32, #tpu.memory_space<vmem>>
    %dma_start3A_151 = tpu.memref_squeeze %dma_start3A_150 : memref<1x128x128xf32, #tpu.memory_space<vmem>> -> memref<128x128xf32, #tpu.memory_space<vmem>>
    %dma_start3A_152 = arith.constant 0 : i32
    %dma_start3A_153 = arith.constant 0 : i32
    %dma_start3A_154 = tpu.memref_slice %arg4[%dma_start3A_147, %dma_start3A_152, %dma_start3A_153] : memref<50x4096x128xf32, #tpu.memory_space<hbm>> -> memref<1x4096x128xf32, #tpu.memory_space<hbm>>
    %dma_start3A_155 = tpu.memref_squeeze %dma_start3A_154 : memref<1x4096x128xf32, #tpu.memory_space<hbm>> -> memref<4096x128xf32, #tpu.memory_space<hbm>>
    %dma_start3A_156 = arith.constant 0 : i32
    %dma_start3A_157 = tpu.memref_slice %dma_start3A_155[%mul3A_2, %dma_start3A_156] : memref<4096x128xf32, #tpu.memory_space<hbm>> -> memref<128x128xf32, #tpu.memory_space<hbm>>
    %dma_start3A_158 = arith.constant 0 : i32
    %dma_start3A_159 = arith.constant 0 : i32
    %dma_start3A_160 = tpu.memref_slice %arg4[%dma_start3A_147, %dma_start3A_158, %dma_start3A_159] : memref<50x4096x128xf32, #tpu.memory_space<hbm>> -> memref<1x4096x128xf32, #tpu.memory_space<hbm>>
    %dma_start3A_161 = tpu.memref_squeeze %dma_start3A_160 : memref<1x4096x128xf32, #tpu.memory_space<hbm>> -> memref<4096x128xf32, #tpu.memory_space<hbm>>
    %dma_start3A_162 = arith.constant 0 : i32
    %dma_start3A_163 = tpu.memref_slice %dma_start3A_161[%mul3A_2, %dma_start3A_162] : memref<4096x128xf32, #tpu.memory_space<hbm>> -> memref<128x128xf32, #tpu.memory_space<hbm>>
    %dma_start3A_164 = arith.constant 0 : i32
    %dma_start3A_165 = arith.constant 0 : i32
    %dma_start3A_166 = tpu.memref_slice %arg6[%dma_start3A_146, %dma_start3A_164, %dma_start3A_165] : memref<5x128x128xf32, #tpu.memory_space<vmem>> -> memref<1x128x128xf32, #tpu.memory_space<vmem>>
    %dma_start3A_167 = tpu.memref_squeeze %dma_start3A_166 : memref<1x128x128xf32, #tpu.memory_space<vmem>> -> memref<128x128xf32, #tpu.memory_space<vmem>>
    tpu.enqueue_dma source(%dma_start3A_167 : memref<128x128xf32, #tpu.memory_space<vmem>>) target(%dma_start3A_163 : memref<128x128xf32, #tpu.memory_space<hbm>>) target_semaphore(%arg13 : memref<!tpu.dma_semaphore, #tpu.memory_space<semaphore_mem>>)
    %dma_wait3A_168 = arith.constant 2 : i32
    %dma_wait3A_169 = arith.constant 2 : i32
    %dma_wait3A_170 = arith.constant 0 : i32
    %dma_wait3A_171 = arith.constant 0 : i32
    %dma_wait3A_172 = tpu.memref_slice %arg6[%dma_wait3A_169, %dma_wait3A_170, %dma_wait3A_171] : memref<5x128x128xf32, #tpu.memory_space<vmem>> -> memref<1x128x128xf32, #tpu.memory_space<vmem>>
    %dma_wait3A_173 = tpu.memref_squeeze %dma_wait3A_172 : memref<1x128x128xf32, #tpu.memory_space<vmem>> -> memref<128x128xf32, #tpu.memory_space<vmem>>
    %dma_wait3A_174 = arith.constant 0 : i32
    %dma_wait3A_175 = tpu.memref_slice %arg5[%dma_wait3A_168, %dma_wait3A_174] : memref<50x128xi32, #tpu.memory_space<vmem>> -> memref<1x128xi32, #tpu.memory_space<vmem>>
    %dma_wait3A_176 = tpu.memref_squeeze %dma_wait3A_175 : memref<1x128xi32, #tpu.memory_space<vmem>> -> memref<128xi32, #tpu.memory_space<vmem>>
    %dma_wait3A_177 = arith.constant 0 : i32
    %dma_wait3A_178 = arith.constant 0 : i32
    %dma_wait3A_179 = tpu.memref_slice %arg3[%dma_wait3A_177, %dma_wait3A_178] : memref<1000000x128xf32, #tpu.memory_space<hbm>> -> memref<1000000x128xf32, #tpu.memory_space<hbm>>
    tpu.wait_indirect_dma semaphore(%arg9 : memref<!tpu.dma_semaphore, #tpu.memory_space<semaphore_mem>>) src(%dma_wait3A_179 : memref<1000000x128xf32, #tpu.memory_space<hbm>>) dst(%dma_wait3A_173 : memref<128x128xf32, #tpu.memory_space<vmem>>)
    %parallel_loop3A_180 = arith.constant 0 : i32
    %parallel_loop3A_181 = arith.constant 128 : i32
    %parallel_loop3A_182 = arith.constant 1 : i32
    scf.for %parallel_loop3A_715 = %parallel_loop3A_180 to %parallel_loop3A_181 step %parallel_loop3A_182  : i32 {
      %parallel_loop3A_716 = arith.constant 2 : i32
      %parallel_loop3A_717 = arith.index_cast %parallel_loop3A_716 : i32 to index
      %parallel_loop3A_718 = arith.index_cast %parallel_loop3A_715 : i32 to index
      %parallel_loop3A_719 = arith.constant 0 : index
      %parallel_loop3A_720 = tpu.vector_load %arg6[%parallel_loop3A_717, %parallel_loop3A_718, %parallel_loop3A_719] {strides = array<i32>} : memref<5x128x128xf32, #tpu.memory_space<vmem>>, vector<1x1x16xf32>,
      %parallel_loop3A_721 = vector.shape_cast %parallel_loop3A_720 : vector<1x1x16xf32> to vector<16xf32>
      %parallel_loop3A_722 = arith.constant 11.3137083 : f32
      %parallel_loop3A_723 = vector.broadcast %parallel_loop3A_722 : f32 to vector<16xf32>
      %parallel_loop3A_724 = arith.mulf %parallel_loop3A_721, %parallel_loop3A_723 : vector<16xf32>
      %parallel_loop3A_725 = arith.constant 2 : i32
      %parallel_loop3A_726 = arith.index_cast %parallel_loop3A_725 : i32 to index
      %parallel_loop3A_727 = arith.index_cast %parallel_loop3A_715 : i32 to index
      %parallel_loop3A_728 = arith.constant 0 : index
      %parallel_loop3A_729 = tpu.vector_load %arg6[%parallel_loop3A_726, %parallel_loop3A_727, %parallel_loop3A_728] {strides = array<i32>} : memref<5x128x128xf32, #tpu.memory_space<vmem>>, vector<1x1x16xf32>,
      %parallel_loop3A_730 = vector.shape_cast %parallel_loop3A_729 : vector<1x1x16xf32> to vector<16xf32>
      %parallel_loop3A_731 = vector.shape_cast %parallel_loop3A_724 : vector<16xf32> to vector<1x1x16xf32>
      tpu.vector_store %arg6[%parallel_loop3A_726, %parallel_loop3A_727, %parallel_loop3A_728], %parallel_loop3A_731 {strides = array<i32>} : memref<5x128x128xf32, #tpu.memory_space<vmem>>, vector<1x1x16xf32>,
      %parallel_loop3A_732 = arith.constant 2 : i32
      %parallel_loop3A_733 = arith.index_cast %parallel_loop3A_732 : i32 to index
      %parallel_loop3A_734 = arith.index_cast %parallel_loop3A_715 : i32 to index
      %parallel_loop3A_735 = arith.constant 16 : index
      %parallel_loop3A_736 = tpu.vector_load %arg6[%parallel_loop3A_733, %parallel_loop3A_734, %parallel_loop3A_735] {strides = array<i32>} : memref<5x128x128xf32, #tpu.memory_space<vmem>>, vector<1x1x16xf32>,
      %parallel_loop3A_737 = vector.shape_cast %parallel_loop3A_736 : vector<1x1x16xf32> to vector<16xf32>
      %parallel_loop3A_738 = arith.constant 11.3137083 : f32
      %parallel_loop3A_739 = vector.broadcast %parallel_loop3A_738 : f32 to vector<16xf32>
      %parallel_loop3A_740 = arith.mulf %parallel_loop3A_737, %parallel_loop3A_739 : vector<16xf32>
      %parallel_loop3A_741 = arith.constant 2 : i32
      %parallel_loop3A_742 = arith.index_cast %parallel_loop3A_741 : i32 to index
      %parallel_loop3A_743 = arith.index_cast %parallel_loop3A_715 : i32 to index
      %parallel_loop3A_744 = arith.constant 16 : index
      %parallel_loop3A_745 = tpu.vector_load %arg6[%parallel_loop3A_742, %parallel_loop3A_743, %parallel_loop3A_744] {strides = array<i32>} : memref<5x128x128xf32, #tpu.memory_space<vmem>>, vector<1x1x16xf32>,
      %parallel_loop3A_746 = vector.shape_cast %parallel_loop3A_745 : vector<1x1x16xf32> to vector<16xf32>
      %parallel_loop3A_747 = vector.shape_cast %parallel_loop3A_740 : vector<16xf32> to vector<1x1x16xf32>
      tpu.vector_store %arg6[%parallel_loop3A_742, %parallel_loop3A_743, %parallel_loop3A_744], %parallel_loop3A_747 {strides = array<i32>} : memref<5x128x128xf32, #tpu.memory_space<vmem>>, vector<1x1x16xf32>,
      %parallel_loop3A_748 = arith.constant 2 : i32
      %parallel_loop3A_749 = arith.index_cast %parallel_loop3A_748 : i32 to index
      %parallel_loop3A_750 = arith.index_cast %parallel_loop3A_715 : i32 to index
      %parallel_loop3A_751 = arith.constant 32 : index
      %parallel_loop3A_752 = tpu.vector_load %arg6[%parallel_loop3A_749, %parallel_loop3A_750, %parallel_loop3A_751] {strides = array<i32>} : memref<5x128x128xf32, #tpu.memory_space<vmem>>, vector<1x1x16xf32>,
      %parallel_loop3A_753 = vector.shape_cast %parallel_loop3A_752 : vector<1x1x16xf32> to vector<16xf32>
      %parallel_loop3A_754 = arith.constant 11.3137083 : f32
      %parallel_loop3A_755 = vector.broadcast %parallel_loop3A_754 : f32 to vector<16xf32>
      %parallel_loop3A_756 = arith.mulf %parallel_loop3A_753, %parallel_loop3A_755 : vector<16xf32>
      %parallel_loop3A_757 = arith.constant 2 : i32
      %parallel_loop3A_758 = arith.index_cast %parallel_loop3A_757 : i32 to index
      %parallel_loop3A_759 = arith.index_cast %parallel_loop3A_715 : i32 to index
      %parallel_loop3A_760 = arith.constant 32 : index
      %parallel_loop3A_761 = tpu.vector_load %arg6[%parallel_loop3A_758, %parallel_loop3A_759, %parallel_loop3A_760] {strides = array<i32>} : memref<5x128x128xf32, #tpu.memory_space<vmem>>, vector<1x1x16xf32>,
      %parallel_loop3A_762 = vector.shape_cast %parallel_loop3A_761 : vector<1x1x16xf32> to vector<16xf32>
      %parallel_loop3A_763 = vector.shape_cast %parallel_loop3A_756 : vector<16xf32> to vector<1x1x16xf32>
      tpu.vector_store %arg6[%parallel_loop3A_758, %parallel_loop3A_759, %parallel_loop3A_760], %parallel_loop3A_763 {strides = array<i32>} : memref<5x128x128xf32, #tpu.memory_space<vmem>>, vector<1x1x16xf32>,
      %parallel_loop3A_764 = arith.constant 2 : i32
      %parallel_loop3A_765 = arith.index_cast %parallel_loop3A_764 : i32 to index
      %parallel_loop3A_766 = arith.index_cast %parallel_loop3A_715 : i32 to index
      %parallel_loop3A_767 = arith.constant 48 : index
      %parallel_loop3A_768 = tpu.vector_load %arg6[%parallel_loop3A_765, %parallel_loop3A_766, %parallel_loop3A_767] {strides = array<i32>} : memref<5x128x128xf32, #tpu.memory_space<vmem>>, vector<1x1x16xf32>,
      %parallel_loop3A_769 = vector.shape_cast %parallel_loop3A_768 : vector<1x1x16xf32> to vector<16xf32>
      %parallel_loop3A_770 = arith.constant 11.3137083 : f32
      %parallel_loop3A_771 = vector.broadcast %parallel_loop3A_770 : f32 to vector<16xf32>
      %parallel_loop3A_772 = arith.mulf %parallel_loop3A_769, %parallel_loop3A_771 : vector<16xf32>
      %parallel_loop3A_773 = arith.constant 2 : i32
      %parallel_loop3A_774 = arith.index_cast %parallel_loop3A_773 : i32 to index
      %parallel_loop3A_775 = arith.index_cast %parallel_loop3A_715 : i32 to index
      %parallel_loop3A_776 = arith.constant 48 : index
      %parallel_loop3A_777 = tpu.vector_load %arg6[%parallel_loop3A_774, %parallel_loop3A_775, %parallel_loop3A_776] {strides = array<i32>} : memref<5x128x128xf32, #tpu.memory_space<vmem>>, vector<1x1x16xf32>,
      %parallel_loop3A_778 = vector.shape_cast %parallel_loop3A_777 : vector<1x1x16xf32> to vector<16xf32>
      %parallel_loop3A_779 = vector.shape_cast %parallel_loop3A_772 : vector<16xf32> to vector<1x1x16xf32>
      tpu.vector_store %arg6[%parallel_loop3A_774, %parallel_loop3A_775, %parallel_loop3A_776], %parallel_loop3A_779 {strides = array<i32>} : memref<5x128x128xf32, #tpu.memory_space<vmem>>, vector<1x1x16xf32>,
      %parallel_loop3A_780 = arith.constant 2 : i32
      %parallel_loop3A_781 = arith.index_cast %parallel_loop3A_780 : i32 to index
      %parallel_loop3A_782 = arith.index_cast %parallel_loop3A_715 : i32 to index
      %parallel_loop3A_783 = arith.constant 64 : index
      %parallel_loop3A_784 = tpu.vector_load %arg6[%parallel_loop3A_781, %parallel_loop3A_782, %parallel_loop3A_783] {strides = array<i32>} : memref<5x128x128xf32, #tpu.memory_space<vmem>>, vector<1x1x16xf32>,
      %parallel_loop3A_785 = vector.shape_cast %parallel_loop3A_784 : vector<1x1x16xf32> to vector<16xf32>
      %parallel_loop3A_786 = arith.constant 11.3137083 : f32
      %parallel_loop3A_787 = vector.broadcast %parallel_loop3A_786 : f32 to vector<16xf32>
      %parallel_loop3A_788 = arith.mulf %parallel_loop3A_785, %parallel_loop3A_787 : vector<16xf32>
      %parallel_loop3A_789 = arith.constant 2 : i32
      %parallel_loop3A_790 = arith.index_cast %parallel_loop3A_789 : i32 to index
      %parallel_loop3A_791 = arith.index_cast %parallel_loop3A_715 : i32 to index
      %parallel_loop3A_792 = arith.constant 64 : index
      %parallel_loop3A_793 = tpu.vector_load %arg6[%parallel_loop3A_790, %parallel_loop3A_791, %parallel_loop3A_792] {strides = array<i32>} : memref<5x128x128xf32, #tpu.memory_space<vmem>>, vector<1x1x16xf32>,
      %parallel_loop3A_794 = vector.shape_cast %parallel_loop3A_793 : vector<1x1x16xf32> to vector<16xf32>
      %parallel_loop3A_795 = vector.shape_cast %parallel_loop3A_788 : vector<16xf32> to vector<1x1x16xf32>
      tpu.vector_store %arg6[%parallel_loop3A_790, %parallel_loop3A_791, %parallel_loop3A_792], %parallel_loop3A_795 {strides = array<i32>} : memref<5x128x128xf32, #tpu.memory_space<vmem>>, vector<1x1x16xf32>,
      %parallel_loop3A_796 = arith.constant 2 : i32
      %parallel_loop3A_797 = arith.index_cast %parallel_loop3A_796 : i32 to index
      %parallel_loop3A_798 = arith.index_cast %parallel_loop3A_715 : i32 to index
      %parallel_loop3A_799 = arith.constant 80 : index
      %parallel_loop3A_800 = tpu.vector_load %arg6[%parallel_loop3A_797, %parallel_loop3A_798, %parallel_loop3A_799] {strides = array<i32>} : memref<5x128x128xf32, #tpu.memory_space<vmem>>, vector<1x1x16xf32>,
      %parallel_loop3A_801 = vector.shape_cast %parallel_loop3A_800 : vector<1x1x16xf32> to vector<16xf32>
      %parallel_loop3A_802 = arith.constant 11.3137083 : f32
      %parallel_loop3A_803 = vector.broadcast %parallel_loop3A_802 : f32 to vector<16xf32>
      %parallel_loop3A_804 = arith.mulf %parallel_loop3A_801, %parallel_loop3A_803 : vector<16xf32>
      %parallel_loop3A_805 = arith.constant 2 : i32
      %parallel_loop3A_806 = arith.index_cast %parallel_loop3A_805 : i32 to index
      %parallel_loop3A_807 = arith.index_cast %parallel_loop3A_715 : i32 to index
      %parallel_loop3A_808 = arith.constant 80 : index
      %parallel_loop3A_809 = tpu.vector_load %arg6[%parallel_loop3A_806, %parallel_loop3A_807, %parallel_loop3A_808] {strides = array<i32>} : memref<5x128x128xf32, #tpu.memory_space<vmem>>, vector<1x1x16xf32>,
      %parallel_loop3A_810 = vector.shape_cast %parallel_loop3A_809 : vector<1x1x16xf32> to vector<16xf32>
      %parallel_loop3A_811 = vector.shape_cast %parallel_loop3A_804 : vector<16xf32> to vector<1x1x16xf32>
      tpu.vector_store %arg6[%parallel_loop3A_806, %parallel_loop3A_807, %parallel_loop3A_808], %parallel_loop3A_811 {strides = array<i32>} : memref<5x128x128xf32, #tpu.memory_space<vmem>>, vector<1x1x16xf32>,
      %parallel_loop3A_812 = arith.constant 2 : i32
      %parallel_loop3A_813 = arith.index_cast %parallel_loop3A_812 : i32 to index
      %parallel_loop3A_814 = arith.index_cast %parallel_loop3A_715 : i32 to index
      %parallel_loop3A_815 = arith.constant 96 : index
      %parallel_loop3A_816 = tpu.vector_load %arg6[%parallel_loop3A_813, %parallel_loop3A_814, %parallel_loop3A_815] {strides = array<i32>} : memref<5x128x128xf32, #tpu.memory_space<vmem>>, vector<1x1x16xf32>,
      %parallel_loop3A_817 = vector.shape_cast %parallel_loop3A_816 : vector<1x1x16xf32> to vector<16xf32>
      %parallel_loop3A_818 = arith.constant 11.3137083 : f32
      %parallel_loop3A_819 = vector.broadcast %parallel_loop3A_818 : f32 to vector<16xf32>
      %parallel_loop3A_820 = arith.mulf %parallel_loop3A_817, %parallel_loop3A_819 : vector<16xf32>
      %parallel_loop3A_821 = arith.constant 2 : i32
      %parallel_loop3A_822 = arith.index_cast %parallel_loop3A_821 : i32 to index
      %parallel_loop3A_823 = arith.index_cast %parallel_loop3A_715 : i32 to index
      %parallel_loop3A_824 = arith.constant 96 : index
      %parallel_loop3A_825 = tpu.vector_load %arg6[%parallel_loop3A_822, %parallel_loop3A_823, %parallel_loop3A_824] {strides = array<i32>} : memref<5x128x128xf32, #tpu.memory_space<vmem>>, vector<1x1x16xf32>,
      %parallel_loop3A_826 = vector.shape_cast %parallel_loop3A_825 : vector<1x1x16xf32> to vector<16xf32>
      %parallel_loop3A_827 = vector.shape_cast %parallel_loop3A_820 : vector<16xf32> to vector<1x1x16xf32>
      tpu.vector_store %arg6[%parallel_loop3A_822, %parallel_loop3A_823, %parallel_loop3A_824], %parallel_loop3A_827 {strides = array<i32>} : memref<5x128x128xf32, #tpu.memory_space<vmem>>, vector<1x1x16xf32>,
      %parallel_loop3A_828 = arith.constant 2 : i32
      %parallel_loop3A_829 = arith.index_cast %parallel_loop3A_828 : i32 to index
      %parallel_loop3A_830 = arith.index_cast %parallel_loop3A_715 : i32 to index
      %parallel_loop3A_831 = arith.constant 112 : index
      %parallel_loop3A_832 = tpu.vector_load %arg6[%parallel_loop3A_829, %parallel_loop3A_830, %parallel_loop3A_831] {strides = array<i32>} : memref<5x128x128xf32, #tpu.memory_space<vmem>>, vector<1x1x16xf32>,
      %parallel_loop3A_833 = vector.shape_cast %parallel_loop3A_832 : vector<1x1x16xf32> to vector<16xf32>
      %parallel_loop3A_834 = arith.constant 11.3137083 : f32
      %parallel_loop3A_835 = vector.broadcast %parallel_loop3A_834 : f32 to vector<16xf32>
      %parallel_loop3A_836 = arith.mulf %parallel_loop3A_833, %parallel_loop3A_835 : vector<16xf32>
      %parallel_loop3A_837 = arith.constant 2 : i32
      %parallel_loop3A_838 = arith.index_cast %parallel_loop3A_837 : i32 to index
      %parallel_loop3A_839 = arith.index_cast %parallel_loop3A_715 : i32 to index
      %parallel_loop3A_840 = arith.constant 112 : index
      %parallel_loop3A_841 = tpu.vector_load %arg6[%parallel_loop3A_838, %parallel_loop3A_839, %parallel_loop3A_840] {strides = array<i32>} : memref<5x128x128xf32, #tpu.memory_space<vmem>>, vector<1x1x16xf32>,
      %parallel_loop3A_842 = vector.shape_cast %parallel_loop3A_841 : vector<1x1x16xf32> to vector<16xf32>
      %parallel_loop3A_843 = vector.shape_cast %parallel_loop3A_836 : vector<16xf32> to vector<1x1x16xf32>
      tpu.vector_store %arg6[%parallel_loop3A_838, %parallel_loop3A_839, %parallel_loop3A_840], %parallel_loop3A_843 {strides = array<i32>} : memref<5x128x128xf32, #tpu.memory_space<vmem>>, vector<1x1x16xf32>,
    } {sc.loop_unroll_factor = 1 : i64, sc.parallel_access}
    %dma_wait3A_183 = arith.constant 1 : i32
    %dma_wait3A_184 = arith.constant 1 : i32
    %dma_wait3A_185 = arith.constant 0 : i32
    %dma_wait3A_186 = arith.constant 0 : i32
    %dma_wait3A_187 = tpu.memref_slice %arg6[%dma_wait3A_183, %dma_wait3A_185, %dma_wait3A_186] : memref<5x128x128xf32, #tpu.memory_space<vmem>> -> memref<1x128x128xf32, #tpu.memory_space<vmem>>
    %dma_wait3A_188 = tpu.memref_squeeze %dma_wait3A_187 : memref<1x128x128xf32, #tpu.memory_space<vmem>> -> memref<128x128xf32, #tpu.memory_space<vmem>>
    %dma_wait3A_189 = arith.constant 0 : i32
    %dma_wait3A_190 = arith.constant 0 : i32
    %dma_wait3A_191 = tpu.memref_slice %arg4[%dma_wait3A_184, %dma_wait3A_189, %dma_wait3A_190] : memref<50x4096x128xf32, #tpu.memory_space<hbm>> -> memref<1x4096x128xf32, #tpu.memory_space<hbm>>
    %dma_wait3A_192 = tpu.memref_squeeze %dma_wait3A_191 : memref<1x4096x128xf32, #tpu.memory_space<hbm>> -> memref<4096x128xf32, #tpu.memory_space<hbm>>
    %dma_wait3A_193 = arith.constant 0 : i32
    %dma_wait3A_194 = tpu.memref_slice %dma_wait3A_192[%mul3A_2, %dma_wait3A_193] : memref<4096x128xf32, #tpu.memory_space<hbm>> -> memref<128x128xf32, #tpu.memory_space<hbm>>
    %dma_wait3A_195 = arith.constant 0 : i32
    %dma_wait3A_196 = arith.constant 0 : i32
    %dma_wait3A_197 = tpu.memref_slice %arg4[%dma_wait3A_184, %dma_wait3A_195, %dma_wait3A_196] : memref<50x4096x128xf32, #tpu.memory_space<hbm>> -> memref<1x4096x128xf32, #tpu.memory_space<hbm>>
    %dma_wait3A_198 = tpu.memref_squeeze %dma_wait3A_197 : memref<1x4096x128xf32, #tpu.memory_space<hbm>> -> memref<4096x128xf32, #tpu.memory_space<hbm>>
    %dma_wait3A_199 = arith.constant 0 : i32
    %dma_wait3A_200 = tpu.memref_slice %dma_wait3A_198[%mul3A_2, %dma_wait3A_199] : memref<4096x128xf32, #tpu.memory_space<hbm>> -> memref<128x128xf32, #tpu.memory_space<hbm>>
    %dma_wait3A_201 = arith.constant 0 : i32
    %dma_wait3A_202 = arith.constant 0 : i32
    %dma_wait3A_203 = tpu.memref_slice %arg6[%dma_wait3A_183, %dma_wait3A_201, %dma_wait3A_202] : memref<5x128x128xf32, #tpu.memory_space<vmem>> -> memref<1x128x128xf32, #tpu.memory_space<vmem>>
    %dma_wait3A_204 = tpu.memref_squeeze %dma_wait3A_203 : memref<1x128x128xf32, #tpu.memory_space<vmem>> -> memref<128x128xf32, #tpu.memory_space<vmem>>
    tpu.wait_dma2 semaphore(%arg13 : memref<!tpu.dma_semaphore, #tpu.memory_space<semaphore_mem>>) src(%dma_wait3A_204 : memref<128x128xf32, #tpu.memory_space<vmem>>) dst(%dma_wait3A_200 : memref<128x128xf32, #tpu.memory_space<hbm>>)
    %dma_start3A_205 = arith.constant 6 : i32
    %dma_start3A_206 = arith.constant 1 : i32
    %dma_start3A_207 = arith.constant 0 : i32
    %dma_start3A_208 = arith.constant 0 : i32
    %dma_start3A_209 = tpu.memref_slice %arg6[%dma_start3A_206, %dma_start3A_207, %dma_start3A_208] : memref<5x128x128xf32, #tpu.memory_space<vmem>> -> memref<1x128x128xf32, #tpu.memory_space<vmem>>
    %dma_start3A_210 = tpu.memref_squeeze %dma_start3A_209 : memref<1x128x128xf32, #tpu.memory_space<vmem>> -> memref<128x128xf32, #tpu.memory_space<vmem>>
    %dma_start3A_211 = arith.constant 0 : i32
    %dma_start3A_212 = tpu.memref_slice %arg5[%dma_start3A_205, %dma_start3A_211] : memref<50x128xi32, #tpu.memory_space<vmem>> -> memref<1x128xi32, #tpu.memory_space<vmem>>
    %dma_start3A_213 = tpu.memref_squeeze %dma_start3A_212 : memref<1x128xi32, #tpu.memory_space<vmem>> -> memref<128xi32, #tpu.memory_space<vmem>>
    %dma_start3A_214 = arith.constant 0 : i32
    %dma_start3A_215 = arith.constant 0 : i32
    %dma_start3A_216 = tpu.memref_slice %arg3[%dma_start3A_214, %dma_start3A_215] : memref<1000000x128xf32, #tpu.memory_space<hbm>> -> memref<1000000x128xf32, #tpu.memory_space<hbm>>
    tpu.enqueue_indirect_dma source(%dma_start3A_216 : memref<1000000x128xf32, #tpu.memory_space<hbm>>) target(%dma_start3A_210 : memref<128x128xf32, #tpu.memory_space<vmem>>) offsets(%dma_start3A_213 : memref<128xi32, #tpu.memory_space<vmem>>) semaphore(%arg8 : memref<!tpu.dma_semaphore, #tpu.memory_space<semaphore_mem>>)
    %dma_start3A_217 = arith.constant 2 : i32
    %dma_start3A_218 = arith.constant 2 : i32
    %dma_start3A_219 = arith.constant 0 : i32
    %dma_start3A_220 = arith.constant 0 : i32
    %dma_start3A_221 = tpu.memref_slice %arg6[%dma_start3A_217, %dma_start3A_219, %dma_start3A_220] : memref<5x128x128xf32, #tpu.memory_space<vmem>> -> memref<1x128x128xf32, #tpu.memory_space<vmem>>
    %dma_start3A_222 = tpu.memref_squeeze %dma_start3A_221 : memref<1x128x128xf32, #tpu.memory_space<vmem>> -> memref<128x128xf32, #tpu.memory_space<vmem>>
    %dma_start3A_223 = arith.constant 0 : i32
    %dma_start3A_224 = arith.constant 0 : i32
    %dma_start3A_225 = tpu.memref_slice %arg4[%dma_start3A_218, %dma_start3A_223, %dma_start3A_224] : memref<50x4096x128xf32, #tpu.memory_space<hbm>> -> memref<1x4096x128xf32, #tpu.memory_space<hbm>>
    %dma_start3A_226 = tpu.memref_squeeze %dma_start3A_225 : memref<1x4096x128xf32, #tpu.memory_space<hbm>> -> memref<4096x128xf32, #tpu.memory_space<hbm>>
    %dma_start3A_227 = arith.constant 0 : i32
    %dma_start3A_228 = tpu.memref_slice %dma_start3A_226[%mul3A_2, %dma_start3A_227] : memref<4096x128xf32, #tpu.memory_space<hbm>> -> memref<128x128xf32, #tpu.memory_space<hbm>>
    %dma_start3A_229 = arith.constant 0 : i32
    %dma_start3A_230 = arith.constant 0 : i32
    %dma_start3A_231 = tpu.memref_slice %arg4[%dma_start3A_218, %dma_start3A_229, %dma_start3A_230] : memref<50x4096x128xf32, #tpu.memory_space<hbm>> -> memref<1x4096x128xf32, #tpu.memory_space<hbm>>
    %dma_start3A_232 = tpu.memref_squeeze %dma_start3A_231 : memref<1x4096x128xf32, #tpu.memory_space<hbm>> -> memref<4096x128xf32, #tpu.memory_space<hbm>>
    %dma_start3A_233 = arith.constant 0 : i32
    %dma_start3A_234 = tpu.memref_slice %dma_start3A_232[%mul3A_2, %dma_start3A_233] : memref<4096x128xf32, #tpu.memory_space<hbm>> -> memref<128x128xf32, #tpu.memory_space<hbm>>
    %dma_start3A_235 = arith.constant 0 : i32
    %dma_start3A_236 = arith.constant 0 : i32
    %dma_start3A_237 = tpu.memref_slice %arg6[%dma_start3A_217, %dma_start3A_235, %dma_start3A_236] : memref<5x128x128xf32, #tpu.memory_space<vmem>> -> memref<1x128x128xf32, #tpu.memory_space<vmem>>
    %dma_start3A_238 = tpu.memref_squeeze %dma_start3A_237 : memref<1x128x128xf32, #tpu.memory_space<vmem>> -> memref<128x128xf32, #tpu.memory_space<vmem>>
    tpu.enqueue_dma source(%dma_start3A_238 : memref<128x128xf32, #tpu.memory_space<vmem>>) target(%dma_start3A_234 : memref<128x128xf32, #tpu.memory_space<hbm>>) target_semaphore(%arg14 : memref<!tpu.dma_semaphore, #tpu.memory_space<semaphore_mem>>)
    %dma_wait3A_239 = arith.constant 3 : i32
    %dma_wait3A_240 = arith.constant 3 : i32
    %dma_wait3A_241 = arith.constant 0 : i32
    %dma_wait3A_242 = arith.constant 0 : i32
    %dma_wait3A_243 = tpu.memref_slice %arg6[%dma_wait3A_240, %dma_wait3A_241, %dma_wait3A_242] : memref<5x128x128xf32, #tpu.memory_space<vmem>> -> memref<1x128x128xf32, #tpu.memory_space<vmem>>
    %dma_wait3A_244 = tpu.memref_squeeze %dma_wait3A_243 : memref<1x128x128xf32, #tpu.memory_space<vmem>> -> memref<128x128xf32, #tpu.memory_space<vmem>>
    %dma_wait3A_245 = arith.constant 0 : i32
    %dma_wait3A_246 = tpu.memref_slice %arg5[%dma_wait3A_239, %dma_wait3A_245] : memref<50x128xi32, #tpu.memory_space<vmem>> -> memref<1x128xi32, #tpu.memory_space<vmem>>
    %dma_wait3A_247 = tpu.memref_squeeze %dma_wait3A_246 : memref<1x128xi32, #tpu.memory_space<vmem>> -> memref<128xi32, #tpu.memory_space<vmem>>
    %dma_wait3A_248 = arith.constant 0 : i32
    %dma_wait3A_249 = arith.constant 0 : i32
    %dma_wait3A_250 = tpu.memref_slice %arg3[%dma_wait3A_248, %dma_wait3A_249] : memref<1000000x128xf32, #tpu.memory_space<hbm>> -> memref<1000000x128xf32, #tpu.memory_space<hbm>>
    tpu.wait_indirect_dma semaphore(%arg10 : memref<!tpu.dma_semaphore, #tpu.memory_space<semaphore_mem>>) src(%dma_wait3A_250 : memref<1000000x128xf32, #tpu.memory_space<hbm>>) dst(%dma_wait3A_244 : memref<128x128xf32, #tpu.memory_space<vmem>>)
    %parallel_loop3A_251 = arith.constant 0 : i32
    %parallel_loop3A_252 = arith.constant 128 : i32
    %parallel_loop3A_253 = arith.constant 1 : i32
    scf.for %parallel_loop3A_715 = %parallel_loop3A_251 to %parallel_loop3A_252 step %parallel_loop3A_253  : i32 {
      %parallel_loop3A_716 = arith.constant 3 : i32
      %parallel_loop3A_717 = arith.index_cast %parallel_loop3A_716 : i32 to index
      %parallel_loop3A_718 = arith.index_cast %parallel_loop3A_715 : i32 to index
      %parallel_loop3A_719 = arith.constant 0 : index
      %parallel_loop3A_720 = tpu.vector_load %arg6[%parallel_loop3A_717, %parallel_loop3A_718, %parallel_loop3A_719] {strides = array<i32>} : memref<5x128x128xf32, #tpu.memory_space<vmem>>, vector<1x1x16xf32>,
      %parallel_loop3A_721 = vector.shape_cast %parallel_loop3A_720 : vector<1x1x16xf32> to vector<16xf32>
      %parallel_loop3A_722 = arith.constant 11.3137083 : f32
      %parallel_loop3A_723 = vector.broadcast %parallel_loop3A_722 : f32 to vector<16xf32>
      %parallel_loop3A_724 = arith.mulf %parallel_loop3A_721, %parallel_loop3A_723 : vector<16xf32>
      %parallel_loop3A_725 = arith.constant 3 : i32
      %parallel_loop3A_726 = arith.index_cast %parallel_loop3A_725 : i32 to index
      %parallel_loop3A_727 = arith.index_cast %parallel_loop3A_715 : i32 to index
      %parallel_loop3A_728 = arith.constant 0 : index
      %parallel_loop3A_729 = tpu.vector_load %arg6[%parallel_loop3A_726, %parallel_loop3A_727, %parallel_loop3A_728] {strides = array<i32>} : memref<5x128x128xf32, #tpu.memory_space<vmem>>, vector<1x1x16xf32>,
      %parallel_loop3A_730 = vector.shape_cast %parallel_loop3A_729 : vector<1x1x16xf32> to vector<16xf32>
      %parallel_loop3A_731 = vector.shape_cast %parallel_loop3A_724 : vector<16xf32> to vector<1x1x16xf32>
      tpu.vector_store %arg6[%parallel_loop3A_726, %parallel_loop3A_727, %parallel_loop3A_728], %parallel_loop3A_731 {strides = array<i32>} : memref<5x128x128xf32, #tpu.memory_space<vmem>>, vector<1x1x16xf32>,
      %parallel_loop3A_732 = arith.constant 3 : i32
      %parallel_loop3A_733 = arith.index_cast %parallel_loop3A_732 : i32 to index
      %parallel_loop3A_734 = arith.index_cast %parallel_loop3A_715 : i32 to index
      %parallel_loop3A_735 = arith.constant 16 : index
      %parallel_loop3A_736 = tpu.vector_load %arg6[%parallel_loop3A_733, %parallel_loop3A_734, %parallel_loop3A_735] {strides = array<i32>} : memref<5x128x128xf32, #tpu.memory_space<vmem>>, vector<1x1x16xf32>,
      %parallel_loop3A_737 = vector.shape_cast %parallel_loop3A_736 : vector<1x1x16xf32> to vector<16xf32>
      %parallel_loop3A_738 = arith.constant 11.3137083 : f32
      %parallel_loop3A_739 = vector.broadcast %parallel_loop3A_738 : f32 to vector<16xf32>
      %parallel_loop3A_740 = arith.mulf %parallel_loop3A_737, %parallel_loop3A_739 : vector<16xf32>
      %parallel_loop3A_741 = arith.constant 3 : i32
      %parallel_loop3A_742 = arith.index_cast %parallel_loop3A_741 : i32 to index
      %parallel_loop3A_743 = arith.index_cast %parallel_loop3A_715 : i32 to index
      %parallel_loop3A_744 = arith.constant 16 : index
      %parallel_loop3A_745 = tpu.vector_load %arg6[%parallel_loop3A_742, %parallel_loop3A_743, %parallel_loop3A_744] {strides = array<i32>} : memref<5x128x128xf32, #tpu.memory_space<vmem>>, vector<1x1x16xf32>,
      %parallel_loop3A_746 = vector.shape_cast %parallel_loop3A_745 : vector<1x1x16xf32> to vector<16xf32>
      %parallel_loop3A_747 = vector.shape_cast %parallel_loop3A_740 : vector<16xf32> to vector<1x1x16xf32>
      tpu.vector_store %arg6[%parallel_loop3A_742, %parallel_loop3A_743, %parallel_loop3A_744], %parallel_loop3A_747 {strides = array<i32>} : memref<5x128x128xf32, #tpu.memory_space<vmem>>, vector<1x1x16xf32>,
      %parallel_loop3A_748 = arith.constant 3 : i32
      %parallel_loop3A_749 = arith.index_cast %parallel_loop3A_748 : i32 to index
      %parallel_loop3A_750 = arith.index_cast %parallel_loop3A_715 : i32 to index
      %parallel_loop3A_751 = arith.constant 32 : index
      %parallel_loop3A_752 = tpu.vector_load %arg6[%parallel_loop3A_749, %parallel_loop3A_750, %parallel_loop3A_751] {strides = array<i32>} : memref<5x128x128xf32, #tpu.memory_space<vmem>>, vector<1x1x16xf32>,
      %parallel_loop3A_753 = vector.shape_cast %parallel_loop3A_752 : vector<1x1x16xf32> to vector<16xf32>
      %parallel_loop3A_754 = arith.constant 11.3137083 : f32
      %parallel_loop3A_755 = vector.broadcast %parallel_loop3A_754 : f32 to vector<16xf32>
      %parallel_loop3A_756 = arith.mulf %parallel_loop3A_753, %parallel_loop3A_755 : vector<16xf32>
      %parallel_loop3A_757 = arith.constant 3 : i32
      %parallel_loop3A_758 = arith.index_cast %parallel_loop3A_757 : i32 to index
      %parallel_loop3A_759 = arith.index_cast %parallel_loop3A_715 : i32 to index
      %parallel_loop3A_760 = arith.constant 32 : index
      %parallel_loop3A_761 = tpu.vector_load %arg6[%parallel_loop3A_758, %parallel_loop3A_759, %parallel_loop3A_760] {strides = array<i32>} : memref<5x128x128xf32, #tpu.memory_space<vmem>>, vector<1x1x16xf32>,
      %parallel_loop3A_762 = vector.shape_cast %parallel_loop3A_761 : vector<1x1x16xf32> to vector<16xf32>
      %parallel_loop3A_763 = vector.shape_cast %parallel_loop3A_756 : vector<16xf32> to vector<1x1x16xf32>
      tpu.vector_store %arg6[%parallel_loop3A_758, %parallel_loop3A_759, %parallel_loop3A_760], %parallel_loop3A_763 {strides = array<i32>} : memref<5x128x128xf32, #tpu.memory_space<vmem>>, vector<1x1x16xf32>,
      %parallel_loop3A_764 = arith.constant 3 : i32
      %parallel_loop3A_765 = arith.index_cast %parallel_loop3A_764 : i32 to index
      %parallel_loop3A_766 = arith.index_cast %parallel_loop3A_715 : i32 to index
      %parallel_loop3A_767 = arith.constant 48 : index
      %parallel_loop3A_768 = tpu.vector_load %arg6[%parallel_loop3A_765, %parallel_loop3A_766, %parallel_loop3A_767] {strides = array<i32>} : memref<5x128x128xf32, #tpu.memory_space<vmem>>, vector<1x1x16xf32>,
      %parallel_loop3A_769 = vector.shape_cast %parallel_loop3A_768 : vector<1x1x16xf32> to vector<16xf32>
      %parallel_loop3A_770 = arith.constant 11.3137083 : f32
      %parallel_loop3A_771 = vector.broadcast %parallel_loop3A_770 : f32 to vector<16xf32>
      %parallel_loop3A_772 = arith.mulf %parallel_loop3A_769, %parallel_loop3A_771 : vector<16xf32>
      %parallel_loop3A_773 = arith.constant 3 : i32
      %parallel_loop3A_774 = arith.index_cast %parallel_loop3A_773 : i32 to index
      %parallel_loop3A_775 = arith.index_cast %parallel_loop3A_715 : i32 to index
      %parallel_loop3A_776 = arith.constant 48 : index
      %parallel_loop3A_777 = tpu.vector_load %arg6[%parallel_loop3A_774, %parallel_loop3A_775, %parallel_loop3A_776] {strides = array<i32>} : memref<5x128x128xf32, #tpu.memory_space<vmem>>, vector<1x1x16xf32>,
      %parallel_loop3A_778 = vector.shape_cast %parallel_loop3A_777 : vector<1x1x16xf32> to vector<16xf32>
      %parallel_loop3A_779 = vector.shape_cast %parallel_loop3A_772 : vector<16xf32> to vector<1x1x16xf32>
      tpu.vector_store %arg6[%parallel_loop3A_774, %parallel_loop3A_775, %parallel_loop3A_776], %parallel_loop3A_779 {strides = array<i32>} : memref<5x128x128xf32, #tpu.memory_space<vmem>>, vector<1x1x16xf32>,
      %parallel_loop3A_780 = arith.constant 3 : i32
      %parallel_loop3A_781 = arith.index_cast %parallel_loop3A_780 : i32 to index
      %parallel_loop3A_782 = arith.index_cast %parallel_loop3A_715 : i32 to index
      %parallel_loop3A_783 = arith.constant 64 : index
      %parallel_loop3A_784 = tpu.vector_load %arg6[%parallel_loop3A_781, %parallel_loop3A_782, %parallel_loop3A_783] {strides = array<i32>} : memref<5x128x128xf32, #tpu.memory_space<vmem>>, vector<1x1x16xf32>,
      %parallel_loop3A_785 = vector.shape_cast %parallel_loop3A_784 : vector<1x1x16xf32> to vector<16xf32>
      %parallel_loop3A_786 = arith.constant 11.3137083 : f32
      %parallel_loop3A_787 = vector.broadcast %parallel_loop3A_786 : f32 to vector<16xf32>
      %parallel_loop3A_788 = arith.mulf %parallel_loop3A_785, %parallel_loop3A_787 : vector<16xf32>
      %parallel_loop3A_789 = arith.constant 3 : i32
      %parallel_loop3A_790 = arith.index_cast %parallel_loop3A_789 : i32 to index
      %parallel_loop3A_791 = arith.index_cast %parallel_loop3A_715 : i32 to index
      %parallel_loop3A_792 = arith.constant 64 : index
      %parallel_loop3A_793 = tpu.vector_load %arg6[%parallel_loop3A_790, %parallel_loop3A_791, %parallel_loop3A_792] {strides = array<i32>} : memref<5x128x128xf32, #tpu.memory_space<vmem>>, vector<1x1x16xf32>,
      %parallel_loop3A_794 = vector.shape_cast %parallel_loop3A_793 : vector<1x1x16xf32> to vector<16xf32>
      %parallel_loop3A_795 = vector.shape_cast %parallel_loop3A_788 : vector<16xf32> to vector<1x1x16xf32>
      tpu.vector_store %arg6[%parallel_loop3A_790, %parallel_loop3A_791, %parallel_loop3A_792], %parallel_loop3A_795 {strides = array<i32>} : memref<5x128x128xf32, #tpu.memory_space<vmem>>, vector<1x1x16xf32>,
      %parallel_loop3A_796 = arith.constant 3 : i32
      %parallel_loop3A_797 = arith.index_cast %parallel_loop3A_796 : i32 to index
      %parallel_loop3A_798 = arith.index_cast %parallel_loop3A_715 : i32 to index
      %parallel_loop3A_799 = arith.constant 80 : index
      %parallel_loop3A_800 = tpu.vector_load %arg6[%parallel_loop3A_797, %parallel_loop3A_798, %parallel_loop3A_799] {strides = array<i32>} : memref<5x128x128xf32, #tpu.memory_space<vmem>>, vector<1x1x16xf32>,
      %parallel_loop3A_801 = vector.shape_cast %parallel_loop3A_800 : vector<1x1x16xf32> to vector<16xf32>
      %parallel_loop3A_802 = arith.constant 11.3137083 : f32
      %parallel_loop3A_803 = vector.broadcast %parallel_loop3A_802 : f32 to vector<16xf32>
      %parallel_loop3A_804 = arith.mulf %parallel_loop3A_801, %parallel_loop3A_803 : vector<16xf32>
      %parallel_loop3A_805 = arith.constant 3 : i32
      %parallel_loop3A_806 = arith.index_cast %parallel_loop3A_805 : i32 to index
      %parallel_loop3A_807 = arith.index_cast %parallel_loop3A_715 : i32 to index
      %parallel_loop3A_808 = arith.constant 80 : index
      %parallel_loop3A_809 = tpu.vector_load %arg6[%parallel_loop3A_806, %parallel_loop3A_807, %parallel_loop3A_808] {strides = array<i32>} : memref<5x128x128xf32, #tpu.memory_space<vmem>>, vector<1x1x16xf32>,
      %parallel_loop3A_810 = vector.shape_cast %parallel_loop3A_809 : vector<1x1x16xf32> to vector<16xf32>
      %parallel_loop3A_811 = vector.shape_cast %parallel_loop3A_804 : vector<16xf32> to vector<1x1x16xf32>
      tpu.vector_store %arg6[%parallel_loop3A_806, %parallel_loop3A_807, %parallel_loop3A_808], %parallel_loop3A_811 {strides = array<i32>} : memref<5x128x128xf32, #tpu.memory_space<vmem>>, vector<1x1x16xf32>,
      %parallel_loop3A_812 = arith.constant 3 : i32
      %parallel_loop3A_813 = arith.index_cast %parallel_loop3A_812 : i32 to index
      %parallel_loop3A_814 = arith.index_cast %parallel_loop3A_715 : i32 to index
      %parallel_loop3A_815 = arith.constant 96 : index
      %parallel_loop3A_816 = tpu.vector_load %arg6[%parallel_loop3A_813, %parallel_loop3A_814, %parallel_loop3A_815] {strides = array<i32>} : memref<5x128x128xf32, #tpu.memory_space<vmem>>, vector<1x1x16xf32>,
      %parallel_loop3A_817 = vector.shape_cast %parallel_loop3A_816 : vector<1x1x16xf32> to vector<16xf32>
      %parallel_loop3A_818 = arith.constant 11.3137083 : f32
      %parallel_loop3A_819 = vector.broadcast %parallel_loop3A_818 : f32 to vector<16xf32>
      %parallel_loop3A_820 = arith.mulf %parallel_loop3A_817, %parallel_loop3A_819 : vector<16xf32>
      %parallel_loop3A_821 = arith.constant 3 : i32
      %parallel_loop3A_822 = arith.index_cast %parallel_loop3A_821 : i32 to index
      %parallel_loop3A_823 = arith.index_cast %parallel_loop3A_715 : i32 to index
      %parallel_loop3A_824 = arith.constant 96 : index
      %parallel_loop3A_825 = tpu.vector_load %arg6[%parallel_loop3A_822, %parallel_loop3A_823, %parallel_loop3A_824] {strides = array<i32>} : memref<5x128x128xf32, #tpu.memory_space<vmem>>, vector<1x1x16xf32>,
      %parallel_loop3A_826 = vector.shape_cast %parallel_loop3A_825 : vector<1x1x16xf32> to vector<16xf32>
      %parallel_loop3A_827 = vector.shape_cast %parallel_loop3A_820 : vector<16xf32> to vector<1x1x16xf32>
      tpu.vector_store %arg6[%parallel_loop3A_822, %parallel_loop3A_823, %parallel_loop3A_824], %parallel_loop3A_827 {strides = array<i32>} : memref<5x128x128xf32, #tpu.memory_space<vmem>>, vector<1x1x16xf32>,
      %parallel_loop3A_828 = arith.constant 3 : i32
      %parallel_loop3A_829 = arith.index_cast %parallel_loop3A_828 : i32 to index
      %parallel_loop3A_830 = arith.index_cast %parallel_loop3A_715 : i32 to index
      %parallel_loop3A_831 = arith.constant 112 : index
      %parallel_loop3A_832 = tpu.vector_load %arg6[%parallel_loop3A_829, %parallel_loop3A_830, %parallel_loop3A_831] {strides = array<i32>} : memref<5x128x128xf32, #tpu.memory_space<vmem>>, vector<1x1x16xf32>,
      %parallel_loop3A_833 = vector.shape_cast %parallel_loop3A_832 : vector<1x1x16xf32> to vector<16xf32>
      %parallel_loop3A_834 = arith.constant 11.3137083 : f32
      %parallel_loop3A_835 = vector.broadcast %parallel_loop3A_834 : f32 to vector<16xf32>
      %parallel_loop3A_836 = arith.mulf %parallel_loop3A_833, %parallel_loop3A_835 : vector<16xf32>
      %parallel_loop3A_837 = arith.constant 3 : i32
      %parallel_loop3A_838 = arith.index_cast %parallel_loop3A_837 : i32 to index
      %parallel_loop3A_839 = arith.index_cast %parallel_loop3A_715 : i32 to index
      %parallel_loop3A_840 = arith.constant 112 : index
      %parallel_loop3A_841 = tpu.vector_load %arg6[%parallel_loop3A_838, %parallel_loop3A_839, %parallel_loop3A_840] {strides = array<i32>} : memref<5x128x128xf32, #tpu.memory_space<vmem>>, vector<1x1x16xf32>,
      %parallel_loop3A_842 = vector.shape_cast %parallel_loop3A_841 : vector<1x1x16xf32> to vector<16xf32>
      %parallel_loop3A_843 = vector.shape_cast %parallel_loop3A_836 : vector<16xf32> to vector<1x1x16xf32>
      tpu.vector_store %arg6[%parallel_loop3A_838, %parallel_loop3A_839, %parallel_loop3A_840], %parallel_loop3A_843 {strides = array<i32>} : memref<5x128x128xf32, #tpu.memory_space<vmem>>, vector<1x1x16xf32>,
    } {sc.loop_unroll_factor = 1 : i64, sc.parallel_access}
    %dma_wait3A_254 = arith.constant 2 : i32
    %dma_wait3A_255 = arith.constant 2 : i32
    %dma_wait3A_256 = arith.constant 0 : i32
    %dma_wait3A_257 = arith.constant 0 : i32
    %dma_wait3A_258 = tpu.memref_slice %arg6[%dma_wait3A_254, %dma_wait3A_256, %dma_wait3A_257] : memref<5x128x128xf32, #tpu.memory_space<vmem>> -> memref<1x128x128xf32, #tpu.memory_space<vmem>>
    %dma_wait3A_259 = tpu.memref_squeeze %dma_wait3A_258 : memref<1x128x128xf32, #tpu.memory_space<vmem>> -> memref<128x128xf32, #tpu.memory_space<vmem>>
    %dma_wait3A_260 = arith.constant 0 : i32
    %dma_wait3A_261 = arith.constant 0 : i32
    %dma_wait3A_262 = tpu.memref_slice %arg4[%dma_wait3A_255, %dma_wait3A_260, %dma_wait3A_261] : memref<50x4096x128xf32, #tpu.memory_space<hbm>> -> memref<1x4096x128xf32, #tpu.memory_space<hbm>>
    %dma_wait3A_263 = tpu.memref_squeeze %dma_wait3A_262 : memref<1x4096x128xf32, #tpu.memory_space<hbm>> -> memref<4096x128xf32, #tpu.memory_space<hbm>>
    %dma_wait3A_264 = arith.constant 0 : i32
    %dma_wait3A_265 = tpu.memref_slice %dma_wait3A_263[%mul3A_2, %dma_wait3A_264] : memref<4096x128xf32, #tpu.memory_space<hbm>> -> memref<128x128xf32, #tpu.memory_space<hbm>>
    %dma_wait3A_266 = arith.constant 0 : i32
    %dma_wait3A_267 = arith.constant 0 : i32
    %dma_wait3A_268 = tpu.memref_slice %arg4[%dma_wait3A_255, %dma_wait3A_266, %dma_wait3A_267] : memref<50x4096x128xf32, #tpu.memory_space<hbm>> -> memref<1x4096x128xf32, #tpu.memory_space<hbm>>
    %dma_wait3A_269 = tpu.memref_squeeze %dma_wait3A_268 : memref<1x4096x128xf32, #tpu.memory_space<hbm>> -> memref<4096x128xf32, #tpu.memory_space<hbm>>
    %dma_wait3A_270 = arith.constant 0 : i32
    %dma_wait3A_271 = tpu.memref_slice %dma_wait3A_269[%mul3A_2, %dma_wait3A_270] : memref<4096x128xf32, #tpu.memory_space<hbm>> -> memref<128x128xf32, #tpu.memory_space<hbm>>
    %dma_wait3A_272 = arith.constant 0 : i32
    %dma_wait3A_273 = arith.constant 0 : i32
    %dma_wait3A_274 = tpu.memref_slice %arg6[%dma_wait3A_254, %dma_wait3A_272, %dma_wait3A_273] : memref<5x128x128xf32, #tpu.memory_space<vmem>> -> memref<1x128x128xf32, #tpu.memory_space<vmem>>
    %dma_wait3A_275 = tpu.memref_squeeze %dma_wait3A_274 : memref<1x128x128xf32, #tpu.memory_space<vmem>> -> memref<128x128xf32, #tpu.memory_space<vmem>>
    tpu.wait_dma2 semaphore(%arg14 : memref<!tpu.dma_semaphore, #tpu.memory_space<semaphore_mem>>) src(%dma_wait3A_275 : memref<128x128xf32, #tpu.memory_space<vmem>>) dst(%dma_wait3A_271 : memref<128x128xf32, #tpu.memory_space<hbm>>)
    %dma_start3A_276 = arith.constant 7 : i32
    %dma_start3A_277 = arith.constant 2 : i32
    %dma_start3A_278 = arith.constant 0 : i32
    %dma_start3A_279 = arith.constant 0 : i32
    %dma_start3A_280 = tpu.memref_slice %arg6[%dma_start3A_277, %dma_start3A_278, %dma_start3A_279] : memref<5x128x128xf32, #tpu.memory_space<vmem>> -> memref<1x128x128xf32, #tpu.memory_space<vmem>>
    %dma_start3A_281 = tpu.memref_squeeze %dma_start3A_280 : memref<1x128x128xf32, #tpu.memory_space<vmem>> -> memref<128x128xf32, #tpu.memory_space<vmem>>
    %dma_start3A_282 = arith.constant 0 : i32
    %dma_start3A_283 = tpu.memref_slice %arg5[%dma_start3A_276, %dma_start3A_282] : memref<50x128xi32, #tpu.memory_space<vmem>> -> memref<1x128xi32, #tpu.memory_space<vmem>>
    %dma_start3A_284 = tpu.memref_squeeze %dma_start3A_283 : memref<1x128xi32, #tpu.memory_space<vmem>> -> memref<128xi32, #tpu.memory_space<vmem>>
    %dma_start3A_285 = arith.constant 0 : i32
    %dma_start3A_286 = arith.constant 0 : i32
    %dma_start3A_287 = tpu.memref_slice %arg3[%dma_start3A_285, %dma_start3A_286] : memref<1000000x128xf32, #tpu.memory_space<hbm>> -> memref<1000000x128xf32, #tpu.memory_space<hbm>>
    tpu.enqueue_indirect_dma source(%dma_start3A_287 : memref<1000000x128xf32, #tpu.memory_space<hbm>>) target(%dma_start3A_281 : memref<128x128xf32, #tpu.memory_space<vmem>>) offsets(%dma_start3A_284 : memref<128xi32, #tpu.memory_space<vmem>>) semaphore(%arg9 : memref<!tpu.dma_semaphore, #tpu.memory_space<semaphore_mem>>)
    %dma_start3A_288 = arith.constant 3 : i32
    %dma_start3A_289 = arith.constant 3 : i32
    %dma_start3A_290 = arith.constant 0 : i32
    %dma_start3A_291 = arith.constant 0 : i32
    %dma_start3A_292 = tpu.memref_slice %arg6[%dma_start3A_288, %dma_start3A_290, %dma_start3A_291] : memref<5x128x128xf32, #tpu.memory_space<vmem>> -> memref<1x128x128xf32, #tpu.memory_space<vmem>>
    %dma_start3A_293 = tpu.memref_squeeze %dma_start3A_292 : memref<1x128x128xf32, #tpu.memory_space<vmem>> -> memref<128x128xf32, #tpu.memory_space<vmem>>
    %dma_start3A_294 = arith.constant 0 : i32
    %dma_start3A_295 = arith.constant 0 : i32
    %dma_start3A_296 = tpu.memref_slice %arg4[%dma_start3A_289, %dma_start3A_294, %dma_start3A_295] : memref<50x4096x128xf32, #tpu.memory_space<hbm>> -> memref<1x4096x128xf32, #tpu.memory_space<hbm>>
    %dma_start3A_297 = tpu.memref_squeeze %dma_start3A_296 : memref<1x4096x128xf32, #tpu.memory_space<hbm>> -> memref<4096x128xf32, #tpu.memory_space<hbm>>
    %dma_start3A_298 = arith.constant 0 : i32
    %dma_start3A_299 = tpu.memref_slice %dma_start3A_297[%mul3A_2, %dma_start3A_298] : memref<4096x128xf32, #tpu.memory_space<hbm>> -> memref<128x128xf32, #tpu.memory_space<hbm>>
    %dma_start3A_300 = arith.constant 0 : i32
    %dma_start3A_301 = arith.constant 0 : i32
    %dma_start3A_302 = tpu.memref_slice %arg4[%dma_start3A_289, %dma_start3A_300, %dma_start3A_301] : memref<50x4096x128xf32, #tpu.memory_space<hbm>> -> memref<1x4096x128xf32, #tpu.memory_space<hbm>>
    %dma_start3A_303 = tpu.memref_squeeze %dma_start3A_302 : memref<1x4096x128xf32, #tpu.memory_space<hbm>> -> memref<4096x128xf32, #tpu.memory_space<hbm>>
    %dma_start3A_304 = arith.constant 0 : i32
    %dma_start3A_305 = tpu.memref_slice %dma_start3A_303[%mul3A_2, %dma_start3A_304] : memref<4096x128xf32, #tpu.memory_space<hbm>> -> memref<128x128xf32, #tpu.memory_space<hbm>>
    %dma_start3A_306 = arith.constant 0 : i32
    %dma_start3A_307 = arith.constant 0 : i32
    %dma_start3A_308 = tpu.memref_slice %arg6[%dma_start3A_288, %dma_start3A_306, %dma_start3A_307] : memref<5x128x128xf32, #tpu.memory_space<vmem>> -> memref<1x128x128xf32, #tpu.memory_space<vmem>>
    %dma_start3A_309 = tpu.memref_squeeze %dma_start3A_308 : memref<1x128x128xf32, #tpu.memory_space<vmem>> -> memref<128x128xf32, #tpu.memory_space<vmem>>
    tpu.enqueue_dma source(%dma_start3A_309 : memref<128x128xf32, #tpu.memory_space<vmem>>) target(%dma_start3A_305 : memref<128x128xf32, #tpu.memory_space<hbm>>) target_semaphore(%arg15 : memref<!tpu.dma_semaphore, #tpu.memory_space<semaphore_mem>>)
    %dma_wait3A_310 = arith.constant 4 : i32
    %dma_wait3A_311 = arith.constant 4 : i32
    %dma_wait3A_312 = arith.constant 0 : i32
    %dma_wait3A_313 = arith.constant 0 : i32
    %dma_wait3A_314 = tpu.memref_slice %arg6[%dma_wait3A_311, %dma_wait3A_312, %dma_wait3A_313] : memref<5x128x128xf32, #tpu.memory_space<vmem>> -> memref<1x128x128xf32, #tpu.memory_space<vmem>>
    %dma_wait3A_315 = tpu.memref_squeeze %dma_wait3A_314 : memref<1x128x128xf32, #tpu.memory_space<vmem>> -> memref<128x128xf32, #tpu.memory_space<vmem>>
    %dma_wait3A_316 = arith.constant 0 : i32
    %dma_wait3A_317 = tpu.memref_slice %arg5[%dma_wait3A_310, %dma_wait3A_316] : memref<50x128xi32, #tpu.memory_space<vmem>> -> memref<1x128xi32, #tpu.memory_space<vmem>>
    %dma_wait3A_318 = tpu.memref_squeeze %dma_wait3A_317 : memref<1x128xi32, #tpu.memory_space<vmem>> -> memref<128xi32, #tpu.memory_space<vmem>>
    %dma_wait3A_319 = arith.constant 0 : i32
    %dma_wait3A_320 = arith.constant 0 : i32
    %dma_wait3A_321 = tpu.memref_slice %arg3[%dma_wait3A_319, %dma_wait3A_320] : memref<1000000x128xf32, #tpu.memory_space<hbm>> -> memref<1000000x128xf32, #tpu.memory_space<hbm>>
    tpu.wait_indirect_dma semaphore(%arg11 : memref<!tpu.dma_semaphore, #tpu.memory_space<semaphore_mem>>) src(%dma_wait3A_321 : memref<1000000x128xf32, #tpu.memory_space<hbm>>) dst(%dma_wait3A_315 : memref<128x128xf32, #tpu.memory_space<vmem>>)
    %parallel_loop3A_322 = arith.constant 0 : i32
    %parallel_loop3A_323 = arith.constant 128 : i32
    %parallel_loop3A_324 = arith.constant 1 : i32
    scf.for %parallel_loop3A_715 = %parallel_loop3A_322 to %parallel_loop3A_323 step %parallel_loop3A_324  : i32 {
      %parallel_loop3A_716 = arith.constant 4 : i32
      %parallel_loop3A_717 = arith.index_cast %parallel_loop3A_716 : i32 to index
      %parallel_loop3A_718 = arith.index_cast %parallel_loop3A_715 : i32 to index
      %parallel_loop3A_719 = arith.constant 0 : index
      %parallel_loop3A_720 = tpu.vector_load %arg6[%parallel_loop3A_717, %parallel_loop3A_718, %parallel_loop3A_719] {strides = array<i32>} : memref<5x128x128xf32, #tpu.memory_space<vmem>>, vector<1x1x16xf32>,
      %parallel_loop3A_721 = vector.shape_cast %parallel_loop3A_720 : vector<1x1x16xf32> to vector<16xf32>
      %parallel_loop3A_722 = arith.constant 11.3137083 : f32
      %parallel_loop3A_723 = vector.broadcast %parallel_loop3A_722 : f32 to vector<16xf32>
      %parallel_loop3A_724 = arith.mulf %parallel_loop3A_721, %parallel_loop3A_723 : vector<16xf32>
      %parallel_loop3A_725 = arith.constant 4 : i32
      %parallel_loop3A_726 = arith.index_cast %parallel_loop3A_725 : i32 to index
      %parallel_loop3A_727 = arith.index_cast %parallel_loop3A_715 : i32 to index
      %parallel_loop3A_728 = arith.constant 0 : index
      %parallel_loop3A_729 = tpu.vector_load %arg6[%parallel_loop3A_726, %parallel_loop3A_727, %parallel_loop3A_728] {strides = array<i32>} : memref<5x128x128xf32, #tpu.memory_space<vmem>>, vector<1x1x16xf32>,
      %parallel_loop3A_730 = vector.shape_cast %parallel_loop3A_729 : vector<1x1x16xf32> to vector<16xf32>
      %parallel_loop3A_731 = vector.shape_cast %parallel_loop3A_724 : vector<16xf32> to vector<1x1x16xf32>
      tpu.vector_store %arg6[%parallel_loop3A_726, %parallel_loop3A_727, %parallel_loop3A_728], %parallel_loop3A_731 {strides = array<i32>} : memref<5x128x128xf32, #tpu.memory_space<vmem>>, vector<1x1x16xf32>,
      %parallel_loop3A_732 = arith.constant 4 : i32
      %parallel_loop3A_733 = arith.index_cast %parallel_loop3A_732 : i32 to index
      %parallel_loop3A_734 = arith.index_cast %parallel_loop3A_715 : i32 to index
      %parallel_loop3A_735 = arith.constant 16 : index
      %parallel_loop3A_736 = tpu.vector_load %arg6[%parallel_loop3A_733, %parallel_loop3A_734, %parallel_loop3A_735] {strides = array<i32>} : memref<5x128x128xf32, #tpu.memory_space<vmem>>, vector<1x1x16xf32>,
      %parallel_loop3A_737 = vector.shape_cast %parallel_loop3A_736 : vector<1x1x16xf32> to vector<16xf32>
      %parallel_loop3A_738 = arith.constant 11.3137083 : f32
      %parallel_loop3A_739 = vector.broadcast %parallel_loop3A_738 : f32 to vector<16xf32>
      %parallel_loop3A_740 = arith.mulf %parallel_loop3A_737, %parallel_loop3A_739 : vector<16xf32>
      %parallel_loop3A_741 = arith.constant 4 : i32
      %parallel_loop3A_742 = arith.index_cast %parallel_loop3A_741 : i32 to index
      %parallel_loop3A_743 = arith.index_cast %parallel_loop3A_715 : i32 to index
      %parallel_loop3A_744 = arith.constant 16 : index
      %parallel_loop3A_745 = tpu.vector_load %arg6[%parallel_loop3A_742, %parallel_loop3A_743, %parallel_loop3A_744] {strides = array<i32>} : memref<5x128x128xf32, #tpu.memory_space<vmem>>, vector<1x1x16xf32>,
      %parallel_loop3A_746 = vector.shape_cast %parallel_loop3A_745 : vector<1x1x16xf32> to vector<16xf32>
      %parallel_loop3A_747 = vector.shape_cast %parallel_loop3A_740 : vector<16xf32> to vector<1x1x16xf32>
      tpu.vector_store %arg6[%parallel_loop3A_742, %parallel_loop3A_743, %parallel_loop3A_744], %parallel_loop3A_747 {strides = array<i32>} : memref<5x128x128xf32, #tpu.memory_space<vmem>>, vector<1x1x16xf32>,
      %parallel_loop3A_748 = arith.constant 4 : i32
      %parallel_loop3A_749 = arith.index_cast %parallel_loop3A_748 : i32 to index
      %parallel_loop3A_750 = arith.index_cast %parallel_loop3A_715 : i32 to index
      %parallel_loop3A_751 = arith.constant 32 : index
      %parallel_loop3A_752 = tpu.vector_load %arg6[%parallel_loop3A_749, %parallel_loop3A_750, %parallel_loop3A_751] {strides = array<i32>} : memref<5x128x128xf32, #tpu.memory_space<vmem>>, vector<1x1x16xf32>,
      %parallel_loop3A_753 = vector.shape_cast %parallel_loop3A_752 : vector<1x1x16xf32> to vector<16xf32>
      %parallel_loop3A_754 = arith.constant 11.3137083 : f32
      %parallel_loop3A_755 = vector.broadcast %parallel_loop3A_754 : f32 to vector<16xf32>
      %parallel_loop3A_756 = arith.mulf %parallel_loop3A_753, %parallel_loop3A_755 : vector<16xf32>
      %parallel_loop3A_757 = arith.constant 4 : i32
      %parallel_loop3A_758 = arith.index_cast %parallel_loop3A_757 : i32 to index
      %parallel_loop3A_759 = arith.index_cast %parallel_loop3A_715 : i32 to index
      %parallel_loop3A_760 = arith.constant 32 : index
      %parallel_loop3A_761 = tpu.vector_load %arg6[%parallel_loop3A_758, %parallel_loop3A_759, %parallel_loop3A_760] {strides = array<i32>} : memref<5x128x128xf32, #tpu.memory_space<vmem>>, vector<1x1x16xf32>,
      %parallel_loop3A_762 = vector.shape_cast %parallel_loop3A_761 : vector<1x1x16xf32> to vector<16xf32>
      %parallel_loop3A_763 = vector.shape_cast %parallel_loop3A_756 : vector<16xf32> to vector<1x1x16xf32>
      tpu.vector_store %arg6[%parallel_loop3A_758, %parallel_loop3A_759, %parallel_loop3A_760], %parallel_loop3A_763 {strides = array<i32>} : memref<5x128x128xf32, #tpu.memory_space<vmem>>, vector<1x1x16xf32>,
      %parallel_loop3A_764 = arith.constant 4 : i32
      %parallel_loop3A_765 = arith.index_cast %parallel_loop3A_764 : i32 to index
      %parallel_loop3A_766 = arith.index_cast %parallel_loop3A_715 : i32 to index
      %parallel_loop3A_767 = arith.constant 48 : index
      %parallel_loop3A_768 = tpu.vector_load %arg6[%parallel_loop3A_765, %parallel_loop3A_766, %parallel_loop3A_767] {strides = array<i32>} : memref<5x128x128xf32, #tpu.memory_space<vmem>>, vector<1x1x16xf32>,
      %parallel_loop3A_769 = vector.shape_cast %parallel_loop3A_768 : vector<1x1x16xf32> to vector<16xf32>
      %parallel_loop3A_770 = arith.constant 11.3137083 : f32
      %parallel_loop3A_771 = vector.broadcast %parallel_loop3A_770 : f32 to vector<16xf32>
      %parallel_loop3A_772 = arith.mulf %parallel_loop3A_769, %parallel_loop3A_771 : vector<16xf32>
      %parallel_loop3A_773 = arith.constant 4 : i32
      %parallel_loop3A_774 = arith.index_cast %parallel_loop3A_773 : i32 to index
      %parallel_loop3A_775 = arith.index_cast %parallel_loop3A_715 : i32 to index
      %parallel_loop3A_776 = arith.constant 48 : index
      %parallel_loop3A_777 = tpu.vector_load %arg6[%parallel_loop3A_774, %parallel_loop3A_775, %parallel_loop3A_776] {strides = array<i32>} : memref<5x128x128xf32, #tpu.memory_space<vmem>>, vector<1x1x16xf32>,
      %parallel_loop3A_778 = vector.shape_cast %parallel_loop3A_777 : vector<1x1x16xf32> to vector<16xf32>
      %parallel_loop3A_779 = vector.shape_cast %parallel_loop3A_772 : vector<16xf32> to vector<1x1x16xf32>
      tpu.vector_store %arg6[%parallel_loop3A_774, %parallel_loop3A_775, %parallel_loop3A_776], %parallel_loop3A_779 {strides = array<i32>} : memref<5x128x128xf32, #tpu.memory_space<vmem>>, vector<1x1x16xf32>,
      %parallel_loop3A_780 = arith.constant 4 : i32
      %parallel_loop3A_781 = arith.index_cast %parallel_loop3A_780 : i32 to index
      %parallel_loop3A_782 = arith.index_cast %parallel_loop3A_715 : i32 to index
      %parallel_loop3A_783 = arith.constant 64 : index
      %parallel_loop3A_784 = tpu.vector_load %arg6[%parallel_loop3A_781, %parallel_loop3A_782, %parallel_loop3A_783] {strides = array<i32>} : memref<5x128x128xf32, #tpu.memory_space<vmem>>, vector<1x1x16xf32>,
      %parallel_loop3A_785 = vector.shape_cast %parallel_loop3A_784 : vector<1x1x16xf32> to vector<16xf32>
      %parallel_loop3A_786 = arith.constant 11.3137083 : f32
      %parallel_loop3A_787 = vector.broadcast %parallel_loop3A_786 : f32 to vector<16xf32>
      %parallel_loop3A_788 = arith.mulf %parallel_loop3A_785, %parallel_loop3A_787 : vector<16xf32>
      %parallel_loop3A_789 = arith.constant 4 : i32
      %parallel_loop3A_790 = arith.index_cast %parallel_loop3A_789 : i32 to index
      %parallel_loop3A_791 = arith.index_cast %parallel_loop3A_715 : i32 to index
      %parallel_loop3A_792 = arith.constant 64 : index
      %parallel_loop3A_793 = tpu.vector_load %arg6[%parallel_loop3A_790, %parallel_loop3A_791, %parallel_loop3A_792] {strides = array<i32>} : memref<5x128x128xf32, #tpu.memory_space<vmem>>, vector<1x1x16xf32>,
      %parallel_loop3A_794 = vector.shape_cast %parallel_loop3A_793 : vector<1x1x16xf32> to vector<16xf32>
      %parallel_loop3A_795 = vector.shape_cast %parallel_loop3A_788 : vector<16xf32> to vector<1x1x16xf32>
      tpu.vector_store %arg6[%parallel_loop3A_790, %parallel_loop3A_791, %parallel_loop3A_792], %parallel_loop3A_795 {strides = array<i32>} : memref<5x128x128xf32, #tpu.memory_space<vmem>>, vector<1x1x16xf32>,
      %parallel_loop3A_796 = arith.constant 4 : i32
      %parallel_loop3A_797 = arith.index_cast %parallel_loop3A_796 : i32 to index
      %parallel_loop3A_798 = arith.index_cast %parallel_loop3A_715 : i32 to index
      %parallel_loop3A_799 = arith.constant 80 : index
      %parallel_loop3A_800 = tpu.vector_load %arg6[%parallel_loop3A_797, %parallel_loop3A_798, %parallel_loop3A_799] {strides = array<i32>} : memref<5x128x128xf32, #tpu.memory_space<vmem>>, vector<1x1x16xf32>,
      %parallel_loop3A_801 = vector.shape_cast %parallel_loop3A_800 : vector<1x1x16xf32> to vector<16xf32>
      %parallel_loop3A_802 = arith.constant 11.3137083 : f32
      %parallel_loop3A_803 = vector.broadcast %parallel_loop3A_802 : f32 to vector<16xf32>
      %parallel_loop3A_804 = arith.mulf %parallel_loop3A_801, %parallel_loop3A_803 : vector<16xf32>
      %parallel_loop3A_805 = arith.constant 4 : i32
      %parallel_loop3A_806 = arith.index_cast %parallel_loop3A_805 : i32 to index
      %parallel_loop3A_807 = arith.index_cast %parallel_loop3A_715 : i32 to index
      %parallel_loop3A_808 = arith.constant 80 : index
      %parallel_loop3A_809 = tpu.vector_load %arg6[%parallel_loop3A_806, %parallel_loop3A_807, %parallel_loop3A_808] {strides = array<i32>} : memref<5x128x128xf32, #tpu.memory_space<vmem>>, vector<1x1x16xf32>,
      %parallel_loop3A_810 = vector.shape_cast %parallel_loop3A_809 : vector<1x1x16xf32> to vector<16xf32>
      %parallel_loop3A_811 = vector.shape_cast %parallel_loop3A_804 : vector<16xf32> to vector<1x1x16xf32>
      tpu.vector_store %arg6[%parallel_loop3A_806, %parallel_loop3A_807, %parallel_loop3A_808], %parallel_loop3A_811 {strides = array<i32>} : memref<5x128x128xf32, #tpu.memory_space<vmem>>, vector<1x1x16xf32>,
      %parallel_loop3A_812 = arith.constant 4 : i32
      %parallel_loop3A_813 = arith.index_cast %parallel_loop3A_812 : i32 to index
      %parallel_loop3A_814 = arith.index_cast %parallel_loop3A_715 : i32 to index
      %parallel_loop3A_815 = arith.constant 96 : index
      %parallel_loop3A_816 = tpu.vector_load %arg6[%parallel_loop3A_813, %parallel_loop3A_814, %parallel_loop3A_815] {strides = array<i32>} : memref<5x128x128xf32, #tpu.memory_space<vmem>>, vector<1x1x16xf32>,
      %parallel_loop3A_817 = vector.shape_cast %parallel_loop3A_816 : vector<1x1x16xf32> to vector<16xf32>
      %parallel_loop3A_818 = arith.constant 11.3137083 : f32
      %parallel_loop3A_819 = vector.broadcast %parallel_loop3A_818 : f32 to vector<16xf32>
      %parallel_loop3A_820 = arith.mulf %parallel_loop3A_817, %parallel_loop3A_819 : vector<16xf32>
      %parallel_loop3A_821 = arith.constant 4 : i32
      %parallel_loop3A_822 = arith.index_cast %parallel_loop3A_821 : i32 to index
      %parallel_loop3A_823 = arith.index_cast %parallel_loop3A_715 : i32 to index
      %parallel_loop3A_824 = arith.constant 96 : index
      %parallel_loop3A_825 = tpu.vector_load %arg6[%parallel_loop3A_822, %parallel_loop3A_823, %parallel_loop3A_824] {strides = array<i32>} : memref<5x128x128xf32, #tpu.memory_space<vmem>>, vector<1x1x16xf32>,
      %parallel_loop3A_826 = vector.shape_cast %parallel_loop3A_825 : vector<1x1x16xf32> to vector<16xf32>
      %parallel_loop3A_827 = vector.shape_cast %parallel_loop3A_820 : vector<16xf32> to vector<1x1x16xf32>
      tpu.vector_store %arg6[%parallel_loop3A_822, %parallel_loop3A_823, %parallel_loop3A_824], %parallel_loop3A_827 {strides = array<i32>} : memref<5x128x128xf32, #tpu.memory_space<vmem>>, vector<1x1x16xf32>,
      %parallel_loop3A_828 = arith.constant 4 : i32
      %parallel_loop3A_829 = arith.index_cast %parallel_loop3A_828 : i32 to index
      %parallel_loop3A_830 = arith.index_cast %parallel_loop3A_715 : i32 to index
      %parallel_loop3A_831 = arith.constant 112 : index
      %parallel_loop3A_832 = tpu.vector_load %arg6[%parallel_loop3A_829, %parallel_loop3A_830, %parallel_loop3A_831] {strides = array<i32>} : memref<5x128x128xf32, #tpu.memory_space<vmem>>, vector<1x1x16xf32>,
      %parallel_loop3A_833 = vector.shape_cast %parallel_loop3A_832 : vector<1x1x16xf32> to vector<16xf32>
      %parallel_loop3A_834 = arith.constant 11.3137083 : f32
      %parallel_loop3A_835 = vector.broadcast %parallel_loop3A_834 : f32 to vector<16xf32>
      %parallel_loop3A_836 = arith.mulf %parallel_loop3A_833, %parallel_loop3A_835 : vector<16xf32>
      %parallel_loop3A_837 = arith.constant 4 : i32
      %parallel_loop3A_838 = arith.index_cast %parallel_loop3A_837 : i32 to index
      %parallel_loop3A_839 = arith.index_cast %parallel_loop3A_715 : i32 to index
      %parallel_loop3A_840 = arith.constant 112 : index
      %parallel_loop3A_841 = tpu.vector_load %arg6[%parallel_loop3A_838, %parallel_loop3A_839, %parallel_loop3A_840] {strides = array<i32>} : memref<5x128x128xf32, #tpu.memory_space<vmem>>, vector<1x1x16xf32>,
      %parallel_loop3A_842 = vector.shape_cast %parallel_loop3A_841 : vector<1x1x16xf32> to vector<16xf32>
      %parallel_loop3A_843 = vector.shape_cast %parallel_loop3A_836 : vector<16xf32> to vector<1x1x16xf32>
      tpu.vector_store %arg6[%parallel_loop3A_838, %parallel_loop3A_839, %parallel_loop3A_840], %parallel_loop3A_843 {strides = array<i32>} : memref<5x128x128xf32, #tpu.memory_space<vmem>>, vector<1x1x16xf32>,
    } {sc.loop_unroll_factor = 1 : i64, sc.parallel_access}
    %dma_wait3A_325 = arith.constant 3 : i32
    %dma_wait3A_326 = arith.constant 3 : i32
    %dma_wait3A_327 = arith.constant 0 : i32
    %dma_wait3A_328 = arith.constant 0 : i32
    %dma_wait3A_329 = tpu.memref_slice %arg6[%dma_wait3A_325, %dma_wait3A_327, %dma_wait3A_328] : memref<5x128x128xf32, #tpu.memory_space<vmem>> -> memref<1x128x128xf32, #tpu.memory_space<vmem>>
    %dma_wait3A_330 = tpu.memref_squeeze %dma_wait3A_329 : memref<1x128x128xf32, #tpu.memory_space<vmem>> -> memref<128x128xf32, #tpu.memory_space<vmem>>
    %dma_wait3A_331 = arith.constant 0 : i32
    %dma_wait3A_332 = arith.constant 0 : i32
    %dma_wait3A_333 = tpu.memref_slice %arg4[%dma_wait3A_326, %dma_wait3A_331, %dma_wait3A_332] : memref<50x4096x128xf32, #tpu.memory_space<hbm>> -> memref<1x4096x128xf32, #tpu.memory_space<hbm>>
    %dma_wait3A_334 = tpu.memref_squeeze %dma_wait3A_333 : memref<1x4096x128xf32, #tpu.memory_space<hbm>> -> memref<4096x128xf32, #tpu.memory_space<hbm>>
    %dma_wait3A_335 = arith.constant 0 : i32
    %dma_wait3A_336 = tpu.memref_slice %dma_wait3A_334[%mul3A_2, %dma_wait3A_335] : memref<4096x128xf32, #tpu.memory_space<hbm>> -> memref<128x128xf32, #tpu.memory_space<hbm>>
    %dma_wait3A_337 = arith.constant 0 : i32
    %dma_wait3A_338 = arith.constant 0 : i32
    %dma_wait3A_339 = tpu.memref_slice %arg4[%dma_wait3A_326, %dma_wait3A_337, %dma_wait3A_338] : memref<50x4096x128xf32, #tpu.memory_space<hbm>> -> memref<1x4096x128xf32, #tpu.memory_space<hbm>>
    %dma_wait3A_340 = tpu.memref_squeeze %dma_wait3A_339 : memref<1x4096x128xf32, #tpu.memory_space<hbm>> -> memref<4096x128xf32, #tpu.memory_space<hbm>>
    %dma_wait3A_341 = arith.constant 0 : i32
    %dma_wait3A_342 = tpu.memref_slice %dma_wait3A_340[%mul3A_2, %dma_wait3A_341] : memref<4096x128xf32, #tpu.memory_space<hbm>> -> memref<128x128xf32, #tpu.memory_space<hbm>>
    %dma_wait3A_343 = arith.constant 0 : i32
    %dma_wait3A_344 = arith.constant 0 : i32
    %dma_wait3A_345 = tpu.memref_slice %arg6[%dma_wait3A_325, %dma_wait3A_343, %dma_wait3A_344] : memref<5x128x128xf32, #tpu.memory_space<vmem>> -> memref<1x128x128xf32, #tpu.memory_space<vmem>>
    %dma_wait3A_346 = tpu.memref_squeeze %dma_wait3A_345 : memref<1x128x128xf32, #tpu.memory_space<vmem>> -> memref<128x128xf32, #tpu.memory_space<vmem>>
    tpu.wait_dma2 semaphore(%arg15 : memref<!tpu.dma_semaphore, #tpu.memory_space<semaphore_mem>>) src(%dma_wait3A_346 : memref<128x128xf32, #tpu.memory_space<vmem>>) dst(%dma_wait3A_342 : memref<128x128xf32, #tpu.memory_space<hbm>>)
    %dma_start3A_347 = arith.constant 8 : i32
    %dma_start3A_348 = arith.constant 3 : i32
    %dma_start3A_349 = arith.constant 0 : i32
    %dma_start3A_350 = arith.constant 0 : i32
    %dma_start3A_351 = tpu.memref_slice %arg6[%dma_start3A_348, %dma_start3A_349, %dma_start3A_350] : memref<5x128x128xf32, #tpu.memory_space<vmem>> -> memref<1x128x128xf32, #tpu.memory_space<vmem>>
    %dma_start3A_352 = tpu.memref_squeeze %dma_start3A_351 : memref<1x128x128xf32, #tpu.memory_space<vmem>> -> memref<128x128xf32, #tpu.memory_space<vmem>>
    %dma_start3A_353 = arith.constant 0 : i32
    %dma_start3A_354 = tpu.memref_slice %arg5[%dma_start3A_347, %dma_start3A_353] : memref<50x128xi32, #tpu.memory_space<vmem>> -> memref<1x128xi32, #tpu.memory_space<vmem>>
    %dma_start3A_355 = tpu.memref_squeeze %dma_start3A_354 : memref<1x128xi32, #tpu.memory_space<vmem>> -> memref<128xi32, #tpu.memory_space<vmem>>
    %dma_start3A_356 = arith.constant 0 : i32
    %dma_start3A_357 = arith.constant 0 : i32
    %dma_start3A_358 = tpu.memref_slice %arg3[%dma_start3A_356, %dma_start3A_357] : memref<1000000x128xf32, #tpu.memory_space<hbm>> -> memref<1000000x128xf32, #tpu.memory_space<hbm>>
    tpu.enqueue_indirect_dma source(%dma_start3A_358 : memref<1000000x128xf32, #tpu.memory_space<hbm>>) target(%dma_start3A_352 : memref<128x128xf32, #tpu.memory_space<vmem>>) offsets(%dma_start3A_355 : memref<128xi32, #tpu.memory_space<vmem>>) semaphore(%arg10 : memref<!tpu.dma_semaphore, #tpu.memory_space<semaphore_mem>>)
    %dma_start3A_359 = arith.constant 4 : i32
    %dma_start3A_360 = arith.constant 4 : i32
    %dma_start3A_361 = arith.constant 0 : i32
    %dma_start3A_362 = arith.constant 0 : i32
    %dma_start3A_363 = tpu.memref_slice %arg6[%dma_start3A_359, %dma_start3A_361, %dma_start3A_362] : memref<5x128x128xf32, #tpu.memory_space<vmem>> -> memref<1x128x128xf32, #tpu.memory_space<vmem>>
    %dma_start3A_364 = tpu.memref_squeeze %dma_start3A_363 : memref<1x128x128xf32, #tpu.memory_space<vmem>> -> memref<128x128xf32, #tpu.memory_space<vmem>>
    %dma_start3A_365 = arith.constant 0 : i32
    %dma_start3A_366 = arith.constant 0 : i32
    %dma_start3A_367 = tpu.memref_slice %arg4[%dma_start3A_360, %dma_start3A_365, %dma_start3A_366] : memref<50x4096x128xf32, #tpu.memory_space<hbm>> -> memref<1x4096x128xf32, #tpu.memory_space<hbm>>
    %dma_start3A_368 = tpu.memref_squeeze %dma_start3A_367 : memref<1x4096x128xf32, #tpu.memory_space<hbm>> -> memref<4096x128xf32, #tpu.memory_space<hbm>>
    %dma_start3A_369 = arith.constant 0 : i32
    %dma_start3A_370 = tpu.memref_slice %dma_start3A_368[%mul3A_2, %dma_start3A_369] : memref<4096x128xf32, #tpu.memory_space<hbm>> -> memref<128x128xf32, #tpu.memory_space<hbm>>
    %dma_start3A_371 = arith.constant 0 : i32
    %dma_start3A_372 = arith.constant 0 : i32
    %dma_start3A_373 = tpu.memref_slice %arg4[%dma_start3A_360, %dma_start3A_371, %dma_start3A_372] : memref<50x4096x128xf32, #tpu.memory_space<hbm>> -> memref<1x4096x128xf32, #tpu.memory_space<hbm>>
    %dma_start3A_374 = tpu.memref_squeeze %dma_start3A_373 : memref<1x4096x128xf32, #tpu.memory_space<hbm>> -> memref<4096x128xf32, #tpu.memory_space<hbm>>
    %dma_start3A_375 = arith.constant 0 : i32
    %dma_start3A_376 = tpu.memref_slice %dma_start3A_374[%mul3A_2, %dma_start3A_375] : memref<4096x128xf32, #tpu.memory_space<hbm>> -> memref<128x128xf32, #tpu.memory_space<hbm>>
    %dma_start3A_377 = arith.constant 0 : i32
    %dma_start3A_378 = arith.constant 0 : i32
    %dma_start3A_379 = tpu.memref_slice %arg6[%dma_start3A_359, %dma_start3A_377, %dma_start3A_378] : memref<5x128x128xf32, #tpu.memory_space<vmem>> -> memref<1x128x128xf32, #tpu.memory_space<vmem>>
    %dma_start3A_380 = tpu.memref_squeeze %dma_start3A_379 : memref<1x128x128xf32, #tpu.memory_space<vmem>> -> memref<128x128xf32, #tpu.memory_space<vmem>>
    tpu.enqueue_dma source(%dma_start3A_380 : memref<128x128xf32, #tpu.memory_space<vmem>>) target(%dma_start3A_376 : memref<128x128xf32, #tpu.memory_space<hbm>>) target_semaphore(%arg16 : memref<!tpu.dma_semaphore, #tpu.memory_space<semaphore_mem>>)
    %scan3A = arith.constant 0 : i32
    %scan3A_381 = arith.constant 1 : i32
    %scan3A_382 = arith.constant 8 : i32
    %scan3A_383 = arith.addi %scan3A_381, %scan3A_382 : i32
    %scan3A_384 = arith.constant 1 : i32
    scf.for %scan3A_715 = %scan3A_381 to %scan3A_383 step %scan3A_384  : i32 {
      %mul3A_716 = arith.constant 5 : i32
      %mul3A_717 = arith.muli %scan3A_715, %mul3A_716 : i32
      %add3A_718 = arith.constant 0 : i32
      %add3A_719 = arith.addi %mul3A_717, %add3A_718 : i32
      %dma_wait3A_720 = arith.constant 0 : i32
      %dma_wait3A_721 = arith.constant 0 : i32
      %dma_wait3A_722 = arith.constant 0 : i32
      %dma_wait3A_723 = tpu.memref_slice %arg6[%dma_wait3A_720, %dma_wait3A_721, %dma_wait3A_722] : memref<5x128x128xf32, #tpu.memory_space<vmem>> -> memref<1x128x128xf32, #tpu.memory_space<vmem>>
      %dma_wait3A_724 = tpu.memref_squeeze %dma_wait3A_723 : memref<1x128x128xf32, #tpu.memory_space<vmem>> -> memref<128x128xf32, #tpu.memory_space<vmem>>
      %dma_wait3A_725 = arith.constant 0 : i32
      %dma_wait3A_726 = tpu.memref_slice %arg5[%add3A_719, %dma_wait3A_725] : memref<50x128xi32, #tpu.memory_space<vmem>> -> memref<1x128xi32, #tpu.memory_space<vmem>>
      %dma_wait3A_727 = tpu.memref_squeeze %dma_wait3A_726 : memref<1x128xi32, #tpu.memory_space<vmem>> -> memref<128xi32, #tpu.memory_space<vmem>>
      %dma_wait3A_728 = arith.constant 0 : i32
      %dma_wait3A_729 = arith.constant 0 : i32
      %dma_wait3A_730 = tpu.memref_slice %arg3[%dma_wait3A_728, %dma_wait3A_729] : memref<1000000x128xf32, #tpu.memory_space<hbm>> -> memref<1000000x128xf32, #tpu.memory_space<hbm>>
      tpu.wait_indirect_dma semaphore(%arg7 : memref<!tpu.dma_semaphore, #tpu.memory_space<semaphore_mem>>) src(%dma_wait3A_730 : memref<1000000x128xf32, #tpu.memory_space<hbm>>) dst(%dma_wait3A_724 : memref<128x128xf32, #tpu.memory_space<vmem>>)
      %parallel_loop3A_731 = arith.constant 0 : i32
      %parallel_loop3A_732 = arith.constant 128 : i32
      %parallel_loop3A_733 = arith.constant 1 : i32
      scf.for %parallel_loop3A_1100 = %parallel_loop3A_731 to %parallel_loop3A_732 step %parallel_loop3A_733  : i32 {
        %parallel_loop3A_1101 = arith.constant 0 : i32
        %parallel_loop3A_1102 = arith.index_cast %parallel_loop3A_1101 : i32 to index
        %parallel_loop3A_1103 = arith.index_cast %parallel_loop3A_1100 : i32 to index
        %parallel_loop3A_1104 = arith.constant 0 : index
        %parallel_loop3A_1105 = tpu.vector_load %arg6[%parallel_loop3A_1102, %parallel_loop3A_1103, %parallel_loop3A_1104] {strides = array<i32>} : memref<5x128x128xf32, #tpu.memory_space<vmem>>, vector<1x1x16xf32>,
        %parallel_loop3A_1106 = vector.shape_cast %parallel_loop3A_1105 : vector<1x1x16xf32> to vector<16xf32>
        %parallel_loop3A_1107 = arith.constant 11.3137083 : f32
        %parallel_loop3A_1108 = vector.broadcast %parallel_loop3A_1107 : f32 to vector<16xf32>
        %parallel_loop3A_1109 = arith.mulf %parallel_loop3A_1106, %parallel_loop3A_1108 : vector<16xf32>
        %parallel_loop3A_1110 = arith.constant 0 : i32
        %parallel_loop3A_1111 = arith.index_cast %parallel_loop3A_1110 : i32 to index
        %parallel_loop3A_1112 = arith.index_cast %parallel_loop3A_1100 : i32 to index
        %parallel_loop3A_1113 = arith.constant 0 : index
        %parallel_loop3A_1114 = tpu.vector_load %arg6[%parallel_loop3A_1111, %parallel_loop3A_1112, %parallel_loop3A_1113] {strides = array<i32>} : memref<5x128x128xf32, #tpu.memory_space<vmem>>, vector<1x1x16xf32>,
        %parallel_loop3A_1115 = vector.shape_cast %parallel_loop3A_1114 : vector<1x1x16xf32> to vector<16xf32>
        %parallel_loop3A_1116 = vector.shape_cast %parallel_loop3A_1109 : vector<16xf32> to vector<1x1x16xf32>
        tpu.vector_store %arg6[%parallel_loop3A_1111, %parallel_loop3A_1112, %parallel_loop3A_1113], %parallel_loop3A_1116 {strides = array<i32>} : memref<5x128x128xf32, #tpu.memory_space<vmem>>, vector<1x1x16xf32>,
        %parallel_loop3A_1117 = arith.constant 0 : i32
        %parallel_loop3A_1118 = arith.index_cast %parallel_loop3A_1117 : i32 to index
        %parallel_loop3A_1119 = arith.index_cast %parallel_loop3A_1100 : i32 to index
        %parallel_loop3A_1120 = arith.constant 16 : index
        %parallel_loop3A_1121 = tpu.vector_load %arg6[%parallel_loop3A_1118, %parallel_loop3A_1119, %parallel_loop3A_1120] {strides = array<i32>} : memref<5x128x128xf32, #tpu.memory_space<vmem>>, vector<1x1x16xf32>,
        %parallel_loop3A_1122 = vector.shape_cast %parallel_loop3A_1121 : vector<1x1x16xf32> to vector<16xf32>
        %parallel_loop3A_1123 = arith.constant 11.3137083 : f32
        %parallel_loop3A_1124 = vector.broadcast %parallel_loop3A_1123 : f32 to vector<16xf32>
        %parallel_loop3A_1125 = arith.mulf %parallel_loop3A_1122, %parallel_loop3A_1124 : vector<16xf32>
        %parallel_loop3A_1126 = arith.constant 0 : i32
        %parallel_loop3A_1127 = arith.index_cast %parallel_loop3A_1126 : i32 to index
        %parallel_loop3A_1128 = arith.index_cast %parallel_loop3A_1100 : i32 to index
        %parallel_loop3A_1129 = arith.constant 16 : index
        %parallel_loop3A_1130 = tpu.vector_load %arg6[%parallel_loop3A_1127, %parallel_loop3A_1128, %parallel_loop3A_1129] {strides = array<i32>} : memref<5x128x128xf32, #tpu.memory_space<vmem>>, vector<1x1x16xf32>,
        %parallel_loop3A_1131 = vector.shape_cast %parallel_loop3A_1130 : vector<1x1x16xf32> to vector<16xf32>
        %parallel_loop3A_1132 = vector.shape_cast %parallel_loop3A_1125 : vector<16xf32> to vector<1x1x16xf32>
        tpu.vector_store %arg6[%parallel_loop3A_1127, %parallel_loop3A_1128, %parallel_loop3A_1129], %parallel_loop3A_1132 {strides = array<i32>} : memref<5x128x128xf32, #tpu.memory_space<vmem>>, vector<1x1x16xf32>,
        %parallel_loop3A_1133 = arith.constant 0 : i32
        %parallel_loop3A_1134 = arith.index_cast %parallel_loop3A_1133 : i32 to index
        %parallel_loop3A_1135 = arith.index_cast %parallel_loop3A_1100 : i32 to index
        %parallel_loop3A_1136 = arith.constant 32 : index
        %parallel_loop3A_1137 = tpu.vector_load %arg6[%parallel_loop3A_1134, %parallel_loop3A_1135, %parallel_loop3A_1136] {strides = array<i32>} : memref<5x128x128xf32, #tpu.memory_space<vmem>>, vector<1x1x16xf32>,
        %parallel_loop3A_1138 = vector.shape_cast %parallel_loop3A_1137 : vector<1x1x16xf32> to vector<16xf32>
        %parallel_loop3A_1139 = arith.constant 11.3137083 : f32
        %parallel_loop3A_1140 = vector.broadcast %parallel_loop3A_1139 : f32 to vector<16xf32>
        %parallel_loop3A_1141 = arith.mulf %parallel_loop3A_1138, %parallel_loop3A_1140 : vector<16xf32>
        %parallel_loop3A_1142 = arith.constant 0 : i32
        %parallel_loop3A_1143 = arith.index_cast %parallel_loop3A_1142 : i32 to index
        %parallel_loop3A_1144 = arith.index_cast %parallel_loop3A_1100 : i32 to index
        %parallel_loop3A_1145 = arith.constant 32 : index
        %parallel_loop3A_1146 = tpu.vector_load %arg6[%parallel_loop3A_1143, %parallel_loop3A_1144, %parallel_loop3A_1145] {strides = array<i32>} : memref<5x128x128xf32, #tpu.memory_space<vmem>>, vector<1x1x16xf32>,
        %parallel_loop3A_1147 = vector.shape_cast %parallel_loop3A_1146 : vector<1x1x16xf32> to vector<16xf32>
        %parallel_loop3A_1148 = vector.shape_cast %parallel_loop3A_1141 : vector<16xf32> to vector<1x1x16xf32>
        tpu.vector_store %arg6[%parallel_loop3A_1143, %parallel_loop3A_1144, %parallel_loop3A_1145], %parallel_loop3A_1148 {strides = array<i32>} : memref<5x128x128xf32, #tpu.memory_space<vmem>>, vector<1x1x16xf32>,
        %parallel_loop3A_1149 = arith.constant 0 : i32
        %parallel_loop3A_1150 = arith.index_cast %parallel_loop3A_1149 : i32 to index
        %parallel_loop3A_1151 = arith.index_cast %parallel_loop3A_1100 : i32 to index
        %parallel_loop3A_1152 = arith.constant 48 : index
        %parallel_loop3A_1153 = tpu.vector_load %arg6[%parallel_loop3A_1150, %parallel_loop3A_1151, %parallel_loop3A_1152] {strides = array<i32>} : memref<5x128x128xf32, #tpu.memory_space<vmem>>, vector<1x1x16xf32>,
        %parallel_loop3A_1154 = vector.shape_cast %parallel_loop3A_1153 : vector<1x1x16xf32> to vector<16xf32>
        %parallel_loop3A_1155 = arith.constant 11.3137083 : f32
        %parallel_loop3A_1156 = vector.broadcast %parallel_loop3A_1155 : f32 to vector<16xf32>
        %parallel_loop3A_1157 = arith.mulf %parallel_loop3A_1154, %parallel_loop3A_1156 : vector<16xf32>
        %parallel_loop3A_1158 = arith.constant 0 : i32
        %parallel_loop3A_1159 = arith.index_cast %parallel_loop3A_1158 : i32 to index
        %parallel_loop3A_1160 = arith.index_cast %parallel_loop3A_1100 : i32 to index
        %parallel_loop3A_1161 = arith.constant 48 : index
        %parallel_loop3A_1162 = tpu.vector_load %arg6[%parallel_loop3A_1159, %parallel_loop3A_1160, %parallel_loop3A_1161] {strides = array<i32>} : memref<5x128x128xf32, #tpu.memory_space<vmem>>, vector<1x1x16xf32>,
        %parallel_loop3A_1163 = vector.shape_cast %parallel_loop3A_1162 : vector<1x1x16xf32> to vector<16xf32>
        %parallel_loop3A_1164 = vector.shape_cast %parallel_loop3A_1157 : vector<16xf32> to vector<1x1x16xf32>
        tpu.vector_store %arg6[%parallel_loop3A_1159, %parallel_loop3A_1160, %parallel_loop3A_1161], %parallel_loop3A_1164 {strides = array<i32>} : memref<5x128x128xf32, #tpu.memory_space<vmem>>, vector<1x1x16xf32>,
        %parallel_loop3A_1165 = arith.constant 0 : i32
        %parallel_loop3A_1166 = arith.index_cast %parallel_loop3A_1165 : i32 to index
        %parallel_loop3A_1167 = arith.index_cast %parallel_loop3A_1100 : i32 to index
        %parallel_loop3A_1168 = arith.constant 64 : index
        %parallel_loop3A_1169 = tpu.vector_load %arg6[%parallel_loop3A_1166, %parallel_loop3A_1167, %parallel_loop3A_1168] {strides = array<i32>} : memref<5x128x128xf32, #tpu.memory_space<vmem>>, vector<1x1x16xf32>,
        %parallel_loop3A_1170 = vector.shape_cast %parallel_loop3A_1169 : vector<1x1x16xf32> to vector<16xf32>
        %parallel_loop3A_1171 = arith.constant 11.3137083 : f32
        %parallel_loop3A_1172 = vector.broadcast %parallel_loop3A_1171 : f32 to vector<16xf32>
        %parallel_loop3A_1173 = arith.mulf %parallel_loop3A_1170, %parallel_loop3A_1172 : vector<16xf32>
        %parallel_loop3A_1174 = arith.constant 0 : i32
        %parallel_loop3A_1175 = arith.index_cast %parallel_loop3A_1174 : i32 to index
        %parallel_loop3A_1176 = arith.index_cast %parallel_loop3A_1100 : i32 to index
        %parallel_loop3A_1177 = arith.constant 64 : index
        %parallel_loop3A_1178 = tpu.vector_load %arg6[%parallel_loop3A_1175, %parallel_loop3A_1176, %parallel_loop3A_1177] {strides = array<i32>} : memref<5x128x128xf32, #tpu.memory_space<vmem>>, vector<1x1x16xf32>,
        %parallel_loop3A_1179 = vector.shape_cast %parallel_loop3A_1178 : vector<1x1x16xf32> to vector<16xf32>
        %parallel_loop3A_1180 = vector.shape_cast %parallel_loop3A_1173 : vector<16xf32> to vector<1x1x16xf32>
        tpu.vector_store %arg6[%parallel_loop3A_1175, %parallel_loop3A_1176, %parallel_loop3A_1177], %parallel_loop3A_1180 {strides = array<i32>} : memref<5x128x128xf32, #tpu.memory_space<vmem>>, vector<1x1x16xf32>,
        %parallel_loop3A_1181 = arith.constant 0 : i32
        %parallel_loop3A_1182 = arith.index_cast %parallel_loop3A_1181 : i32 to index
        %parallel_loop3A_1183 = arith.index_cast %parallel_loop3A_1100 : i32 to index
        %parallel_loop3A_1184 = arith.constant 80 : index
        %parallel_loop3A_1185 = tpu.vector_load %arg6[%parallel_loop3A_1182, %parallel_loop3A_1183, %parallel_loop3A_1184] {strides = array<i32>} : memref<5x128x128xf32, #tpu.memory_space<vmem>>, vector<1x1x16xf32>,
        %parallel_loop3A_1186 = vector.shape_cast %parallel_loop3A_1185 : vector<1x1x16xf32> to vector<16xf32>
        %parallel_loop3A_1187 = arith.constant 11.3137083 : f32
        %parallel_loop3A_1188 = vector.broadcast %parallel_loop3A_1187 : f32 to vector<16xf32>
        %parallel_loop3A_1189 = arith.mulf %parallel_loop3A_1186, %parallel_loop3A_1188 : vector<16xf32>
        %parallel_loop3A_1190 = arith.constant 0 : i32
        %parallel_loop3A_1191 = arith.index_cast %parallel_loop3A_1190 : i32 to index
        %parallel_loop3A_1192 = arith.index_cast %parallel_loop3A_1100 : i32 to index
        %parallel_loop3A_1193 = arith.constant 80 : index
        %parallel_loop3A_1194 = tpu.vector_load %arg6[%parallel_loop3A_1191, %parallel_loop3A_1192, %parallel_loop3A_1193] {strides = array<i32>} : memref<5x128x128xf32, #tpu.memory_space<vmem>>, vector<1x1x16xf32>,
        %parallel_loop3A_1195 = vector.shape_cast %parallel_loop3A_1194 : vector<1x1x16xf32> to vector<16xf32>
        %parallel_loop3A_1196 = vector.shape_cast %parallel_loop3A_1189 : vector<16xf32> to vector<1x1x16xf32>
        tpu.vector_store %arg6[%parallel_loop3A_1191, %parallel_loop3A_1192, %parallel_loop3A_1193], %parallel_loop3A_1196 {strides = array<i32>} : memref<5x128x128xf32, #tpu.memory_space<vmem>>, vector<1x1x16xf32>,
        %parallel_loop3A_1197 = arith.constant 0 : i32
        %parallel_loop3A_1198 = arith.index_cast %parallel_loop3A_1197 : i32 to index
        %parallel_loop3A_1199 = arith.index_cast %parallel_loop3A_1100 : i32 to index
        %parallel_loop3A_1200 = arith.constant 96 : index
        %parallel_loop3A_1201 = tpu.vector_load %arg6[%parallel_loop3A_1198, %parallel_loop3A_1199, %parallel_loop3A_1200] {strides = array<i32>} : memref<5x128x128xf32, #tpu.memory_space<vmem>>, vector<1x1x16xf32>,
        %parallel_loop3A_1202 = vector.shape_cast %parallel_loop3A_1201 : vector<1x1x16xf32> to vector<16xf32>
        %parallel_loop3A_1203 = arith.constant 11.3137083 : f32
        %parallel_loop3A_1204 = vector.broadcast %parallel_loop3A_1203 : f32 to vector<16xf32>
        %parallel_loop3A_1205 = arith.mulf %parallel_loop3A_1202, %parallel_loop3A_1204 : vector<16xf32>
        %parallel_loop3A_1206 = arith.constant 0 : i32
        %parallel_loop3A_1207 = arith.index_cast %parallel_loop3A_1206 : i32 to index
        %parallel_loop3A_1208 = arith.index_cast %parallel_loop3A_1100 : i32 to index
        %parallel_loop3A_1209 = arith.constant 96 : index
        %parallel_loop3A_1210 = tpu.vector_load %arg6[%parallel_loop3A_1207, %parallel_loop3A_1208, %parallel_loop3A_1209] {strides = array<i32>} : memref<5x128x128xf32, #tpu.memory_space<vmem>>, vector<1x1x16xf32>,
        %parallel_loop3A_1211 = vector.shape_cast %parallel_loop3A_1210 : vector<1x1x16xf32> to vector<16xf32>
        %parallel_loop3A_1212 = vector.shape_cast %parallel_loop3A_1205 : vector<16xf32> to vector<1x1x16xf32>
        tpu.vector_store %arg6[%parallel_loop3A_1207, %parallel_loop3A_1208, %parallel_loop3A_1209], %parallel_loop3A_1212 {strides = array<i32>} : memref<5x128x128xf32, #tpu.memory_space<vmem>>, vector<1x1x16xf32>,
        %parallel_loop3A_1213 = arith.constant 0 : i32
        %parallel_loop3A_1214 = arith.index_cast %parallel_loop3A_1213 : i32 to index
        %parallel_loop3A_1215 = arith.index_cast %parallel_loop3A_1100 : i32 to index
        %parallel_loop3A_1216 = arith.constant 112 : index
        %parallel_loop3A_1217 = tpu.vector_load %arg6[%parallel_loop3A_1214, %parallel_loop3A_1215, %parallel_loop3A_1216] {strides = array<i32>} : memref<5x128x128xf32, #tpu.memory_space<vmem>>, vector<1x1x16xf32>,
        %parallel_loop3A_1218 = vector.shape_cast %parallel_loop3A_1217 : vector<1x1x16xf32> to vector<16xf32>
        %parallel_loop3A_1219 = arith.constant 11.3137083 : f32
        %parallel_loop3A_1220 = vector.broadcast %parallel_loop3A_1219 : f32 to vector<16xf32>
        %parallel_loop3A_1221 = arith.mulf %parallel_loop3A_1218, %parallel_loop3A_1220 : vector<16xf32>
        %parallel_loop3A_1222 = arith.constant 0 : i32
        %parallel_loop3A_1223 = arith.index_cast %parallel_loop3A_1222 : i32 to index
        %parallel_loop3A_1224 = arith.index_cast %parallel_loop3A_1100 : i32 to index
        %parallel_loop3A_1225 = arith.constant 112 : index
        %parallel_loop3A_1226 = tpu.vector_load %arg6[%parallel_loop3A_1223, %parallel_loop3A_1224, %parallel_loop3A_1225] {strides = array<i32>} : memref<5x128x128xf32, #tpu.memory_space<vmem>>, vector<1x1x16xf32>,
        %parallel_loop3A_1227 = vector.shape_cast %parallel_loop3A_1226 : vector<1x1x16xf32> to vector<16xf32>
        %parallel_loop3A_1228 = vector.shape_cast %parallel_loop3A_1221 : vector<16xf32> to vector<1x1x16xf32>
        tpu.vector_store %arg6[%parallel_loop3A_1223, %parallel_loop3A_1224, %parallel_loop3A_1225], %parallel_loop3A_1228 {strides = array<i32>} : memref<5x128x128xf32, #tpu.memory_space<vmem>>, vector<1x1x16xf32>,
      } {sc.loop_unroll_factor = 1 : i64, sc.parallel_access}
      %dma_start3A_734 = arith.constant 0 : i32
      %dma_start3A_735 = arith.constant 0 : i32
      %dma_start3A_736 = arith.constant 0 : i32
      %dma_start3A_737 = tpu.memref_slice %arg6[%dma_start3A_734, %dma_start3A_735, %dma_start3A_736] : memref<5x128x128xf32, #tpu.memory_space<vmem>> -> memref<1x128x128xf32, #tpu.memory_space<vmem>>
      %dma_start3A_738 = tpu.memref_squeeze %dma_start3A_737 : memref<1x128x128xf32, #tpu.memory_space<vmem>> -> memref<128x128xf32, #tpu.memory_space<vmem>>
      %dma_start3A_739 = arith.constant 0 : i32
      %dma_start3A_740 = arith.constant 0 : i32
      %dma_start3A_741 = tpu.memref_slice %arg4[%add3A_719, %dma_start3A_739, %dma_start3A_740] : memref<50x4096x128xf32, #tpu.memory_space<hbm>> -> memref<1x4096x128xf32, #tpu.memory_space<hbm>>
      %dma_start3A_742 = tpu.memref_squeeze %dma_start3A_741 : memref<1x4096x128xf32, #tpu.memory_space<hbm>> -> memref<4096x128xf32, #tpu.memory_space<hbm>>
      %dma_start3A_743 = arith.constant 0 : i32
      %dma_start3A_744 = tpu.memref_slice %dma_start3A_742[%mul3A_2, %dma_start3A_743] : memref<4096x128xf32, #tpu.memory_space<hbm>> -> memref<128x128xf32, #tpu.memory_space<hbm>>
      %dma_start3A_745 = arith.constant 0 : i32
      %dma_start3A_746 = arith.constant 0 : i32
      %dma_start3A_747 = tpu.memref_slice %arg4[%add3A_719, %dma_start3A_745, %dma_start3A_746] : memref<50x4096x128xf32, #tpu.memory_space<hbm>> -> memref<1x4096x128xf32, #tpu.memory_space<hbm>>
      %dma_start3A_748 = tpu.memref_squeeze %dma_start3A_747 : memref<1x4096x128xf32, #tpu.memory_space<hbm>> -> memref<4096x128xf32, #tpu.memory_space<hbm>>
      %dma_start3A_749 = arith.constant 0 : i32
      %dma_start3A_750 = tpu.memref_slice %dma_start3A_748[%mul3A_2, %dma_start3A_749] : memref<4096x128xf32, #tpu.memory_space<hbm>> -> memref<128x128xf32, #tpu.memory_space<hbm>>
      %dma_start3A_751 = arith.constant 0 : i32
      %dma_start3A_752 = arith.constant 0 : i32
      %dma_start3A_753 = tpu.memref_slice %arg6[%dma_start3A_734, %dma_start3A_751, %dma_start3A_752] : memref<5x128x128xf32, #tpu.memory_space<vmem>> -> memref<1x128x128xf32, #tpu.memory_space<vmem>>
      %dma_start3A_754 = tpu.memref_squeeze %dma_start3A_753 : memref<1x128x128xf32, #tpu.memory_space<vmem>> -> memref<128x128xf32, #tpu.memory_space<vmem>>
      tpu.enqueue_dma source(%dma_start3A_754 : memref<128x128xf32, #tpu.memory_space<vmem>>) target(%dma_start3A_750 : memref<128x128xf32, #tpu.memory_space<hbm>>) target_semaphore(%arg12 : memref<!tpu.dma_semaphore, #tpu.memory_space<semaphore_mem>>)
      %sub3A = arith.constant 1 : i32
      %sub3A_755 = arith.subi %add3A_719, %sub3A : i32
      %dma_wait3A_756 = arith.constant 4 : i32
      %dma_wait3A_757 = arith.constant 0 : i32
      %dma_wait3A_758 = arith.constant 0 : i32
      %dma_wait3A_759 = tpu.memref_slice %arg6[%dma_wait3A_756, %dma_wait3A_757, %dma_wait3A_758] : memref<5x128x128xf32, #tpu.memory_space<vmem>> -> memref<1x128x128xf32, #tpu.memory_space<vmem>>
      %dma_wait3A_760 = tpu.memref_squeeze %dma_wait3A_759 : memref<1x128x128xf32, #tpu.memory_space<vmem>> -> memref<128x128xf32, #tpu.memory_space<vmem>>
      %dma_wait3A_761 = arith.constant 0 : i32
      %dma_wait3A_762 = arith.constant 0 : i32
      %dma_wait3A_763 = tpu.memref_slice %arg4[%sub3A_755, %dma_wait3A_761, %dma_wait3A_762] : memref<50x4096x128xf32, #tpu.memory_space<hbm>> -> memref<1x4096x128xf32, #tpu.memory_space<hbm>>
      %dma_wait3A_764 = tpu.memref_squeeze %dma_wait3A_763 : memref<1x4096x128xf32, #tpu.memory_space<hbm>> -> memref<4096x128xf32, #tpu.memory_space<hbm>>
      %dma_wait3A_765 = arith.constant 0 : i32
      %dma_wait3A_766 = tpu.memref_slice %dma_wait3A_764[%mul3A_2, %dma_wait3A_765] : memref<4096x128xf32, #tpu.memory_space<hbm>> -> memref<128x128xf32, #tpu.memory_space<hbm>>
      %dma_wait3A_767 = arith.constant 0 : i32
      %dma_wait3A_768 = arith.constant 0 : i32
      %dma_wait3A_769 = tpu.memref_slice %arg4[%sub3A_755, %dma_wait3A_767, %dma_wait3A_768] : memref<50x4096x128xf32, #tpu.memory_space<hbm>> -> memref<1x4096x128xf32, #tpu.memory_space<hbm>>
      %dma_wait3A_770 = tpu.memref_squeeze %dma_wait3A_769 : memref<1x4096x128xf32, #tpu.memory_space<hbm>> -> memref<4096x128xf32, #tpu.memory_space<hbm>>
      %dma_wait3A_771 = arith.constant 0 : i32
      %dma_wait3A_772 = tpu.memref_slice %dma_wait3A_770[%mul3A_2, %dma_wait3A_771] : memref<4096x128xf32, #tpu.memory_space<hbm>> -> memref<128x128xf32, #tpu.memory_space<hbm>>
      %dma_wait3A_773 = arith.constant 0 : i32
      %dma_wait3A_774 = arith.constant 0 : i32
      %dma_wait3A_775 = tpu.memref_slice %arg6[%dma_wait3A_756, %dma_wait3A_773, %dma_wait3A_774] : memref<5x128x128xf32, #tpu.memory_space<vmem>> -> memref<1x128x128xf32, #tpu.memory_space<vmem>>
      %dma_wait3A_776 = tpu.memref_squeeze %dma_wait3A_775 : memref<1x128x128xf32, #tpu.memory_space<vmem>> -> memref<128x128xf32, #tpu.memory_space<vmem>>
      tpu.wait_dma2 semaphore(%arg16 : memref<!tpu.dma_semaphore, #tpu.memory_space<semaphore_mem>>) src(%dma_wait3A_776 : memref<128x128xf32, #tpu.memory_space<vmem>>) dst(%dma_wait3A_772 : memref<128x128xf32, #tpu.memory_space<hbm>>)
      %add3A_777 = arith.constant 5 : i32
      %add3A_778 = arith.addi %add3A_719, %add3A_777 : i32
      %sub3A_779 = arith.constant 1 : i32
      %sub3A_780 = arith.subi %add3A_778, %sub3A_779 : i32
      %dma_start3A_781 = arith.constant 4 : i32
      %dma_start3A_782 = arith.constant 0 : i32
      %dma_start3A_783 = arith.constant 0 : i32
      %dma_start3A_784 = tpu.memref_slice %arg6[%dma_start3A_781, %dma_start3A_782, %dma_start3A_783] : memref<5x128x128xf32, #tpu.memory_space<vmem>> -> memref<1x128x128xf32, #tpu.memory_space<vmem>>
      %dma_start3A_785 = tpu.memref_squeeze %dma_start3A_784 : memref<1x128x128xf32, #tpu.memory_space<vmem>> -> memref<128x128xf32, #tpu.memory_space<vmem>>
      %dma_start3A_786 = arith.constant 0 : i32
      %dma_start3A_787 = tpu.memref_slice %arg5[%sub3A_780, %dma_start3A_786] : memref<50x128xi32, #tpu.memory_space<vmem>> -> memref<1x128xi32, #tpu.memory_space<vmem>>
      %dma_start3A_788 = tpu.memref_squeeze %dma_start3A_787 : memref<1x128xi32, #tpu.memory_space<vmem>> -> memref<128xi32, #tpu.memory_space<vmem>>
      %dma_start3A_789 = arith.constant 0 : i32
      %dma_start3A_790 = arith.constant 0 : i32
      %dma_start3A_791 = tpu.memref_slice %arg3[%dma_start3A_789, %dma_start3A_790] : memref<1000000x128xf32, #tpu.memory_space<hbm>> -> memref<1000000x128xf32, #tpu.memory_space<hbm>>
      tpu.enqueue_indirect_dma source(%dma_start3A_791 : memref<1000000x128xf32, #tpu.memory_space<hbm>>) target(%dma_start3A_785 : memref<128x128xf32, #tpu.memory_space<vmem>>) offsets(%dma_start3A_788 : memref<128xi32, #tpu.memory_space<vmem>>) semaphore(%arg11 : memref<!tpu.dma_semaphore, #tpu.memory_space<semaphore_mem>>)
      %mul3A_792 = arith.constant 5 : i32
      %mul3A_793 = arith.muli %scan3A_715, %mul3A_792 : i32
      %add3A_794 = arith.constant 1 : i32
      %add3A_795 = arith.addi %mul3A_793, %add3A_794 : i32
      %dma_wait3A_796 = arith.constant 1 : i32
      %dma_wait3A_797 = arith.constant 0 : i32
      %dma_wait3A_798 = arith.constant 0 : i32
      %dma_wait3A_799 = tpu.memref_slice %arg6[%dma_wait3A_796, %dma_wait3A_797, %dma_wait3A_798] : memref<5x128x128xf32, #tpu.memory_space<vmem>> -> memref<1x128x128xf32, #tpu.memory_space<vmem>>
      %dma_wait3A_800 = tpu.memref_squeeze %dma_wait3A_799 : memref<1x128x128xf32, #tpu.memory_space<vmem>> -> memref<128x128xf32, #tpu.memory_space<vmem>>
      %dma_wait3A_801 = arith.constant 0 : i32
      %dma_wait3A_802 = tpu.memref_slice %arg5[%add3A_795, %dma_wait3A_801] : memref<50x128xi32, #tpu.memory_space<vmem>> -> memref<1x128xi32, #tpu.memory_space<vmem>>
      %dma_wait3A_803 = tpu.memref_squeeze %dma_wait3A_802 : memref<1x128xi32, #tpu.memory_space<vmem>> -> memref<128xi32, #tpu.memory_space<vmem>>
      %dma_wait3A_804 = arith.constant 0 : i32
      %dma_wait3A_805 = arith.constant 0 : i32
      %dma_wait3A_806 = tpu.memref_slice %arg3[%dma_wait3A_804, %dma_wait3A_805] : memref<1000000x128xf32, #tpu.memory_space<hbm>> -> memref<1000000x128xf32, #tpu.memory_space<hbm>>
      tpu.wait_indirect_dma semaphore(%arg8 : memref<!tpu.dma_semaphore, #tpu.memory_space<semaphore_mem>>) src(%dma_wait3A_806 : memref<1000000x128xf32, #tpu.memory_space<hbm>>) dst(%dma_wait3A_800 : memref<128x128xf32, #tpu.memory_space<vmem>>)
      %parallel_loop3A_807 = arith.constant 0 : i32
      %parallel_loop3A_808 = arith.constant 128 : i32
      %parallel_loop3A_809 = arith.constant 1 : i32
      scf.for %parallel_loop3A_1100 = %parallel_loop3A_807 to %parallel_loop3A_808 step %parallel_loop3A_809  : i32 {
        %parallel_loop3A_1101 = arith.constant 1 : i32
        %parallel_loop3A_1102 = arith.index_cast %parallel_loop3A_1101 : i32 to index
        %parallel_loop3A_1103 = arith.index_cast %parallel_loop3A_1100 : i32 to index
        %parallel_loop3A_1104 = arith.constant 0 : index
        %parallel_loop3A_1105 = tpu.vector_load %arg6[%parallel_loop3A_1102, %parallel_loop3A_1103, %parallel_loop3A_1104] {strides = array<i32>} : memref<5x128x128xf32, #tpu.memory_space<vmem>>, vector<1x1x16xf32>,
        %parallel_loop3A_1106 = vector.shape_cast %parallel_loop3A_1105 : vector<1x1x16xf32> to vector<16xf32>
        %parallel_loop3A_1107 = arith.constant 11.3137083 : f32
        %parallel_loop3A_1108 = vector.broadcast %parallel_loop3A_1107 : f32 to vector<16xf32>
        %parallel_loop3A_1109 = arith.mulf %parallel_loop3A_1106, %parallel_loop3A_1108 : vector<16xf32>
        %parallel_loop3A_1110 = arith.constant 1 : i32
        %parallel_loop3A_1111 = arith.index_cast %parallel_loop3A_1110 : i32 to index
        %parallel_loop3A_1112 = arith.index_cast %parallel_loop3A_1100 : i32 to index
        %parallel_loop3A_1113 = arith.constant 0 : index
        %parallel_loop3A_1114 = tpu.vector_load %arg6[%parallel_loop3A_1111, %parallel_loop3A_1112, %parallel_loop3A_1113] {strides = array<i32>} : memref<5x128x128xf32, #tpu.memory_space<vmem>>, vector<1x1x16xf32>,
        %parallel_loop3A_1115 = vector.shape_cast %parallel_loop3A_1114 : vector<1x1x16xf32> to vector<16xf32>
        %parallel_loop3A_1116 = vector.shape_cast %parallel_loop3A_1109 : vector<16xf32> to vector<1x1x16xf32>
        tpu.vector_store %arg6[%parallel_loop3A_1111, %parallel_loop3A_1112, %parallel_loop3A_1113], %parallel_loop3A_1116 {strides = array<i32>} : memref<5x128x128xf32, #tpu.memory_space<vmem>>, vector<1x1x16xf32>,
        %parallel_loop3A_1117 = arith.constant 1 : i32
        %parallel_loop3A_1118 = arith.index_cast %parallel_loop3A_1117 : i32 to index
        %parallel_loop3A_1119 = arith.index_cast %parallel_loop3A_1100 : i32 to index
        %parallel_loop3A_1120 = arith.constant 16 : index
        %parallel_loop3A_1121 = tpu.vector_load %arg6[%parallel_loop3A_1118, %parallel_loop3A_1119, %parallel_loop3A_1120] {strides = array<i32>} : memref<5x128x128xf32, #tpu.memory_space<vmem>>, vector<1x1x16xf32>,
        %parallel_loop3A_1122 = vector.shape_cast %parallel_loop3A_1121 : vector<1x1x16xf32> to vector<16xf32>
        %parallel_loop3A_1123 = arith.constant 11.3137083 : f32
        %parallel_loop3A_1124 = vector.broadcast %parallel_loop3A_1123 : f32 to vector<16xf32>
        %parallel_loop3A_1125 = arith.mulf %parallel_loop3A_1122, %parallel_loop3A_1124 : vector<16xf32>
        %parallel_loop3A_1126 = arith.constant 1 : i32
        %parallel_loop3A_1127 = arith.index_cast %parallel_loop3A_1126 : i32 to index
        %parallel_loop3A_1128 = arith.index_cast %parallel_loop3A_1100 : i32 to index
        %parallel_loop3A_1129 = arith.constant 16 : index
        %parallel_loop3A_1130 = tpu.vector_load %arg6[%parallel_loop3A_1127, %parallel_loop3A_1128, %parallel_loop3A_1129] {strides = array<i32>} : memref<5x128x128xf32, #tpu.memory_space<vmem>>, vector<1x1x16xf32>,
        %parallel_loop3A_1131 = vector.shape_cast %parallel_loop3A_1130 : vector<1x1x16xf32> to vector<16xf32>
        %parallel_loop3A_1132 = vector.shape_cast %parallel_loop3A_1125 : vector<16xf32> to vector<1x1x16xf32>
        tpu.vector_store %arg6[%parallel_loop3A_1127, %parallel_loop3A_1128, %parallel_loop3A_1129], %parallel_loop3A_1132 {strides = array<i32>} : memref<5x128x128xf32, #tpu.memory_space<vmem>>, vector<1x1x16xf32>,
        %parallel_loop3A_1133 = arith.constant 1 : i32
        %parallel_loop3A_1134 = arith.index_cast %parallel_loop3A_1133 : i32 to index
        %parallel_loop3A_1135 = arith.index_cast %parallel_loop3A_1100 : i32 to index
        %parallel_loop3A_1136 = arith.constant 32 : index
        %parallel_loop3A_1137 = tpu.vector_load %arg6[%parallel_loop3A_1134, %parallel_loop3A_1135, %parallel_loop3A_1136] {strides = array<i32>} : memref<5x128x128xf32, #tpu.memory_space<vmem>>, vector<1x1x16xf32>,
        %parallel_loop3A_1138 = vector.shape_cast %parallel_loop3A_1137 : vector<1x1x16xf32> to vector<16xf32>
        %parallel_loop3A_1139 = arith.constant 11.3137083 : f32
        %parallel_loop3A_1140 = vector.broadcast %parallel_loop3A_1139 : f32 to vector<16xf32>
        %parallel_loop3A_1141 = arith.mulf %parallel_loop3A_1138, %parallel_loop3A_1140 : vector<16xf32>
        %parallel_loop3A_1142 = arith.constant 1 : i32
        %parallel_loop3A_1143 = arith.index_cast %parallel_loop3A_1142 : i32 to index
        %parallel_loop3A_1144 = arith.index_cast %parallel_loop3A_1100 : i32 to index
        %parallel_loop3A_1145 = arith.constant 32 : index
        %parallel_loop3A_1146 = tpu.vector_load %arg6[%parallel_loop3A_1143, %parallel_loop3A_1144, %parallel_loop3A_1145] {strides = array<i32>} : memref<5x128x128xf32, #tpu.memory_space<vmem>>, vector<1x1x16xf32>,
        %parallel_loop3A_1147 = vector.shape_cast %parallel_loop3A_1146 : vector<1x1x16xf32> to vector<16xf32>
        %parallel_loop3A_1148 = vector.shape_cast %parallel_loop3A_1141 : vector<16xf32> to vector<1x1x16xf32>
        tpu.vector_store %arg6[%parallel_loop3A_1143, %parallel_loop3A_1144, %parallel_loop3A_1145], %parallel_loop3A_1148 {strides = array<i32>} : memref<5x128x128xf32, #tpu.memory_space<vmem>>, vector<1x1x16xf32>,
        %parallel_loop3A_1149 = arith.constant 1 : i32
        %parallel_loop3A_1150 = arith.index_cast %parallel_loop3A_1149 : i32 to index
        %parallel_loop3A_1151 = arith.index_cast %parallel_loop3A_1100 : i32 to index
        %parallel_loop3A_1152 = arith.constant 48 : index
        %parallel_loop3A_1153 = tpu.vector_load %arg6[%parallel_loop3A_1150, %parallel_loop3A_1151, %parallel_loop3A_1152] {strides = array<i32>} : memref<5x128x128xf32, #tpu.memory_space<vmem>>, vector<1x1x16xf32>,
        %parallel_loop3A_1154 = vector.shape_cast %parallel_loop3A_1153 : vector<1x1x16xf32> to vector<16xf32>
        %parallel_loop3A_1155 = arith.constant 11.3137083 : f32
        %parallel_loop3A_1156 = vector.broadcast %parallel_loop3A_1155 : f32 to vector<16xf32>
        %parallel_loop3A_1157 = arith.mulf %parallel_loop3A_1154, %parallel_loop3A_1156 : vector<16xf32>
        %parallel_loop3A_1158 = arith.constant 1 : i32
        %parallel_loop3A_1159 = arith.index_cast %parallel_loop3A_1158 : i32 to index
        %parallel_loop3A_1160 = arith.index_cast %parallel_loop3A_1100 : i32 to index
        %parallel_loop3A_1161 = arith.constant 48 : index
        %parallel_loop3A_1162 = tpu.vector_load %arg6[%parallel_loop3A_1159, %parallel_loop3A_1160, %parallel_loop3A_1161] {strides = array<i32>} : memref<5x128x128xf32, #tpu.memory_space<vmem>>, vector<1x1x16xf32>,
        %parallel_loop3A_1163 = vector.shape_cast %parallel_loop3A_1162 : vector<1x1x16xf32> to vector<16xf32>
        %parallel_loop3A_1164 = vector.shape_cast %parallel_loop3A_1157 : vector<16xf32> to vector<1x1x16xf32>
        tpu.vector_store %arg6[%parallel_loop3A_1159, %parallel_loop3A_1160, %parallel_loop3A_1161], %parallel_loop3A_1164 {strides = array<i32>} : memref<5x128x128xf32, #tpu.memory_space<vmem>>, vector<1x1x16xf32>,
        %parallel_loop3A_1165 = arith.constant 1 : i32
        %parallel_loop3A_1166 = arith.index_cast %parallel_loop3A_1165 : i32 to index
        %parallel_loop3A_1167 = arith.index_cast %parallel_loop3A_1100 : i32 to index
        %parallel_loop3A_1168 = arith.constant 64 : index
        %parallel_loop3A_1169 = tpu.vector_load %arg6[%parallel_loop3A_1166, %parallel_loop3A_1167, %parallel_loop3A_1168] {strides = array<i32>} : memref<5x128x128xf32, #tpu.memory_space<vmem>>, vector<1x1x16xf32>,
        %parallel_loop3A_1170 = vector.shape_cast %parallel_loop3A_1169 : vector<1x1x16xf32> to vector<16xf32>
        %parallel_loop3A_1171 = arith.constant 11.3137083 : f32
        %parallel_loop3A_1172 = vector.broadcast %parallel_loop3A_1171 : f32 to vector<16xf32>
        %parallel_loop3A_1173 = arith.mulf %parallel_loop3A_1170, %parallel_loop3A_1172 : vector<16xf32>
        %parallel_loop3A_1174 = arith.constant 1 : i32
        %parallel_loop3A_1175 = arith.index_cast %parallel_loop3A_1174 : i32 to index
        %parallel_loop3A_1176 = arith.index_cast %parallel_loop3A_1100 : i32 to index
        %parallel_loop3A_1177 = arith.constant 64 : index
        %parallel_loop3A_1178 = tpu.vector_load %arg6[%parallel_loop3A_1175, %parallel_loop3A_1176, %parallel_loop3A_1177] {strides = array<i32>} : memref<5x128x128xf32, #tpu.memory_space<vmem>>, vector<1x1x16xf32>,
        %parallel_loop3A_1179 = vector.shape_cast %parallel_loop3A_1178 : vector<1x1x16xf32> to vector<16xf32>
        %parallel_loop3A_1180 = vector.shape_cast %parallel_loop3A_1173 : vector<16xf32> to vector<1x1x16xf32>
        tpu.vector_store %arg6[%parallel_loop3A_1175, %parallel_loop3A_1176, %parallel_loop3A_1177], %parallel_loop3A_1180 {strides = array<i32>} : memref<5x128x128xf32, #tpu.memory_space<vmem>>, vector<1x1x16xf32>,
        %parallel_loop3A_1181 = arith.constant 1 : i32
        %parallel_loop3A_1182 = arith.index_cast %parallel_loop3A_1181 : i32 to index
        %parallel_loop3A_1183 = arith.index_cast %parallel_loop3A_1100 : i32 to index
        %parallel_loop3A_1184 = arith.constant 80 : index
        %parallel_loop3A_1185 = tpu.vector_load %arg6[%parallel_loop3A_1182, %parallel_loop3A_1183, %parallel_loop3A_1184] {strides = array<i32>} : memref<5x128x128xf32, #tpu.memory_space<vmem>>, vector<1x1x16xf32>,
        %parallel_loop3A_1186 = vector.shape_cast %parallel_loop3A_1185 : vector<1x1x16xf32> to vector<16xf32>
        %parallel_loop3A_1187 = arith.constant 11.3137083 : f32
        %parallel_loop3A_1188 = vector.broadcast %parallel_loop3A_1187 : f32 to vector<16xf32>
        %parallel_loop3A_1189 = arith.mulf %parallel_loop3A_1186, %parallel_loop3A_1188 : vector<16xf32>
        %parallel_loop3A_1190 = arith.constant 1 : i32
        %parallel_loop3A_1191 = arith.index_cast %parallel_loop3A_1190 : i32 to index
        %parallel_loop3A_1192 = arith.index_cast %parallel_loop3A_1100 : i32 to index
        %parallel_loop3A_1193 = arith.constant 80 : index
        %parallel_loop3A_1194 = tpu.vector_load %arg6[%parallel_loop3A_1191, %parallel_loop3A_1192, %parallel_loop3A_1193] {strides = array<i32>} : memref<5x128x128xf32, #tpu.memory_space<vmem>>, vector<1x1x16xf32>,
        %parallel_loop3A_1195 = vector.shape_cast %parallel_loop3A_1194 : vector<1x1x16xf32> to vector<16xf32>
        %parallel_loop3A_1196 = vector.shape_cast %parallel_loop3A_1189 : vector<16xf32> to vector<1x1x16xf32>
        tpu.vector_store %arg6[%parallel_loop3A_1191, %parallel_loop3A_1192, %parallel_loop3A_1193], %parallel_loop3A_1196 {strides = array<i32>} : memref<5x128x128xf32, #tpu.memory_space<vmem>>, vector<1x1x16xf32>,
        %parallel_loop3A_1197 = arith.constant 1 : i32
        %parallel_loop3A_1198 = arith.index_cast %parallel_loop3A_1197 : i32 to index
        %parallel_loop3A_1199 = arith.index_cast %parallel_loop3A_1100 : i32 to index
        %parallel_loop3A_1200 = arith.constant 96 : index
        %parallel_loop3A_1201 = tpu.vector_load %arg6[%parallel_loop3A_1198, %parallel_loop3A_1199, %parallel_loop3A_1200] {strides = array<i32>} : memref<5x128x128xf32, #tpu.memory_space<vmem>>, vector<1x1x16xf32>,
        %parallel_loop3A_1202 = vector.shape_cast %parallel_loop3A_1201 : vector<1x1x16xf32> to vector<16xf32>
        %parallel_loop3A_1203 = arith.constant 11.3137083 : f32
        %parallel_loop3A_1204 = vector.broadcast %parallel_loop3A_1203 : f32 to vector<16xf32>
        %parallel_loop3A_1205 = arith.mulf %parallel_loop3A_1202, %parallel_loop3A_1204 : vector<16xf32>
        %parallel_loop3A_1206 = arith.constant 1 : i32
        %parallel_loop3A_1207 = arith.index_cast %parallel_loop3A_1206 : i32 to index
        %parallel_loop3A_1208 = arith.index_cast %parallel_loop3A_1100 : i32 to index
        %parallel_loop3A_1209 = arith.constant 96 : index
        %parallel_loop3A_1210 = tpu.vector_load %arg6[%parallel_loop3A_1207, %parallel_loop3A_1208, %parallel_loop3A_1209] {strides = array<i32>} : memref<5x128x128xf32, #tpu.memory_space<vmem>>, vector<1x1x16xf32>,
        %parallel_loop3A_1211 = vector.shape_cast %parallel_loop3A_1210 : vector<1x1x16xf32> to vector<16xf32>
        %parallel_loop3A_1212 = vector.shape_cast %parallel_loop3A_1205 : vector<16xf32> to vector<1x1x16xf32>
        tpu.vector_store %arg6[%parallel_loop3A_1207, %parallel_loop3A_1208, %parallel_loop3A_1209], %parallel_loop3A_1212 {strides = array<i32>} : memref<5x128x128xf32, #tpu.memory_space<vmem>>, vector<1x1x16xf32>,
        %parallel_loop3A_1213 = arith.constant 1 : i32
        %parallel_loop3A_1214 = arith.index_cast %parallel_loop3A_1213 : i32 to index
        %parallel_loop3A_1215 = arith.index_cast %parallel_loop3A_1100 : i32 to index
        %parallel_loop3A_1216 = arith.constant 112 : index
        %parallel_loop3A_1217 = tpu.vector_load %arg6[%parallel_loop3A_1214, %parallel_loop3A_1215, %parallel_loop3A_1216] {strides = array<i32>} : memref<5x128x128xf32, #tpu.memory_space<vmem>>, vector<1x1x16xf32>,
        %parallel_loop3A_1218 = vector.shape_cast %parallel_loop3A_1217 : vector<1x1x16xf32> to vector<16xf32>
        %parallel_loop3A_1219 = arith.constant 11.3137083 : f32
        %parallel_loop3A_1220 = vector.broadcast %parallel_loop3A_1219 : f32 to vector<16xf32>
        %parallel_loop3A_1221 = arith.mulf %parallel_loop3A_1218, %parallel_loop3A_1220 : vector<16xf32>
        %parallel_loop3A_1222 = arith.constant 1 : i32
        %parallel_loop3A_1223 = arith.index_cast %parallel_loop3A_1222 : i32 to index
        %parallel_loop3A_1224 = arith.index_cast %parallel_loop3A_1100 : i32 to index
        %parallel_loop3A_1225 = arith.constant 112 : index
        %parallel_loop3A_1226 = tpu.vector_load %arg6[%parallel_loop3A_1223, %parallel_loop3A_1224, %parallel_loop3A_1225] {strides = array<i32>} : memref<5x128x128xf32, #tpu.memory_space<vmem>>, vector<1x1x16xf32>,
        %parallel_loop3A_1227 = vector.shape_cast %parallel_loop3A_1226 : vector<1x1x16xf32> to vector<16xf32>
        %parallel_loop3A_1228 = vector.shape_cast %parallel_loop3A_1221 : vector<16xf32> to vector<1x1x16xf32>
        tpu.vector_store %arg6[%parallel_loop3A_1223, %parallel_loop3A_1224, %parallel_loop3A_1225], %parallel_loop3A_1228 {strides = array<i32>} : memref<5x128x128xf32, #tpu.memory_space<vmem>>, vector<1x1x16xf32>,
      } {sc.loop_unroll_factor = 1 : i64, sc.parallel_access}
      %dma_start3A_810 = arith.constant 1 : i32
      %dma_start3A_811 = arith.constant 0 : i32
      %dma_start3A_812 = arith.constant 0 : i32
      %dma_start3A_813 = tpu.memref_slice %arg6[%dma_start3A_810, %dma_start3A_811, %dma_start3A_812] : memref<5x128x128xf32, #tpu.memory_space<vmem>> -> memref<1x128x128xf32, #tpu.memory_space<vmem>>
      %dma_start3A_814 = tpu.memref_squeeze %dma_start3A_813 : memref<1x128x128xf32, #tpu.memory_space<vmem>> -> memref<128x128xf32, #tpu.memory_space<vmem>>
      %dma_start3A_815 = arith.constant 0 : i32
      %dma_start3A_816 = arith.constant 0 : i32
      %dma_start3A_817 = tpu.memref_slice %arg4[%add3A_795, %dma_start3A_815, %dma_start3A_816] : memref<50x4096x128xf32, #tpu.memory_space<hbm>> -> memref<1x4096x128xf32, #tpu.memory_space<hbm>>
      %dma_start3A_818 = tpu.memref_squeeze %dma_start3A_817 : memref<1x4096x128xf32, #tpu.memory_space<hbm>> -> memref<4096x128xf32, #tpu.memory_space<hbm>>
      %dma_start3A_819 = arith.constant 0 : i32
      %dma_start3A_820 = tpu.memref_slice %dma_start3A_818[%mul3A_2, %dma_start3A_819] : memref<4096x128xf32, #tpu.memory_space<hbm>> -> memref<128x128xf32, #tpu.memory_space<hbm>>
      %dma_start3A_821 = arith.constant 0 : i32
      %dma_start3A_822 = arith.constant 0 : i32
      %dma_start3A_823 = tpu.memref_slice %arg4[%add3A_795, %dma_start3A_821, %dma_start3A_822] : memref<50x4096x128xf32, #tpu.memory_space<hbm>> -> memref<1x4096x128xf32, #tpu.memory_space<hbm>>
      %dma_start3A_824 = tpu.memref_squeeze %dma_start3A_823 : memref<1x4096x128xf32, #tpu.memory_space<hbm>> -> memref<4096x128xf32, #tpu.memory_space<hbm>>
      %dma_start3A_825 = arith.constant 0 : i32
      %dma_start3A_826 = tpu.memref_slice %dma_start3A_824[%mul3A_2, %dma_start3A_825] : memref<4096x128xf32, #tpu.memory_space<hbm>> -> memref<128x128xf32, #tpu.memory_space<hbm>>
      %dma_start3A_827 = arith.constant 0 : i32
      %dma_start3A_828 = arith.constant 0 : i32
      %dma_start3A_829 = tpu.memref_slice %arg6[%dma_start3A_810, %dma_start3A_827, %dma_start3A_828] : memref<5x128x128xf32, #tpu.memory_space<vmem>> -> memref<1x128x128xf32, #tpu.memory_space<vmem>>
      %dma_start3A_830 = tpu.memref_squeeze %dma_start3A_829 : memref<1x128x128xf32, #tpu.memory_space<vmem>> -> memref<128x128xf32, #tpu.memory_space<vmem>>
      tpu.enqueue_dma source(%dma_start3A_830 : memref<128x128xf32, #tpu.memory_space<vmem>>) target(%dma_start3A_826 : memref<128x128xf32, #tpu.memory_space<hbm>>) target_semaphore(%arg13 : memref<!tpu.dma_semaphore, #tpu.memory_space<semaphore_mem>>)
      %sub3A_831 = arith.constant 1 : i32
      %sub3A_832 = arith.subi %add3A_795, %sub3A_831 : i32
      %dma_wait3A_833 = arith.constant 0 : i32
      %dma_wait3A_834 = arith.constant 0 : i32
      %dma_wait3A_835 = arith.constant 0 : i32
      %dma_wait3A_836 = tpu.memref_slice %arg6[%dma_wait3A_833, %dma_wait3A_834, %dma_wait3A_835] : memref<5x128x128xf32, #tpu.memory_space<vmem>> -> memref<1x128x128xf32, #tpu.memory_space<vmem>>
      %dma_wait3A_837 = tpu.memref_squeeze %dma_wait3A_836 : memref<1x128x128xf32, #tpu.memory_space<vmem>> -> memref<128x128xf32, #tpu.memory_space<vmem>>
      %dma_wait3A_838 = arith.constant 0 : i32
      %dma_wait3A_839 = arith.constant 0 : i32
      %dma_wait3A_840 = tpu.memref_slice %arg4[%sub3A_832, %dma_wait3A_838, %dma_wait3A_839] : memref<50x4096x128xf32, #tpu.memory_space<hbm>> -> memref<1x4096x128xf32, #tpu.memory_space<hbm>>
      %dma_wait3A_841 = tpu.memref_squeeze %dma_wait3A_840 : memref<1x4096x128xf32, #tpu.memory_space<hbm>> -> memref<4096x128xf32, #tpu.memory_space<hbm>>
      %dma_wait3A_842 = arith.constant 0 : i32
      %dma_wait3A_843 = tpu.memref_slice %dma_wait3A_841[%mul3A_2, %dma_wait3A_842] : memref<4096x128xf32, #tpu.memory_space<hbm>> -> memref<128x128xf32, #tpu.memory_space<hbm>>
      %dma_wait3A_844 = arith.constant 0 : i32
      %dma_wait3A_845 = arith.constant 0 : i32
      %dma_wait3A_846 = tpu.memref_slice %arg4[%sub3A_832, %dma_wait3A_844, %dma_wait3A_845] : memref<50x4096x128xf32, #tpu.memory_space<hbm>> -> memref<1x4096x128xf32, #tpu.memory_space<hbm>>
      %dma_wait3A_847 = tpu.memref_squeeze %dma_wait3A_846 : memref<1x4096x128xf32, #tpu.memory_space<hbm>> -> memref<4096x128xf32, #tpu.memory_space<hbm>>
      %dma_wait3A_848 = arith.constant 0 : i32
      %dma_wait3A_849 = tpu.memref_slice %dma_wait3A_847[%mul3A_2, %dma_wait3A_848] : memref<4096x128xf32, #tpu.memory_space<hbm>> -> memref<128x128xf32, #tpu.memory_space<hbm>>
      %dma_wait3A_850 = arith.constant 0 : i32
      %dma_wait3A_851 = arith.constant 0 : i32
      %dma_wait3A_852 = tpu.memref_slice %arg6[%dma_wait3A_833, %dma_wait3A_850, %dma_wait3A_851] : memref<5x128x128xf32, #tpu.memory_space<vmem>> -> memref<1x128x128xf32, #tpu.memory_space<vmem>>
      %dma_wait3A_853 = tpu.memref_squeeze %dma_wait3A_852 : memref<1x128x128xf32, #tpu.memory_space<vmem>> -> memref<128x128xf32, #tpu.memory_space<vmem>>
      tpu.wait_dma2 semaphore(%arg12 : memref<!tpu.dma_semaphore, #tpu.memory_space<semaphore_mem>>) src(%dma_wait3A_853 : memref<128x128xf32, #tpu.memory_space<vmem>>) dst(%dma_wait3A_849 : memref<128x128xf32, #tpu.memory_space<hbm>>)
      %add3A_854 = arith.constant 5 : i32
      %add3A_855 = arith.addi %add3A_795, %add3A_854 : i32
      %sub3A_856 = arith.constant 1 : i32
      %sub3A_857 = arith.subi %add3A_855, %sub3A_856 : i32
      %dma_start3A_858 = arith.constant 0 : i32
      %dma_start3A_859 = arith.constant 0 : i32
      %dma_start3A_860 = arith.constant 0 : i32
      %dma_start3A_861 = tpu.memref_slice %arg6[%dma_start3A_858, %dma_start3A_859, %dma_start3A_860] : memref<5x128x128xf32, #tpu.memory_space<vmem>> -> memref<1x128x128xf32, #tpu.memory_space<vmem>>
      %dma_start3A_862 = tpu.memref_squeeze %dma_start3A_861 : memref<1x128x128xf32, #tpu.memory_space<vmem>> -> memref<128x128xf32, #tpu.memory_space<vmem>>
      %dma_start3A_863 = arith.constant 0 : i32
      %dma_start3A_864 = tpu.memref_slice %arg5[%sub3A_857, %dma_start3A_863] : memref<50x128xi32, #tpu.memory_space<vmem>> -> memref<1x128xi32, #tpu.memory_space<vmem>>
      %dma_start3A_865 = tpu.memref_squeeze %dma_start3A_864 : memref<1x128xi32, #tpu.memory_space<vmem>> -> memref<128xi32, #tpu.memory_space<vmem>>
      %dma_start3A_866 = arith.constant 0 : i32
      %dma_start3A_867 = arith.constant 0 : i32
      %dma_start3A_868 = tpu.memref_slice %arg3[%dma_start3A_866, %dma_start3A_867] : memref<1000000x128xf32, #tpu.memory_space<hbm>> -> memref<1000000x128xf32, #tpu.memory_space<hbm>>
      tpu.enqueue_indirect_dma source(%dma_start3A_868 : memref<1000000x128xf32, #tpu.memory_space<hbm>>) target(%dma_start3A_862 : memref<128x128xf32, #tpu.memory_space<vmem>>) offsets(%dma_start3A_865 : memref<128xi32, #tpu.memory_space<vmem>>) semaphore(%arg7 : memref<!tpu.dma_semaphore, #tpu.memory_space<semaphore_mem>>)
      %mul3A_869 = arith.constant 5 : i32
      %mul3A_870 = arith.muli %scan3A_715, %mul3A_869 : i32
      %add3A_871 = arith.constant 2 : i32
      %add3A_872 = arith.addi %mul3A_870, %add3A_871 : i32
      %dma_wait3A_873 = arith.constant 2 : i32
      %dma_wait3A_874 = arith.constant 0 : i32
      %dma_wait3A_875 = arith.constant 0 : i32
      %dma_wait3A_876 = tpu.memref_slice %arg6[%dma_wait3A_873, %dma_wait3A_874, %dma_wait3A_875] : memref<5x128x128xf32, #tpu.memory_space<vmem>> -> memref<1x128x128xf32, #tpu.memory_space<vmem>>
      %dma_wait3A_877 = tpu.memref_squeeze %dma_wait3A_876 : memref<1x128x128xf32, #tpu.memory_space<vmem>> -> memref<128x128xf32, #tpu.memory_space<vmem>>
      %dma_wait3A_878 = arith.constant 0 : i32
      %dma_wait3A_879 = tpu.memref_slice %arg5[%add3A_872, %dma_wait3A_878] : memref<50x128xi32, #tpu.memory_space<vmem>> -> memref<1x128xi32, #tpu.memory_space<vmem>>
      %dma_wait3A_880 = tpu.memref_squeeze %dma_wait3A_879 : memref<1x128xi32, #tpu.memory_space<vmem>> -> memref<128xi32, #tpu.memory_space<vmem>>
      %dma_wait3A_881 = arith.constant 0 : i32
      %dma_wait3A_882 = arith.constant 0 : i32
      %dma_wait3A_883 = tpu.memref_slice %arg3[%dma_wait3A_881, %dma_wait3A_882] : memref<1000000x128xf32, #tpu.memory_space<hbm>> -> memref<1000000x128xf32, #tpu.memory_space<hbm>>
      tpu.wait_indirect_dma semaphore(%arg9 : memref<!tpu.dma_semaphore, #tpu.memory_space<semaphore_mem>>) src(%dma_wait3A_883 : memref<1000000x128xf32, #tpu.memory_space<hbm>>) dst(%dma_wait3A_877 : memref<128x128xf32, #tpu.memory_space<vmem>>)
      %parallel_loop3A_884 = arith.constant 0 : i32
      %parallel_loop3A_885 = arith.constant 128 : i32
      %parallel_loop3A_886 = arith.constant 1 : i32
      scf.for %parallel_loop3A_1100 = %parallel_loop3A_884 to %parallel_loop3A_885 step %parallel_loop3A_886  : i32 {
        %parallel_loop3A_1101 = arith.constant 2 : i32
        %parallel_loop3A_1102 = arith.index_cast %parallel_loop3A_1101 : i32 to index
        %parallel_loop3A_1103 = arith.index_cast %parallel_loop3A_1100 : i32 to index
        %parallel_loop3A_1104 = arith.constant 0 : index
        %parallel_loop3A_1105 = tpu.vector_load %arg6[%parallel_loop3A_1102, %parallel_loop3A_1103, %parallel_loop3A_1104] {strides = array<i32>} : memref<5x128x128xf32, #tpu.memory_space<vmem>>, vector<1x1x16xf32>,
        %parallel_loop3A_1106 = vector.shape_cast %parallel_loop3A_1105 : vector<1x1x16xf32> to vector<16xf32>
        %parallel_loop3A_1107 = arith.constant 11.3137083 : f32
        %parallel_loop3A_1108 = vector.broadcast %parallel_loop3A_1107 : f32 to vector<16xf32>
        %parallel_loop3A_1109 = arith.mulf %parallel_loop3A_1106, %parallel_loop3A_1108 : vector<16xf32>
        %parallel_loop3A_1110 = arith.constant 2 : i32
        %parallel_loop3A_1111 = arith.index_cast %parallel_loop3A_1110 : i32 to index
        %parallel_loop3A_1112 = arith.index_cast %parallel_loop3A_1100 : i32 to index
        %parallel_loop3A_1113 = arith.constant 0 : index
        %parallel_loop3A_1114 = tpu.vector_load %arg6[%parallel_loop3A_1111, %parallel_loop3A_1112, %parallel_loop3A_1113] {strides = array<i32>} : memref<5x128x128xf32, #tpu.memory_space<vmem>>, vector<1x1x16xf32>,
        %parallel_loop3A_1115 = vector.shape_cast %parallel_loop3A_1114 : vector<1x1x16xf32> to vector<16xf32>
        %parallel_loop3A_1116 = vector.shape_cast %parallel_loop3A_1109 : vector<16xf32> to vector<1x1x16xf32>
        tpu.vector_store %arg6[%parallel_loop3A_1111, %parallel_loop3A_1112, %parallel_loop3A_1113], %parallel_loop3A_1116 {strides = array<i32>} : memref<5x128x128xf32, #tpu.memory_space<vmem>>, vector<1x1x16xf32>,
        %parallel_loop3A_1117 = arith.constant 2 : i32
        %parallel_loop3A_1118 = arith.index_cast %parallel_loop3A_1117 : i32 to index
        %parallel_loop3A_1119 = arith.index_cast %parallel_loop3A_1100 : i32 to index
        %parallel_loop3A_1120 = arith.constant 16 : index
        %parallel_loop3A_1121 = tpu.vector_load %arg6[%parallel_loop3A_1118, %parallel_loop3A_1119, %parallel_loop3A_1120] {strides = array<i32>} : memref<5x128x128xf32, #tpu.memory_space<vmem>>, vector<1x1x16xf32>,
        %parallel_loop3A_1122 = vector.shape_cast %parallel_loop3A_1121 : vector<1x1x16xf32> to vector<16xf32>
        %parallel_loop3A_1123 = arith.constant 11.3137083 : f32
        %parallel_loop3A_1124 = vector.broadcast %parallel_loop3A_1123 : f32 to vector<16xf32>
        %parallel_loop3A_1125 = arith.mulf %parallel_loop3A_1122, %parallel_loop3A_1124 : vector<16xf32>
        %parallel_loop3A_1126 = arith.constant 2 : i32
        %parallel_loop3A_1127 = arith.index_cast %parallel_loop3A_1126 : i32 to index
        %parallel_loop3A_1128 = arith.index_cast %parallel_loop3A_1100 : i32 to index
        %parallel_loop3A_1129 = arith.constant 16 : index
        %parallel_loop3A_1130 = tpu.vector_load %arg6[%parallel_loop3A_1127, %parallel_loop3A_1128, %parallel_loop3A_1129] {strides = array<i32>} : memref<5x128x128xf32, #tpu.memory_space<vmem>>, vector<1x1x16xf32>,
        %parallel_loop3A_1131 = vector.shape_cast %parallel_loop3A_1130 : vector<1x1x16xf32> to vector<16xf32>
        %parallel_loop3A_1132 = vector.shape_cast %parallel_loop3A_1125 : vector<16xf32> to vector<1x1x16xf32>
        tpu.vector_store %arg6[%parallel_loop3A_1127, %parallel_loop3A_1128, %parallel_loop3A_1129], %parallel_loop3A_1132 {strides = array<i32>} : memref<5x128x128xf32, #tpu.memory_space<vmem>>, vector<1x1x16xf32>,
        %parallel_loop3A_1133 = arith.constant 2 : i32
        %parallel_loop3A_1134 = arith.index_cast %parallel_loop3A_1133 : i32 to index
        %parallel_loop3A_1135 = arith.index_cast %parallel_loop3A_1100 : i32 to index
        %parallel_loop3A_1136 = arith.constant 32 : index
        %parallel_loop3A_1137 = tpu.vector_load %arg6[%parallel_loop3A_1134, %parallel_loop3A_1135, %parallel_loop3A_1136] {strides = array<i32>} : memref<5x128x128xf32, #tpu.memory_space<vmem>>, vector<1x1x16xf32>,
        %parallel_loop3A_1138 = vector.shape_cast %parallel_loop3A_1137 : vector<1x1x16xf32> to vector<16xf32>
        %parallel_loop3A_1139 = arith.constant 11.3137083 : f32
        %parallel_loop3A_1140 = vector.broadcast %parallel_loop3A_1139 : f32 to vector<16xf32>
        %parallel_loop3A_1141 = arith.mulf %parallel_loop3A_1138, %parallel_loop3A_1140 : vector<16xf32>
        %parallel_loop3A_1142 = arith.constant 2 : i32
        %parallel_loop3A_1143 = arith.index_cast %parallel_loop3A_1142 : i32 to index
        %parallel_loop3A_1144 = arith.index_cast %parallel_loop3A_1100 : i32 to index
        %parallel_loop3A_1145 = arith.constant 32 : index
        %parallel_loop3A_1146 = tpu.vector_load %arg6[%parallel_loop3A_1143, %parallel_loop3A_1144, %parallel_loop3A_1145] {strides = array<i32>} : memref<5x128x128xf32, #tpu.memory_space<vmem>>, vector<1x1x16xf32>,
        %parallel_loop3A_1147 = vector.shape_cast %parallel_loop3A_1146 : vector<1x1x16xf32> to vector<16xf32>
        %parallel_loop3A_1148 = vector.shape_cast %parallel_loop3A_1141 : vector<16xf32> to vector<1x1x16xf32>
        tpu.vector_store %arg6[%parallel_loop3A_1143, %parallel_loop3A_1144, %parallel_loop3A_1145], %parallel_loop3A_1148 {strides = array<i32>} : memref<5x128x128xf32, #tpu.memory_space<vmem>>, vector<1x1x16xf32>,
        %parallel_loop3A_1149 = arith.constant 2 : i32
        %parallel_loop3A_1150 = arith.index_cast %parallel_loop3A_1149 : i32 to index
        %parallel_loop3A_1151 = arith.index_cast %parallel_loop3A_1100 : i32 to index
        %parallel_loop3A_1152 = arith.constant 48 : index
        %parallel_loop3A_1153 = tpu.vector_load %arg6[%parallel_loop3A_1150, %parallel_loop3A_1151, %parallel_loop3A_1152] {strides = array<i32>} : memref<5x128x128xf32, #tpu.memory_space<vmem>>, vector<1x1x16xf32>,
        %parallel_loop3A_1154 = vector.shape_cast %parallel_loop3A_1153 : vector<1x1x16xf32> to vector<16xf32>
        %parallel_loop3A_1155 = arith.constant 11.3137083 : f32
        %parallel_loop3A_1156 = vector.broadcast %parallel_loop3A_1155 : f32 to vector<16xf32>
        %parallel_loop3A_1157 = arith.mulf %parallel_loop3A_1154, %parallel_loop3A_1156 : vector<16xf32>
        %parallel_loop3A_1158 = arith.constant 2 : i32
        %parallel_loop3A_1159 = arith.index_cast %parallel_loop3A_1158 : i32 to index
        %parallel_loop3A_1160 = arith.index_cast %parallel_loop3A_1100 : i32 to index
        %parallel_loop3A_1161 = arith.constant 48 : index
        %parallel_loop3A_1162 = tpu.vector_load %arg6[%parallel_loop3A_1159, %parallel_loop3A_1160, %parallel_loop3A_1161] {strides = array<i32>} : memref<5x128x128xf32, #tpu.memory_space<vmem>>, vector<1x1x16xf32>,
        %parallel_loop3A_1163 = vector.shape_cast %parallel_loop3A_1162 : vector<1x1x16xf32> to vector<16xf32>
        %parallel_loop3A_1164 = vector.shape_cast %parallel_loop3A_1157 : vector<16xf32> to vector<1x1x16xf32>
        tpu.vector_store %arg6[%parallel_loop3A_1159, %parallel_loop3A_1160, %parallel_loop3A_1161], %parallel_loop3A_1164 {strides = array<i32>} : memref<5x128x128xf32, #tpu.memory_space<vmem>>, vector<1x1x16xf32>,
        %parallel_loop3A_1165 = arith.constant 2 : i32
        %parallel_loop3A_1166 = arith.index_cast %parallel_loop3A_1165 : i32 to index
        %parallel_loop3A_1167 = arith.index_cast %parallel_loop3A_1100 : i32 to index
        %parallel_loop3A_1168 = arith.constant 64 : index
        %parallel_loop3A_1169 = tpu.vector_load %arg6[%parallel_loop3A_1166, %parallel_loop3A_1167, %parallel_loop3A_1168] {strides = array<i32>} : memref<5x128x128xf32, #tpu.memory_space<vmem>>, vector<1x1x16xf32>,
        %parallel_loop3A_1170 = vector.shape_cast %parallel_loop3A_1169 : vector<1x1x16xf32> to vector<16xf32>
        %parallel_loop3A_1171 = arith.constant 11.3137083 : f32
        %parallel_loop3A_1172 = vector.broadcast %parallel_loop3A_1171 : f32 to vector<16xf32>
        %parallel_loop3A_1173 = arith.mulf %parallel_loop3A_1170, %parallel_loop3A_1172 : vector<16xf32>
        %parallel_loop3A_1174 = arith.constant 2 : i32
        %parallel_loop3A_1175 = arith.index_cast %parallel_loop3A_1174 : i32 to index
        %parallel_loop3A_1176 = arith.index_cast %parallel_loop3A_1100 : i32 to index
        %parallel_loop3A_1177 = arith.constant 64 : index
        %parallel_loop3A_1178 = tpu.vector_load %arg6[%parallel_loop3A_1175, %parallel_loop3A_1176, %parallel_loop3A_1177] {strides = array<i32>} : memref<5x128x128xf32, #tpu.memory_space<vmem>>, vector<1x1x16xf32>,
        %parallel_loop3A_1179 = vector.shape_cast %parallel_loop3A_1178 : vector<1x1x16xf32> to vector<16xf32>
        %parallel_loop3A_1180 = vector.shape_cast %parallel_loop3A_1173 : vector<16xf32> to vector<1x1x16xf32>
        tpu.vector_store %arg6[%parallel_loop3A_1175, %parallel_loop3A_1176, %parallel_loop3A_1177], %parallel_loop3A_1180 {strides = array<i32>} : memref<5x128x128xf32, #tpu.memory_space<vmem>>, vector<1x1x16xf32>,
        %parallel_loop3A_1181 = arith.constant 2 : i32
        %parallel_loop3A_1182 = arith.index_cast %parallel_loop3A_1181 : i32 to index
        %parallel_loop3A_1183 = arith.index_cast %parallel_loop3A_1100 : i32 to index
        %parallel_loop3A_1184 = arith.constant 80 : index
        %parallel_loop3A_1185 = tpu.vector_load %arg6[%parallel_loop3A_1182, %parallel_loop3A_1183, %parallel_loop3A_1184] {strides = array<i32>} : memref<5x128x128xf32, #tpu.memory_space<vmem>>, vector<1x1x16xf32>,
        %parallel_loop3A_1186 = vector.shape_cast %parallel_loop3A_1185 : vector<1x1x16xf32> to vector<16xf32>
        %parallel_loop3A_1187 = arith.constant 11.3137083 : f32
        %parallel_loop3A_1188 = vector.broadcast %parallel_loop3A_1187 : f32 to vector<16xf32>
        %parallel_loop3A_1189 = arith.mulf %parallel_loop3A_1186, %parallel_loop3A_1188 : vector<16xf32>
        %parallel_loop3A_1190 = arith.constant 2 : i32
        %parallel_loop3A_1191 = arith.index_cast %parallel_loop3A_1190 : i32 to index
        %parallel_loop3A_1192 = arith.index_cast %parallel_loop3A_1100 : i32 to index
        %parallel_loop3A_1193 = arith.constant 80 : index
        %parallel_loop3A_1194 = tpu.vector_load %arg6[%parallel_loop3A_1191, %parallel_loop3A_1192, %parallel_loop3A_1193] {strides = array<i32>} : memref<5x128x128xf32, #tpu.memory_space<vmem>>, vector<1x1x16xf32>,
        %parallel_loop3A_1195 = vector.shape_cast %parallel_loop3A_1194 : vector<1x1x16xf32> to vector<16xf32>
        %parallel_loop3A_1196 = vector.shape_cast %parallel_loop3A_1189 : vector<16xf32> to vector<1x1x16xf32>
        tpu.vector_store %arg6[%parallel_loop3A_1191, %parallel_loop3A_1192, %parallel_loop3A_1193], %parallel_loop3A_1196 {strides = array<i32>} : memref<5x128x128xf32, #tpu.memory_space<vmem>>, vector<1x1x16xf32>,
        %parallel_loop3A_1197 = arith.constant 2 : i32
        %parallel_loop3A_1198 = arith.index_cast %parallel_loop3A_1197 : i32 to index
        %parallel_loop3A_1199 = arith.index_cast %parallel_loop3A_1100 : i32 to index
        %parallel_loop3A_1200 = arith.constant 96 : index
        %parallel_loop3A_1201 = tpu.vector_load %arg6[%parallel_loop3A_1198, %parallel_loop3A_1199, %parallel_loop3A_1200] {strides = array<i32>} : memref<5x128x128xf32, #tpu.memory_space<vmem>>, vector<1x1x16xf32>,
        %parallel_loop3A_1202 = vector.shape_cast %parallel_loop3A_1201 : vector<1x1x16xf32> to vector<16xf32>
        %parallel_loop3A_1203 = arith.constant 11.3137083 : f32
        %parallel_loop3A_1204 = vector.broadcast %parallel_loop3A_1203 : f32 to vector<16xf32>
        %parallel_loop3A_1205 = arith.mulf %parallel_loop3A_1202, %parallel_loop3A_1204 : vector<16xf32>
        %parallel_loop3A_1206 = arith.constant 2 : i32
        %parallel_loop3A_1207 = arith.index_cast %parallel_loop3A_1206 : i32 to index
        %parallel_loop3A_1208 = arith.index_cast %parallel_loop3A_1100 : i32 to index
        %parallel_loop3A_1209 = arith.constant 96 : index
        %parallel_loop3A_1210 = tpu.vector_load %arg6[%parallel_loop3A_1207, %parallel_loop3A_1208, %parallel_loop3A_1209] {strides = array<i32>} : memref<5x128x128xf32, #tpu.memory_space<vmem>>, vector<1x1x16xf32>,
        %parallel_loop3A_1211 = vector.shape_cast %parallel_loop3A_1210 : vector<1x1x16xf32> to vector<16xf32>
        %parallel_loop3A_1212 = vector.shape_cast %parallel_loop3A_1205 : vector<16xf32> to vector<1x1x16xf32>
        tpu.vector_store %arg6[%parallel_loop3A_1207, %parallel_loop3A_1208, %parallel_loop3A_1209], %parallel_loop3A_1212 {strides = array<i32>} : memref<5x128x128xf32, #tpu.memory_space<vmem>>, vector<1x1x16xf32>,
        %parallel_loop3A_1213 = arith.constant 2 : i32
        %parallel_loop3A_1214 = arith.index_cast %parallel_loop3A_1213 : i32 to index
        %parallel_loop3A_1215 = arith.index_cast %parallel_loop3A_1100 : i32 to index
        %parallel_loop3A_1216 = arith.constant 112 : index
        %parallel_loop3A_1217 = tpu.vector_load %arg6[%parallel_loop3A_1214, %parallel_loop3A_1215, %parallel_loop3A_1216] {strides = array<i32>} : memref<5x128x128xf32, #tpu.memory_space<vmem>>, vector<1x1x16xf32>,
        %parallel_loop3A_1218 = vector.shape_cast %parallel_loop3A_1217 : vector<1x1x16xf32> to vector<16xf32>
        %parallel_loop3A_1219 = arith.constant 11.3137083 : f32
        %parallel_loop3A_1220 = vector.broadcast %parallel_loop3A_1219 : f32 to vector<16xf32>
        %parallel_loop3A_1221 = arith.mulf %parallel_loop3A_1218, %parallel_loop3A_1220 : vector<16xf32>
        %parallel_loop3A_1222 = arith.constant 2 : i32
        %parallel_loop3A_1223 = arith.index_cast %parallel_loop3A_1222 : i32 to index
        %parallel_loop3A_1224 = arith.index_cast %parallel_loop3A_1100 : i32 to index
        %parallel_loop3A_1225 = arith.constant 112 : index
        %parallel_loop3A_1226 = tpu.vector_load %arg6[%parallel_loop3A_1223, %parallel_loop3A_1224, %parallel_loop3A_1225] {strides = array<i32>} : memref<5x128x128xf32, #tpu.memory_space<vmem>>, vector<1x1x16xf32>,
        %parallel_loop3A_1227 = vector.shape_cast %parallel_loop3A_1226 : vector<1x1x16xf32> to vector<16xf32>
        %parallel_loop3A_1228 = vector.shape_cast %parallel_loop3A_1221 : vector<16xf32> to vector<1x1x16xf32>
        tpu.vector_store %arg6[%parallel_loop3A_1223, %parallel_loop3A_1224, %parallel_loop3A_1225], %parallel_loop3A_1228 {strides = array<i32>} : memref<5x128x128xf32, #tpu.memory_space<vmem>>, vector<1x1x16xf32>,
      } {sc.loop_unroll_factor = 1 : i64, sc.parallel_access}
      %dma_start3A_887 = arith.constant 2 : i32
      %dma_start3A_888 = arith.constant 0 : i32
      %dma_start3A_889 = arith.constant 0 : i32
      %dma_start3A_890 = tpu.memref_slice %arg6[%dma_start3A_887, %dma_start3A_888, %dma_start3A_889] : memref<5x128x128xf32, #tpu.memory_space<vmem>> -> memref<1x128x128xf32, #tpu.memory_space<vmem>>
      %dma_start3A_891 = tpu.memref_squeeze %dma_start3A_890 : memref<1x128x128xf32, #tpu.memory_space<vmem>> -> memref<128x128xf32, #tpu.memory_space<vmem>>
      %dma_start3A_892 = arith.constant 0 : i32
      %dma_start3A_893 = arith.constant 0 : i32
      %dma_start3A_894 = tpu.memref_slice %arg4[%add3A_872, %dma_start3A_892, %dma_start3A_893] : memref<50x4096x128xf32, #tpu.memory_space<hbm>> -> memref<1x4096x128xf32, #tpu.memory_space<hbm>>
      %dma_start3A_895 = tpu.memref_squeeze %dma_start3A_894 : memref<1x4096x128xf32, #tpu.memory_space<hbm>> -> memref<4096x128xf32, #tpu.memory_space<hbm>>
      %dma_start3A_896 = arith.constant 0 : i32
      %dma_start3A_897 = tpu.memref_slice %dma_start3A_895[%mul3A_2, %dma_start3A_896] : memref<4096x128xf32, #tpu.memory_space<hbm>> -> memref<128x128xf32, #tpu.memory_space<hbm>>
      %dma_start3A_898 = arith.constant 0 : i32
      %dma_start3A_899 = arith.constant 0 : i32
      %dma_start3A_900 = tpu.memref_slice %arg4[%add3A_872, %dma_start3A_898, %dma_start3A_899] : memref<50x4096x128xf32, #tpu.memory_space<hbm>> -> memref<1x4096x128xf32, #tpu.memory_space<hbm>>
      %dma_start3A_901 = tpu.memref_squeeze %dma_start3A_900 : memref<1x4096x128xf32, #tpu.memory_space<hbm>> -> memref<4096x128xf32, #tpu.memory_space<hbm>>
      %dma_start3A_902 = arith.constant 0 : i32
      %dma_start3A_903 = tpu.memref_slice %dma_start3A_901[%mul3A_2, %dma_start3A_902] : memref<4096x128xf32, #tpu.memory_space<hbm>> -> memref<128x128xf32, #tpu.memory_space<hbm>>
      %dma_start3A_904 = arith.constant 0 : i32
      %dma_start3A_905 = arith.constant 0 : i32
      %dma_start3A_906 = tpu.memref_slice %arg6[%dma_start3A_887, %dma_start3A_904, %dma_start3A_905] : memref<5x128x128xf32, #tpu.memory_space<vmem>> -> memref<1x128x128xf32, #tpu.memory_space<vmem>>
      %dma_start3A_907 = tpu.memref_squeeze %dma_start3A_906 : memref<1x128x128xf32, #tpu.memory_space<vmem>> -> memref<128x128xf32, #tpu.memory_space<vmem>>
      tpu.enqueue_dma source(%dma_start3A_907 : memref<128x128xf32, #tpu.memory_space<vmem>>) target(%dma_start3A_903 : memref<128x128xf32, #tpu.memory_space<hbm>>) target_semaphore(%arg14 : memref<!tpu.dma_semaphore, #tpu.memory_space<semaphore_mem>>)
      %sub3A_908 = arith.constant 1 : i32
      %sub3A_909 = arith.subi %add3A_872, %sub3A_908 : i32
      %dma_wait3A_910 = arith.constant 1 : i32
      %dma_wait3A_911 = arith.constant 0 : i32
      %dma_wait3A_912 = arith.constant 0 : i32
      %dma_wait3A_913 = tpu.memref_slice %arg6[%dma_wait3A_910, %dma_wait3A_911, %dma_wait3A_912] : memref<5x128x128xf32, #tpu.memory_space<vmem>> -> memref<1x128x128xf32, #tpu.memory_space<vmem>>
      %dma_wait3A_914 = tpu.memref_squeeze %dma_wait3A_913 : memref<1x128x128xf32, #tpu.memory_space<vmem>> -> memref<128x128xf32, #tpu.memory_space<vmem>>
      %dma_wait3A_915 = arith.constant 0 : i32
      %dma_wait3A_916 = arith.constant 0 : i32
      %dma_wait3A_917 = tpu.memref_slice %arg4[%sub3A_909, %dma_wait3A_915, %dma_wait3A_916] : memref<50x4096x128xf32, #tpu.memory_space<hbm>> -> memref<1x4096x128xf32, #tpu.memory_space<hbm>>
      %dma_wait3A_918 = tpu.memref_squeeze %dma_wait3A_917 : memref<1x4096x128xf32, #tpu.memory_space<hbm>> -> memref<4096x128xf32, #tpu.memory_space<hbm>>
      %dma_wait3A_919 = arith.constant 0 : i32
      %dma_wait3A_920 = tpu.memref_slice %dma_wait3A_918[%mul3A_2, %dma_wait3A_919] : memref<4096x128xf32, #tpu.memory_space<hbm>> -> memref<128x128xf32, #tpu.memory_space<hbm>>
      %dma_wait3A_921 = arith.constant 0 : i32
      %dma_wait3A_922 = arith.constant 0 : i32
      %dma_wait3A_923 = tpu.memref_slice %arg4[%sub3A_909, %dma_wait3A_921, %dma_wait3A_922] : memref<50x4096x128xf32, #tpu.memory_space<hbm>> -> memref<1x4096x128xf32, #tpu.memory_space<hbm>>
      %dma_wait3A_924 = tpu.memref_squeeze %dma_wait3A_923 : memref<1x4096x128xf32, #tpu.memory_space<hbm>> -> memref<4096x128xf32, #tpu.memory_space<hbm>>
      %dma_wait3A_925 = arith.constant 0 : i32
      %dma_wait3A_926 = tpu.memref_slice %dma_wait3A_924[%mul3A_2, %dma_wait3A_925] : memref<4096x128xf32, #tpu.memory_space<hbm>> -> memref<128x128xf32, #tpu.memory_space<hbm>>
      %dma_wait3A_927 = arith.constant 0 : i32
      %dma_wait3A_928 = arith.constant 0 : i32
      %dma_wait3A_929 = tpu.memref_slice %arg6[%dma_wait3A_910, %dma_wait3A_927, %dma_wait3A_928] : memref<5x128x128xf32, #tpu.memory_space<vmem>> -> memref<1x128x128xf32, #tpu.memory_space<vmem>>
      %dma_wait3A_930 = tpu.memref_squeeze %dma_wait3A_929 : memref<1x128x128xf32, #tpu.memory_space<vmem>> -> memref<128x128xf32, #tpu.memory_space<vmem>>
      tpu.wait_dma2 semaphore(%arg13 : memref<!tpu.dma_semaphore, #tpu.memory_space<semaphore_mem>>) src(%dma_wait3A_930 : memref<128x128xf32, #tpu.memory_space<vmem>>) dst(%dma_wait3A_926 : memref<128x128xf32, #tpu.memory_space<hbm>>)
      %add3A_931 = arith.constant 5 : i32
      %add3A_932 = arith.addi %add3A_872, %add3A_931 : i32
      %sub3A_933 = arith.constant 1 : i32
      %sub3A_934 = arith.subi %add3A_932, %sub3A_933 : i32
      %dma_start3A_935 = arith.constant 1 : i32
      %dma_start3A_936 = arith.constant 0 : i32
      %dma_start3A_937 = arith.constant 0 : i32
      %dma_start3A_938 = tpu.memref_slice %arg6[%dma_start3A_935, %dma_start3A_936, %dma_start3A_937] : memref<5x128x128xf32, #tpu.memory_space<vmem>> -> memref<1x128x128xf32, #tpu.memory_space<vmem>>
      %dma_start3A_939 = tpu.memref_squeeze %dma_start3A_938 : memref<1x128x128xf32, #tpu.memory_space<vmem>> -> memref<128x128xf32, #tpu.memory_space<vmem>>
      %dma_start3A_940 = arith.constant 0 : i32
      %dma_start3A_941 = tpu.memref_slice %arg5[%sub3A_934, %dma_start3A_940] : memref<50x128xi32, #tpu.memory_space<vmem>> -> memref<1x128xi32, #tpu.memory_space<vmem>>
      %dma_start3A_942 = tpu.memref_squeeze %dma_start3A_941 : memref<1x128xi32, #tpu.memory_space<vmem>> -> memref<128xi32, #tpu.memory_space<vmem>>
      %dma_start3A_943 = arith.constant 0 : i32
      %dma_start3A_944 = arith.constant 0 : i32
      %dma_start3A_945 = tpu.memref_slice %arg3[%dma_start3A_943, %dma_start3A_944] : memref<1000000x128xf32, #tpu.memory_space<hbm>> -> memref<1000000x128xf32, #tpu.memory_space<hbm>>
      tpu.enqueue_indirect_dma source(%dma_start3A_945 : memref<1000000x128xf32, #tpu.memory_space<hbm>>) target(%dma_start3A_939 : memref<128x128xf32, #tpu.memory_space<vmem>>) offsets(%dma_start3A_942 : memref<128xi32, #tpu.memory_space<vmem>>) semaphore(%arg8 : memref<!tpu.dma_semaphore, #tpu.memory_space<semaphore_mem>>)
      %mul3A_946 = arith.constant 5 : i32
      %mul3A_947 = arith.muli %scan3A_715, %mul3A_946 : i32
      %add3A_948 = arith.constant 3 : i32
      %add3A_949 = arith.addi %mul3A_947, %add3A_948 : i32
      %dma_wait3A_950 = arith.constant 3 : i32
      %dma_wait3A_951 = arith.constant 0 : i32
      %dma_wait3A_952 = arith.constant 0 : i32
      %dma_wait3A_953 = tpu.memref_slice %arg6[%dma_wait3A_950, %dma_wait3A_951, %dma_wait3A_952] : memref<5x128x128xf32, #tpu.memory_space<vmem>> -> memref<1x128x128xf32, #tpu.memory_space<vmem>>
      %dma_wait3A_954 = tpu.memref_squeeze %dma_wait3A_953 : memref<1x128x128xf32, #tpu.memory_space<vmem>> -> memref<128x128xf32, #tpu.memory_space<vmem>>
      %dma_wait3A_955 = arith.constant 0 : i32
      %dma_wait3A_956 = tpu.memref_slice %arg5[%add3A_949, %dma_wait3A_955] : memref<50x128xi32, #tpu.memory_space<vmem>> -> memref<1x128xi32, #tpu.memory_space<vmem>>
      %dma_wait3A_957 = tpu.memref_squeeze %dma_wait3A_956 : memref<1x128xi32, #tpu.memory_space<vmem>> -> memref<128xi32, #tpu.memory_space<vmem>>
      %dma_wait3A_958 = arith.constant 0 : i32
      %dma_wait3A_959 = arith.constant 0 : i32
      %dma_wait3A_960 = tpu.memref_slice %arg3[%dma_wait3A_958, %dma_wait3A_959] : memref<1000000x128xf32, #tpu.memory_space<hbm>> -> memref<1000000x128xf32, #tpu.memory_space<hbm>>
      tpu.wait_indirect_dma semaphore(%arg10 : memref<!tpu.dma_semaphore, #tpu.memory_space<semaphore_mem>>) src(%dma_wait3A_960 : memref<1000000x128xf32, #tpu.memory_space<hbm>>) dst(%dma_wait3A_954 : memref<128x128xf32, #tpu.memory_space<vmem>>)
      %parallel_loop3A_961 = arith.constant 0 : i32
      %parallel_loop3A_962 = arith.constant 128 : i32
      %parallel_loop3A_963 = arith.constant 1 : i32
      scf.for %parallel_loop3A_1100 = %parallel_loop3A_961 to %parallel_loop3A_962 step %parallel_loop3A_963  : i32 {
        %parallel_loop3A_1101 = arith.constant 3 : i32
        %parallel_loop3A_1102 = arith.index_cast %parallel_loop3A_1101 : i32 to index
        %parallel_loop3A_1103 = arith.index_cast %parallel_loop3A_1100 : i32 to index
        %parallel_loop3A_1104 = arith.constant 0 : index
        %parallel_loop3A_1105 = tpu.vector_load %arg6[%parallel_loop3A_1102, %parallel_loop3A_1103, %parallel_loop3A_1104] {strides = array<i32>} : memref<5x128x128xf32, #tpu.memory_space<vmem>>, vector<1x1x16xf32>,
        %parallel_loop3A_1106 = vector.shape_cast %parallel_loop3A_1105 : vector<1x1x16xf32> to vector<16xf32>
        %parallel_loop3A_1107 = arith.constant 11.3137083 : f32
        %parallel_loop3A_1108 = vector.broadcast %parallel_loop3A_1107 : f32 to vector<16xf32>
        %parallel_loop3A_1109 = arith.mulf %parallel_loop3A_1106, %parallel_loop3A_1108 : vector<16xf32>
        %parallel_loop3A_1110 = arith.constant 3 : i32
        %parallel_loop3A_1111 = arith.index_cast %parallel_loop3A_1110 : i32 to index
        %parallel_loop3A_1112 = arith.index_cast %parallel_loop3A_1100 : i32 to index
        %parallel_loop3A_1113 = arith.constant 0 : index
        %parallel_loop3A_1114 = tpu.vector_load %arg6[%parallel_loop3A_1111, %parallel_loop3A_1112, %parallel_loop3A_1113] {strides = array<i32>} : memref<5x128x128xf32, #tpu.memory_space<vmem>>, vector<1x1x16xf32>,
        %parallel_loop3A_1115 = vector.shape_cast %parallel_loop3A_1114 : vector<1x1x16xf32> to vector<16xf32>
        %parallel_loop3A_1116 = vector.shape_cast %parallel_loop3A_1109 : vector<16xf32> to vector<1x1x16xf32>
        tpu.vector_store %arg6[%parallel_loop3A_1111, %parallel_loop3A_1112, %parallel_loop3A_1113], %parallel_loop3A_1116 {strides = array<i32>} : memref<5x128x128xf32, #tpu.memory_space<vmem>>, vector<1x1x16xf32>,
        %parallel_loop3A_1117 = arith.constant 3 : i32
        %parallel_loop3A_1118 = arith.index_cast %parallel_loop3A_1117 : i32 to index
        %parallel_loop3A_1119 = arith.index_cast %parallel_loop3A_1100 : i32 to index
        %parallel_loop3A_1120 = arith.constant 16 : index
        %parallel_loop3A_1121 = tpu.vector_load %arg6[%parallel_loop3A_1118, %parallel_loop3A_1119, %parallel_loop3A_1120] {strides = array<i32>} : memref<5x128x128xf32, #tpu.memory_space<vmem>>, vector<1x1x16xf32>,
        %parallel_loop3A_1122 = vector.shape_cast %parallel_loop3A_1121 : vector<1x1x16xf32> to vector<16xf32>
        %parallel_loop3A_1123 = arith.constant 11.3137083 : f32
        %parallel_loop3A_1124 = vector.broadcast %parallel_loop3A_1123 : f32 to vector<16xf32>
        %parallel_loop3A_1125 = arith.mulf %parallel_loop3A_1122, %parallel_loop3A_1124 : vector<16xf32>
        %parallel_loop3A_1126 = arith.constant 3 : i32
        %parallel_loop3A_1127 = arith.index_cast %parallel_loop3A_1126 : i32 to index
        %parallel_loop3A_1128 = arith.index_cast %parallel_loop3A_1100 : i32 to index
        %parallel_loop3A_1129 = arith.constant 16 : index
        %parallel_loop3A_1130 = tpu.vector_load %arg6[%parallel_loop3A_1127, %parallel_loop3A_1128, %parallel_loop3A_1129] {strides = array<i32>} : memref<5x128x128xf32, #tpu.memory_space<vmem>>, vector<1x1x16xf32>,
        %parallel_loop3A_1131 = vector.shape_cast %parallel_loop3A_1130 : vector<1x1x16xf32> to vector<16xf32>
        %parallel_loop3A_1132 = vector.shape_cast %parallel_loop3A_1125 : vector<16xf32> to vector<1x1x16xf32>
        tpu.vector_store %arg6[%parallel_loop3A_1127, %parallel_loop3A_1128, %parallel_loop3A_1129], %parallel_loop3A_1132 {strides = array<i32>} : memref<5x128x128xf32, #tpu.memory_space<vmem>>, vector<1x1x16xf32>,
        %parallel_loop3A_1133 = arith.constant 3 : i32
        %parallel_loop3A_1134 = arith.index_cast %parallel_loop3A_1133 : i32 to index
        %parallel_loop3A_1135 = arith.index_cast %parallel_loop3A_1100 : i32 to index
        %parallel_loop3A_1136 = arith.constant 32 : index
        %parallel_loop3A_1137 = tpu.vector_load %arg6[%parallel_loop3A_1134, %parallel_loop3A_1135, %parallel_loop3A_1136] {strides = array<i32>} : memref<5x128x128xf32, #tpu.memory_space<vmem>>, vector<1x1x16xf32>,
        %parallel_loop3A_1138 = vector.shape_cast %parallel_loop3A_1137 : vector<1x1x16xf32> to vector<16xf32>
        %parallel_loop3A_1139 = arith.constant 11.3137083 : f32
        %parallel_loop3A_1140 = vector.broadcast %parallel_loop3A_1139 : f32 to vector<16xf32>
        %parallel_loop3A_1141 = arith.mulf %parallel_loop3A_1138, %parallel_loop3A_1140 : vector<16xf32>
        %parallel_loop3A_1142 = arith.constant 3 : i32
        %parallel_loop3A_1143 = arith.index_cast %parallel_loop3A_1142 : i32 to index
        %parallel_loop3A_1144 = arith.index_cast %parallel_loop3A_1100 : i32 to index
        %parallel_loop3A_1145 = arith.constant 32 : index
        %parallel_loop3A_1146 = tpu.vector_load %arg6[%parallel_loop3A_1143, %parallel_loop3A_1144, %parallel_loop3A_1145] {strides = array<i32>} : memref<5x128x128xf32, #tpu.memory_space<vmem>>, vector<1x1x16xf32>,
        %parallel_loop3A_1147 = vector.shape_cast %parallel_loop3A_1146 : vector<1x1x16xf32> to vector<16xf32>
        %parallel_loop3A_1148 = vector.shape_cast %parallel_loop3A_1141 : vector<16xf32> to vector<1x1x16xf32>
        tpu.vector_store %arg6[%parallel_loop3A_1143, %parallel_loop3A_1144, %parallel_loop3A_1145], %parallel_loop3A_1148 {strides = array<i32>} : memref<5x128x128xf32, #tpu.memory_space<vmem>>, vector<1x1x16xf32>,
        %parallel_loop3A_1149 = arith.constant 3 : i32
        %parallel_loop3A_1150 = arith.index_cast %parallel_loop3A_1149 : i32 to index
        %parallel_loop3A_1151 = arith.index_cast %parallel_loop3A_1100 : i32 to index
        %parallel_loop3A_1152 = arith.constant 48 : index
        %parallel_loop3A_1153 = tpu.vector_load %arg6[%parallel_loop3A_1150, %parallel_loop3A_1151, %parallel_loop3A_1152] {strides = array<i32>} : memref<5x128x128xf32, #tpu.memory_space<vmem>>, vector<1x1x16xf32>,
        %parallel_loop3A_1154 = vector.shape_cast %parallel_loop3A_1153 : vector<1x1x16xf32> to vector<16xf32>
        %parallel_loop3A_1155 = arith.constant 11.3137083 : f32
        %parallel_loop3A_1156 = vector.broadcast %parallel_loop3A_1155 : f32 to vector<16xf32>
        %parallel_loop3A_1157 = arith.mulf %parallel_loop3A_1154, %parallel_loop3A_1156 : vector<16xf32>
        %parallel_loop3A_1158 = arith.constant 3 : i32
        %parallel_loop3A_1159 = arith.index_cast %parallel_loop3A_1158 : i32 to index
        %parallel_loop3A_1160 = arith.index_cast %parallel_loop3A_1100 : i32 to index
        %parallel_loop3A_1161 = arith.constant 48 : index
        %parallel_loop3A_1162 = tpu.vector_load %arg6[%parallel_loop3A_1159, %parallel_loop3A_1160, %parallel_loop3A_1161] {strides = array<i32>} : memref<5x128x128xf32, #tpu.memory_space<vmem>>, vector<1x1x16xf32>,
        %parallel_loop3A_1163 = vector.shape_cast %parallel_loop3A_1162 : vector<1x1x16xf32> to vector<16xf32>
        %parallel_loop3A_1164 = vector.shape_cast %parallel_loop3A_1157 : vector<16xf32> to vector<1x1x16xf32>
        tpu.vector_store %arg6[%parallel_loop3A_1159, %parallel_loop3A_1160, %parallel_loop3A_1161], %parallel_loop3A_1164 {strides = array<i32>} : memref<5x128x128xf32, #tpu.memory_space<vmem>>, vector<1x1x16xf32>,
        %parallel_loop3A_1165 = arith.constant 3 : i32
        %parallel_loop3A_1166 = arith.index_cast %parallel_loop3A_1165 : i32 to index
        %parallel_loop3A_1167 = arith.index_cast %parallel_loop3A_1100 : i32 to index
        %parallel_loop3A_1168 = arith.constant 64 : index
        %parallel_loop3A_1169 = tpu.vector_load %arg6[%parallel_loop3A_1166, %parallel_loop3A_1167, %parallel_loop3A_1168] {strides = array<i32>} : memref<5x128x128xf32, #tpu.memory_space<vmem>>, vector<1x1x16xf32>,
        %parallel_loop3A_1170 = vector.shape_cast %parallel_loop3A_1169 : vector<1x1x16xf32> to vector<16xf32>
        %parallel_loop3A_1171 = arith.constant 11.3137083 : f32
        %parallel_loop3A_1172 = vector.broadcast %parallel_loop3A_1171 : f32 to vector<16xf32>
        %parallel_loop3A_1173 = arith.mulf %parallel_loop3A_1170, %parallel_loop3A_1172 : vector<16xf32>
        %parallel_loop3A_1174 = arith.constant 3 : i32
        %parallel_loop3A_1175 = arith.index_cast %parallel_loop3A_1174 : i32 to index
        %parallel_loop3A_1176 = arith.index_cast %parallel_loop3A_1100 : i32 to index
        %parallel_loop3A_1177 = arith.constant 64 : index
        %parallel_loop3A_1178 = tpu.vector_load %arg6[%parallel_loop3A_1175, %parallel_loop3A_1176, %parallel_loop3A_1177] {strides = array<i32>} : memref<5x128x128xf32, #tpu.memory_space<vmem>>, vector<1x1x16xf32>,
        %parallel_loop3A_1179 = vector.shape_cast %parallel_loop3A_1178 : vector<1x1x16xf32> to vector<16xf32>
        %parallel_loop3A_1180 = vector.shape_cast %parallel_loop3A_1173 : vector<16xf32> to vector<1x1x16xf32>
        tpu.vector_store %arg6[%parallel_loop3A_1175, %parallel_loop3A_1176, %parallel_loop3A_1177], %parallel_loop3A_1180 {strides = array<i32>} : memref<5x128x128xf32, #tpu.memory_space<vmem>>, vector<1x1x16xf32>,
        %parallel_loop3A_1181 = arith.constant 3 : i32
        %parallel_loop3A_1182 = arith.index_cast %parallel_loop3A_1181 : i32 to index
        %parallel_loop3A_1183 = arith.index_cast %parallel_loop3A_1100 : i32 to index
        %parallel_loop3A_1184 = arith.constant 80 : index
        %parallel_loop3A_1185 = tpu.vector_load %arg6[%parallel_loop3A_1182, %parallel_loop3A_1183, %parallel_loop3A_1184] {strides = array<i32>} : memref<5x128x128xf32, #tpu.memory_space<vmem>>, vector<1x1x16xf32>,
        %parallel_loop3A_1186 = vector.shape_cast %parallel_loop3A_1185 : vector<1x1x16xf32> to vector<16xf32>
        %parallel_loop3A_1187 = arith.constant 11.3137083 : f32
        %parallel_loop3A_1188 = vector.broadcast %parallel_loop3A_1187 : f32 to vector<16xf32>
        %parallel_loop3A_1189 = arith.mulf %parallel_loop3A_1186, %parallel_loop3A_1188 : vector<16xf32>
        %parallel_loop3A_1190 = arith.constant 3 : i32
        %parallel_loop3A_1191 = arith.index_cast %parallel_loop3A_1190 : i32 to index
        %parallel_loop3A_1192 = arith.index_cast %parallel_loop3A_1100 : i32 to index
        %parallel_loop3A_1193 = arith.constant 80 : index
        %parallel_loop3A_1194 = tpu.vector_load %arg6[%parallel_loop3A_1191, %parallel_loop3A_1192, %parallel_loop3A_1193] {strides = array<i32>} : memref<5x128x128xf32, #tpu.memory_space<vmem>>, vector<1x1x16xf32>,
        %parallel_loop3A_1195 = vector.shape_cast %parallel_loop3A_1194 : vector<1x1x16xf32> to vector<16xf32>
        %parallel_loop3A_1196 = vector.shape_cast %parallel_loop3A_1189 : vector<16xf32> to vector<1x1x16xf32>
        tpu.vector_store %arg6[%parallel_loop3A_1191, %parallel_loop3A_1192, %parallel_loop3A_1193], %parallel_loop3A_1196 {strides = array<i32>} : memref<5x128x128xf32, #tpu.memory_space<vmem>>, vector<1x1x16xf32>,
        %parallel_loop3A_1197 = arith.constant 3 : i32
        %parallel_loop3A_1198 = arith.index_cast %parallel_loop3A_1197 : i32 to index
        %parallel_loop3A_1199 = arith.index_cast %parallel_loop3A_1100 : i32 to index
        %parallel_loop3A_1200 = arith.constant 96 : index
        %parallel_loop3A_1201 = tpu.vector_load %arg6[%parallel_loop3A_1198, %parallel_loop3A_1199, %parallel_loop3A_1200] {strides = array<i32>} : memref<5x128x128xf32, #tpu.memory_space<vmem>>, vector<1x1x16xf32>,
        %parallel_loop3A_1202 = vector.shape_cast %parallel_loop3A_1201 : vector<1x1x16xf32> to vector<16xf32>
        %parallel_loop3A_1203 = arith.constant 11.3137083 : f32
        %parallel_loop3A_1204 = vector.broadcast %parallel_loop3A_1203 : f32 to vector<16xf32>
        %parallel_loop3A_1205 = arith.mulf %parallel_loop3A_1202, %parallel_loop3A_1204 : vector<16xf32>
        %parallel_loop3A_1206 = arith.constant 3 : i32
        %parallel_loop3A_1207 = arith.index_cast %parallel_loop3A_1206 : i32 to index
        %parallel_loop3A_1208 = arith.index_cast %parallel_loop3A_1100 : i32 to index
        %parallel_loop3A_1209 = arith.constant 96 : index
        %parallel_loop3A_1210 = tpu.vector_load %arg6[%parallel_loop3A_1207, %parallel_loop3A_1208, %parallel_loop3A_1209] {strides = array<i32>} : memref<5x128x128xf32, #tpu.memory_space<vmem>>, vector<1x1x16xf32>,
        %parallel_loop3A_1211 = vector.shape_cast %parallel_loop3A_1210 : vector<1x1x16xf32> to vector<16xf32>
        %parallel_loop3A_1212 = vector.shape_cast %parallel_loop3A_1205 : vector<16xf32> to vector<1x1x16xf32>
        tpu.vector_store %arg6[%parallel_loop3A_1207, %parallel_loop3A_1208, %parallel_loop3A_1209], %parallel_loop3A_1212 {strides = array<i32>} : memref<5x128x128xf32, #tpu.memory_space<vmem>>, vector<1x1x16xf32>,
        %parallel_loop3A_1213 = arith.constant 3 : i32
        %parallel_loop3A_1214 = arith.index_cast %parallel_loop3A_1213 : i32 to index
        %parallel_loop3A_1215 = arith.index_cast %parallel_loop3A_1100 : i32 to index
        %parallel_loop3A_1216 = arith.constant 112 : index
        %parallel_loop3A_1217 = tpu.vector_load %arg6[%parallel_loop3A_1214, %parallel_loop3A_1215, %parallel_loop3A_1216] {strides = array<i32>} : memref<5x128x128xf32, #tpu.memory_space<vmem>>, vector<1x1x16xf32>,
        %parallel_loop3A_1218 = vector.shape_cast %parallel_loop3A_1217 : vector<1x1x16xf32> to vector<16xf32>
        %parallel_loop3A_1219 = arith.constant 11.3137083 : f32
        %parallel_loop3A_1220 = vector.broadcast %parallel_loop3A_1219 : f32 to vector<16xf32>
        %parallel_loop3A_1221 = arith.mulf %parallel_loop3A_1218, %parallel_loop3A_1220 : vector<16xf32>
        %parallel_loop3A_1222 = arith.constant 3 : i32
        %parallel_loop3A_1223 = arith.index_cast %parallel_loop3A_1222 : i32 to index
        %parallel_loop3A_1224 = arith.index_cast %parallel_loop3A_1100 : i32 to index
        %parallel_loop3A_1225 = arith.constant 112 : index
        %parallel_loop3A_1226 = tpu.vector_load %arg6[%parallel_loop3A_1223, %parallel_loop3A_1224, %parallel_loop3A_1225] {strides = array<i32>} : memref<5x128x128xf32, #tpu.memory_space<vmem>>, vector<1x1x16xf32>,
        %parallel_loop3A_1227 = vector.shape_cast %parallel_loop3A_1226 : vector<1x1x16xf32> to vector<16xf32>
        %parallel_loop3A_1228 = vector.shape_cast %parallel_loop3A_1221 : vector<16xf32> to vector<1x1x16xf32>
        tpu.vector_store %arg6[%parallel_loop3A_1223, %parallel_loop3A_1224, %parallel_loop3A_1225], %parallel_loop3A_1228 {strides = array<i32>} : memref<5x128x128xf32, #tpu.memory_space<vmem>>, vector<1x1x16xf32>,
      } {sc.loop_unroll_factor = 1 : i64, sc.parallel_access}
      %dma_start3A_964 = arith.constant 3 : i32
      %dma_start3A_965 = arith.constant 0 : i32
      %dma_start3A_966 = arith.constant 0 : i32
      %dma_start3A_967 = tpu.memref_slice %arg6[%dma_start3A_964, %dma_start3A_965, %dma_start3A_966] : memref<5x128x128xf32, #tpu.memory_space<vmem>> -> memref<1x128x128xf32, #tpu.memory_space<vmem>>
      %dma_start3A_968 = tpu.memref_squeeze %dma_start3A_967 : memref<1x128x128xf32, #tpu.memory_space<vmem>> -> memref<128x128xf32, #tpu.memory_space<vmem>>
      %dma_start3A_969 = arith.constant 0 : i32
      %dma_start3A_970 = arith.constant 0 : i32
      %dma_start3A_971 = tpu.memref_slice %arg4[%add3A_949, %dma_start3A_969, %dma_start3A_970] : memref<50x4096x128xf32, #tpu.memory_space<hbm>> -> memref<1x4096x128xf32, #tpu.memory_space<hbm>>
      %dma_start3A_972 = tpu.memref_squeeze %dma_start3A_971 : memref<1x4096x128xf32, #tpu.memory_space<hbm>> -> memref<4096x128xf32, #tpu.memory_space<hbm>>
      %dma_start3A_973 = arith.constant 0 : i32
      %dma_start3A_974 = tpu.memref_slice %dma_start3A_972[%mul3A_2, %dma_start3A_973] : memref<4096x128xf32, #tpu.memory_space<hbm>> -> memref<128x128xf32, #tpu.memory_space<hbm>>
      %dma_start3A_975 = arith.constant 0 : i32
      %dma_start3A_976 = arith.constant 0 : i32
      %dma_start3A_977 = tpu.memref_slice %arg4[%add3A_949, %dma_start3A_975, %dma_start3A_976] : memref<50x4096x128xf32, #tpu.memory_space<hbm>> -> memref<1x4096x128xf32, #tpu.memory_space<hbm>>
      %dma_start3A_978 = tpu.memref_squeeze %dma_start3A_977 : memref<1x4096x128xf32, #tpu.memory_space<hbm>> -> memref<4096x128xf32, #tpu.memory_space<hbm>>
      %dma_start3A_979 = arith.constant 0 : i32
      %dma_start3A_980 = tpu.memref_slice %dma_start3A_978[%mul3A_2, %dma_start3A_979] : memref<4096x128xf32, #tpu.memory_space<hbm>> -> memref<128x128xf32, #tpu.memory_space<hbm>>
      %dma_start3A_981 = arith.constant 0 : i32
      %dma_start3A_982 = arith.constant 0 : i32
      %dma_start3A_983 = tpu.memref_slice %arg6[%dma_start3A_964, %dma_start3A_981, %dma_start3A_982] : memref<5x128x128xf32, #tpu.memory_space<vmem>> -> memref<1x128x128xf32, #tpu.memory_space<vmem>>
      %dma_start3A_984 = tpu.memref_squeeze %dma_start3A_983 : memref<1x128x128xf32, #tpu.memory_space<vmem>> -> memref<128x128xf32, #tpu.memory_space<vmem>>
      tpu.enqueue_dma source(%dma_start3A_984 : memref<128x128xf32, #tpu.memory_space<vmem>>) target(%dma_start3A_980 : memref<128x128xf32, #tpu.memory_space<hbm>>) target_semaphore(%arg15 : memref<!tpu.dma_semaphore, #tpu.memory_space<semaphore_mem>>)
      %sub3A_985 = arith.constant 1 : i32
      %sub3A_986 = arith.subi %add3A_949, %sub3A_985 : i32
      %dma_wait3A_987 = arith.constant 2 : i32
      %dma_wait3A_988 = arith.constant 0 : i32
      %dma_wait3A_989 = arith.constant 0 : i32
      %dma_wait3A_990 = tpu.memref_slice %arg6[%dma_wait3A_987, %dma_wait3A_988, %dma_wait3A_989] : memref<5x128x128xf32, #tpu.memory_space<vmem>> -> memref<1x128x128xf32, #tpu.memory_space<vmem>>
      %dma_wait3A_991 = tpu.memref_squeeze %dma_wait3A_990 : memref<1x128x128xf32, #tpu.memory_space<vmem>> -> memref<128x128xf32, #tpu.memory_space<vmem>>
      %dma_wait3A_992 = arith.constant 0 : i32
      %dma_wait3A_993 = arith.constant 0 : i32
      %dma_wait3A_994 = tpu.memref_slice %arg4[%sub3A_986, %dma_wait3A_992, %dma_wait3A_993] : memref<50x4096x128xf32, #tpu.memory_space<hbm>> -> memref<1x4096x128xf32, #tpu.memory_space<hbm>>
      %dma_wait3A_995 = tpu.memref_squeeze %dma_wait3A_994 : memref<1x4096x128xf32, #tpu.memory_space<hbm>> -> memref<4096x128xf32, #tpu.memory_space<hbm>>
      %dma_wait3A_996 = arith.constant 0 : i32
      %dma_wait3A_997 = tpu.memref_slice %dma_wait3A_995[%mul3A_2, %dma_wait3A_996] : memref<4096x128xf32, #tpu.memory_space<hbm>> -> memref<128x128xf32, #tpu.memory_space<hbm>>
      %dma_wait3A_998 = arith.constant 0 : i32
      %dma_wait3A_999 = arith.constant 0 : i32
      %dma_wait3A_1000 = tpu.memref_slice %arg4[%sub3A_986, %dma_wait3A_998, %dma_wait3A_999] : memref<50x4096x128xf32, #tpu.memory_space<hbm>> -> memref<1x4096x128xf32, #tpu.memory_space<hbm>>
      %dma_wait3A_1001 = tpu.memref_squeeze %dma_wait3A_1000 : memref<1x4096x128xf32, #tpu.memory_space<hbm>> -> memref<4096x128xf32, #tpu.memory_space<hbm>>
      %dma_wait3A_1002 = arith.constant 0 : i32
      %dma_wait3A_1003 = tpu.memref_slice %dma_wait3A_1001[%mul3A_2, %dma_wait3A_1002] : memref<4096x128xf32, #tpu.memory_space<hbm>> -> memref<128x128xf32, #tpu.memory_space<hbm>>
      %dma_wait3A_1004 = arith.constant 0 : i32
      %dma_wait3A_1005 = arith.constant 0 : i32
      %dma_wait3A_1006 = tpu.memref_slice %arg6[%dma_wait3A_987, %dma_wait3A_1004, %dma_wait3A_1005] : memref<5x128x128xf32, #tpu.memory_space<vmem>> -> memref<1x128x128xf32, #tpu.memory_space<vmem>>
      %dma_wait3A_1007 = tpu.memref_squeeze %dma_wait3A_1006 : memref<1x128x128xf32, #tpu.memory_space<vmem>> -> memref<128x128xf32, #tpu.memory_space<vmem>>
      tpu.wait_dma2 semaphore(%arg14 : memref<!tpu.dma_semaphore, #tpu.memory_space<semaphore_mem>>) src(%dma_wait3A_1007 : memref<128x128xf32, #tpu.memory_space<vmem>>) dst(%dma_wait3A_1003 : memref<128x128xf32, #tpu.memory_space<hbm>>)
      %add3A_1008 = arith.constant 5 : i32
      %add3A_1009 = arith.addi %add3A_949, %add3A_1008 : i32
      %sub3A_1010 = arith.constant 1 : i32
      %sub3A_1011 = arith.subi %add3A_1009, %sub3A_1010 : i32
      %dma_start3A_1012 = arith.constant 2 : i32
      %dma_start3A_1013 = arith.constant 0 : i32
      %dma_start3A_1014 = arith.constant 0 : i32
      %dma_start3A_1015 = tpu.memref_slice %arg6[%dma_start3A_1012, %dma_start3A_1013, %dma_start3A_1014] : memref<5x128x128xf32, #tpu.memory_space<vmem>> -> memref<1x128x128xf32, #tpu.memory_space<vmem>>
      %dma_start3A_1016 = tpu.memref_squeeze %dma_start3A_1015 : memref<1x128x128xf32, #tpu.memory_space<vmem>> -> memref<128x128xf32, #tpu.memory_space<vmem>>
      %dma_start3A_1017 = arith.constant 0 : i32
      %dma_start3A_1018 = tpu.memref_slice %arg5[%sub3A_1011, %dma_start3A_1017] : memref<50x128xi32, #tpu.memory_space<vmem>> -> memref<1x128xi32, #tpu.memory_space<vmem>>
      %dma_start3A_1019 = tpu.memref_squeeze %dma_start3A_1018 : memref<1x128xi32, #tpu.memory_space<vmem>> -> memref<128xi32, #tpu.memory_space<vmem>>
      %dma_start3A_1020 = arith.constant 0 : i32
      %dma_start3A_1021 = arith.constant 0 : i32
      %dma_start3A_1022 = tpu.memref_slice %arg3[%dma_start3A_1020, %dma_start3A_1021] : memref<1000000x128xf32, #tpu.memory_space<hbm>> -> memref<1000000x128xf32, #tpu.memory_space<hbm>>
      tpu.enqueue_indirect_dma source(%dma_start3A_1022 : memref<1000000x128xf32, #tpu.memory_space<hbm>>) target(%dma_start3A_1016 : memref<128x128xf32, #tpu.memory_space<vmem>>) offsets(%dma_start3A_1019 : memref<128xi32, #tpu.memory_space<vmem>>) semaphore(%arg9 : memref<!tpu.dma_semaphore, #tpu.memory_space<semaphore_mem>>)
      %mul3A_1023 = arith.constant 5 : i32
      %mul3A_1024 = arith.muli %scan3A_715, %mul3A_1023 : i32
      %add3A_1025 = arith.constant 4 : i32
      %add3A_1026 = arith.addi %mul3A_1024, %add3A_1025 : i32
      %dma_wait3A_1027 = arith.constant 4 : i32
      %dma_wait3A_1028 = arith.constant 0 : i32
      %dma_wait3A_1029 = arith.constant 0 : i32
      %dma_wait3A_1030 = tpu.memref_slice %arg6[%dma_wait3A_1027, %dma_wait3A_1028, %dma_wait3A_1029] : memref<5x128x128xf32, #tpu.memory_space<vmem>> -> memref<1x128x128xf32, #tpu.memory_space<vmem>>
      %dma_wait3A_1031 = tpu.memref_squeeze %dma_wait3A_1030 : memref<1x128x128xf32, #tpu.memory_space<vmem>> -> memref<128x128xf32, #tpu.memory_space<vmem>>
      %dma_wait3A_1032 = arith.constant 0 : i32
      %dma_wait3A_1033 = tpu.memref_slice %arg5[%add3A_1026, %dma_wait3A_1032] : memref<50x128xi32, #tpu.memory_space<vmem>> -> memref<1x128xi32, #tpu.memory_space<vmem>>
      %dma_wait3A_1034 = tpu.memref_squeeze %dma_wait3A_1033 : memref<1x128xi32, #tpu.memory_space<vmem>> -> memref<128xi32, #tpu.memory_space<vmem>>
      %dma_wait3A_1035 = arith.constant 0 : i32
      %dma_wait3A_1036 = arith.constant 0 : i32
      %dma_wait3A_1037 = tpu.memref_slice %arg3[%dma_wait3A_1035, %dma_wait3A_1036] : memref<1000000x128xf32, #tpu.memory_space<hbm>> -> memref<1000000x128xf32, #tpu.memory_space<hbm>>
      tpu.wait_indirect_dma semaphore(%arg11 : memref<!tpu.dma_semaphore, #tpu.memory_space<semaphore_mem>>) src(%dma_wait3A_1037 : memref<1000000x128xf32, #tpu.memory_space<hbm>>) dst(%dma_wait3A_1031 : memref<128x128xf32, #tpu.memory_space<vmem>>)
      %parallel_loop3A_1038 = arith.constant 0 : i32
      %parallel_loop3A_1039 = arith.constant 128 : i32
      %parallel_loop3A_1040 = arith.constant 1 : i32
      scf.for %parallel_loop3A_1100 = %parallel_loop3A_1038 to %parallel_loop3A_1039 step %parallel_loop3A_1040  : i32 {
        %parallel_loop3A_1101 = arith.constant 4 : i32
        %parallel_loop3A_1102 = arith.index_cast %parallel_loop3A_1101 : i32 to index
        %parallel_loop3A_1103 = arith.index_cast %parallel_loop3A_1100 : i32 to index
        %parallel_loop3A_1104 = arith.constant 0 : index
        %parallel_loop3A_1105 = tpu.vector_load %arg6[%parallel_loop3A_1102, %parallel_loop3A_1103, %parallel_loop3A_1104] {strides = array<i32>} : memref<5x128x128xf32, #tpu.memory_space<vmem>>, vector<1x1x16xf32>,
        %parallel_loop3A_1106 = vector.shape_cast %parallel_loop3A_1105 : vector<1x1x16xf32> to vector<16xf32>
        %parallel_loop3A_1107 = arith.constant 11.3137083 : f32
        %parallel_loop3A_1108 = vector.broadcast %parallel_loop3A_1107 : f32 to vector<16xf32>
        %parallel_loop3A_1109 = arith.mulf %parallel_loop3A_1106, %parallel_loop3A_1108 : vector<16xf32>
        %parallel_loop3A_1110 = arith.constant 4 : i32
        %parallel_loop3A_1111 = arith.index_cast %parallel_loop3A_1110 : i32 to index
        %parallel_loop3A_1112 = arith.index_cast %parallel_loop3A_1100 : i32 to index
        %parallel_loop3A_1113 = arith.constant 0 : index
        %parallel_loop3A_1114 = tpu.vector_load %arg6[%parallel_loop3A_1111, %parallel_loop3A_1112, %parallel_loop3A_1113] {strides = array<i32>} : memref<5x128x128xf32, #tpu.memory_space<vmem>>, vector<1x1x16xf32>,
        %parallel_loop3A_1115 = vector.shape_cast %parallel_loop3A_1114 : vector<1x1x16xf32> to vector<16xf32>
        %parallel_loop3A_1116 = vector.shape_cast %parallel_loop3A_1109 : vector<16xf32> to vector<1x1x16xf32>
        tpu.vector_store %arg6[%parallel_loop3A_1111, %parallel_loop3A_1112, %parallel_loop3A_1113], %parallel_loop3A_1116 {strides = array<i32>} : memref<5x128x128xf32, #tpu.memory_space<vmem>>, vector<1x1x16xf32>,
        %parallel_loop3A_1117 = arith.constant 4 : i32
        %parallel_loop3A_1118 = arith.index_cast %parallel_loop3A_1117 : i32 to index
        %parallel_loop3A_1119 = arith.index_cast %parallel_loop3A_1100 : i32 to index
        %parallel_loop3A_1120 = arith.constant 16 : index
        %parallel_loop3A_1121 = tpu.vector_load %arg6[%parallel_loop3A_1118, %parallel_loop3A_1119, %parallel_loop3A_1120] {strides = array<i32>} : memref<5x128x128xf32, #tpu.memory_space<vmem>>, vector<1x1x16xf32>,
        %parallel_loop3A_1122 = vector.shape_cast %parallel_loop3A_1121 : vector<1x1x16xf32> to vector<16xf32>
        %parallel_loop3A_1123 = arith.constant 11.3137083 : f32
        %parallel_loop3A_1124 = vector.broadcast %parallel_loop3A_1123 : f32 to vector<16xf32>
        %parallel_loop3A_1125 = arith.mulf %parallel_loop3A_1122, %parallel_loop3A_1124 : vector<16xf32>
        %parallel_loop3A_1126 = arith.constant 4 : i32
        %parallel_loop3A_1127 = arith.index_cast %parallel_loop3A_1126 : i32 to index
        %parallel_loop3A_1128 = arith.index_cast %parallel_loop3A_1100 : i32 to index
        %parallel_loop3A_1129 = arith.constant 16 : index
        %parallel_loop3A_1130 = tpu.vector_load %arg6[%parallel_loop3A_1127, %parallel_loop3A_1128, %parallel_loop3A_1129] {strides = array<i32>} : memref<5x128x128xf32, #tpu.memory_space<vmem>>, vector<1x1x16xf32>,
        %parallel_loop3A_1131 = vector.shape_cast %parallel_loop3A_1130 : vector<1x1x16xf32> to vector<16xf32>
        %parallel_loop3A_1132 = vector.shape_cast %parallel_loop3A_1125 : vector<16xf32> to vector<1x1x16xf32>
        tpu.vector_store %arg6[%parallel_loop3A_1127, %parallel_loop3A_1128, %parallel_loop3A_1129], %parallel_loop3A_1132 {strides = array<i32>} : memref<5x128x128xf32, #tpu.memory_space<vmem>>, vector<1x1x16xf32>,
        %parallel_loop3A_1133 = arith.constant 4 : i32
        %parallel_loop3A_1134 = arith.index_cast %parallel_loop3A_1133 : i32 to index
        %parallel_loop3A_1135 = arith.index_cast %parallel_loop3A_1100 : i32 to index
        %parallel_loop3A_1136 = arith.constant 32 : index
        %parallel_loop3A_1137 = tpu.vector_load %arg6[%parallel_loop3A_1134, %parallel_loop3A_1135, %parallel_loop3A_1136] {strides = array<i32>} : memref<5x128x128xf32, #tpu.memory_space<vmem>>, vector<1x1x16xf32>,
        %parallel_loop3A_1138 = vector.shape_cast %parallel_loop3A_1137 : vector<1x1x16xf32> to vector<16xf32>
        %parallel_loop3A_1139 = arith.constant 11.3137083 : f32
        %parallel_loop3A_1140 = vector.broadcast %parallel_loop3A_1139 : f32 to vector<16xf32>
        %parallel_loop3A_1141 = arith.mulf %parallel_loop3A_1138, %parallel_loop3A_1140 : vector<16xf32>
        %parallel_loop3A_1142 = arith.constant 4 : i32
        %parallel_loop3A_1143 = arith.index_cast %parallel_loop3A_1142 : i32 to index
        %parallel_loop3A_1144 = arith.index_cast %parallel_loop3A_1100 : i32 to index
        %parallel_loop3A_1145 = arith.constant 32 : index
        %parallel_loop3A_1146 = tpu.vector_load %arg6[%parallel_loop3A_1143, %parallel_loop3A_1144, %parallel_loop3A_1145] {strides = array<i32>} : memref<5x128x128xf32, #tpu.memory_space<vmem>>, vector<1x1x16xf32>,
        %parallel_loop3A_1147 = vector.shape_cast %parallel_loop3A_1146 : vector<1x1x16xf32> to vector<16xf32>
        %parallel_loop3A_1148 = vector.shape_cast %parallel_loop3A_1141 : vector<16xf32> to vector<1x1x16xf32>
        tpu.vector_store %arg6[%parallel_loop3A_1143, %parallel_loop3A_1144, %parallel_loop3A_1145], %parallel_loop3A_1148 {strides = array<i32>} : memref<5x128x128xf32, #tpu.memory_space<vmem>>, vector<1x1x16xf32>,
        %parallel_loop3A_1149 = arith.constant 4 : i32
        %parallel_loop3A_1150 = arith.index_cast %parallel_loop3A_1149 : i32 to index
        %parallel_loop3A_1151 = arith.index_cast %parallel_loop3A_1100 : i32 to index
        %parallel_loop3A_1152 = arith.constant 48 : index
        %parallel_loop3A_1153 = tpu.vector_load %arg6[%parallel_loop3A_1150, %parallel_loop3A_1151, %parallel_loop3A_1152] {strides = array<i32>} : memref<5x128x128xf32, #tpu.memory_space<vmem>>, vector<1x1x16xf32>,
        %parallel_loop3A_1154 = vector.shape_cast %parallel_loop3A_1153 : vector<1x1x16xf32> to vector<16xf32>
        %parallel_loop3A_1155 = arith.constant 11.3137083 : f32
        %parallel_loop3A_1156 = vector.broadcast %parallel_loop3A_1155 : f32 to vector<16xf32>
        %parallel_loop3A_1157 = arith.mulf %parallel_loop3A_1154, %parallel_loop3A_1156 : vector<16xf32>
        %parallel_loop3A_1158 = arith.constant 4 : i32
        %parallel_loop3A_1159 = arith.index_cast %parallel_loop3A_1158 : i32 to index
        %parallel_loop3A_1160 = arith.index_cast %parallel_loop3A_1100 : i32 to index
        %parallel_loop3A_1161 = arith.constant 48 : index
        %parallel_loop3A_1162 = tpu.vector_load %arg6[%parallel_loop3A_1159, %parallel_loop3A_1160, %parallel_loop3A_1161] {strides = array<i32>} : memref<5x128x128xf32, #tpu.memory_space<vmem>>, vector<1x1x16xf32>,
        %parallel_loop3A_1163 = vector.shape_cast %parallel_loop3A_1162 : vector<1x1x16xf32> to vector<16xf32>
        %parallel_loop3A_1164 = vector.shape_cast %parallel_loop3A_1157 : vector<16xf32> to vector<1x1x16xf32>
        tpu.vector_store %arg6[%parallel_loop3A_1159, %parallel_loop3A_1160, %parallel_loop3A_1161], %parallel_loop3A_1164 {strides = array<i32>} : memref<5x128x128xf32, #tpu.memory_space<vmem>>, vector<1x1x16xf32>,
        %parallel_loop3A_1165 = arith.constant 4 : i32
        %parallel_loop3A_1166 = arith.index_cast %parallel_loop3A_1165 : i32 to index
        %parallel_loop3A_1167 = arith.index_cast %parallel_loop3A_1100 : i32 to index
        %parallel_loop3A_1168 = arith.constant 64 : index
        %parallel_loop3A_1169 = tpu.vector_load %arg6[%parallel_loop3A_1166, %parallel_loop3A_1167, %parallel_loop3A_1168] {strides = array<i32>} : memref<5x128x128xf32, #tpu.memory_space<vmem>>, vector<1x1x16xf32>,
        %parallel_loop3A_1170 = vector.shape_cast %parallel_loop3A_1169 : vector<1x1x16xf32> to vector<16xf32>
        %parallel_loop3A_1171 = arith.constant 11.3137083 : f32
        %parallel_loop3A_1172 = vector.broadcast %parallel_loop3A_1171 : f32 to vector<16xf32>
        %parallel_loop3A_1173 = arith.mulf %parallel_loop3A_1170, %parallel_loop3A_1172 : vector<16xf32>
        %parallel_loop3A_1174 = arith.constant 4 : i32
        %parallel_loop3A_1175 = arith.index_cast %parallel_loop3A_1174 : i32 to index
        %parallel_loop3A_1176 = arith.index_cast %parallel_loop3A_1100 : i32 to index
        %parallel_loop3A_1177 = arith.constant 64 : index
        %parallel_loop3A_1178 = tpu.vector_load %arg6[%parallel_loop3A_1175, %parallel_loop3A_1176, %parallel_loop3A_1177] {strides = array<i32>} : memref<5x128x128xf32, #tpu.memory_space<vmem>>, vector<1x1x16xf32>,
        %parallel_loop3A_1179 = vector.shape_cast %parallel_loop3A_1178 : vector<1x1x16xf32> to vector<16xf32>
        %parallel_loop3A_1180 = vector.shape_cast %parallel_loop3A_1173 : vector<16xf32> to vector<1x1x16xf32>
        tpu.vector_store %arg6[%parallel_loop3A_1175, %parallel_loop3A_1176, %parallel_loop3A_1177], %parallel_loop3A_1180 {strides = array<i32>} : memref<5x128x128xf32, #tpu.memory_space<vmem>>, vector<1x1x16xf32>,
        %parallel_loop3A_1181 = arith.constant 4 : i32
        %parallel_loop3A_1182 = arith.index_cast %parallel_loop3A_1181 : i32 to index
        %parallel_loop3A_1183 = arith.index_cast %parallel_loop3A_1100 : i32 to index
        %parallel_loop3A_1184 = arith.constant 80 : index
        %parallel_loop3A_1185 = tpu.vector_load %arg6[%parallel_loop3A_1182, %parallel_loop3A_1183, %parallel_loop3A_1184] {strides = array<i32>} : memref<5x128x128xf32, #tpu.memory_space<vmem>>, vector<1x1x16xf32>,
        %parallel_loop3A_1186 = vector.shape_cast %parallel_loop3A_1185 : vector<1x1x16xf32> to vector<16xf32>
        %parallel_loop3A_1187 = arith.constant 11.3137083 : f32
        %parallel_loop3A_1188 = vector.broadcast %parallel_loop3A_1187 : f32 to vector<16xf32>
        %parallel_loop3A_1189 = arith.mulf %parallel_loop3A_1186, %parallel_loop3A_1188 : vector<16xf32>
        %parallel_loop3A_1190 = arith.constant 4 : i32
        %parallel_loop3A_1191 = arith.index_cast %parallel_loop3A_1190 : i32 to index
        %parallel_loop3A_1192 = arith.index_cast %parallel_loop3A_1100 : i32 to index
        %parallel_loop3A_1193 = arith.constant 80 : index
        %parallel_loop3A_1194 = tpu.vector_load %arg6[%parallel_loop3A_1191, %parallel_loop3A_1192, %parallel_loop3A_1193] {strides = array<i32>} : memref<5x128x128xf32, #tpu.memory_space<vmem>>, vector<1x1x16xf32>,
        %parallel_loop3A_1195 = vector.shape_cast %parallel_loop3A_1194 : vector<1x1x16xf32> to vector<16xf32>
        %parallel_loop3A_1196 = vector.shape_cast %parallel_loop3A_1189 : vector<16xf32> to vector<1x1x16xf32>
        tpu.vector_store %arg6[%parallel_loop3A_1191, %parallel_loop3A_1192, %parallel_loop3A_1193], %parallel_loop3A_1196 {strides = array<i32>} : memref<5x128x128xf32, #tpu.memory_space<vmem>>, vector<1x1x16xf32>,
        %parallel_loop3A_1197 = arith.constant 4 : i32
        %parallel_loop3A_1198 = arith.index_cast %parallel_loop3A_1197 : i32 to index
        %parallel_loop3A_1199 = arith.index_cast %parallel_loop3A_1100 : i32 to index
        %parallel_loop3A_1200 = arith.constant 96 : index
        %parallel_loop3A_1201 = tpu.vector_load %arg6[%parallel_loop3A_1198, %parallel_loop3A_1199, %parallel_loop3A_1200] {strides = array<i32>} : memref<5x128x128xf32, #tpu.memory_space<vmem>>, vector<1x1x16xf32>,
        %parallel_loop3A_1202 = vector.shape_cast %parallel_loop3A_1201 : vector<1x1x16xf32> to vector<16xf32>
        %parallel_loop3A_1203 = arith.constant 11.3137083 : f32
        %parallel_loop3A_1204 = vector.broadcast %parallel_loop3A_1203 : f32 to vector<16xf32>
        %parallel_loop3A_1205 = arith.mulf %parallel_loop3A_1202, %parallel_loop3A_1204 : vector<16xf32>
        %parallel_loop3A_1206 = arith.constant 4 : i32
        %parallel_loop3A_1207 = arith.index_cast %parallel_loop3A_1206 : i32 to index
        %parallel_loop3A_1208 = arith.index_cast %parallel_loop3A_1100 : i32 to index
        %parallel_loop3A_1209 = arith.constant 96 : index
        %parallel_loop3A_1210 = tpu.vector_load %arg6[%parallel_loop3A_1207, %parallel_loop3A_1208, %parallel_loop3A_1209] {strides = array<i32>} : memref<5x128x128xf32, #tpu.memory_space<vmem>>, vector<1x1x16xf32>,
        %parallel_loop3A_1211 = vector.shape_cast %parallel_loop3A_1210 : vector<1x1x16xf32> to vector<16xf32>
        %parallel_loop3A_1212 = vector.shape_cast %parallel_loop3A_1205 : vector<16xf32> to vector<1x1x16xf32>
        tpu.vector_store %arg6[%parallel_loop3A_1207, %parallel_loop3A_1208, %parallel_loop3A_1209], %parallel_loop3A_1212 {strides = array<i32>} : memref<5x128x128xf32, #tpu.memory_space<vmem>>, vector<1x1x16xf32>,
        %parallel_loop3A_1213 = arith.constant 4 : i32
        %parallel_loop3A_1214 = arith.index_cast %parallel_loop3A_1213 : i32 to index
        %parallel_loop3A_1215 = arith.index_cast %parallel_loop3A_1100 : i32 to index
        %parallel_loop3A_1216 = arith.constant 112 : index
        %parallel_loop3A_1217 = tpu.vector_load %arg6[%parallel_loop3A_1214, %parallel_loop3A_1215, %parallel_loop3A_1216] {strides = array<i32>} : memref<5x128x128xf32, #tpu.memory_space<vmem>>, vector<1x1x16xf32>,
        %parallel_loop3A_1218 = vector.shape_cast %parallel_loop3A_1217 : vector<1x1x16xf32> to vector<16xf32>
        %parallel_loop3A_1219 = arith.constant 11.3137083 : f32
        %parallel_loop3A_1220 = vector.broadcast %parallel_loop3A_1219 : f32 to vector<16xf32>
        %parallel_loop3A_1221 = arith.mulf %parallel_loop3A_1218, %parallel_loop3A_1220 : vector<16xf32>
        %parallel_loop3A_1222 = arith.constant 4 : i32
        %parallel_loop3A_1223 = arith.index_cast %parallel_loop3A_1222 : i32 to index
        %parallel_loop3A_1224 = arith.index_cast %parallel_loop3A_1100 : i32 to index
        %parallel_loop3A_1225 = arith.constant 112 : index
        %parallel_loop3A_1226 = tpu.vector_load %arg6[%parallel_loop3A_1223, %parallel_loop3A_1224, %parallel_loop3A_1225] {strides = array<i32>} : memref<5x128x128xf32, #tpu.memory_space<vmem>>, vector<1x1x16xf32>,
        %parallel_loop3A_1227 = vector.shape_cast %parallel_loop3A_1226 : vector<1x1x16xf32> to vector<16xf32>
        %parallel_loop3A_1228 = vector.shape_cast %parallel_loop3A_1221 : vector<16xf32> to vector<1x1x16xf32>
        tpu.vector_store %arg6[%parallel_loop3A_1223, %parallel_loop3A_1224, %parallel_loop3A_1225], %parallel_loop3A_1228 {strides = array<i32>} : memref<5x128x128xf32, #tpu.memory_space<vmem>>, vector<1x1x16xf32>,
      } {sc.loop_unroll_factor = 1 : i64, sc.parallel_access}
      %dma_start3A_1041 = arith.constant 4 : i32
      %dma_start3A_1042 = arith.constant 0 : i32
      %dma_start3A_1043 = arith.constant 0 : i32
      %dma_start3A_1044 = tpu.memref_slice %arg6[%dma_start3A_1041, %dma_start3A_1042, %dma_start3A_1043] : memref<5x128x128xf32, #tpu.memory_space<vmem>> -> memref<1x128x128xf32, #tpu.memory_space<vmem>>
      %dma_start3A_1045 = tpu.memref_squeeze %dma_start3A_1044 : memref<1x128x128xf32, #tpu.memory_space<vmem>> -> memref<128x128xf32, #tpu.memory_space<vmem>>
      %dma_start3A_1046 = arith.constant 0 : i32
      %dma_start3A_1047 = arith.constant 0 : i32
      %dma_start3A_1048 = tpu.memref_slice %arg4[%add3A_1026, %dma_start3A_1046, %dma_start3A_1047] : memref<50x4096x128xf32, #tpu.memory_space<hbm>> -> memref<1x4096x128xf32, #tpu.memory_space<hbm>>
      %dma_start3A_1049 = tpu.memref_squeeze %dma_start3A_1048 : memref<1x4096x128xf32, #tpu.memory_space<hbm>> -> memref<4096x128xf32, #tpu.memory_space<hbm>>
      %dma_start3A_1050 = arith.constant 0 : i32
      %dma_start3A_1051 = tpu.memref_slice %dma_start3A_1049[%mul3A_2, %dma_start3A_1050] : memref<4096x128xf32, #tpu.memory_space<hbm>> -> memref<128x128xf32, #tpu.memory_space<hbm>>
      %dma_start3A_1052 = arith.constant 0 : i32
      %dma_start3A_1053 = arith.constant 0 : i32
      %dma_start3A_1054 = tpu.memref_slice %arg4[%add3A_1026, %dma_start3A_1052, %dma_start3A_1053] : memref<50x4096x128xf32, #tpu.memory_space<hbm>> -> memref<1x4096x128xf32, #tpu.memory_space<hbm>>
      %dma_start3A_1055 = tpu.memref_squeeze %dma_start3A_1054 : memref<1x4096x128xf32, #tpu.memory_space<hbm>> -> memref<4096x128xf32, #tpu.memory_space<hbm>>
      %dma_start3A_1056 = arith.constant 0 : i32
      %dma_start3A_1057 = tpu.memref_slice %dma_start3A_1055[%mul3A_2, %dma_start3A_1056] : memref<4096x128xf32, #tpu.memory_space<hbm>> -> memref<128x128xf32, #tpu.memory_space<hbm>>
      %dma_start3A_1058 = arith.constant 0 : i32
      %dma_start3A_1059 = arith.constant 0 : i32
      %dma_start3A_1060 = tpu.memref_slice %arg6[%dma_start3A_1041, %dma_start3A_1058, %dma_start3A_1059] : memref<5x128x128xf32, #tpu.memory_space<vmem>> -> memref<1x128x128xf32, #tpu.memory_space<vmem>>
      %dma_start3A_1061 = tpu.memref_squeeze %dma_start3A_1060 : memref<1x128x128xf32, #tpu.memory_space<vmem>> -> memref<128x128xf32, #tpu.memory_space<vmem>>
      tpu.enqueue_dma source(%dma_start3A_1061 : memref<128x128xf32, #tpu.memory_space<vmem>>) target(%dma_start3A_1057 : memref<128x128xf32, #tpu.memory_space<hbm>>) target_semaphore(%arg16 : memref<!tpu.dma_semaphore, #tpu.memory_space<semaphore_mem>>)
      %sub3A_1062 = arith.constant 1 : i32
      %sub3A_1063 = arith.subi %add3A_1026, %sub3A_1062 : i32
      %dma_wait3A_1064 = arith.constant 3 : i32
      %dma_wait3A_1065 = arith.constant 0 : i32
      %dma_wait3A_1066 = arith.constant 0 : i32
      %dma_wait3A_1067 = tpu.memref_slice %arg6[%dma_wait3A_1064, %dma_wait3A_1065, %dma_wait3A_1066] : memref<5x128x128xf32, #tpu.memory_space<vmem>> -> memref<1x128x128xf32, #tpu.memory_space<vmem>>
      %dma_wait3A_1068 = tpu.memref_squeeze %dma_wait3A_1067 : memref<1x128x128xf32, #tpu.memory_space<vmem>> -> memref<128x128xf32, #tpu.memory_space<vmem>>
      %dma_wait3A_1069 = arith.constant 0 : i32
      %dma_wait3A_1070 = arith.constant 0 : i32
      %dma_wait3A_1071 = tpu.memref_slice %arg4[%sub3A_1063, %dma_wait3A_1069, %dma_wait3A_1070] : memref<50x4096x128xf32, #tpu.memory_space<hbm>> -> memref<1x4096x128xf32, #tpu.memory_space<hbm>>
      %dma_wait3A_1072 = tpu.memref_squeeze %dma_wait3A_1071 : memref<1x4096x128xf32, #tpu.memory_space<hbm>> -> memref<4096x128xf32, #tpu.memory_space<hbm>>
      %dma_wait3A_1073 = arith.constant 0 : i32
      %dma_wait3A_1074 = tpu.memref_slice %dma_wait3A_1072[%mul3A_2, %dma_wait3A_1073] : memref<4096x128xf32, #tpu.memory_space<hbm>> -> memref<128x128xf32, #tpu.memory_space<hbm>>
      %dma_wait3A_1075 = arith.constant 0 : i32
      %dma_wait3A_1076 = arith.constant 0 : i32
      %dma_wait3A_1077 = tpu.memref_slice %arg4[%sub3A_1063, %dma_wait3A_1075, %dma_wait3A_1076] : memref<50x4096x128xf32, #tpu.memory_space<hbm>> -> memref<1x4096x128xf32, #tpu.memory_space<hbm>>
      %dma_wait3A_1078 = tpu.memref_squeeze %dma_wait3A_1077 : memref<1x4096x128xf32, #tpu.memory_space<hbm>> -> memref<4096x128xf32, #tpu.memory_space<hbm>>
      %dma_wait3A_1079 = arith.constant 0 : i32
      %dma_wait3A_1080 = tpu.memref_slice %dma_wait3A_1078[%mul3A_2, %dma_wait3A_1079] : memref<4096x128xf32, #tpu.memory_space<hbm>> -> memref<128x128xf32, #tpu.memory_space<hbm>>
      %dma_wait3A_1081 = arith.constant 0 : i32
      %dma_wait3A_1082 = arith.constant 0 : i32
      %dma_wait3A_1083 = tpu.memref_slice %arg6[%dma_wait3A_1064, %dma_wait3A_1081, %dma_wait3A_1082] : memref<5x128x128xf32, #tpu.memory_space<vmem>> -> memref<1x128x128xf32, #tpu.memory_space<vmem>>
      %dma_wait3A_1084 = tpu.memref_squeeze %dma_wait3A_1083 : memref<1x128x128xf32, #tpu.memory_space<vmem>> -> memref<128x128xf32, #tpu.memory_space<vmem>>
      tpu.wait_dma2 semaphore(%arg15 : memref<!tpu.dma_semaphore, #tpu.memory_space<semaphore_mem>>) src(%dma_wait3A_1084 : memref<128x128xf32, #tpu.memory_space<vmem>>) dst(%dma_wait3A_1080 : memref<128x128xf32, #tpu.memory_space<hbm>>)
      %add3A_1085 = arith.constant 5 : i32
      %add3A_1086 = arith.addi %add3A_1026, %add3A_1085 : i32
      %sub3A_1087 = arith.constant 1 : i32
      %sub3A_1088 = arith.subi %add3A_1086, %sub3A_1087 : i32
      %dma_start3A_1089 = arith.constant 3 : i32
      %dma_start3A_1090 = arith.constant 0 : i32
      %dma_start3A_1091 = arith.constant 0 : i32
      %dma_start3A_1092 = tpu.memref_slice %arg6[%dma_start3A_1089, %dma_start3A_1090, %dma_start3A_1091] : memref<5x128x128xf32, #tpu.memory_space<vmem>> -> memref<1x128x128xf32, #tpu.memory_space<vmem>>
      %dma_start3A_1093 = tpu.memref_squeeze %dma_start3A_1092 : memref<1x128x128xf32, #tpu.memory_space<vmem>> -> memref<128x128xf32, #tpu.memory_space<vmem>>
      %dma_start3A_1094 = arith.constant 0 : i32
      %dma_start3A_1095 = tpu.memref_slice %arg5[%sub3A_1088, %dma_start3A_1094] : memref<50x128xi32, #tpu.memory_space<vmem>> -> memref<1x128xi32, #tpu.memory_space<vmem>>
      %dma_start3A_1096 = tpu.memref_squeeze %dma_start3A_1095 : memref<1x128xi32, #tpu.memory_space<vmem>> -> memref<128xi32, #tpu.memory_space<vmem>>
      %dma_start3A_1097 = arith.constant 0 : i32
      %dma_start3A_1098 = arith.constant 0 : i32
      %dma_start3A_1099 = tpu.memref_slice %arg3[%dma_start3A_1097, %dma_start3A_1098] : memref<1000000x128xf32, #tpu.memory_space<hbm>> -> memref<1000000x128xf32, #tpu.memory_space<hbm>>
      tpu.enqueue_indirect_dma source(%dma_start3A_1099 : memref<1000000x128xf32, #tpu.memory_space<hbm>>) target(%dma_start3A_1093 : memref<128x128xf32, #tpu.memory_space<vmem>>) offsets(%dma_start3A_1096 : memref<128xi32, #tpu.memory_space<vmem>>) semaphore(%arg10 : memref<!tpu.dma_semaphore, #tpu.memory_space<semaphore_mem>>)
    }
    %scan3A_385 = arith.constant 8 : i32
    %dma_wait3A_386 = arith.constant 45 : i32
    %dma_wait3A_387 = arith.constant 0 : i32
    %dma_wait3A_388 = arith.constant 0 : i32
    %dma_wait3A_389 = arith.constant 0 : i32
    %dma_wait3A_390 = tpu.memref_slice %arg6[%dma_wait3A_387, %dma_wait3A_388, %dma_wait3A_389] : memref<5x128x128xf32, #tpu.memory_space<vmem>> -> memref<1x128x128xf32, #tpu.memory_space<vmem>>
    %dma_wait3A_391 = tpu.memref_squeeze %dma_wait3A_390 : memref<1x128x128xf32, #tpu.memory_space<vmem>> -> memref<128x128xf32, #tpu.memory_space<vmem>>
    %dma_wait3A_392 = arith.constant 0 : i32
    %dma_wait3A_393 = tpu.memref_slice %arg5[%dma_wait3A_386, %dma_wait3A_392] : memref<50x128xi32, #tpu.memory_space<vmem>> -> memref<1x128xi32, #tpu.memory_space<vmem>>
    %dma_wait3A_394 = tpu.memref_squeeze %dma_wait3A_393 : memref<1x128xi32, #tpu.memory_space<vmem>> -> memref<128xi32, #tpu.memory_space<vmem>>
    %dma_wait3A_395 = arith.constant 0 : i32
    %dma_wait3A_396 = arith.constant 0 : i32
    %dma_wait3A_397 = tpu.memref_slice %arg3[%dma_wait3A_395, %dma_wait3A_396] : memref<1000000x128xf32, #tpu.memory_space<hbm>> -> memref<1000000x128xf32, #tpu.memory_space<hbm>>
    tpu.wait_indirect_dma semaphore(%arg7 : memref<!tpu.dma_semaphore, #tpu.memory_space<semaphore_mem>>) src(%dma_wait3A_397 : memref<1000000x128xf32, #tpu.memory_space<hbm>>) dst(%dma_wait3A_391 : memref<128x128xf32, #tpu.memory_space<vmem>>)
    %parallel_loop3A_398 = arith.constant 0 : i32
    %parallel_loop3A_399 = arith.constant 128 : i32
    %parallel_loop3A_400 = arith.constant 1 : i32
    scf.for %parallel_loop3A_715 = %parallel_loop3A_398 to %parallel_loop3A_399 step %parallel_loop3A_400  : i32 {
      %parallel_loop3A_716 = arith.constant 0 : i32
      %parallel_loop3A_717 = arith.index_cast %parallel_loop3A_716 : i32 to index
      %parallel_loop3A_718 = arith.index_cast %parallel_loop3A_715 : i32 to index
      %parallel_loop3A_719 = arith.constant 0 : index
      %parallel_loop3A_720 = tpu.vector_load %arg6[%parallel_loop3A_717, %parallel_loop3A_718, %parallel_loop3A_719] {strides = array<i32>} : memref<5x128x128xf32, #tpu.memory_space<vmem>>, vector<1x1x16xf32>,
      %parallel_loop3A_721 = vector.shape_cast %parallel_loop3A_720 : vector<1x1x16xf32> to vector<16xf32>
      %parallel_loop3A_722 = arith.constant 11.3137083 : f32
      %parallel_loop3A_723 = vector.broadcast %parallel_loop3A_722 : f32 to vector<16xf32>
      %parallel_loop3A_724 = arith.mulf %parallel_loop3A_721, %parallel_loop3A_723 : vector<16xf32>
      %parallel_loop3A_725 = arith.constant 0 : i32
      %parallel_loop3A_726 = arith.index_cast %parallel_loop3A_725 : i32 to index
      %parallel_loop3A_727 = arith.index_cast %parallel_loop3A_715 : i32 to index
      %parallel_loop3A_728 = arith.constant 0 : index
      %parallel_loop3A_729 = tpu.vector_load %arg6[%parallel_loop3A_726, %parallel_loop3A_727, %parallel_loop3A_728] {strides = array<i32>} : memref<5x128x128xf32, #tpu.memory_space<vmem>>, vector<1x1x16xf32>,
      %parallel_loop3A_730 = vector.shape_cast %parallel_loop3A_729 : vector<1x1x16xf32> to vector<16xf32>
      %parallel_loop3A_731 = vector.shape_cast %parallel_loop3A_724 : vector<16xf32> to vector<1x1x16xf32>
      tpu.vector_store %arg6[%parallel_loop3A_726, %parallel_loop3A_727, %parallel_loop3A_728], %parallel_loop3A_731 {strides = array<i32>} : memref<5x128x128xf32, #tpu.memory_space<vmem>>, vector<1x1x16xf32>,
      %parallel_loop3A_732 = arith.constant 0 : i32
      %parallel_loop3A_733 = arith.index_cast %parallel_loop3A_732 : i32 to index
      %parallel_loop3A_734 = arith.index_cast %parallel_loop3A_715 : i32 to index
      %parallel_loop3A_735 = arith.constant 16 : index
      %parallel_loop3A_736 = tpu.vector_load %arg6[%parallel_loop3A_733, %parallel_loop3A_734, %parallel_loop3A_735] {strides = array<i32>} : memref<5x128x128xf32, #tpu.memory_space<vmem>>, vector<1x1x16xf32>,
      %parallel_loop3A_737 = vector.shape_cast %parallel_loop3A_736 : vector<1x1x16xf32> to vector<16xf32>
      %parallel_loop3A_738 = arith.constant 11.3137083 : f32
      %parallel_loop3A_739 = vector.broadcast %parallel_loop3A_738 : f32 to vector<16xf32>
      %parallel_loop3A_740 = arith.mulf %parallel_loop3A_737, %parallel_loop3A_739 : vector<16xf32>
      %parallel_loop3A_741 = arith.constant 0 : i32
      %parallel_loop3A_742 = arith.index_cast %parallel_loop3A_741 : i32 to index
      %parallel_loop3A_743 = arith.index_cast %parallel_loop3A_715 : i32 to index
      %parallel_loop3A_744 = arith.constant 16 : index
      %parallel_loop3A_745 = tpu.vector_load %arg6[%parallel_loop3A_742, %parallel_loop3A_743, %parallel_loop3A_744] {strides = array<i32>} : memref<5x128x128xf32, #tpu.memory_space<vmem>>, vector<1x1x16xf32>,
      %parallel_loop3A_746 = vector.shape_cast %parallel_loop3A_745 : vector<1x1x16xf32> to vector<16xf32>
      %parallel_loop3A_747 = vector.shape_cast %parallel_loop3A_740 : vector<16xf32> to vector<1x1x16xf32>
      tpu.vector_store %arg6[%parallel_loop3A_742, %parallel_loop3A_743, %parallel_loop3A_744], %parallel_loop3A_747 {strides = array<i32>} : memref<5x128x128xf32, #tpu.memory_space<vmem>>, vector<1x1x16xf32>,
      %parallel_loop3A_748 = arith.constant 0 : i32
      %parallel_loop3A_749 = arith.index_cast %parallel_loop3A_748 : i32 to index
      %parallel_loop3A_750 = arith.index_cast %parallel_loop3A_715 : i32 to index
      %parallel_loop3A_751 = arith.constant 32 : index
      %parallel_loop3A_752 = tpu.vector_load %arg6[%parallel_loop3A_749, %parallel_loop3A_750, %parallel_loop3A_751] {strides = array<i32>} : memref<5x128x128xf32, #tpu.memory_space<vmem>>, vector<1x1x16xf32>,
      %parallel_loop3A_753 = vector.shape_cast %parallel_loop3A_752 : vector<1x1x16xf32> to vector<16xf32>
      %parallel_loop3A_754 = arith.constant 11.3137083 : f32
      %parallel_loop3A_755 = vector.broadcast %parallel_loop3A_754 : f32 to vector<16xf32>
      %parallel_loop3A_756 = arith.mulf %parallel_loop3A_753, %parallel_loop3A_755 : vector<16xf32>
      %parallel_loop3A_757 = arith.constant 0 : i32
      %parallel_loop3A_758 = arith.index_cast %parallel_loop3A_757 : i32 to index
      %parallel_loop3A_759 = arith.index_cast %parallel_loop3A_715 : i32 to index
      %parallel_loop3A_760 = arith.constant 32 : index
      %parallel_loop3A_761 = tpu.vector_load %arg6[%parallel_loop3A_758, %parallel_loop3A_759, %parallel_loop3A_760] {strides = array<i32>} : memref<5x128x128xf32, #tpu.memory_space<vmem>>, vector<1x1x16xf32>,
      %parallel_loop3A_762 = vector.shape_cast %parallel_loop3A_761 : vector<1x1x16xf32> to vector<16xf32>
      %parallel_loop3A_763 = vector.shape_cast %parallel_loop3A_756 : vector<16xf32> to vector<1x1x16xf32>
      tpu.vector_store %arg6[%parallel_loop3A_758, %parallel_loop3A_759, %parallel_loop3A_760], %parallel_loop3A_763 {strides = array<i32>} : memref<5x128x128xf32, #tpu.memory_space<vmem>>, vector<1x1x16xf32>,
      %parallel_loop3A_764 = arith.constant 0 : i32
      %parallel_loop3A_765 = arith.index_cast %parallel_loop3A_764 : i32 to index
      %parallel_loop3A_766 = arith.index_cast %parallel_loop3A_715 : i32 to index
      %parallel_loop3A_767 = arith.constant 48 : index
      %parallel_loop3A_768 = tpu.vector_load %arg6[%parallel_loop3A_765, %parallel_loop3A_766, %parallel_loop3A_767] {strides = array<i32>} : memref<5x128x128xf32, #tpu.memory_space<vmem>>, vector<1x1x16xf32>,
      %parallel_loop3A_769 = vector.shape_cast %parallel_loop3A_768 : vector<1x1x16xf32> to vector<16xf32>
      %parallel_loop3A_770 = arith.constant 11.3137083 : f32
      %parallel_loop3A_771 = vector.broadcast %parallel_loop3A_770 : f32 to vector<16xf32>
      %parallel_loop3A_772 = arith.mulf %parallel_loop3A_769, %parallel_loop3A_771 : vector<16xf32>
      %parallel_loop3A_773 = arith.constant 0 : i32
      %parallel_loop3A_774 = arith.index_cast %parallel_loop3A_773 : i32 to index
      %parallel_loop3A_775 = arith.index_cast %parallel_loop3A_715 : i32 to index
      %parallel_loop3A_776 = arith.constant 48 : index
      %parallel_loop3A_777 = tpu.vector_load %arg6[%parallel_loop3A_774, %parallel_loop3A_775, %parallel_loop3A_776] {strides = array<i32>} : memref<5x128x128xf32, #tpu.memory_space<vmem>>, vector<1x1x16xf32>,
      %parallel_loop3A_778 = vector.shape_cast %parallel_loop3A_777 : vector<1x1x16xf32> to vector<16xf32>
      %parallel_loop3A_779 = vector.shape_cast %parallel_loop3A_772 : vector<16xf32> to vector<1x1x16xf32>
      tpu.vector_store %arg6[%parallel_loop3A_774, %parallel_loop3A_775, %parallel_loop3A_776], %parallel_loop3A_779 {strides = array<i32>} : memref<5x128x128xf32, #tpu.memory_space<vmem>>, vector<1x1x16xf32>,
      %parallel_loop3A_780 = arith.constant 0 : i32
      %parallel_loop3A_781 = arith.index_cast %parallel_loop3A_780 : i32 to index
      %parallel_loop3A_782 = arith.index_cast %parallel_loop3A_715 : i32 to index
      %parallel_loop3A_783 = arith.constant 64 : index
      %parallel_loop3A_784 = tpu.vector_load %arg6[%parallel_loop3A_781, %parallel_loop3A_782, %parallel_loop3A_783] {strides = array<i32>} : memref<5x128x128xf32, #tpu.memory_space<vmem>>, vector<1x1x16xf32>,
      %parallel_loop3A_785 = vector.shape_cast %parallel_loop3A_784 : vector<1x1x16xf32> to vector<16xf32>
      %parallel_loop3A_786 = arith.constant 11.3137083 : f32
      %parallel_loop3A_787 = vector.broadcast %parallel_loop3A_786 : f32 to vector<16xf32>
      %parallel_loop3A_788 = arith.mulf %parallel_loop3A_785, %parallel_loop3A_787 : vector<16xf32>
      %parallel_loop3A_789 = arith.constant 0 : i32
      %parallel_loop3A_790 = arith.index_cast %parallel_loop3A_789 : i32 to index
      %parallel_loop3A_791 = arith.index_cast %parallel_loop3A_715 : i32 to index
      %parallel_loop3A_792 = arith.constant 64 : index
      %parallel_loop3A_793 = tpu.vector_load %arg6[%parallel_loop3A_790, %parallel_loop3A_791, %parallel_loop3A_792] {strides = array<i32>} : memref<5x128x128xf32, #tpu.memory_space<vmem>>, vector<1x1x16xf32>,
      %parallel_loop3A_794 = vector.shape_cast %parallel_loop3A_793 : vector<1x1x16xf32> to vector<16xf32>
      %parallel_loop3A_795 = vector.shape_cast %parallel_loop3A_788 : vector<16xf32> to vector<1x1x16xf32>
      tpu.vector_store %arg6[%parallel_loop3A_790, %parallel_loop3A_791, %parallel_loop3A_792], %parallel_loop3A_795 {strides = array<i32>} : memref<5x128x128xf32, #tpu.memory_space<vmem>>, vector<1x1x16xf32>,
      %parallel_loop3A_796 = arith.constant 0 : i32
      %parallel_loop3A_797 = arith.index_cast %parallel_loop3A_796 : i32 to index
      %parallel_loop3A_798 = arith.index_cast %parallel_loop3A_715 : i32 to index
      %parallel_loop3A_799 = arith.constant 80 : index
      %parallel_loop3A_800 = tpu.vector_load %arg6[%parallel_loop3A_797, %parallel_loop3A_798, %parallel_loop3A_799] {strides = array<i32>} : memref<5x128x128xf32, #tpu.memory_space<vmem>>, vector<1x1x16xf32>,
      %parallel_loop3A_801 = vector.shape_cast %parallel_loop3A_800 : vector<1x1x16xf32> to vector<16xf32>
      %parallel_loop3A_802 = arith.constant 11.3137083 : f32
      %parallel_loop3A_803 = vector.broadcast %parallel_loop3A_802 : f32 to vector<16xf32>
      %parallel_loop3A_804 = arith.mulf %parallel_loop3A_801, %parallel_loop3A_803 : vector<16xf32>
      %parallel_loop3A_805 = arith.constant 0 : i32
      %parallel_loop3A_806 = arith.index_cast %parallel_loop3A_805 : i32 to index
      %parallel_loop3A_807 = arith.index_cast %parallel_loop3A_715 : i32 to index
      %parallel_loop3A_808 = arith.constant 80 : index
      %parallel_loop3A_809 = tpu.vector_load %arg6[%parallel_loop3A_806, %parallel_loop3A_807, %parallel_loop3A_808] {strides = array<i32>} : memref<5x128x128xf32, #tpu.memory_space<vmem>>, vector<1x1x16xf32>,
      %parallel_loop3A_810 = vector.shape_cast %parallel_loop3A_809 : vector<1x1x16xf32> to vector<16xf32>
      %parallel_loop3A_811 = vector.shape_cast %parallel_loop3A_804 : vector<16xf32> to vector<1x1x16xf32>
      tpu.vector_store %arg6[%parallel_loop3A_806, %parallel_loop3A_807, %parallel_loop3A_808], %parallel_loop3A_811 {strides = array<i32>} : memref<5x128x128xf32, #tpu.memory_space<vmem>>, vector<1x1x16xf32>,
      %parallel_loop3A_812 = arith.constant 0 : i32
      %parallel_loop3A_813 = arith.index_cast %parallel_loop3A_812 : i32 to index
      %parallel_loop3A_814 = arith.index_cast %parallel_loop3A_715 : i32 to index
      %parallel_loop3A_815 = arith.constant 96 : index
      %parallel_loop3A_816 = tpu.vector_load %arg6[%parallel_loop3A_813, %parallel_loop3A_814, %parallel_loop3A_815] {strides = array<i32>} : memref<5x128x128xf32, #tpu.memory_space<vmem>>, vector<1x1x16xf32>,
      %parallel_loop3A_817 = vector.shape_cast %parallel_loop3A_816 : vector<1x1x16xf32> to vector<16xf32>
      %parallel_loop3A_818 = arith.constant 11.3137083 : f32
      %parallel_loop3A_819 = vector.broadcast %parallel_loop3A_818 : f32 to vector<16xf32>
      %parallel_loop3A_820 = arith.mulf %parallel_loop3A_817, %parallel_loop3A_819 : vector<16xf32>
      %parallel_loop3A_821 = arith.constant 0 : i32
      %parallel_loop3A_822 = arith.index_cast %parallel_loop3A_821 : i32 to index
      %parallel_loop3A_823 = arith.index_cast %parallel_loop3A_715 : i32 to index
      %parallel_loop3A_824 = arith.constant 96 : index
      %parallel_loop3A_825 = tpu.vector_load %arg6[%parallel_loop3A_822, %parallel_loop3A_823, %parallel_loop3A_824] {strides = array<i32>} : memref<5x128x128xf32, #tpu.memory_space<vmem>>, vector<1x1x16xf32>,
      %parallel_loop3A_826 = vector.shape_cast %parallel_loop3A_825 : vector<1x1x16xf32> to vector<16xf32>
      %parallel_loop3A_827 = vector.shape_cast %parallel_loop3A_820 : vector<16xf32> to vector<1x1x16xf32>
      tpu.vector_store %arg6[%parallel_loop3A_822, %parallel_loop3A_823, %parallel_loop3A_824], %parallel_loop3A_827 {strides = array<i32>} : memref<5x128x128xf32, #tpu.memory_space<vmem>>, vector<1x1x16xf32>,
      %parallel_loop3A_828 = arith.constant 0 : i32
      %parallel_loop3A_829 = arith.index_cast %parallel_loop3A_828 : i32 to index
      %parallel_loop3A_830 = arith.index_cast %parallel_loop3A_715 : i32 to index
      %parallel_loop3A_831 = arith.constant 112 : index
      %parallel_loop3A_832 = tpu.vector_load %arg6[%parallel_loop3A_829, %parallel_loop3A_830, %parallel_loop3A_831] {strides = array<i32>} : memref<5x128x128xf32, #tpu.memory_space<vmem>>, vector<1x1x16xf32>,
      %parallel_loop3A_833 = vector.shape_cast %parallel_loop3A_832 : vector<1x1x16xf32> to vector<16xf32>
      %parallel_loop3A_834 = arith.constant 11.3137083 : f32
      %parallel_loop3A_835 = vector.broadcast %parallel_loop3A_834 : f32 to vector<16xf32>
      %parallel_loop3A_836 = arith.mulf %parallel_loop3A_833, %parallel_loop3A_835 : vector<16xf32>
      %parallel_loop3A_837 = arith.constant 0 : i32
      %parallel_loop3A_838 = arith.index_cast %parallel_loop3A_837 : i32 to index
      %parallel_loop3A_839 = arith.index_cast %parallel_loop3A_715 : i32 to index
      %parallel_loop3A_840 = arith.constant 112 : index
      %parallel_loop3A_841 = tpu.vector_load %arg6[%parallel_loop3A_838, %parallel_loop3A_839, %parallel_loop3A_840] {strides = array<i32>} : memref<5x128x128xf32, #tpu.memory_space<vmem>>, vector<1x1x16xf32>,
      %parallel_loop3A_842 = vector.shape_cast %parallel_loop3A_841 : vector<1x1x16xf32> to vector<16xf32>
      %parallel_loop3A_843 = vector.shape_cast %parallel_loop3A_836 : vector<16xf32> to vector<1x1x16xf32>
      tpu.vector_store %arg6[%parallel_loop3A_838, %parallel_loop3A_839, %parallel_loop3A_840], %parallel_loop3A_843 {strides = array<i32>} : memref<5x128x128xf32, #tpu.memory_space<vmem>>, vector<1x1x16xf32>,
    } {sc.loop_unroll_factor = 1 : i64, sc.parallel_access}
    %dma_wait3A_401 = arith.constant 4 : i32
    %dma_wait3A_402 = arith.constant 44 : i32
    %dma_wait3A_403 = arith.constant 0 : i32
    %dma_wait3A_404 = arith.constant 0 : i32
    %dma_wait3A_405 = tpu.memref_slice %arg6[%dma_wait3A_401, %dma_wait3A_403, %dma_wait3A_404] : memref<5x128x128xf32, #tpu.memory_space<vmem>> -> memref<1x128x128xf32, #tpu.memory_space<vmem>>
    %dma_wait3A_406 = tpu.memref_squeeze %dma_wait3A_405 : memref<1x128x128xf32, #tpu.memory_space<vmem>> -> memref<128x128xf32, #tpu.memory_space<vmem>>
    %dma_wait3A_407 = arith.constant 0 : i32
    %dma_wait3A_408 = arith.constant 0 : i32
    %dma_wait3A_409 = tpu.memref_slice %arg4[%dma_wait3A_402, %dma_wait3A_407, %dma_wait3A_408] : memref<50x4096x128xf32, #tpu.memory_space<hbm>> -> memref<1x4096x128xf32, #tpu.memory_space<hbm>>
    %dma_wait3A_410 = tpu.memref_squeeze %dma_wait3A_409 : memref<1x4096x128xf32, #tpu.memory_space<hbm>> -> memref<4096x128xf32, #tpu.memory_space<hbm>>
    %dma_wait3A_411 = arith.constant 0 : i32
    %dma_wait3A_412 = tpu.memref_slice %dma_wait3A_410[%mul3A_2, %dma_wait3A_411] : memref<4096x128xf32, #tpu.memory_space<hbm>> -> memref<128x128xf32, #tpu.memory_space<hbm>>
    %dma_wait3A_413 = arith.constant 0 : i32
    %dma_wait3A_414 = arith.constant 0 : i32
    %dma_wait3A_415 = tpu.memref_slice %arg4[%dma_wait3A_402, %dma_wait3A_413, %dma_wait3A_414] : memref<50x4096x128xf32, #tpu.memory_space<hbm>> -> memref<1x4096x128xf32, #tpu.memory_space<hbm>>
    %dma_wait3A_416 = tpu.memref_squeeze %dma_wait3A_415 : memref<1x4096x128xf32, #tpu.memory_space<hbm>> -> memref<4096x128xf32, #tpu.memory_space<hbm>>
    %dma_wait3A_417 = arith.constant 0 : i32
    %dma_wait3A_418 = tpu.memref_slice %dma_wait3A_416[%mul3A_2, %dma_wait3A_417] : memref<4096x128xf32, #tpu.memory_space<hbm>> -> memref<128x128xf32, #tpu.memory_space<hbm>>
    %dma_wait3A_419 = arith.constant 0 : i32
    %dma_wait3A_420 = arith.constant 0 : i32
    %dma_wait3A_421 = tpu.memref_slice %arg6[%dma_wait3A_401, %dma_wait3A_419, %dma_wait3A_420] : memref<5x128x128xf32, #tpu.memory_space<vmem>> -> memref<1x128x128xf32, #tpu.memory_space<vmem>>
    %dma_wait3A_422 = tpu.memref_squeeze %dma_wait3A_421 : memref<1x128x128xf32, #tpu.memory_space<vmem>> -> memref<128x128xf32, #tpu.memory_space<vmem>>
    tpu.wait_dma2 semaphore(%arg16 : memref<!tpu.dma_semaphore, #tpu.memory_space<semaphore_mem>>) src(%dma_wait3A_422 : memref<128x128xf32, #tpu.memory_space<vmem>>) dst(%dma_wait3A_418 : memref<128x128xf32, #tpu.memory_space<hbm>>)
    %dma_start3A_423 = arith.constant 49 : i32
    %dma_start3A_424 = arith.constant 4 : i32
    %dma_start3A_425 = arith.constant 0 : i32
    %dma_start3A_426 = arith.constant 0 : i32
    %dma_start3A_427 = tpu.memref_slice %arg6[%dma_start3A_424, %dma_start3A_425, %dma_start3A_426] : memref<5x128x128xf32, #tpu.memory_space<vmem>> -> memref<1x128x128xf32, #tpu.memory_space<vmem>>
    %dma_start3A_428 = tpu.memref_squeeze %dma_start3A_427 : memref<1x128x128xf32, #tpu.memory_space<vmem>> -> memref<128x128xf32, #tpu.memory_space<vmem>>
    %dma_start3A_429 = arith.constant 0 : i32
    %dma_start3A_430 = tpu.memref_slice %arg5[%dma_start3A_423, %dma_start3A_429] : memref<50x128xi32, #tpu.memory_space<vmem>> -> memref<1x128xi32, #tpu.memory_space<vmem>>
    %dma_start3A_431 = tpu.memref_squeeze %dma_start3A_430 : memref<1x128xi32, #tpu.memory_space<vmem>> -> memref<128xi32, #tpu.memory_space<vmem>>
    %dma_start3A_432 = arith.constant 0 : i32
    %dma_start3A_433 = arith.constant 0 : i32
    %dma_start3A_434 = tpu.memref_slice %arg3[%dma_start3A_432, %dma_start3A_433] : memref<1000000x128xf32, #tpu.memory_space<hbm>> -> memref<1000000x128xf32, #tpu.memory_space<hbm>>
    tpu.enqueue_indirect_dma source(%dma_start3A_434 : memref<1000000x128xf32, #tpu.memory_space<hbm>>) target(%dma_start3A_428 : memref<128x128xf32, #tpu.memory_space<vmem>>) offsets(%dma_start3A_431 : memref<128xi32, #tpu.memory_space<vmem>>) semaphore(%arg11 : memref<!tpu.dma_semaphore, #tpu.memory_space<semaphore_mem>>)
    %dma_start3A_435 = arith.constant 0 : i32
    %dma_start3A_436 = arith.constant 45 : i32
    %dma_start3A_437 = arith.constant 0 : i32
    %dma_start3A_438 = arith.constant 0 : i32
    %dma_start3A_439 = tpu.memref_slice %arg6[%dma_start3A_435, %dma_start3A_437, %dma_start3A_438] : memref<5x128x128xf32, #tpu.memory_space<vmem>> -> memref<1x128x128xf32, #tpu.memory_space<vmem>>
    %dma_start3A_440 = tpu.memref_squeeze %dma_start3A_439 : memref<1x128x128xf32, #tpu.memory_space<vmem>> -> memref<128x128xf32, #tpu.memory_space<vmem>>
    %dma_start3A_441 = arith.constant 0 : i32
    %dma_start3A_442 = arith.constant 0 : i32
    %dma_start3A_443 = tpu.memref_slice %arg4[%dma_start3A_436, %dma_start3A_441, %dma_start3A_442] : memref<50x4096x128xf32, #tpu.memory_space<hbm>> -> memref<1x4096x128xf32, #tpu.memory_space<hbm>>
    %dma_start3A_444 = tpu.memref_squeeze %dma_start3A_443 : memref<1x4096x128xf32, #tpu.memory_space<hbm>> -> memref<4096x128xf32, #tpu.memory_space<hbm>>
    %dma_start3A_445 = arith.constant 0 : i32
    %dma_start3A_446 = tpu.memref_slice %dma_start3A_444[%mul3A_2, %dma_start3A_445] : memref<4096x128xf32, #tpu.memory_space<hbm>> -> memref<128x128xf32, #tpu.memory_space<hbm>>
    %dma_start3A_447 = arith.constant 0 : i32
    %dma_start3A_448 = arith.constant 0 : i32
    %dma_start3A_449 = tpu.memref_slice %arg4[%dma_start3A_436, %dma_start3A_447, %dma_start3A_448] : memref<50x4096x128xf32, #tpu.memory_space<hbm>> -> memref<1x4096x128xf32, #tpu.memory_space<hbm>>
    %dma_start3A_450 = tpu.memref_squeeze %dma_start3A_449 : memref<1x4096x128xf32, #tpu.memory_space<hbm>> -> memref<4096x128xf32, #tpu.memory_space<hbm>>
    %dma_start3A_451 = arith.constant 0 : i32
    %dma_start3A_452 = tpu.memref_slice %dma_start3A_450[%mul3A_2, %dma_start3A_451] : memref<4096x128xf32, #tpu.memory_space<hbm>> -> memref<128x128xf32, #tpu.memory_space<hbm>>
    %dma_start3A_453 = arith.constant 0 : i32
    %dma_start3A_454 = arith.constant 0 : i32
    %dma_start3A_455 = tpu.memref_slice %arg6[%dma_start3A_435, %dma_start3A_453, %dma_start3A_454] : memref<5x128x128xf32, #tpu.memory_space<vmem>> -> memref<1x128x128xf32, #tpu.memory_space<vmem>>
    %dma_start3A_456 = tpu.memref_squeeze %dma_start3A_455 : memref<1x128x128xf32, #tpu.memory_space<vmem>> -> memref<128x128xf32, #tpu.memory_space<vmem>>
    tpu.enqueue_dma source(%dma_start3A_456 : memref<128x128xf32, #tpu.memory_space<vmem>>) target(%dma_start3A_452 : memref<128x128xf32, #tpu.memory_space<hbm>>) target_semaphore(%arg12 : memref<!tpu.dma_semaphore, #tpu.memory_space<semaphore_mem>>)
    %dma_wait3A_457 = arith.constant 46 : i32
    %dma_wait3A_458 = arith.constant 1 : i32
    %dma_wait3A_459 = arith.constant 0 : i32
    %dma_wait3A_460 = arith.constant 0 : i32
    %dma_wait3A_461 = tpu.memref_slice %arg6[%dma_wait3A_458, %dma_wait3A_459, %dma_wait3A_460] : memref<5x128x128xf32, #tpu.memory_space<vmem>> -> memref<1x128x128xf32, #tpu.memory_space<vmem>>
    %dma_wait3A_462 = tpu.memref_squeeze %dma_wait3A_461 : memref<1x128x128xf32, #tpu.memory_space<vmem>> -> memref<128x128xf32, #tpu.memory_space<vmem>>
    %dma_wait3A_463 = arith.constant 0 : i32
    %dma_wait3A_464 = tpu.memref_slice %arg5[%dma_wait3A_457, %dma_wait3A_463] : memref<50x128xi32, #tpu.memory_space<vmem>> -> memref<1x128xi32, #tpu.memory_space<vmem>>
    %dma_wait3A_465 = tpu.memref_squeeze %dma_wait3A_464 : memref<1x128xi32, #tpu.memory_space<vmem>> -> memref<128xi32, #tpu.memory_space<vmem>>
    %dma_wait3A_466 = arith.constant 0 : i32
    %dma_wait3A_467 = arith.constant 0 : i32
    %dma_wait3A_468 = tpu.memref_slice %arg3[%dma_wait3A_466, %dma_wait3A_467] : memref<1000000x128xf32, #tpu.memory_space<hbm>> -> memref<1000000x128xf32, #tpu.memory_space<hbm>>
    tpu.wait_indirect_dma semaphore(%arg8 : memref<!tpu.dma_semaphore, #tpu.memory_space<semaphore_mem>>) src(%dma_wait3A_468 : memref<1000000x128xf32, #tpu.memory_space<hbm>>) dst(%dma_wait3A_462 : memref<128x128xf32, #tpu.memory_space<vmem>>)
    %parallel_loop3A_469 = arith.constant 0 : i32
    %parallel_loop3A_470 = arith.constant 128 : i32
    %parallel_loop3A_471 = arith.constant 1 : i32
    scf.for %parallel_loop3A_715 = %parallel_loop3A_469 to %parallel_loop3A_470 step %parallel_loop3A_471  : i32 {
      %parallel_loop3A_716 = arith.constant 1 : i32
      %parallel_loop3A_717 = arith.index_cast %parallel_loop3A_716 : i32 to index
      %parallel_loop3A_718 = arith.index_cast %parallel_loop3A_715 : i32 to index
      %parallel_loop3A_719 = arith.constant 0 : index
      %parallel_loop3A_720 = tpu.vector_load %arg6[%parallel_loop3A_717, %parallel_loop3A_718, %parallel_loop3A_719] {strides = array<i32>} : memref<5x128x128xf32, #tpu.memory_space<vmem>>, vector<1x1x16xf32>,
      %parallel_loop3A_721 = vector.shape_cast %parallel_loop3A_720 : vector<1x1x16xf32> to vector<16xf32>
      %parallel_loop3A_722 = arith.constant 11.3137083 : f32
      %parallel_loop3A_723 = vector.broadcast %parallel_loop3A_722 : f32 to vector<16xf32>
      %parallel_loop3A_724 = arith.mulf %parallel_loop3A_721, %parallel_loop3A_723 : vector<16xf32>
      %parallel_loop3A_725 = arith.constant 1 : i32
      %parallel_loop3A_726 = arith.index_cast %parallel_loop3A_725 : i32 to index
      %parallel_loop3A_727 = arith.index_cast %parallel_loop3A_715 : i32 to index
      %parallel_loop3A_728 = arith.constant 0 : index
      %parallel_loop3A_729 = tpu.vector_load %arg6[%parallel_loop3A_726, %parallel_loop3A_727, %parallel_loop3A_728] {strides = array<i32>} : memref<5x128x128xf32, #tpu.memory_space<vmem>>, vector<1x1x16xf32>,
      %parallel_loop3A_730 = vector.shape_cast %parallel_loop3A_729 : vector<1x1x16xf32> to vector<16xf32>
      %parallel_loop3A_731 = vector.shape_cast %parallel_loop3A_724 : vector<16xf32> to vector<1x1x16xf32>
      tpu.vector_store %arg6[%parallel_loop3A_726, %parallel_loop3A_727, %parallel_loop3A_728], %parallel_loop3A_731 {strides = array<i32>} : memref<5x128x128xf32, #tpu.memory_space<vmem>>, vector<1x1x16xf32>,
      %parallel_loop3A_732 = arith.constant 1 : i32
      %parallel_loop3A_733 = arith.index_cast %parallel_loop3A_732 : i32 to index
      %parallel_loop3A_734 = arith.index_cast %parallel_loop3A_715 : i32 to index
      %parallel_loop3A_735 = arith.constant 16 : index
      %parallel_loop3A_736 = tpu.vector_load %arg6[%parallel_loop3A_733, %parallel_loop3A_734, %parallel_loop3A_735] {strides = array<i32>} : memref<5x128x128xf32, #tpu.memory_space<vmem>>, vector<1x1x16xf32>,
      %parallel_loop3A_737 = vector.shape_cast %parallel_loop3A_736 : vector<1x1x16xf32> to vector<16xf32>
      %parallel_loop3A_738 = arith.constant 11.3137083 : f32
      %parallel_loop3A_739 = vector.broadcast %parallel_loop3A_738 : f32 to vector<16xf32>
      %parallel_loop3A_740 = arith.mulf %parallel_loop3A_737, %parallel_loop3A_739 : vector<16xf32>
      %parallel_loop3A_741 = arith.constant 1 : i32
      %parallel_loop3A_742 = arith.index_cast %parallel_loop3A_741 : i32 to index
      %parallel_loop3A_743 = arith.index_cast %parallel_loop3A_715 : i32 to index
      %parallel_loop3A_744 = arith.constant 16 : index
      %parallel_loop3A_745 = tpu.vector_load %arg6[%parallel_loop3A_742, %parallel_loop3A_743, %parallel_loop3A_744] {strides = array<i32>} : memref<5x128x128xf32, #tpu.memory_space<vmem>>, vector<1x1x16xf32>,
      %parallel_loop3A_746 = vector.shape_cast %parallel_loop3A_745 : vector<1x1x16xf32> to vector<16xf32>
      %parallel_loop3A_747 = vector.shape_cast %parallel_loop3A_740 : vector<16xf32> to vector<1x1x16xf32>
      tpu.vector_store %arg6[%parallel_loop3A_742, %parallel_loop3A_743, %parallel_loop3A_744], %parallel_loop3A_747 {strides = array<i32>} : memref<5x128x128xf32, #tpu.memory_space<vmem>>, vector<1x1x16xf32>,
      %parallel_loop3A_748 = arith.constant 1 : i32
      %parallel_loop3A_749 = arith.index_cast %parallel_loop3A_748 : i32 to index
      %parallel_loop3A_750 = arith.index_cast %parallel_loop3A_715 : i32 to index
      %parallel_loop3A_751 = arith.constant 32 : index
      %parallel_loop3A_752 = tpu.vector_load %arg6[%parallel_loop3A_749, %parallel_loop3A_750, %parallel_loop3A_751] {strides = array<i32>} : memref<5x128x128xf32, #tpu.memory_space<vmem>>, vector<1x1x16xf32>,
      %parallel_loop3A_753 = vector.shape_cast %parallel_loop3A_752 : vector<1x1x16xf32> to vector<16xf32>
      %parallel_loop3A_754 = arith.constant 11.3137083 : f32
      %parallel_loop3A_755 = vector.broadcast %parallel_loop3A_754 : f32 to vector<16xf32>
      %parallel_loop3A_756 = arith.mulf %parallel_loop3A_753, %parallel_loop3A_755 : vector<16xf32>
      %parallel_loop3A_757 = arith.constant 1 : i32
      %parallel_loop3A_758 = arith.index_cast %parallel_loop3A_757 : i32 to index
      %parallel_loop3A_759 = arith.index_cast %parallel_loop3A_715 : i32 to index
      %parallel_loop3A_760 = arith.constant 32 : index
      %parallel_loop3A_761 = tpu.vector_load %arg6[%parallel_loop3A_758, %parallel_loop3A_759, %parallel_loop3A_760] {strides = array<i32>} : memref<5x128x128xf32, #tpu.memory_space<vmem>>, vector<1x1x16xf32>,
      %parallel_loop3A_762 = vector.shape_cast %parallel_loop3A_761 : vector<1x1x16xf32> to vector<16xf32>
      %parallel_loop3A_763 = vector.shape_cast %parallel_loop3A_756 : vector<16xf32> to vector<1x1x16xf32>
      tpu.vector_store %arg6[%parallel_loop3A_758, %parallel_loop3A_759, %parallel_loop3A_760], %parallel_loop3A_763 {strides = array<i32>} : memref<5x128x128xf32, #tpu.memory_space<vmem>>, vector<1x1x16xf32>,
      %parallel_loop3A_764 = arith.constant 1 : i32
      %parallel_loop3A_765 = arith.index_cast %parallel_loop3A_764 : i32 to index
      %parallel_loop3A_766 = arith.index_cast %parallel_loop3A_715 : i32 to index
      %parallel_loop3A_767 = arith.constant 48 : index
      %parallel_loop3A_768 = tpu.vector_load %arg6[%parallel_loop3A_765, %parallel_loop3A_766, %parallel_loop3A_767] {strides = array<i32>} : memref<5x128x128xf32, #tpu.memory_space<vmem>>, vector<1x1x16xf32>,
      %parallel_loop3A_769 = vector.shape_cast %parallel_loop3A_768 : vector<1x1x16xf32> to vector<16xf32>
      %parallel_loop3A_770 = arith.constant 11.3137083 : f32
      %parallel_loop3A_771 = vector.broadcast %parallel_loop3A_770 : f32 to vector<16xf32>
      %parallel_loop3A_772 = arith.mulf %parallel_loop3A_769, %parallel_loop3A_771 : vector<16xf32>
      %parallel_loop3A_773 = arith.constant 1 : i32
      %parallel_loop3A_774 = arith.index_cast %parallel_loop3A_773 : i32 to index
      %parallel_loop3A_775 = arith.index_cast %parallel_loop3A_715 : i32 to index
      %parallel_loop3A_776 = arith.constant 48 : index
      %parallel_loop3A_777 = tpu.vector_load %arg6[%parallel_loop3A_774, %parallel_loop3A_775, %parallel_loop3A_776] {strides = array<i32>} : memref<5x128x128xf32, #tpu.memory_space<vmem>>, vector<1x1x16xf32>,
      %parallel_loop3A_778 = vector.shape_cast %parallel_loop3A_777 : vector<1x1x16xf32> to vector<16xf32>
      %parallel_loop3A_779 = vector.shape_cast %parallel_loop3A_772 : vector<16xf32> to vector<1x1x16xf32>
      tpu.vector_store %arg6[%parallel_loop3A_774, %parallel_loop3A_775, %parallel_loop3A_776], %parallel_loop3A_779 {strides = array<i32>} : memref<5x128x128xf32, #tpu.memory_space<vmem>>, vector<1x1x16xf32>,
      %parallel_loop3A_780 = arith.constant 1 : i32
      %parallel_loop3A_781 = arith.index_cast %parallel_loop3A_780 : i32 to index
      %parallel_loop3A_782 = arith.index_cast %parallel_loop3A_715 : i32 to index
      %parallel_loop3A_783 = arith.constant 64 : index
      %parallel_loop3A_784 = tpu.vector_load %arg6[%parallel_loop3A_781, %parallel_loop3A_782, %parallel_loop3A_783] {strides = array<i32>} : memref<5x128x128xf32, #tpu.memory_space<vmem>>, vector<1x1x16xf32>,
      %parallel_loop3A_785 = vector.shape_cast %parallel_loop3A_784 : vector<1x1x16xf32> to vector<16xf32>
      %parallel_loop3A_786 = arith.constant 11.3137083 : f32
      %parallel_loop3A_787 = vector.broadcast %parallel_loop3A_786 : f32 to vector<16xf32>
      %parallel_loop3A_788 = arith.mulf %parallel_loop3A_785, %parallel_loop3A_787 : vector<16xf32>
      %parallel_loop3A_789 = arith.constant 1 : i32
      %parallel_loop3A_790 = arith.index_cast %parallel_loop3A_789 : i32 to index
      %parallel_loop3A_791 = arith.index_cast %parallel_loop3A_715 : i32 to index
      %parallel_loop3A_792 = arith.constant 64 : index
      %parallel_loop3A_793 = tpu.vector_load %arg6[%parallel_loop3A_790, %parallel_loop3A_791, %parallel_loop3A_792] {strides = array<i32>} : memref<5x128x128xf32, #tpu.memory_space<vmem>>, vector<1x1x16xf32>,
      %parallel_loop3A_794 = vector.shape_cast %parallel_loop3A_793 : vector<1x1x16xf32> to vector<16xf32>
      %parallel_loop3A_795 = vector.shape_cast %parallel_loop3A_788 : vector<16xf32> to vector<1x1x16xf32>
      tpu.vector_store %arg6[%parallel_loop3A_790, %parallel_loop3A_791, %parallel_loop3A_792], %parallel_loop3A_795 {strides = array<i32>} : memref<5x128x128xf32, #tpu.memory_space<vmem>>, vector<1x1x16xf32>,
      %parallel_loop3A_796 = arith.constant 1 : i32
      %parallel_loop3A_797 = arith.index_cast %parallel_loop3A_796 : i32 to index
      %parallel_loop3A_798 = arith.index_cast %parallel_loop3A_715 : i32 to index
      %parallel_loop3A_799 = arith.constant 80 : index
      %parallel_loop3A_800 = tpu.vector_load %arg6[%parallel_loop3A_797, %parallel_loop3A_798, %parallel_loop3A_799] {strides = array<i32>} : memref<5x128x128xf32, #tpu.memory_space<vmem>>, vector<1x1x16xf32>,
      %parallel_loop3A_801 = vector.shape_cast %parallel_loop3A_800 : vector<1x1x16xf32> to vector<16xf32>
      %parallel_loop3A_802 = arith.constant 11.3137083 : f32
      %parallel_loop3A_803 = vector.broadcast %parallel_loop3A_802 : f32 to vector<16xf32>
      %parallel_loop3A_804 = arith.mulf %parallel_loop3A_801, %parallel_loop3A_803 : vector<16xf32>
      %parallel_loop3A_805 = arith.constant 1 : i32
      %parallel_loop3A_806 = arith.index_cast %parallel_loop3A_805 : i32 to index
      %parallel_loop3A_807 = arith.index_cast %parallel_loop3A_715 : i32 to index
      %parallel_loop3A_808 = arith.constant 80 : index
      %parallel_loop3A_809 = tpu.vector_load %arg6[%parallel_loop3A_806, %parallel_loop3A_807, %parallel_loop3A_808] {strides = array<i32>} : memref<5x128x128xf32, #tpu.memory_space<vmem>>, vector<1x1x16xf32>,
      %parallel_loop3A_810 = vector.shape_cast %parallel_loop3A_809 : vector<1x1x16xf32> to vector<16xf32>
      %parallel_loop3A_811 = vector.shape_cast %parallel_loop3A_804 : vector<16xf32> to vector<1x1x16xf32>
      tpu.vector_store %arg6[%parallel_loop3A_806, %parallel_loop3A_807, %parallel_loop3A_808], %parallel_loop3A_811 {strides = array<i32>} : memref<5x128x128xf32, #tpu.memory_space<vmem>>, vector<1x1x16xf32>,
      %parallel_loop3A_812 = arith.constant 1 : i32
      %parallel_loop3A_813 = arith.index_cast %parallel_loop3A_812 : i32 to index
      %parallel_loop3A_814 = arith.index_cast %parallel_loop3A_715 : i32 to index
      %parallel_loop3A_815 = arith.constant 96 : index
      %parallel_loop3A_816 = tpu.vector_load %arg6[%parallel_loop3A_813, %parallel_loop3A_814, %parallel_loop3A_815] {strides = array<i32>} : memref<5x128x128xf32, #tpu.memory_space<vmem>>, vector<1x1x16xf32>,
      %parallel_loop3A_817 = vector.shape_cast %parallel_loop3A_816 : vector<1x1x16xf32> to vector<16xf32>
      %parallel_loop3A_818 = arith.constant 11.3137083 : f32
      %parallel_loop3A_819 = vector.broadcast %parallel_loop3A_818 : f32 to vector<16xf32>
      %parallel_loop3A_820 = arith.mulf %parallel_loop3A_817, %parallel_loop3A_819 : vector<16xf32>
      %parallel_loop3A_821 = arith.constant 1 : i32
      %parallel_loop3A_822 = arith.index_cast %parallel_loop3A_821 : i32 to index
      %parallel_loop3A_823 = arith.index_cast %parallel_loop3A_715 : i32 to index
      %parallel_loop3A_824 = arith.constant 96 : index
      %parallel_loop3A_825 = tpu.vector_load %arg6[%parallel_loop3A_822, %parallel_loop3A_823, %parallel_loop3A_824] {strides = array<i32>} : memref<5x128x128xf32, #tpu.memory_space<vmem>>, vector<1x1x16xf32>,
      %parallel_loop3A_826 = vector.shape_cast %parallel_loop3A_825 : vector<1x1x16xf32> to vector<16xf32>
      %parallel_loop3A_827 = vector.shape_cast %parallel_loop3A_820 : vector<16xf32> to vector<1x1x16xf32>
      tpu.vector_store %arg6[%parallel_loop3A_822, %parallel_loop3A_823, %parallel_loop3A_824], %parallel_loop3A_827 {strides = array<i32>} : memref<5x128x128xf32, #tpu.memory_space<vmem>>, vector<1x1x16xf32>,
      %parallel_loop3A_828 = arith.constant 1 : i32
      %parallel_loop3A_829 = arith.index_cast %parallel_loop3A_828 : i32 to index
      %parallel_loop3A_830 = arith.index_cast %parallel_loop3A_715 : i32 to index
      %parallel_loop3A_831 = arith.constant 112 : index
      %parallel_loop3A_832 = tpu.vector_load %arg6[%parallel_loop3A_829, %parallel_loop3A_830, %parallel_loop3A_831] {strides = array<i32>} : memref<5x128x128xf32, #tpu.memory_space<vmem>>, vector<1x1x16xf32>,
      %parallel_loop3A_833 = vector.shape_cast %parallel_loop3A_832 : vector<1x1x16xf32> to vector<16xf32>
      %parallel_loop3A_834 = arith.constant 11.3137083 : f32
      %parallel_loop3A_835 = vector.broadcast %parallel_loop3A_834 : f32 to vector<16xf32>
      %parallel_loop3A_836 = arith.mulf %parallel_loop3A_833, %parallel_loop3A_835 : vector<16xf32>
      %parallel_loop3A_837 = arith.constant 1 : i32
      %parallel_loop3A_838 = arith.index_cast %parallel_loop3A_837 : i32 to index
      %parallel_loop3A_839 = arith.index_cast %parallel_loop3A_715 : i32 to index
      %parallel_loop3A_840 = arith.constant 112 : index
      %parallel_loop3A_841 = tpu.vector_load %arg6[%parallel_loop3A_838, %parallel_loop3A_839, %parallel_loop3A_840] {strides = array<i32>} : memref<5x128x128xf32, #tpu.memory_space<vmem>>, vector<1x1x16xf32>,
      %parallel_loop3A_842 = vector.shape_cast %parallel_loop3A_841 : vector<1x1x16xf32> to vector<16xf32>
      %parallel_loop3A_843 = vector.shape_cast %parallel_loop3A_836 : vector<16xf32> to vector<1x1x16xf32>
      tpu.vector_store %arg6[%parallel_loop3A_838, %parallel_loop3A_839, %parallel_loop3A_840], %parallel_loop3A_843 {strides = array<i32>} : memref<5x128x128xf32, #tpu.memory_space<vmem>>, vector<1x1x16xf32>,
    } {sc.loop_unroll_factor = 1 : i64, sc.parallel_access}
    %dma_wait3A_472 = arith.constant 0 : i32
    %dma_wait3A_473 = arith.constant 45 : i32
    %dma_wait3A_474 = arith.constant 0 : i32
    %dma_wait3A_475 = arith.constant 0 : i32
    %dma_wait3A_476 = tpu.memref_slice %arg6[%dma_wait3A_472, %dma_wait3A_474, %dma_wait3A_475] : memref<5x128x128xf32, #tpu.memory_space<vmem>> -> memref<1x128x128xf32, #tpu.memory_space<vmem>>
    %dma_wait3A_477 = tpu.memref_squeeze %dma_wait3A_476 : memref<1x128x128xf32, #tpu.memory_space<vmem>> -> memref<128x128xf32, #tpu.memory_space<vmem>>
    %dma_wait3A_478 = arith.constant 0 : i32
    %dma_wait3A_479 = arith.constant 0 : i32
    %dma_wait3A_480 = tpu.memref_slice %arg4[%dma_wait3A_473, %dma_wait3A_478, %dma_wait3A_479] : memref<50x4096x128xf32, #tpu.memory_space<hbm>> -> memref<1x4096x128xf32, #tpu.memory_space<hbm>>
    %dma_wait3A_481 = tpu.memref_squeeze %dma_wait3A_480 : memref<1x4096x128xf32, #tpu.memory_space<hbm>> -> memref<4096x128xf32, #tpu.memory_space<hbm>>
    %dma_wait3A_482 = arith.constant 0 : i32
    %dma_wait3A_483 = tpu.memref_slice %dma_wait3A_481[%mul3A_2, %dma_wait3A_482] : memref<4096x128xf32, #tpu.memory_space<hbm>> -> memref<128x128xf32, #tpu.memory_space<hbm>>
    %dma_wait3A_484 = arith.constant 0 : i32
    %dma_wait3A_485 = arith.constant 0 : i32
    %dma_wait3A_486 = tpu.memref_slice %arg4[%dma_wait3A_473, %dma_wait3A_484, %dma_wait3A_485] : memref<50x4096x128xf32, #tpu.memory_space<hbm>> -> memref<1x4096x128xf32, #tpu.memory_space<hbm>>
    %dma_wait3A_487 = tpu.memref_squeeze %dma_wait3A_486 : memref<1x4096x128xf32, #tpu.memory_space<hbm>> -> memref<4096x128xf32, #tpu.memory_space<hbm>>
    %dma_wait3A_488 = arith.constant 0 : i32
    %dma_wait3A_489 = tpu.memref_slice %dma_wait3A_487[%mul3A_2, %dma_wait3A_488] : memref<4096x128xf32, #tpu.memory_space<hbm>> -> memref<128x128xf32, #tpu.memory_space<hbm>>
    %dma_wait3A_490 = arith.constant 0 : i32
    %dma_wait3A_491 = arith.constant 0 : i32
    %dma_wait3A_492 = tpu.memref_slice %arg6[%dma_wait3A_472, %dma_wait3A_490, %dma_wait3A_491] : memref<5x128x128xf32, #tpu.memory_space<vmem>> -> memref<1x128x128xf32, #tpu.memory_space<vmem>>
    %dma_wait3A_493 = tpu.memref_squeeze %dma_wait3A_492 : memref<1x128x128xf32, #tpu.memory_space<vmem>> -> memref<128x128xf32, #tpu.memory_space<vmem>>
    tpu.wait_dma2 semaphore(%arg12 : memref<!tpu.dma_semaphore, #tpu.memory_space<semaphore_mem>>) src(%dma_wait3A_493 : memref<128x128xf32, #tpu.memory_space<vmem>>) dst(%dma_wait3A_489 : memref<128x128xf32, #tpu.memory_space<hbm>>)
    %dma_start3A_494 = arith.constant 1 : i32
    %dma_start3A_495 = arith.constant 46 : i32
    %dma_start3A_496 = arith.constant 0 : i32
    %dma_start3A_497 = arith.constant 0 : i32
    %dma_start3A_498 = tpu.memref_slice %arg6[%dma_start3A_494, %dma_start3A_496, %dma_start3A_497] : memref<5x128x128xf32, #tpu.memory_space<vmem>> -> memref<1x128x128xf32, #tpu.memory_space<vmem>>
    %dma_start3A_499 = tpu.memref_squeeze %dma_start3A_498 : memref<1x128x128xf32, #tpu.memory_space<vmem>> -> memref<128x128xf32, #tpu.memory_space<vmem>>
    %dma_start3A_500 = arith.constant 0 : i32
    %dma_start3A_501 = arith.constant 0 : i32
    %dma_start3A_502 = tpu.memref_slice %arg4[%dma_start3A_495, %dma_start3A_500, %dma_start3A_501] : memref<50x4096x128xf32, #tpu.memory_space<hbm>> -> memref<1x4096x128xf32, #tpu.memory_space<hbm>>
    %dma_start3A_503 = tpu.memref_squeeze %dma_start3A_502 : memref<1x4096x128xf32, #tpu.memory_space<hbm>> -> memref<4096x128xf32, #tpu.memory_space<hbm>>
    %dma_start3A_504 = arith.constant 0 : i32
    %dma_start3A_505 = tpu.memref_slice %dma_start3A_503[%mul3A_2, %dma_start3A_504] : memref<4096x128xf32, #tpu.memory_space<hbm>> -> memref<128x128xf32, #tpu.memory_space<hbm>>
    %dma_start3A_506 = arith.constant 0 : i32
    %dma_start3A_507 = arith.constant 0 : i32
    %dma_start3A_508 = tpu.memref_slice %arg4[%dma_start3A_495, %dma_start3A_506, %dma_start3A_507] : memref<50x4096x128xf32, #tpu.memory_space<hbm>> -> memref<1x4096x128xf32, #tpu.memory_space<hbm>>
    %dma_start3A_509 = tpu.memref_squeeze %dma_start3A_508 : memref<1x4096x128xf32, #tpu.memory_space<hbm>> -> memref<4096x128xf32, #tpu.memory_space<hbm>>
    %dma_start3A_510 = arith.constant 0 : i32
    %dma_start3A_511 = tpu.memref_slice %dma_start3A_509[%mul3A_2, %dma_start3A_510] : memref<4096x128xf32, #tpu.memory_space<hbm>> -> memref<128x128xf32, #tpu.memory_space<hbm>>
    %dma_start3A_512 = arith.constant 0 : i32
    %dma_start3A_513 = arith.constant 0 : i32
    %dma_start3A_514 = tpu.memref_slice %arg6[%dma_start3A_494, %dma_start3A_512, %dma_start3A_513] : memref<5x128x128xf32, #tpu.memory_space<vmem>> -> memref<1x128x128xf32, #tpu.memory_space<vmem>>
    %dma_start3A_515 = tpu.memref_squeeze %dma_start3A_514 : memref<1x128x128xf32, #tpu.memory_space<vmem>> -> memref<128x128xf32, #tpu.memory_space<vmem>>
    tpu.enqueue_dma source(%dma_start3A_515 : memref<128x128xf32, #tpu.memory_space<vmem>>) target(%dma_start3A_511 : memref<128x128xf32, #tpu.memory_space<hbm>>) target_semaphore(%arg13 : memref<!tpu.dma_semaphore, #tpu.memory_space<semaphore_mem>>)
    %dma_wait3A_516 = arith.constant 47 : i32
    %dma_wait3A_517 = arith.constant 2 : i32
    %dma_wait3A_518 = arith.constant 0 : i32
    %dma_wait3A_519 = arith.constant 0 : i32
    %dma_wait3A_520 = tpu.memref_slice %arg6[%dma_wait3A_517, %dma_wait3A_518, %dma_wait3A_519] : memref<5x128x128xf32, #tpu.memory_space<vmem>> -> memref<1x128x128xf32, #tpu.memory_space<vmem>>
    %dma_wait3A_521 = tpu.memref_squeeze %dma_wait3A_520 : memref<1x128x128xf32, #tpu.memory_space<vmem>> -> memref<128x128xf32, #tpu.memory_space<vmem>>
    %dma_wait3A_522 = arith.constant 0 : i32
    %dma_wait3A_523 = tpu.memref_slice %arg5[%dma_wait3A_516, %dma_wait3A_522] : memref<50x128xi32, #tpu.memory_space<vmem>> -> memref<1x128xi32, #tpu.memory_space<vmem>>
    %dma_wait3A_524 = tpu.memref_squeeze %dma_wait3A_523 : memref<1x128xi32, #tpu.memory_space<vmem>> -> memref<128xi32, #tpu.memory_space<vmem>>
    %dma_wait3A_525 = arith.constant 0 : i32
    %dma_wait3A_526 = arith.constant 0 : i32
    %dma_wait3A_527 = tpu.memref_slice %arg3[%dma_wait3A_525, %dma_wait3A_526] : memref<1000000x128xf32, #tpu.memory_space<hbm>> -> memref<1000000x128xf32, #tpu.memory_space<hbm>>
    tpu.wait_indirect_dma semaphore(%arg9 : memref<!tpu.dma_semaphore, #tpu.memory_space<semaphore_mem>>) src(%dma_wait3A_527 : memref<1000000x128xf32, #tpu.memory_space<hbm>>) dst(%dma_wait3A_521 : memref<128x128xf32, #tpu.memory_space<vmem>>)
    %parallel_loop3A_528 = arith.constant 0 : i32
    %parallel_loop3A_529 = arith.constant 128 : i32
    %parallel_loop3A_530 = arith.constant 1 : i32
    scf.for %parallel_loop3A_715 = %parallel_loop3A_528 to %parallel_loop3A_529 step %parallel_loop3A_530  : i32 {
      %parallel_loop3A_716 = arith.constant 2 : i32
      %parallel_loop3A_717 = arith.index_cast %parallel_loop3A_716 : i32 to index
      %parallel_loop3A_718 = arith.index_cast %parallel_loop3A_715 : i32 to index
      %parallel_loop3A_719 = arith.constant 0 : index
      %parallel_loop3A_720 = tpu.vector_load %arg6[%parallel_loop3A_717, %parallel_loop3A_718, %parallel_loop3A_719] {strides = array<i32>} : memref<5x128x128xf32, #tpu.memory_space<vmem>>, vector<1x1x16xf32>,
      %parallel_loop3A_721 = vector.shape_cast %parallel_loop3A_720 : vector<1x1x16xf32> to vector<16xf32>
      %parallel_loop3A_722 = arith.constant 11.3137083 : f32
      %parallel_loop3A_723 = vector.broadcast %parallel_loop3A_722 : f32 to vector<16xf32>
      %parallel_loop3A_724 = arith.mulf %parallel_loop3A_721, %parallel_loop3A_723 : vector<16xf32>
      %parallel_loop3A_725 = arith.constant 2 : i32
      %parallel_loop3A_726 = arith.index_cast %parallel_loop3A_725 : i32 to index
      %parallel_loop3A_727 = arith.index_cast %parallel_loop3A_715 : i32 to index
      %parallel_loop3A_728 = arith.constant 0 : index
      %parallel_loop3A_729 = tpu.vector_load %arg6[%parallel_loop3A_726, %parallel_loop3A_727, %parallel_loop3A_728] {strides = array<i32>} : memref<5x128x128xf32, #tpu.memory_space<vmem>>, vector<1x1x16xf32>,
      %parallel_loop3A_730 = vector.shape_cast %parallel_loop3A_729 : vector<1x1x16xf32> to vector<16xf32>
      %parallel_loop3A_731 = vector.shape_cast %parallel_loop3A_724 : vector<16xf32> to vector<1x1x16xf32>
      tpu.vector_store %arg6[%parallel_loop3A_726, %parallel_loop3A_727, %parallel_loop3A_728], %parallel_loop3A_731 {strides = array<i32>} : memref<5x128x128xf32, #tpu.memory_space<vmem>>, vector<1x1x16xf32>,
      %parallel_loop3A_732 = arith.constant 2 : i32
      %parallel_loop3A_733 = arith.index_cast %parallel_loop3A_732 : i32 to index
      %parallel_loop3A_734 = arith.index_cast %parallel_loop3A_715 : i32 to index
      %parallel_loop3A_735 = arith.constant 16 : index
      %parallel_loop3A_736 = tpu.vector_load %arg6[%parallel_loop3A_733, %parallel_loop3A_734, %parallel_loop3A_735] {strides = array<i32>} : memref<5x128x128xf32, #tpu.memory_space<vmem>>, vector<1x1x16xf32>,
      %parallel_loop3A_737 = vector.shape_cast %parallel_loop3A_736 : vector<1x1x16xf32> to vector<16xf32>
      %parallel_loop3A_738 = arith.constant 11.3137083 : f32
      %parallel_loop3A_739 = vector.broadcast %parallel_loop3A_738 : f32 to vector<16xf32>
      %parallel_loop3A_740 = arith.mulf %parallel_loop3A_737, %parallel_loop3A_739 : vector<16xf32>
      %parallel_loop3A_741 = arith.constant 2 : i32
      %parallel_loop3A_742 = arith.index_cast %parallel_loop3A_741 : i32 to index
      %parallel_loop3A_743 = arith.index_cast %parallel_loop3A_715 : i32 to index
      %parallel_loop3A_744 = arith.constant 16 : index
      %parallel_loop3A_745 = tpu.vector_load %arg6[%parallel_loop3A_742, %parallel_loop3A_743, %parallel_loop3A_744] {strides = array<i32>} : memref<5x128x128xf32, #tpu.memory_space<vmem>>, vector<1x1x16xf32>,
      %parallel_loop3A_746 = vector.shape_cast %parallel_loop3A_745 : vector<1x1x16xf32> to vector<16xf32>
      %parallel_loop3A_747 = vector.shape_cast %parallel_loop3A_740 : vector<16xf32> to vector<1x1x16xf32>
      tpu.vector_store %arg6[%parallel_loop3A_742, %parallel_loop3A_743, %parallel_loop3A_744], %parallel_loop3A_747 {strides = array<i32>} : memref<5x128x128xf32, #tpu.memory_space<vmem>>, vector<1x1x16xf32>,
      %parallel_loop3A_748 = arith.constant 2 : i32
      %parallel_loop3A_749 = arith.index_cast %parallel_loop3A_748 : i32 to index
      %parallel_loop3A_750 = arith.index_cast %parallel_loop3A_715 : i32 to index
      %parallel_loop3A_751 = arith.constant 32 : index
      %parallel_loop3A_752 = tpu.vector_load %arg6[%parallel_loop3A_749, %parallel_loop3A_750, %parallel_loop3A_751] {strides = array<i32>} : memref<5x128x128xf32, #tpu.memory_space<vmem>>, vector<1x1x16xf32>,
      %parallel_loop3A_753 = vector.shape_cast %parallel_loop3A_752 : vector<1x1x16xf32> to vector<16xf32>
      %parallel_loop3A_754 = arith.constant 11.3137083 : f32
      %parallel_loop3A_755 = vector.broadcast %parallel_loop3A_754 : f32 to vector<16xf32>
      %parallel_loop3A_756 = arith.mulf %parallel_loop3A_753, %parallel_loop3A_755 : vector<16xf32>
      %parallel_loop3A_757 = arith.constant 2 : i32
      %parallel_loop3A_758 = arith.index_cast %parallel_loop3A_757 : i32 to index
      %parallel_loop3A_759 = arith.index_cast %parallel_loop3A_715 : i32 to index
      %parallel_loop3A_760 = arith.constant 32 : index
      %parallel_loop3A_761 = tpu.vector_load %arg6[%parallel_loop3A_758, %parallel_loop3A_759, %parallel_loop3A_760] {strides = array<i32>} : memref<5x128x128xf32, #tpu.memory_space<vmem>>, vector<1x1x16xf32>,
      %parallel_loop3A_762 = vector.shape_cast %parallel_loop3A_761 : vector<1x1x16xf32> to vector<16xf32>
      %parallel_loop3A_763 = vector.shape_cast %parallel_loop3A_756 : vector<16xf32> to vector<1x1x16xf32>
      tpu.vector_store %arg6[%parallel_loop3A_758, %parallel_loop3A_759, %parallel_loop3A_760], %parallel_loop3A_763 {strides = array<i32>} : memref<5x128x128xf32, #tpu.memory_space<vmem>>, vector<1x1x16xf32>,
      %parallel_loop3A_764 = arith.constant 2 : i32
      %parallel_loop3A_765 = arith.index_cast %parallel_loop3A_764 : i32 to index
      %parallel_loop3A_766 = arith.index_cast %parallel_loop3A_715 : i32 to index
      %parallel_loop3A_767 = arith.constant 48 : index
      %parallel_loop3A_768 = tpu.vector_load %arg6[%parallel_loop3A_765, %parallel_loop3A_766, %parallel_loop3A_767] {strides = array<i32>} : memref<5x128x128xf32, #tpu.memory_space<vmem>>, vector<1x1x16xf32>,
      %parallel_loop3A_769 = vector.shape_cast %parallel_loop3A_768 : vector<1x1x16xf32> to vector<16xf32>
      %parallel_loop3A_770 = arith.constant 11.3137083 : f32
      %parallel_loop3A_771 = vector.broadcast %parallel_loop3A_770 : f32 to vector<16xf32>
      %parallel_loop3A_772 = arith.mulf %parallel_loop3A_769, %parallel_loop3A_771 : vector<16xf32>
      %parallel_loop3A_773 = arith.constant 2 : i32
      %parallel_loop3A_774 = arith.index_cast %parallel_loop3A_773 : i32 to index
      %parallel_loop3A_775 = arith.index_cast %parallel_loop3A_715 : i32 to index
      %parallel_loop3A_776 = arith.constant 48 : index
      %parallel_loop3A_777 = tpu.vector_load %arg6[%parallel_loop3A_774, %parallel_loop3A_775, %parallel_loop3A_776] {strides = array<i32>} : memref<5x128x128xf32, #tpu.memory_space<vmem>>, vector<1x1x16xf32>,
      %parallel_loop3A_778 = vector.shape_cast %parallel_loop3A_777 : vector<1x1x16xf32> to vector<16xf32>
      %parallel_loop3A_779 = vector.shape_cast %parallel_loop3A_772 : vector<16xf32> to vector<1x1x16xf32>
      tpu.vector_store %arg6[%parallel_loop3A_774, %parallel_loop3A_775, %parallel_loop3A_776], %parallel_loop3A_779 {strides = array<i32>} : memref<5x128x128xf32, #tpu.memory_space<vmem>>, vector<1x1x16xf32>,
      %parallel_loop3A_780 = arith.constant 2 : i32
      %parallel_loop3A_781 = arith.index_cast %parallel_loop3A_780 : i32 to index
      %parallel_loop3A_782 = arith.index_cast %parallel_loop3A_715 : i32 to index
      %parallel_loop3A_783 = arith.constant 64 : index
      %parallel_loop3A_784 = tpu.vector_load %arg6[%parallel_loop3A_781, %parallel_loop3A_782, %parallel_loop3A_783] {strides = array<i32>} : memref<5x128x128xf32, #tpu.memory_space<vmem>>, vector<1x1x16xf32>,
      %parallel_loop3A_785 = vector.shape_cast %parallel_loop3A_784 : vector<1x1x16xf32> to vector<16xf32>
      %parallel_loop3A_786 = arith.constant 11.3137083 : f32
      %parallel_loop3A_787 = vector.broadcast %parallel_loop3A_786 : f32 to vector<16xf32>
      %parallel_loop3A_788 = arith.mulf %parallel_loop3A_785, %parallel_loop3A_787 : vector<16xf32>
      %parallel_loop3A_789 = arith.constant 2 : i32
      %parallel_loop3A_790 = arith.index_cast %parallel_loop3A_789 : i32 to index
      %parallel_loop3A_791 = arith.index_cast %parallel_loop3A_715 : i32 to index
      %parallel_loop3A_792 = arith.constant 64 : index
      %parallel_loop3A_793 = tpu.vector_load %arg6[%parallel_loop3A_790, %parallel_loop3A_791, %parallel_loop3A_792] {strides = array<i32>} : memref<5x128x128xf32, #tpu.memory_space<vmem>>, vector<1x1x16xf32>,
      %parallel_loop3A_794 = vector.shape_cast %parallel_loop3A_793 : vector<1x1x16xf32> to vector<16xf32>
      %parallel_loop3A_795 = vector.shape_cast %parallel_loop3A_788 : vector<16xf32> to vector<1x1x16xf32>
      tpu.vector_store %arg6[%parallel_loop3A_790, %parallel_loop3A_791, %parallel_loop3A_792], %parallel_loop3A_795 {strides = array<i32>} : memref<5x128x128xf32, #tpu.memory_space<vmem>>, vector<1x1x16xf32>,
      %parallel_loop3A_796 = arith.constant 2 : i32
      %parallel_loop3A_797 = arith.index_cast %parallel_loop3A_796 : i32 to index
      %parallel_loop3A_798 = arith.index_cast %parallel_loop3A_715 : i32 to index
      %parallel_loop3A_799 = arith.constant 80 : index
      %parallel_loop3A_800 = tpu.vector_load %arg6[%parallel_loop3A_797, %parallel_loop3A_798, %parallel_loop3A_799] {strides = array<i32>} : memref<5x128x128xf32, #tpu.memory_space<vmem>>, vector<1x1x16xf32>,
      %parallel_loop3A_801 = vector.shape_cast %parallel_loop3A_800 : vector<1x1x16xf32> to vector<16xf32>
      %parallel_loop3A_802 = arith.constant 11.3137083 : f32
      %parallel_loop3A_803 = vector.broadcast %parallel_loop3A_802 : f32 to vector<16xf32>
      %parallel_loop3A_804 = arith.mulf %parallel_loop3A_801, %parallel_loop3A_803 : vector<16xf32>
      %parallel_loop3A_805 = arith.constant 2 : i32
      %parallel_loop3A_806 = arith.index_cast %parallel_loop3A_805 : i32 to index
      %parallel_loop3A_807 = arith.index_cast %parallel_loop3A_715 : i32 to index
      %parallel_loop3A_808 = arith.constant 80 : index
      %parallel_loop3A_809 = tpu.vector_load %arg6[%parallel_loop3A_806, %parallel_loop3A_807, %parallel_loop3A_808] {strides = array<i32>} : memref<5x128x128xf32, #tpu.memory_space<vmem>>, vector<1x1x16xf32>,
      %parallel_loop3A_810 = vector.shape_cast %parallel_loop3A_809 : vector<1x1x16xf32> to vector<16xf32>
      %parallel_loop3A_811 = vector.shape_cast %parallel_loop3A_804 : vector<16xf32> to vector<1x1x16xf32>
      tpu.vector_store %arg6[%parallel_loop3A_806, %parallel_loop3A_807, %parallel_loop3A_808], %parallel_loop3A_811 {strides = array<i32>} : memref<5x128x128xf32, #tpu.memory_space<vmem>>, vector<1x1x16xf32>,
      %parallel_loop3A_812 = arith.constant 2 : i32
      %parallel_loop3A_813 = arith.index_cast %parallel_loop3A_812 : i32 to index
      %parallel_loop3A_814 = arith.index_cast %parallel_loop3A_715 : i32 to index
      %parallel_loop3A_815 = arith.constant 96 : index
      %parallel_loop3A_816 = tpu.vector_load %arg6[%parallel_loop3A_813, %parallel_loop3A_814, %parallel_loop3A_815] {strides = array<i32>} : memref<5x128x128xf32, #tpu.memory_space<vmem>>, vector<1x1x16xf32>,
      %parallel_loop3A_817 = vector.shape_cast %parallel_loop3A_816 : vector<1x1x16xf32> to vector<16xf32>
      %parallel_loop3A_818 = arith.constant 11.3137083 : f32
      %parallel_loop3A_819 = vector.broadcast %parallel_loop3A_818 : f32 to vector<16xf32>
      %parallel_loop3A_820 = arith.mulf %parallel_loop3A_817, %parallel_loop3A_819 : vector<16xf32>
      %parallel_loop3A_821 = arith.constant 2 : i32
      %parallel_loop3A_822 = arith.index_cast %parallel_loop3A_821 : i32 to index
      %parallel_loop3A_823 = arith.index_cast %parallel_loop3A_715 : i32 to index
      %parallel_loop3A_824 = arith.constant 96 : index
      %parallel_loop3A_825 = tpu.vector_load %arg6[%parallel_loop3A_822, %parallel_loop3A_823, %parallel_loop3A_824] {strides = array<i32>} : memref<5x128x128xf32, #tpu.memory_space<vmem>>, vector<1x1x16xf32>,
      %parallel_loop3A_826 = vector.shape_cast %parallel_loop3A_825 : vector<1x1x16xf32> to vector<16xf32>
      %parallel_loop3A_827 = vector.shape_cast %parallel_loop3A_820 : vector<16xf32> to vector<1x1x16xf32>
      tpu.vector_store %arg6[%parallel_loop3A_822, %parallel_loop3A_823, %parallel_loop3A_824], %parallel_loop3A_827 {strides = array<i32>} : memref<5x128x128xf32, #tpu.memory_space<vmem>>, vector<1x1x16xf32>,
      %parallel_loop3A_828 = arith.constant 2 : i32
      %parallel_loop3A_829 = arith.index_cast %parallel_loop3A_828 : i32 to index
      %parallel_loop3A_830 = arith.index_cast %parallel_loop3A_715 : i32 to index
      %parallel_loop3A_831 = arith.constant 112 : index
      %parallel_loop3A_832 = tpu.vector_load %arg6[%parallel_loop3A_829, %parallel_loop3A_830, %parallel_loop3A_831] {strides = array<i32>} : memref<5x128x128xf32, #tpu.memory_space<vmem>>, vector<1x1x16xf32>,
      %parallel_loop3A_833 = vector.shape_cast %parallel_loop3A_832 : vector<1x1x16xf32> to vector<16xf32>
      %parallel_loop3A_834 = arith.constant 11.3137083 : f32
      %parallel_loop3A_835 = vector.broadcast %parallel_loop3A_834 : f32 to vector<16xf32>
      %parallel_loop3A_836 = arith.mulf %parallel_loop3A_833, %parallel_loop3A_835 : vector<16xf32>
      %parallel_loop3A_837 = arith.constant 2 : i32
      %parallel_loop3A_838 = arith.index_cast %parallel_loop3A_837 : i32 to index
      %parallel_loop3A_839 = arith.index_cast %parallel_loop3A_715 : i32 to index
      %parallel_loop3A_840 = arith.constant 112 : index
      %parallel_loop3A_841 = tpu.vector_load %arg6[%parallel_loop3A_838, %parallel_loop3A_839, %parallel_loop3A_840] {strides = array<i32>} : memref<5x128x128xf32, #tpu.memory_space<vmem>>, vector<1x1x16xf32>,
      %parallel_loop3A_842 = vector.shape_cast %parallel_loop3A_841 : vector<1x1x16xf32> to vector<16xf32>
      %parallel_loop3A_843 = vector.shape_cast %parallel_loop3A_836 : vector<16xf32> to vector<1x1x16xf32>
      tpu.vector_store %arg6[%parallel_loop3A_838, %parallel_loop3A_839, %parallel_loop3A_840], %parallel_loop3A_843 {strides = array<i32>} : memref<5x128x128xf32, #tpu.memory_space<vmem>>, vector<1x1x16xf32>,
    } {sc.loop_unroll_factor = 1 : i64, sc.parallel_access}
    %dma_wait3A_531 = arith.constant 1 : i32
    %dma_wait3A_532 = arith.constant 46 : i32
    %dma_wait3A_533 = arith.constant 0 : i32
    %dma_wait3A_534 = arith.constant 0 : i32
    %dma_wait3A_535 = tpu.memref_slice %arg6[%dma_wait3A_531, %dma_wait3A_533, %dma_wait3A_534] : memref<5x128x128xf32, #tpu.memory_space<vmem>> -> memref<1x128x128xf32, #tpu.memory_space<vmem>>
    %dma_wait3A_536 = tpu.memref_squeeze %dma_wait3A_535 : memref<1x128x128xf32, #tpu.memory_space<vmem>> -> memref<128x128xf32, #tpu.memory_space<vmem>>
    %dma_wait3A_537 = arith.constant 0 : i32
    %dma_wait3A_538 = arith.constant 0 : i32
    %dma_wait3A_539 = tpu.memref_slice %arg4[%dma_wait3A_532, %dma_wait3A_537, %dma_wait3A_538] : memref<50x4096x128xf32, #tpu.memory_space<hbm>> -> memref<1x4096x128xf32, #tpu.memory_space<hbm>>
    %dma_wait3A_540 = tpu.memref_squeeze %dma_wait3A_539 : memref<1x4096x128xf32, #tpu.memory_space<hbm>> -> memref<4096x128xf32, #tpu.memory_space<hbm>>
    %dma_wait3A_541 = arith.constant 0 : i32
    %dma_wait3A_542 = tpu.memref_slice %dma_wait3A_540[%mul3A_2, %dma_wait3A_541] : memref<4096x128xf32, #tpu.memory_space<hbm>> -> memref<128x128xf32, #tpu.memory_space<hbm>>
    %dma_wait3A_543 = arith.constant 0 : i32
    %dma_wait3A_544 = arith.constant 0 : i32
    %dma_wait3A_545 = tpu.memref_slice %arg4[%dma_wait3A_532, %dma_wait3A_543, %dma_wait3A_544] : memref<50x4096x128xf32, #tpu.memory_space<hbm>> -> memref<1x4096x128xf32, #tpu.memory_space<hbm>>
    %dma_wait3A_546 = tpu.memref_squeeze %dma_wait3A_545 : memref<1x4096x128xf32, #tpu.memory_space<hbm>> -> memref<4096x128xf32, #tpu.memory_space<hbm>>
    %dma_wait3A_547 = arith.constant 0 : i32
    %dma_wait3A_548 = tpu.memref_slice %dma_wait3A_546[%mul3A_2, %dma_wait3A_547] : memref<4096x128xf32, #tpu.memory_space<hbm>> -> memref<128x128xf32, #tpu.memory_space<hbm>>
    %dma_wait3A_549 = arith.constant 0 : i32
    %dma_wait3A_550 = arith.constant 0 : i32
    %dma_wait3A_551 = tpu.memref_slice %arg6[%dma_wait3A_531, %dma_wait3A_549, %dma_wait3A_550] : memref<5x128x128xf32, #tpu.memory_space<vmem>> -> memref<1x128x128xf32, #tpu.memory_space<vmem>>
    %dma_wait3A_552 = tpu.memref_squeeze %dma_wait3A_551 : memref<1x128x128xf32, #tpu.memory_space<vmem>> -> memref<128x128xf32, #tpu.memory_space<vmem>>
    tpu.wait_dma2 semaphore(%arg13 : memref<!tpu.dma_semaphore, #tpu.memory_space<semaphore_mem>>) src(%dma_wait3A_552 : memref<128x128xf32, #tpu.memory_space<vmem>>) dst(%dma_wait3A_548 : memref<128x128xf32, #tpu.memory_space<hbm>>)
    %dma_start3A_553 = arith.constant 2 : i32
    %dma_start3A_554 = arith.constant 47 : i32
    %dma_start3A_555 = arith.constant 0 : i32
    %dma_start3A_556 = arith.constant 0 : i32
    %dma_start3A_557 = tpu.memref_slice %arg6[%dma_start3A_553, %dma_start3A_555, %dma_start3A_556] : memref<5x128x128xf32, #tpu.memory_space<vmem>> -> memref<1x128x128xf32, #tpu.memory_space<vmem>>
    %dma_start3A_558 = tpu.memref_squeeze %dma_start3A_557 : memref<1x128x128xf32, #tpu.memory_space<vmem>> -> memref<128x128xf32, #tpu.memory_space<vmem>>
    %dma_start3A_559 = arith.constant 0 : i32
    %dma_start3A_560 = arith.constant 0 : i32
    %dma_start3A_561 = tpu.memref_slice %arg4[%dma_start3A_554, %dma_start3A_559, %dma_start3A_560] : memref<50x4096x128xf32, #tpu.memory_space<hbm>> -> memref<1x4096x128xf32, #tpu.memory_space<hbm>>
    %dma_start3A_562 = tpu.memref_squeeze %dma_start3A_561 : memref<1x4096x128xf32, #tpu.memory_space<hbm>> -> memref<4096x128xf32, #tpu.memory_space<hbm>>
    %dma_start3A_563 = arith.constant 0 : i32
    %dma_start3A_564 = tpu.memref_slice %dma_start3A_562[%mul3A_2, %dma_start3A_563] : memref<4096x128xf32, #tpu.memory_space<hbm>> -> memref<128x128xf32, #tpu.memory_space<hbm>>
    %dma_start3A_565 = arith.constant 0 : i32
    %dma_start3A_566 = arith.constant 0 : i32
    %dma_start3A_567 = tpu.memref_slice %arg4[%dma_start3A_554, %dma_start3A_565, %dma_start3A_566] : memref<50x4096x128xf32, #tpu.memory_space<hbm>> -> memref<1x4096x128xf32, #tpu.memory_space<hbm>>
    %dma_start3A_568 = tpu.memref_squeeze %dma_start3A_567 : memref<1x4096x128xf32, #tpu.memory_space<hbm>> -> memref<4096x128xf32, #tpu.memory_space<hbm>>
    %dma_start3A_569 = arith.constant 0 : i32
    %dma_start3A_570 = tpu.memref_slice %dma_start3A_568[%mul3A_2, %dma_start3A_569] : memref<4096x128xf32, #tpu.memory_space<hbm>> -> memref<128x128xf32, #tpu.memory_space<hbm>>
    %dma_start3A_571 = arith.constant 0 : i32
    %dma_start3A_572 = arith.constant 0 : i32
    %dma_start3A_573 = tpu.memref_slice %arg6[%dma_start3A_553, %dma_start3A_571, %dma_start3A_572] : memref<5x128x128xf32, #tpu.memory_space<vmem>> -> memref<1x128x128xf32, #tpu.memory_space<vmem>>
    %dma_start3A_574 = tpu.memref_squeeze %dma_start3A_573 : memref<1x128x128xf32, #tpu.memory_space<vmem>> -> memref<128x128xf32, #tpu.memory_space<vmem>>
    tpu.enqueue_dma source(%dma_start3A_574 : memref<128x128xf32, #tpu.memory_space<vmem>>) target(%dma_start3A_570 : memref<128x128xf32, #tpu.memory_space<hbm>>) target_semaphore(%arg14 : memref<!tpu.dma_semaphore, #tpu.memory_space<semaphore_mem>>)
    %dma_wait3A_575 = arith.constant 48 : i32
    %dma_wait3A_576 = arith.constant 3 : i32
    %dma_wait3A_577 = arith.constant 0 : i32
    %dma_wait3A_578 = arith.constant 0 : i32
    %dma_wait3A_579 = tpu.memref_slice %arg6[%dma_wait3A_576, %dma_wait3A_577, %dma_wait3A_578] : memref<5x128x128xf32, #tpu.memory_space<vmem>> -> memref<1x128x128xf32, #tpu.memory_space<vmem>>
    %dma_wait3A_580 = tpu.memref_squeeze %dma_wait3A_579 : memref<1x128x128xf32, #tpu.memory_space<vmem>> -> memref<128x128xf32, #tpu.memory_space<vmem>>
    %dma_wait3A_581 = arith.constant 0 : i32
    %dma_wait3A_582 = tpu.memref_slice %arg5[%dma_wait3A_575, %dma_wait3A_581] : memref<50x128xi32, #tpu.memory_space<vmem>> -> memref<1x128xi32, #tpu.memory_space<vmem>>
    %dma_wait3A_583 = tpu.memref_squeeze %dma_wait3A_582 : memref<1x128xi32, #tpu.memory_space<vmem>> -> memref<128xi32, #tpu.memory_space<vmem>>
    %dma_wait3A_584 = arith.constant 0 : i32
    %dma_wait3A_585 = arith.constant 0 : i32
    %dma_wait3A_586 = tpu.memref_slice %arg3[%dma_wait3A_584, %dma_wait3A_585] : memref<1000000x128xf32, #tpu.memory_space<hbm>> -> memref<1000000x128xf32, #tpu.memory_space<hbm>>
    tpu.wait_indirect_dma semaphore(%arg10 : memref<!tpu.dma_semaphore, #tpu.memory_space<semaphore_mem>>) src(%dma_wait3A_586 : memref<1000000x128xf32, #tpu.memory_space<hbm>>) dst(%dma_wait3A_580 : memref<128x128xf32, #tpu.memory_space<vmem>>)
    %parallel_loop3A_587 = arith.constant 0 : i32
    %parallel_loop3A_588 = arith.constant 128 : i32
    %parallel_loop3A_589 = arith.constant 1 : i32
    scf.for %parallel_loop3A_715 = %parallel_loop3A_587 to %parallel_loop3A_588 step %parallel_loop3A_589  : i32 {
      %parallel_loop3A_716 = arith.constant 3 : i32
      %parallel_loop3A_717 = arith.index_cast %parallel_loop3A_716 : i32 to index
      %parallel_loop3A_718 = arith.index_cast %parallel_loop3A_715 : i32 to index
      %parallel_loop3A_719 = arith.constant 0 : index
      %parallel_loop3A_720 = tpu.vector_load %arg6[%parallel_loop3A_717, %parallel_loop3A_718, %parallel_loop3A_719] {strides = array<i32>} : memref<5x128x128xf32, #tpu.memory_space<vmem>>, vector<1x1x16xf32>,
      %parallel_loop3A_721 = vector.shape_cast %parallel_loop3A_720 : vector<1x1x16xf32> to vector<16xf32>
      %parallel_loop3A_722 = arith.constant 11.3137083 : f32
      %parallel_loop3A_723 = vector.broadcast %parallel_loop3A_722 : f32 to vector<16xf32>
      %parallel_loop3A_724 = arith.mulf %parallel_loop3A_721, %parallel_loop3A_723 : vector<16xf32>
      %parallel_loop3A_725 = arith.constant 3 : i32
      %parallel_loop3A_726 = arith.index_cast %parallel_loop3A_725 : i32 to index
      %parallel_loop3A_727 = arith.index_cast %parallel_loop3A_715 : i32 to index
      %parallel_loop3A_728 = arith.constant 0 : index
      %parallel_loop3A_729 = tpu.vector_load %arg6[%parallel_loop3A_726, %parallel_loop3A_727, %parallel_loop3A_728] {strides = array<i32>} : memref<5x128x128xf32, #tpu.memory_space<vmem>>, vector<1x1x16xf32>,
      %parallel_loop3A_730 = vector.shape_cast %parallel_loop3A_729 : vector<1x1x16xf32> to vector<16xf32>
      %parallel_loop3A_731 = vector.shape_cast %parallel_loop3A_724 : vector<16xf32> to vector<1x1x16xf32>
      tpu.vector_store %arg6[%parallel_loop3A_726, %parallel_loop3A_727, %parallel_loop3A_728], %parallel_loop3A_731 {strides = array<i32>} : memref<5x128x128xf32, #tpu.memory_space<vmem>>, vector<1x1x16xf32>,
      %parallel_loop3A_732 = arith.constant 3 : i32
      %parallel_loop3A_733 = arith.index_cast %parallel_loop3A_732 : i32 to index
      %parallel_loop3A_734 = arith.index_cast %parallel_loop3A_715 : i32 to index
      %parallel_loop3A_735 = arith.constant 16 : index
      %parallel_loop3A_736 = tpu.vector_load %arg6[%parallel_loop3A_733, %parallel_loop3A_734, %parallel_loop3A_735] {strides = array<i32>} : memref<5x128x128xf32, #tpu.memory_space<vmem>>, vector<1x1x16xf32>,
      %parallel_loop3A_737 = vector.shape_cast %parallel_loop3A_736 : vector<1x1x16xf32> to vector<16xf32>
      %parallel_loop3A_738 = arith.constant 11.3137083 : f32
      %parallel_loop3A_739 = vector.broadcast %parallel_loop3A_738 : f32 to vector<16xf32>
      %parallel_loop3A_740 = arith.mulf %parallel_loop3A_737, %parallel_loop3A_739 : vector<16xf32>
      %parallel_loop3A_741 = arith.constant 3 : i32
      %parallel_loop3A_742 = arith.index_cast %parallel_loop3A_741 : i32 to index
      %parallel_loop3A_743 = arith.index_cast %parallel_loop3A_715 : i32 to index
      %parallel_loop3A_744 = arith.constant 16 : index
      %parallel_loop3A_745 = tpu.vector_load %arg6[%parallel_loop3A_742, %parallel_loop3A_743, %parallel_loop3A_744] {strides = array<i32>} : memref<5x128x128xf32, #tpu.memory_space<vmem>>, vector<1x1x16xf32>,
      %parallel_loop3A_746 = vector.shape_cast %parallel_loop3A_745 : vector<1x1x16xf32> to vector<16xf32>
      %parallel_loop3A_747 = vector.shape_cast %parallel_loop3A_740 : vector<16xf32> to vector<1x1x16xf32>
      tpu.vector_store %arg6[%parallel_loop3A_742, %parallel_loop3A_743, %parallel_loop3A_744], %parallel_loop3A_747 {strides = array<i32>} : memref<5x128x128xf32, #tpu.memory_space<vmem>>, vector<1x1x16xf32>,
      %parallel_loop3A_748 = arith.constant 3 : i32
      %parallel_loop3A_749 = arith.index_cast %parallel_loop3A_748 : i32 to index
      %parallel_loop3A_750 = arith.index_cast %parallel_loop3A_715 : i32 to index
      %parallel_loop3A_751 = arith.constant 32 : index
      %parallel_loop3A_752 = tpu.vector_load %arg6[%parallel_loop3A_749, %parallel_loop3A_750, %parallel_loop3A_751] {strides = array<i32>} : memref<5x128x128xf32, #tpu.memory_space<vmem>>, vector<1x1x16xf32>,
      %parallel_loop3A_753 = vector.shape_cast %parallel_loop3A_752 : vector<1x1x16xf32> to vector<16xf32>
      %parallel_loop3A_754 = arith.constant 11.3137083 : f32
      %parallel_loop3A_755 = vector.broadcast %parallel_loop3A_754 : f32 to vector<16xf32>
      %parallel_loop3A_756 = arith.mulf %parallel_loop3A_753, %parallel_loop3A_755 : vector<16xf32>
      %parallel_loop3A_757 = arith.constant 3 : i32
      %parallel_loop3A_758 = arith.index_cast %parallel_loop3A_757 : i32 to index
      %parallel_loop3A_759 = arith.index_cast %parallel_loop3A_715 : i32 to index
      %parallel_loop3A_760 = arith.constant 32 : index
      %parallel_loop3A_761 = tpu.vector_load %arg6[%parallel_loop3A_758, %parallel_loop3A_759, %parallel_loop3A_760] {strides = array<i32>} : memref<5x128x128xf32, #tpu.memory_space<vmem>>, vector<1x1x16xf32>,
      %parallel_loop3A_762 = vector.shape_cast %parallel_loop3A_761 : vector<1x1x16xf32> to vector<16xf32>
      %parallel_loop3A_763 = vector.shape_cast %parallel_loop3A_756 : vector<16xf32> to vector<1x1x16xf32>
      tpu.vector_store %arg6[%parallel_loop3A_758, %parallel_loop3A_759, %parallel_loop3A_760], %parallel_loop3A_763 {strides = array<i32>} : memref<5x128x128xf32, #tpu.memory_space<vmem>>, vector<1x1x16xf32>,
      %parallel_loop3A_764 = arith.constant 3 : i32
      %parallel_loop3A_765 = arith.index_cast %parallel_loop3A_764 : i32 to index
      %parallel_loop3A_766 = arith.index_cast %parallel_loop3A_715 : i32 to index
      %parallel_loop3A_767 = arith.constant 48 : index
      %parallel_loop3A_768 = tpu.vector_load %arg6[%parallel_loop3A_765, %parallel_loop3A_766, %parallel_loop3A_767] {strides = array<i32>} : memref<5x128x128xf32, #tpu.memory_space<vmem>>, vector<1x1x16xf32>,
      %parallel_loop3A_769 = vector.shape_cast %parallel_loop3A_768 : vector<1x1x16xf32> to vector<16xf32>
      %parallel_loop3A_770 = arith.constant 11.3137083 : f32
      %parallel_loop3A_771 = vector.broadcast %parallel_loop3A_770 : f32 to vector<16xf32>
      %parallel_loop3A_772 = arith.mulf %parallel_loop3A_769, %parallel_loop3A_771 : vector<16xf32>
      %parallel_loop3A_773 = arith.constant 3 : i32
      %parallel_loop3A_774 = arith.index_cast %parallel_loop3A_773 : i32 to index
      %parallel_loop3A_775 = arith.index_cast %parallel_loop3A_715 : i32 to index
      %parallel_loop3A_776 = arith.constant 48 : index
      %parallel_loop3A_777 = tpu.vector_load %arg6[%parallel_loop3A_774, %parallel_loop3A_775, %parallel_loop3A_776] {strides = array<i32>} : memref<5x128x128xf32, #tpu.memory_space<vmem>>, vector<1x1x16xf32>,
      %parallel_loop3A_778 = vector.shape_cast %parallel_loop3A_777 : vector<1x1x16xf32> to vector<16xf32>
      %parallel_loop3A_779 = vector.shape_cast %parallel_loop3A_772 : vector<16xf32> to vector<1x1x16xf32>
      tpu.vector_store %arg6[%parallel_loop3A_774, %parallel_loop3A_775, %parallel_loop3A_776], %parallel_loop3A_779 {strides = array<i32>} : memref<5x128x128xf32, #tpu.memory_space<vmem>>, vector<1x1x16xf32>,
      %parallel_loop3A_780 = arith.constant 3 : i32
      %parallel_loop3A_781 = arith.index_cast %parallel_loop3A_780 : i32 to index
      %parallel_loop3A_782 = arith.index_cast %parallel_loop3A_715 : i32 to index
      %parallel_loop3A_783 = arith.constant 64 : index
      %parallel_loop3A_784 = tpu.vector_load %arg6[%parallel_loop3A_781, %parallel_loop3A_782, %parallel_loop3A_783] {strides = array<i32>} : memref<5x128x128xf32, #tpu.memory_space<vmem>>, vector<1x1x16xf32>,
      %parallel_loop3A_785 = vector.shape_cast %parallel_loop3A_784 : vector<1x1x16xf32> to vector<16xf32>
      %parallel_loop3A_786 = arith.constant 11.3137083 : f32
      %parallel_loop3A_787 = vector.broadcast %parallel_loop3A_786 : f32 to vector<16xf32>
      %parallel_loop3A_788 = arith.mulf %parallel_loop3A_785, %parallel_loop3A_787 : vector<16xf32>
      %parallel_loop3A_789 = arith.constant 3 : i32
      %parallel_loop3A_790 = arith.index_cast %parallel_loop3A_789 : i32 to index
      %parallel_loop3A_791 = arith.index_cast %parallel_loop3A_715 : i32 to index
      %parallel_loop3A_792 = arith.constant 64 : index
      %parallel_loop3A_793 = tpu.vector_load %arg6[%parallel_loop3A_790, %parallel_loop3A_791, %parallel_loop3A_792] {strides = array<i32>} : memref<5x128x128xf32, #tpu.memory_space<vmem>>, vector<1x1x16xf32>,
      %parallel_loop3A_794 = vector.shape_cast %parallel_loop3A_793 : vector<1x1x16xf32> to vector<16xf32>
      %parallel_loop3A_795 = vector.shape_cast %parallel_loop3A_788 : vector<16xf32> to vector<1x1x16xf32>
      tpu.vector_store %arg6[%parallel_loop3A_790, %parallel_loop3A_791, %parallel_loop3A_792], %parallel_loop3A_795 {strides = array<i32>} : memref<5x128x128xf32, #tpu.memory_space<vmem>>, vector<1x1x16xf32>,
      %parallel_loop3A_796 = arith.constant 3 : i32
      %parallel_loop3A_797 = arith.index_cast %parallel_loop3A_796 : i32 to index
      %parallel_loop3A_798 = arith.index_cast %parallel_loop3A_715 : i32 to index
      %parallel_loop3A_799 = arith.constant 80 : index
      %parallel_loop3A_800 = tpu.vector_load %arg6[%parallel_loop3A_797, %parallel_loop3A_798, %parallel_loop3A_799] {strides = array<i32>} : memref<5x128x128xf32, #tpu.memory_space<vmem>>, vector<1x1x16xf32>,
      %parallel_loop3A_801 = vector.shape_cast %parallel_loop3A_800 : vector<1x1x16xf32> to vector<16xf32>
      %parallel_loop3A_802 = arith.constant 11.3137083 : f32
      %parallel_loop3A_803 = vector.broadcast %parallel_loop3A_802 : f32 to vector<16xf32>
      %parallel_loop3A_804 = arith.mulf %parallel_loop3A_801, %parallel_loop3A_803 : vector<16xf32>
      %parallel_loop3A_805 = arith.constant 3 : i32
      %parallel_loop3A_806 = arith.index_cast %parallel_loop3A_805 : i32 to index
      %parallel_loop3A_807 = arith.index_cast %parallel_loop3A_715 : i32 to index
      %parallel_loop3A_808 = arith.constant 80 : index
      %parallel_loop3A_809 = tpu.vector_load %arg6[%parallel_loop3A_806, %parallel_loop3A_807, %parallel_loop3A_808] {strides = array<i32>} : memref<5x128x128xf32, #tpu.memory_space<vmem>>, vector<1x1x16xf32>,
      %parallel_loop3A_810 = vector.shape_cast %parallel_loop3A_809 : vector<1x1x16xf32> to vector<16xf32>
      %parallel_loop3A_811 = vector.shape_cast %parallel_loop3A_804 : vector<16xf32> to vector<1x1x16xf32>
      tpu.vector_store %arg6[%parallel_loop3A_806, %parallel_loop3A_807, %parallel_loop3A_808], %parallel_loop3A_811 {strides = array<i32>} : memref<5x128x128xf32, #tpu.memory_space<vmem>>, vector<1x1x16xf32>,
      %parallel_loop3A_812 = arith.constant 3 : i32
      %parallel_loop3A_813 = arith.index_cast %parallel_loop3A_812 : i32 to index
      %parallel_loop3A_814 = arith.index_cast %parallel_loop3A_715 : i32 to index
      %parallel_loop3A_815 = arith.constant 96 : index
      %parallel_loop3A_816 = tpu.vector_load %arg6[%parallel_loop3A_813, %parallel_loop3A_814, %parallel_loop3A_815] {strides = array<i32>} : memref<5x128x128xf32, #tpu.memory_space<vmem>>, vector<1x1x16xf32>,
      %parallel_loop3A_817 = vector.shape_cast %parallel_loop3A_816 : vector<1x1x16xf32> to vector<16xf32>
      %parallel_loop3A_818 = arith.constant 11.3137083 : f32
      %parallel_loop3A_819 = vector.broadcast %parallel_loop3A_818 : f32 to vector<16xf32>
      %parallel_loop3A_820 = arith.mulf %parallel_loop3A_817, %parallel_loop3A_819 : vector<16xf32>
      %parallel_loop3A_821 = arith.constant 3 : i32
      %parallel_loop3A_822 = arith.index_cast %parallel_loop3A_821 : i32 to index
      %parallel_loop3A_823 = arith.index_cast %parallel_loop3A_715 : i32 to index
      %parallel_loop3A_824 = arith.constant 96 : index
      %parallel_loop3A_825 = tpu.vector_load %arg6[%parallel_loop3A_822, %parallel_loop3A_823, %parallel_loop3A_824] {strides = array<i32>} : memref<5x128x128xf32, #tpu.memory_space<vmem>>, vector<1x1x16xf32>,
      %parallel_loop3A_826 = vector.shape_cast %parallel_loop3A_825 : vector<1x1x16xf32> to vector<16xf32>
      %parallel_loop3A_827 = vector.shape_cast %parallel_loop3A_820 : vector<16xf32> to vector<1x1x16xf32>
      tpu.vector_store %arg6[%parallel_loop3A_822, %parallel_loop3A_823, %parallel_loop3A_824], %parallel_loop3A_827 {strides = array<i32>} : memref<5x128x128xf32, #tpu.memory_space<vmem>>, vector<1x1x16xf32>,
      %parallel_loop3A_828 = arith.constant 3 : i32
      %parallel_loop3A_829 = arith.index_cast %parallel_loop3A_828 : i32 to index
      %parallel_loop3A_830 = arith.index_cast %parallel_loop3A_715 : i32 to index
      %parallel_loop3A_831 = arith.constant 112 : index
      %parallel_loop3A_832 = tpu.vector_load %arg6[%parallel_loop3A_829, %parallel_loop3A_830, %parallel_loop3A_831] {strides = array<i32>} : memref<5x128x128xf32, #tpu.memory_space<vmem>>, vector<1x1x16xf32>,
      %parallel_loop3A_833 = vector.shape_cast %parallel_loop3A_832 : vector<1x1x16xf32> to vector<16xf32>
      %parallel_loop3A_834 = arith.constant 11.3137083 : f32
      %parallel_loop3A_835 = vector.broadcast %parallel_loop3A_834 : f32 to vector<16xf32>
      %parallel_loop3A_836 = arith.mulf %parallel_loop3A_833, %parallel_loop3A_835 : vector<16xf32>
      %parallel_loop3A_837 = arith.constant 3 : i32
      %parallel_loop3A_838 = arith.index_cast %parallel_loop3A_837 : i32 to index
      %parallel_loop3A_839 = arith.index_cast %parallel_loop3A_715 : i32 to index
      %parallel_loop3A_840 = arith.constant 112 : index
      %parallel_loop3A_841 = tpu.vector_load %arg6[%parallel_loop3A_838, %parallel_loop3A_839, %parallel_loop3A_840] {strides = array<i32>} : memref<5x128x128xf32, #tpu.memory_space<vmem>>, vector<1x1x16xf32>,
      %parallel_loop3A_842 = vector.shape_cast %parallel_loop3A_841 : vector<1x1x16xf32> to vector<16xf32>
      %parallel_loop3A_843 = vector.shape_cast %parallel_loop3A_836 : vector<16xf32> to vector<1x1x16xf32>
      tpu.vector_store %arg6[%parallel_loop3A_838, %parallel_loop3A_839, %parallel_loop3A_840], %parallel_loop3A_843 {strides = array<i32>} : memref<5x128x128xf32, #tpu.memory_space<vmem>>, vector<1x1x16xf32>,
    } {sc.loop_unroll_factor = 1 : i64, sc.parallel_access}
    %dma_wait3A_590 = arith.constant 2 : i32
    %dma_wait3A_591 = arith.constant 47 : i32
    %dma_wait3A_592 = arith.constant 0 : i32
    %dma_wait3A_593 = arith.constant 0 : i32
    %dma_wait3A_594 = tpu.memref_slice %arg6[%dma_wait3A_590, %dma_wait3A_592, %dma_wait3A_593] : memref<5x128x128xf32, #tpu.memory_space<vmem>> -> memref<1x128x128xf32, #tpu.memory_space<vmem>>
    %dma_wait3A_595 = tpu.memref_squeeze %dma_wait3A_594 : memref<1x128x128xf32, #tpu.memory_space<vmem>> -> memref<128x128xf32, #tpu.memory_space<vmem>>
    %dma_wait3A_596 = arith.constant 0 : i32
    %dma_wait3A_597 = arith.constant 0 : i32
    %dma_wait3A_598 = tpu.memref_slice %arg4[%dma_wait3A_591, %dma_wait3A_596, %dma_wait3A_597] : memref<50x4096x128xf32, #tpu.memory_space<hbm>> -> memref<1x4096x128xf32, #tpu.memory_space<hbm>>
    %dma_wait3A_599 = tpu.memref_squeeze %dma_wait3A_598 : memref<1x4096x128xf32, #tpu.memory_space<hbm>> -> memref<4096x128xf32, #tpu.memory_space<hbm>>
    %dma_wait3A_600 = arith.constant 0 : i32
    %dma_wait3A_601 = tpu.memref_slice %dma_wait3A_599[%mul3A_2, %dma_wait3A_600] : memref<4096x128xf32, #tpu.memory_space<hbm>> -> memref<128x128xf32, #tpu.memory_space<hbm>>
    %dma_wait3A_602 = arith.constant 0 : i32
    %dma_wait3A_603 = arith.constant 0 : i32
    %dma_wait3A_604 = tpu.memref_slice %arg4[%dma_wait3A_591, %dma_wait3A_602, %dma_wait3A_603] : memref<50x4096x128xf32, #tpu.memory_space<hbm>> -> memref<1x4096x128xf32, #tpu.memory_space<hbm>>
    %dma_wait3A_605 = tpu.memref_squeeze %dma_wait3A_604 : memref<1x4096x128xf32, #tpu.memory_space<hbm>> -> memref<4096x128xf32, #tpu.memory_space<hbm>>
    %dma_wait3A_606 = arith.constant 0 : i32
    %dma_wait3A_607 = tpu.memref_slice %dma_wait3A_605[%mul3A_2, %dma_wait3A_606] : memref<4096x128xf32, #tpu.memory_space<hbm>> -> memref<128x128xf32, #tpu.memory_space<hbm>>
    %dma_wait3A_608 = arith.constant 0 : i32
    %dma_wait3A_609 = arith.constant 0 : i32
    %dma_wait3A_610 = tpu.memref_slice %arg6[%dma_wait3A_590, %dma_wait3A_608, %dma_wait3A_609] : memref<5x128x128xf32, #tpu.memory_space<vmem>> -> memref<1x128x128xf32, #tpu.memory_space<vmem>>
    %dma_wait3A_611 = tpu.memref_squeeze %dma_wait3A_610 : memref<1x128x128xf32, #tpu.memory_space<vmem>> -> memref<128x128xf32, #tpu.memory_space<vmem>>
    tpu.wait_dma2 semaphore(%arg14 : memref<!tpu.dma_semaphore, #tpu.memory_space<semaphore_mem>>) src(%dma_wait3A_611 : memref<128x128xf32, #tpu.memory_space<vmem>>) dst(%dma_wait3A_607 : memref<128x128xf32, #tpu.memory_space<hbm>>)
    %dma_start3A_612 = arith.constant 3 : i32
    %dma_start3A_613 = arith.constant 48 : i32
    %dma_start3A_614 = arith.constant 0 : i32
    %dma_start3A_615 = arith.constant 0 : i32
    %dma_start3A_616 = tpu.memref_slice %arg6[%dma_start3A_612, %dma_start3A_614, %dma_start3A_615] : memref<5x128x128xf32, #tpu.memory_space<vmem>> -> memref<1x128x128xf32, #tpu.memory_space<vmem>>
    %dma_start3A_617 = tpu.memref_squeeze %dma_start3A_616 : memref<1x128x128xf32, #tpu.memory_space<vmem>> -> memref<128x128xf32, #tpu.memory_space<vmem>>
    %dma_start3A_618 = arith.constant 0 : i32
    %dma_start3A_619 = arith.constant 0 : i32
    %dma_start3A_620 = tpu.memref_slice %arg4[%dma_start3A_613, %dma_start3A_618, %dma_start3A_619] : memref<50x4096x128xf32, #tpu.memory_space<hbm>> -> memref<1x4096x128xf32, #tpu.memory_space<hbm>>
    %dma_start3A_621 = tpu.memref_squeeze %dma_start3A_620 : memref<1x4096x128xf32, #tpu.memory_space<hbm>> -> memref<4096x128xf32, #tpu.memory_space<hbm>>
    %dma_start3A_622 = arith.constant 0 : i32
    %dma_start3A_623 = tpu.memref_slice %dma_start3A_621[%mul3A_2, %dma_start3A_622] : memref<4096x128xf32, #tpu.memory_space<hbm>> -> memref<128x128xf32, #tpu.memory_space<hbm>>
    %dma_start3A_624 = arith.constant 0 : i32
    %dma_start3A_625 = arith.constant 0 : i32
    %dma_start3A_626 = tpu.memref_slice %arg4[%dma_start3A_613, %dma_start3A_624, %dma_start3A_625] : memref<50x4096x128xf32, #tpu.memory_space<hbm>> -> memref<1x4096x128xf32, #tpu.memory_space<hbm>>
    %dma_start3A_627 = tpu.memref_squeeze %dma_start3A_626 : memref<1x4096x128xf32, #tpu.memory_space<hbm>> -> memref<4096x128xf32, #tpu.memory_space<hbm>>
    %dma_start3A_628 = arith.constant 0 : i32
    %dma_start3A_629 = tpu.memref_slice %dma_start3A_627[%mul3A_2, %dma_start3A_628] : memref<4096x128xf32, #tpu.memory_space<hbm>> -> memref<128x128xf32, #tpu.memory_space<hbm>>
    %dma_start3A_630 = arith.constant 0 : i32
    %dma_start3A_631 = arith.constant 0 : i32
    %dma_start3A_632 = tpu.memref_slice %arg6[%dma_start3A_612, %dma_start3A_630, %dma_start3A_631] : memref<5x128x128xf32, #tpu.memory_space<vmem>> -> memref<1x128x128xf32, #tpu.memory_space<vmem>>
    %dma_start3A_633 = tpu.memref_squeeze %dma_start3A_632 : memref<1x128x128xf32, #tpu.memory_space<vmem>> -> memref<128x128xf32, #tpu.memory_space<vmem>>
    tpu.enqueue_dma source(%dma_start3A_633 : memref<128x128xf32, #tpu.memory_space<vmem>>) target(%dma_start3A_629 : memref<128x128xf32, #tpu.memory_space<hbm>>) target_semaphore(%arg15 : memref<!tpu.dma_semaphore, #tpu.memory_space<semaphore_mem>>)
    %dma_wait3A_634 = arith.constant 49 : i32
    %dma_wait3A_635 = arith.constant 4 : i32
    %dma_wait3A_636 = arith.constant 0 : i32
    %dma_wait3A_637 = arith.constant 0 : i32
    %dma_wait3A_638 = tpu.memref_slice %arg6[%dma_wait3A_635, %dma_wait3A_636, %dma_wait3A_637] : memref<5x128x128xf32, #tpu.memory_space<vmem>> -> memref<1x128x128xf32, #tpu.memory_space<vmem>>
    %dma_wait3A_639 = tpu.memref_squeeze %dma_wait3A_638 : memref<1x128x128xf32, #tpu.memory_space<vmem>> -> memref<128x128xf32, #tpu.memory_space<vmem>>
    %dma_wait3A_640 = arith.constant 0 : i32
    %dma_wait3A_641 = tpu.memref_slice %arg5[%dma_wait3A_634, %dma_wait3A_640] : memref<50x128xi32, #tpu.memory_space<vmem>> -> memref<1x128xi32, #tpu.memory_space<vmem>>
    %dma_wait3A_642 = tpu.memref_squeeze %dma_wait3A_641 : memref<1x128xi32, #tpu.memory_space<vmem>> -> memref<128xi32, #tpu.memory_space<vmem>>
    %dma_wait3A_643 = arith.constant 0 : i32
    %dma_wait3A_644 = arith.constant 0 : i32
    %dma_wait3A_645 = tpu.memref_slice %arg3[%dma_wait3A_643, %dma_wait3A_644] : memref<1000000x128xf32, #tpu.memory_space<hbm>> -> memref<1000000x128xf32, #tpu.memory_space<hbm>>
    tpu.wait_indirect_dma semaphore(%arg11 : memref<!tpu.dma_semaphore, #tpu.memory_space<semaphore_mem>>) src(%dma_wait3A_645 : memref<1000000x128xf32, #tpu.memory_space<hbm>>) dst(%dma_wait3A_639 : memref<128x128xf32, #tpu.memory_space<vmem>>)
    %parallel_loop3A_646 = arith.constant 0 : i32
    %parallel_loop3A_647 = arith.constant 128 : i32
    %parallel_loop3A_648 = arith.constant 1 : i32
    scf.for %parallel_loop3A_715 = %parallel_loop3A_646 to %parallel_loop3A_647 step %parallel_loop3A_648  : i32 {
      %parallel_loop3A_716 = arith.constant 4 : i32
      %parallel_loop3A_717 = arith.index_cast %parallel_loop3A_716 : i32 to index
      %parallel_loop3A_718 = arith.index_cast %parallel_loop3A_715 : i32 to index
      %parallel_loop3A_719 = arith.constant 0 : index
      %parallel_loop3A_720 = tpu.vector_load %arg6[%parallel_loop3A_717, %parallel_loop3A_718, %parallel_loop3A_719] {strides = array<i32>} : memref<5x128x128xf32, #tpu.memory_space<vmem>>, vector<1x1x16xf32>,
      %parallel_loop3A_721 = vector.shape_cast %parallel_loop3A_720 : vector<1x1x16xf32> to vector<16xf32>
      %parallel_loop3A_722 = arith.constant 11.3137083 : f32
      %parallel_loop3A_723 = vector.broadcast %parallel_loop3A_722 : f32 to vector<16xf32>
      %parallel_loop3A_724 = arith.mulf %parallel_loop3A_721, %parallel_loop3A_723 : vector<16xf32>
      %parallel_loop3A_725 = arith.constant 4 : i32
      %parallel_loop3A_726 = arith.index_cast %parallel_loop3A_725 : i32 to index
      %parallel_loop3A_727 = arith.index_cast %parallel_loop3A_715 : i32 to index
      %parallel_loop3A_728 = arith.constant 0 : index
      %parallel_loop3A_729 = tpu.vector_load %arg6[%parallel_loop3A_726, %parallel_loop3A_727, %parallel_loop3A_728] {strides = array<i32>} : memref<5x128x128xf32, #tpu.memory_space<vmem>>, vector<1x1x16xf32>,
      %parallel_loop3A_730 = vector.shape_cast %parallel_loop3A_729 : vector<1x1x16xf32> to vector<16xf32>
      %parallel_loop3A_731 = vector.shape_cast %parallel_loop3A_724 : vector<16xf32> to vector<1x1x16xf32>
      tpu.vector_store %arg6[%parallel_loop3A_726, %parallel_loop3A_727, %parallel_loop3A_728], %parallel_loop3A_731 {strides = array<i32>} : memref<5x128x128xf32, #tpu.memory_space<vmem>>, vector<1x1x16xf32>,
      %parallel_loop3A_732 = arith.constant 4 : i32
      %parallel_loop3A_733 = arith.index_cast %parallel_loop3A_732 : i32 to index
      %parallel_loop3A_734 = arith.index_cast %parallel_loop3A_715 : i32 to index
      %parallel_loop3A_735 = arith.constant 16 : index
      %parallel_loop3A_736 = tpu.vector_load %arg6[%parallel_loop3A_733, %parallel_loop3A_734, %parallel_loop3A_735] {strides = array<i32>} : memref<5x128x128xf32, #tpu.memory_space<vmem>>, vector<1x1x16xf32>,
      %parallel_loop3A_737 = vector.shape_cast %parallel_loop3A_736 : vector<1x1x16xf32> to vector<16xf32>
      %parallel_loop3A_738 = arith.constant 11.3137083 : f32
      %parallel_loop3A_739 = vector.broadcast %parallel_loop3A_738 : f32 to vector<16xf32>
      %parallel_loop3A_740 = arith.mulf %parallel_loop3A_737, %parallel_loop3A_739 : vector<16xf32>
      %parallel_loop3A_741 = arith.constant 4 : i32
      %parallel_loop3A_742 = arith.index_cast %parallel_loop3A_741 : i32 to index
      %parallel_loop3A_743 = arith.index_cast %parallel_loop3A_715 : i32 to index
      %parallel_loop3A_744 = arith.constant 16 : index
      %parallel_loop3A_745 = tpu.vector_load %arg6[%parallel_loop3A_742, %parallel_loop3A_743, %parallel_loop3A_744] {strides = array<i32>} : memref<5x128x128xf32, #tpu.memory_space<vmem>>, vector<1x1x16xf32>,
      %parallel_loop3A_746 = vector.shape_cast %parallel_loop3A_745 : vector<1x1x16xf32> to vector<16xf32>
      %parallel_loop3A_747 = vector.shape_cast %parallel_loop3A_740 : vector<16xf32> to vector<1x1x16xf32>
      tpu.vector_store %arg6[%parallel_loop3A_742, %parallel_loop3A_743, %parallel_loop3A_744], %parallel_loop3A_747 {strides = array<i32>} : memref<5x128x128xf32, #tpu.memory_space<vmem>>, vector<1x1x16xf32>,
      %parallel_loop3A_748 = arith.constant 4 : i32
      %parallel_loop3A_749 = arith.index_cast %parallel_loop3A_748 : i32 to index
      %parallel_loop3A_750 = arith.index_cast %parallel_loop3A_715 : i32 to index
      %parallel_loop3A_751 = arith.constant 32 : index
      %parallel_loop3A_752 = tpu.vector_load %arg6[%parallel_loop3A_749, %parallel_loop3A_750, %parallel_loop3A_751] {strides = array<i32>} : memref<5x128x128xf32, #tpu.memory_space<vmem>>, vector<1x1x16xf32>,
      %parallel_loop3A_753 = vector.shape_cast %parallel_loop3A_752 : vector<1x1x16xf32> to vector<16xf32>
      %parallel_loop3A_754 = arith.constant 11.3137083 : f32
      %parallel_loop3A_755 = vector.broadcast %parallel_loop3A_754 : f32 to vector<16xf32>
      %parallel_loop3A_756 = arith.mulf %parallel_loop3A_753, %parallel_loop3A_755 : vector<16xf32>
      %parallel_loop3A_757 = arith.constant 4 : i32
      %parallel_loop3A_758 = arith.index_cast %parallel_loop3A_757 : i32 to index
      %parallel_loop3A_759 = arith.index_cast %parallel_loop3A_715 : i32 to index
      %parallel_loop3A_760 = arith.constant 32 : index
      %parallel_loop3A_761 = tpu.vector_load %arg6[%parallel_loop3A_758, %parallel_loop3A_759, %parallel_loop3A_760] {strides = array<i32>} : memref<5x128x128xf32, #tpu.memory_space<vmem>>, vector<1x1x16xf32>,
      %parallel_loop3A_762 = vector.shape_cast %parallel_loop3A_761 : vector<1x1x16xf32> to vector<16xf32>
      %parallel_loop3A_763 = vector.shape_cast %parallel_loop3A_756 : vector<16xf32> to vector<1x1x16xf32>
      tpu.vector_store %arg6[%parallel_loop3A_758, %parallel_loop3A_759, %parallel_loop3A_760], %parallel_loop3A_763 {strides = array<i32>} : memref<5x128x128xf32, #tpu.memory_space<vmem>>, vector<1x1x16xf32>,
      %parallel_loop3A_764 = arith.constant 4 : i32
      %parallel_loop3A_765 = arith.index_cast %parallel_loop3A_764 : i32 to index
      %parallel_loop3A_766 = arith.index_cast %parallel_loop3A_715 : i32 to index
      %parallel_loop3A_767 = arith.constant 48 : index
      %parallel_loop3A_768 = tpu.vector_load %arg6[%parallel_loop3A_765, %parallel_loop3A_766, %parallel_loop3A_767] {strides = array<i32>} : memref<5x128x128xf32, #tpu.memory_space<vmem>>, vector<1x1x16xf32>,
      %parallel_loop3A_769 = vector.shape_cast %parallel_loop3A_768 : vector<1x1x16xf32> to vector<16xf32>
      %parallel_loop3A_770 = arith.constant 11.3137083 : f32
      %parallel_loop3A_771 = vector.broadcast %parallel_loop3A_770 : f32 to vector<16xf32>
      %parallel_loop3A_772 = arith.mulf %parallel_loop3A_769, %parallel_loop3A_771 : vector<16xf32>
      %parallel_loop3A_773 = arith.constant 4 : i32
      %parallel_loop3A_774 = arith.index_cast %parallel_loop3A_773 : i32 to index
      %parallel_loop3A_775 = arith.index_cast %parallel_loop3A_715 : i32 to index
      %parallel_loop3A_776 = arith.constant 48 : index
      %parallel_loop3A_777 = tpu.vector_load %arg6[%parallel_loop3A_774, %parallel_loop3A_775, %parallel_loop3A_776] {strides = array<i32>} : memref<5x128x128xf32, #tpu.memory_space<vmem>>, vector<1x1x16xf32>,
      %parallel_loop3A_778 = vector.shape_cast %parallel_loop3A_777 : vector<1x1x16xf32> to vector<16xf32>
      %parallel_loop3A_779 = vector.shape_cast %parallel_loop3A_772 : vector<16xf32> to vector<1x1x16xf32>
      tpu.vector_store %arg6[%parallel_loop3A_774, %parallel_loop3A_775, %parallel_loop3A_776], %parallel_loop3A_779 {strides = array<i32>} : memref<5x128x128xf32, #tpu.memory_space<vmem>>, vector<1x1x16xf32>,
      %parallel_loop3A_780 = arith.constant 4 : i32
      %parallel_loop3A_781 = arith.index_cast %parallel_loop3A_780 : i32 to index
      %parallel_loop3A_782 = arith.index_cast %parallel_loop3A_715 : i32 to index
      %parallel_loop3A_783 = arith.constant 64 : index
      %parallel_loop3A_784 = tpu.vector_load %arg6[%parallel_loop3A_781, %parallel_loop3A_782, %parallel_loop3A_783] {strides = array<i32>} : memref<5x128x128xf32, #tpu.memory_space<vmem>>, vector<1x1x16xf32>,
      %parallel_loop3A_785 = vector.shape_cast %parallel_loop3A_784 : vector<1x1x16xf32> to vector<16xf32>
      %parallel_loop3A_786 = arith.constant 11.3137083 : f32
      %parallel_loop3A_787 = vector.broadcast %parallel_loop3A_786 : f32 to vector<16xf32>
      %parallel_loop3A_788 = arith.mulf %parallel_loop3A_785, %parallel_loop3A_787 : vector<16xf32>
      %parallel_loop3A_789 = arith.constant 4 : i32
      %parallel_loop3A_790 = arith.index_cast %parallel_loop3A_789 : i32 to index
      %parallel_loop3A_791 = arith.index_cast %parallel_loop3A_715 : i32 to index
      %parallel_loop3A_792 = arith.constant 64 : index
      %parallel_loop3A_793 = tpu.vector_load %arg6[%parallel_loop3A_790, %parallel_loop3A_791, %parallel_loop3A_792] {strides = array<i32>} : memref<5x128x128xf32, #tpu.memory_space<vmem>>, vector<1x1x16xf32>,
      %parallel_loop3A_794 = vector.shape_cast %parallel_loop3A_793 : vector<1x1x16xf32> to vector<16xf32>
      %parallel_loop3A_795 = vector.shape_cast %parallel_loop3A_788 : vector<16xf32> to vector<1x1x16xf32>
      tpu.vector_store %arg6[%parallel_loop3A_790, %parallel_loop3A_791, %parallel_loop3A_792], %parallel_loop3A_795 {strides = array<i32>} : memref<5x128x128xf32, #tpu.memory_space<vmem>>, vector<1x1x16xf32>,
      %parallel_loop3A_796 = arith.constant 4 : i32
      %parallel_loop3A_797 = arith.index_cast %parallel_loop3A_796 : i32 to index
      %parallel_loop3A_798 = arith.index_cast %parallel_loop3A_715 : i32 to index
      %parallel_loop3A_799 = arith.constant 80 : index
      %parallel_loop3A_800 = tpu.vector_load %arg6[%parallel_loop3A_797, %parallel_loop3A_798, %parallel_loop3A_799] {strides = array<i32>} : memref<5x128x128xf32, #tpu.memory_space<vmem>>, vector<1x1x16xf32>,
      %parallel_loop3A_801 = vector.shape_cast %parallel_loop3A_800 : vector<1x1x16xf32> to vector<16xf32>
      %parallel_loop3A_802 = arith.constant 11.3137083 : f32
      %parallel_loop3A_803 = vector.broadcast %parallel_loop3A_802 : f32 to vector<16xf32>
      %parallel_loop3A_804 = arith.mulf %parallel_loop3A_801, %parallel_loop3A_803 : vector<16xf32>
      %parallel_loop3A_805 = arith.constant 4 : i32
      %parallel_loop3A_806 = arith.index_cast %parallel_loop3A_805 : i32 to index
      %parallel_loop3A_807 = arith.index_cast %parallel_loop3A_715 : i32 to index
      %parallel_loop3A_808 = arith.constant 80 : index
      %parallel_loop3A_809 = tpu.vector_load %arg6[%parallel_loop3A_806, %parallel_loop3A_807, %parallel_loop3A_808] {strides = array<i32>} : memref<5x128x128xf32, #tpu.memory_space<vmem>>, vector<1x1x16xf32>,
      %parallel_loop3A_810 = vector.shape_cast %parallel_loop3A_809 : vector<1x1x16xf32> to vector<16xf32>
      %parallel_loop3A_811 = vector.shape_cast %parallel_loop3A_804 : vector<16xf32> to vector<1x1x16xf32>
      tpu.vector_store %arg6[%parallel_loop3A_806, %parallel_loop3A_807, %parallel_loop3A_808], %parallel_loop3A_811 {strides = array<i32>} : memref<5x128x128xf32, #tpu.memory_space<vmem>>, vector<1x1x16xf32>,
      %parallel_loop3A_812 = arith.constant 4 : i32
      %parallel_loop3A_813 = arith.index_cast %parallel_loop3A_812 : i32 to index
      %parallel_loop3A_814 = arith.index_cast %parallel_loop3A_715 : i32 to index
      %parallel_loop3A_815 = arith.constant 96 : index
      %parallel_loop3A_816 = tpu.vector_load %arg6[%parallel_loop3A_813, %parallel_loop3A_814, %parallel_loop3A_815] {strides = array<i32>} : memref<5x128x128xf32, #tpu.memory_space<vmem>>, vector<1x1x16xf32>,
      %parallel_loop3A_817 = vector.shape_cast %parallel_loop3A_816 : vector<1x1x16xf32> to vector<16xf32>
      %parallel_loop3A_818 = arith.constant 11.3137083 : f32
      %parallel_loop3A_819 = vector.broadcast %parallel_loop3A_818 : f32 to vector<16xf32>
      %parallel_loop3A_820 = arith.mulf %parallel_loop3A_817, %parallel_loop3A_819 : vector<16xf32>
      %parallel_loop3A_821 = arith.constant 4 : i32
      %parallel_loop3A_822 = arith.index_cast %parallel_loop3A_821 : i32 to index
      %parallel_loop3A_823 = arith.index_cast %parallel_loop3A_715 : i32 to index
      %parallel_loop3A_824 = arith.constant 96 : index
      %parallel_loop3A_825 = tpu.vector_load %arg6[%parallel_loop3A_822, %parallel_loop3A_823, %parallel_loop3A_824] {strides = array<i32>} : memref<5x128x128xf32, #tpu.memory_space<vmem>>, vector<1x1x16xf32>,
      %parallel_loop3A_826 = vector.shape_cast %parallel_loop3A_825 : vector<1x1x16xf32> to vector<16xf32>
      %parallel_loop3A_827 = vector.shape_cast %parallel_loop3A_820 : vector<16xf32> to vector<1x1x16xf32>
      tpu.vector_store %arg6[%parallel_loop3A_822, %parallel_loop3A_823, %parallel_loop3A_824], %parallel_loop3A_827 {strides = array<i32>} : memref<5x128x128xf32, #tpu.memory_space<vmem>>, vector<1x1x16xf32>,
      %parallel_loop3A_828 = arith.constant 4 : i32
      %parallel_loop3A_829 = arith.index_cast %parallel_loop3A_828 : i32 to index
      %parallel_loop3A_830 = arith.index_cast %parallel_loop3A_715 : i32 to index
      %parallel_loop3A_831 = arith.constant 112 : index
      %parallel_loop3A_832 = tpu.vector_load %arg6[%parallel_loop3A_829, %parallel_loop3A_830, %parallel_loop3A_831] {strides = array<i32>} : memref<5x128x128xf32, #tpu.memory_space<vmem>>, vector<1x1x16xf32>,
      %parallel_loop3A_833 = vector.shape_cast %parallel_loop3A_832 : vector<1x1x16xf32> to vector<16xf32>
      %parallel_loop3A_834 = arith.constant 11.3137083 : f32
      %parallel_loop3A_835 = vector.broadcast %parallel_loop3A_834 : f32 to vector<16xf32>
      %parallel_loop3A_836 = arith.mulf %parallel_loop3A_833, %parallel_loop3A_835 : vector<16xf32>
      %parallel_loop3A_837 = arith.constant 4 : i32
      %parallel_loop3A_838 = arith.index_cast %parallel_loop3A_837 : i32 to index
      %parallel_loop3A_839 = arith.index_cast %parallel_loop3A_715 : i32 to index
      %parallel_loop3A_840 = arith.constant 112 : index
      %parallel_loop3A_841 = tpu.vector_load %arg6[%parallel_loop3A_838, %parallel_loop3A_839, %parallel_loop3A_840] {strides = array<i32>} : memref<5x128x128xf32, #tpu.memory_space<vmem>>, vector<1x1x16xf32>,
      %parallel_loop3A_842 = vector.shape_cast %parallel_loop3A_841 : vector<1x1x16xf32> to vector<16xf32>
      %parallel_loop3A_843 = vector.shape_cast %parallel_loop3A_836 : vector<16xf32> to vector<1x1x16xf32>
      tpu.vector_store %arg6[%parallel_loop3A_838, %parallel_loop3A_839, %parallel_loop3A_840], %parallel_loop3A_843 {strides = array<i32>} : memref<5x128x128xf32, #tpu.memory_space<vmem>>, vector<1x1x16xf32>,
    } {sc.loop_unroll_factor = 1 : i64, sc.parallel_access}
    %dma_wait3A_649 = arith.constant 3 : i32
    %dma_wait3A_650 = arith.constant 48 : i32
    %dma_wait3A_651 = arith.constant 0 : i32
    %dma_wait3A_652 = arith.constant 0 : i32
    %dma_wait3A_653 = tpu.memref_slice %arg6[%dma_wait3A_649, %dma_wait3A_651, %dma_wait3A_652] : memref<5x128x128xf32, #tpu.memory_space<vmem>> -> memref<1x128x128xf32, #tpu.memory_space<vmem>>
    %dma_wait3A_654 = tpu.memref_squeeze %dma_wait3A_653 : memref<1x128x128xf32, #tpu.memory_space<vmem>> -> memref<128x128xf32, #tpu.memory_space<vmem>>
    %dma_wait3A_655 = arith.constant 0 : i32
    %dma_wait3A_656 = arith.constant 0 : i32
    %dma_wait3A_657 = tpu.memref_slice %arg4[%dma_wait3A_650, %dma_wait3A_655, %dma_wait3A_656] : memref<50x4096x128xf32, #tpu.memory_space<hbm>> -> memref<1x4096x128xf32, #tpu.memory_space<hbm>>
    %dma_wait3A_658 = tpu.memref_squeeze %dma_wait3A_657 : memref<1x4096x128xf32, #tpu.memory_space<hbm>> -> memref<4096x128xf32, #tpu.memory_space<hbm>>
    %dma_wait3A_659 = arith.constant 0 : i32
    %dma_wait3A_660 = tpu.memref_slice %dma_wait3A_658[%mul3A_2, %dma_wait3A_659] : memref<4096x128xf32, #tpu.memory_space<hbm>> -> memref<128x128xf32, #tpu.memory_space<hbm>>
    %dma_wait3A_661 = arith.constant 0 : i32
    %dma_wait3A_662 = arith.constant 0 : i32
    %dma_wait3A_663 = tpu.memref_slice %arg4[%dma_wait3A_650, %dma_wait3A_661, %dma_wait3A_662] : memref<50x4096x128xf32, #tpu.memory_space<hbm>> -> memref<1x4096x128xf32, #tpu.memory_space<hbm>>
    %dma_wait3A_664 = tpu.memref_squeeze %dma_wait3A_663 : memref<1x4096x128xf32, #tpu.memory_space<hbm>> -> memref<4096x128xf32, #tpu.memory_space<hbm>>
    %dma_wait3A_665 = arith.constant 0 : i32
    %dma_wait3A_666 = tpu.memref_slice %dma_wait3A_664[%mul3A_2, %dma_wait3A_665] : memref<4096x128xf32, #tpu.memory_space<hbm>> -> memref<128x128xf32, #tpu.memory_space<hbm>>
    %dma_wait3A_667 = arith.constant 0 : i32
    %dma_wait3A_668 = arith.constant 0 : i32
    %dma_wait3A_669 = tpu.memref_slice %arg6[%dma_wait3A_649, %dma_wait3A_667, %dma_wait3A_668] : memref<5x128x128xf32, #tpu.memory_space<vmem>> -> memref<1x128x128xf32, #tpu.memory_space<vmem>>
    %dma_wait3A_670 = tpu.memref_squeeze %dma_wait3A_669 : memref<1x128x128xf32, #tpu.memory_space<vmem>> -> memref<128x128xf32, #tpu.memory_space<vmem>>
    tpu.wait_dma2 semaphore(%arg15 : memref<!tpu.dma_semaphore, #tpu.memory_space<semaphore_mem>>) src(%dma_wait3A_670 : memref<128x128xf32, #tpu.memory_space<vmem>>) dst(%dma_wait3A_666 : memref<128x128xf32, #tpu.memory_space<hbm>>)
    %dma_start3A_671 = arith.constant 4 : i32
    %dma_start3A_672 = arith.constant 49 : i32
    %dma_start3A_673 = arith.constant 0 : i32
    %dma_start3A_674 = arith.constant 0 : i32
    %dma_start3A_675 = tpu.memref_slice %arg6[%dma_start3A_671, %dma_start3A_673, %dma_start3A_674] : memref<5x128x128xf32, #tpu.memory_space<vmem>> -> memref<1x128x128xf32, #tpu.memory_space<vmem>>
    %dma_start3A_676 = tpu.memref_squeeze %dma_start3A_675 : memref<1x128x128xf32, #tpu.memory_space<vmem>> -> memref<128x128xf32, #tpu.memory_space<vmem>>
    %dma_start3A_677 = arith.constant 0 : i32
    %dma_start3A_678 = arith.constant 0 : i32
    %dma_start3A_679 = tpu.memref_slice %arg4[%dma_start3A_672, %dma_start3A_677, %dma_start3A_678] : memref<50x4096x128xf32, #tpu.memory_space<hbm>> -> memref<1x4096x128xf32, #tpu.memory_space<hbm>>
    %dma_start3A_680 = tpu.memref_squeeze %dma_start3A_679 : memref<1x4096x128xf32, #tpu.memory_space<hbm>> -> memref<4096x128xf32, #tpu.memory_space<hbm>>
    %dma_start3A_681 = arith.constant 0 : i32
    %dma_start3A_682 = tpu.memref_slice %dma_start3A_680[%mul3A_2, %dma_start3A_681] : memref<4096x128xf32, #tpu.memory_space<hbm>> -> memref<128x128xf32, #tpu.memory_space<hbm>>
    %dma_start3A_683 = arith.constant 0 : i32
    %dma_start3A_684 = arith.constant 0 : i32
    %dma_start3A_685 = tpu.memref_slice %arg4[%dma_start3A_672, %dma_start3A_683, %dma_start3A_684] : memref<50x4096x128xf32, #tpu.memory_space<hbm>> -> memref<1x4096x128xf32, #tpu.memory_space<hbm>>
    %dma_start3A_686 = tpu.memref_squeeze %dma_start3A_685 : memref<1x4096x128xf32, #tpu.memory_space<hbm>> -> memref<4096x128xf32, #tpu.memory_space<hbm>>
    %dma_start3A_687 = arith.constant 0 : i32
    %dma_start3A_688 = tpu.memref_slice %dma_start3A_686[%mul3A_2, %dma_start3A_687] : memref<4096x128xf32, #tpu.memory_space<hbm>> -> memref<128x128xf32, #tpu.memory_space<hbm>>
    %dma_start3A_689 = arith.constant 0 : i32
    %dma_start3A_690 = arith.constant 0 : i32
    %dma_start3A_691 = tpu.memref_slice %arg6[%dma_start3A_671, %dma_start3A_689, %dma_start3A_690] : memref<5x128x128xf32, #tpu.memory_space<vmem>> -> memref<1x128x128xf32, #tpu.memory_space<vmem>>
    %dma_start3A_692 = tpu.memref_squeeze %dma_start3A_691 : memref<1x128x128xf32, #tpu.memory_space<vmem>> -> memref<128x128xf32, #tpu.memory_space<vmem>>
    tpu.enqueue_dma source(%dma_start3A_692 : memref<128x128xf32, #tpu.memory_space<vmem>>) target(%dma_start3A_688 : memref<128x128xf32, #tpu.memory_space<hbm>>) target_semaphore(%arg16 : memref<!tpu.dma_semaphore, #tpu.memory_space<semaphore_mem>>)
    %dma_wait3A_693 = arith.constant 4 : i32
    %dma_wait3A_694 = arith.constant 49 : i32
    %dma_wait3A_695 = arith.constant 0 : i32
    %dma_wait3A_696 = arith.constant 0 : i32
    %dma_wait3A_697 = tpu.memref_slice %arg6[%dma_wait3A_693, %dma_wait3A_695, %dma_wait3A_696] : memref<5x128x128xf32, #tpu.memory_space<vmem>> -> memref<1x128x128xf32, #tpu.memory_space<vmem>>
    %dma_wait3A_698 = tpu.memref_squeeze %dma_wait3A_697 : memref<1x128x128xf32, #tpu.memory_space<vmem>> -> memref<128x128xf32, #tpu.memory_space<vmem>>
    %dma_wait3A_699 = arith.constant 0 : i32
    %dma_wait3A_700 = arith.constant 0 : i32
    %dma_wait3A_701 = tpu.memref_slice %arg4[%dma_wait3A_694, %dma_wait3A_699, %dma_wait3A_700] : memref<50x4096x128xf32, #tpu.memory_space<hbm>> -> memref<1x4096x128xf32, #tpu.memory_space<hbm>>
    %dma_wait3A_702 = tpu.memref_squeeze %dma_wait3A_701 : memref<1x4096x128xf32, #tpu.memory_space<hbm>> -> memref<4096x128xf32, #tpu.memory_space<hbm>>
    %dma_wait3A_703 = arith.constant 0 : i32
    %dma_wait3A_704 = tpu.memref_slice %dma_wait3A_702[%mul3A_2, %dma_wait3A_703] : memref<4096x128xf32, #tpu.memory_space<hbm>> -> memref<128x128xf32, #tpu.memory_space<hbm>>
    %dma_wait3A_705 = arith.constant 0 : i32
    %dma_wait3A_706 = arith.constant 0 : i32
    %dma_wait3A_707 = tpu.memref_slice %arg4[%dma_wait3A_694, %dma_wait3A_705, %dma_wait3A_706] : memref<50x4096x128xf32, #tpu.memory_space<hbm>> -> memref<1x4096x128xf32, #tpu.memory_space<hbm>>
    %dma_wait3A_708 = tpu.memref_squeeze %dma_wait3A_707 : memref<1x4096x128xf32, #tpu.memory_space<hbm>> -> memref<4096x128xf32, #tpu.memory_space<hbm>>
    %dma_wait3A_709 = arith.constant 0 : i32
    %dma_wait3A_710 = tpu.memref_slice %dma_wait3A_708[%mul3A_2, %dma_wait3A_709] : memref<4096x128xf32, #tpu.memory_space<hbm>> -> memref<128x128xf32, #tpu.memory_space<hbm>>
    %dma_wait3A_711 = arith.constant 0 : i32
    %dma_wait3A_712 = arith.constant 0 : i32
    %dma_wait3A_713 = tpu.memref_slice %arg6[%dma_wait3A_693, %dma_wait3A_711, %dma_wait3A_712] : memref<5x128x128xf32, #tpu.memory_space<vmem>> -> memref<1x128x128xf32, #tpu.memory_space<vmem>>
    %dma_wait3A_714 = tpu.memref_squeeze %dma_wait3A_713 : memref<1x128x128xf32, #tpu.memory_space<vmem>> -> memref<128x128xf32, #tpu.memory_space<vmem>>
    tpu.wait_dma2 semaphore(%arg16 : memref<!tpu.dma_semaphore, #tpu.memory_space<semaphore_mem>>) src(%dma_wait3A_714 : memref<128x128xf32, #tpu.memory_space<vmem>>) dst(%dma_wait3A_710 : memref<128x128xf32, #tpu.memory_space<hbm>>)
    return
  }
}

</mosaic_0001>

<sc_bundles>
// kernel: kernel.3.cloned.1.call-start
scs
__scs_entry_jumppad:
0x0: {  	(pc) =	sbr.rel $0x88, $3  }
0x1: {  	(tag) =	ssettag $0x0;
	lr =	simm.s32 $0x1  }
0x2: {  	[smem:$0x3F9F] =	sst lr;
	_ =	strace $0xD0000000  }
0x3: {  	_ = 	snop  }
0x4: {  	_ = 	snop  }
0x5: {  	_ = 	snop  }
0x6: {  	_ = 	snop  }
0x7: {  	_ = 	snop  }
__scs_overlays_trampoline_lowered:
0x8: {  	[smem:$0x3FAE] =	sst s0  }
0x9: {  	[smem:$0x3FAF] =	sst s1  }
0xa: {  	[smem:$0x3FB0] =	sst s2  }
0xb: {  	[smem:$0x3FB1] =	sst s3  }
0xc: {  	[smem:$0x3FB2] =	sst s4  }
0xd: {  	[smem:$0x3FB3] =	sst s5  }
0xe: {  	[smem:$0x3FB4] =	sst s6  }
0xf: {  	[smem:$0x3FB5] =	sst s7  }
0x10: {  	[smem:$0x3FB6] =	sst s8  }
0x11: {  	[smem:$0x3FB7] =	sst s9;
	s0 =	simm.s32 @!p0 $0x0  }
0x12: {  	s1 =	sld [smem:$0x3F9D];
	s0 =	simm.s32 @p0 $0x1  }
0x13: {  	[smem:$0x3FB8] =	sst s0;
	s0 =	simm.s32 @!p1 $0x0  }
0x14: {  	s2 =	sld [smem:$0x3F9C];
	s0 =	simm.s32 @p1 $0x1  }
0x15: {  	[smem:$0x3FB9] =	sst s0;
	s0 =	simm.s32 @!p2 $0x0  }
0x16: {  	s3 =	sld [smem:$0x3FDB];
	s0 =	simm.s32 @p2 $0x1  }
0x17: {  	s4 =	simm.s32 $0x1BF5;
	[smem:$0x3FBB] =	sst s0  }
0x18: {  	s0 =	sld [smem:$0x3F9E];
	_ =	swait.ge [sflag:s4], $0x0  }
0x19: {  	s7 =	sld [smem:$0x3F9F]  }
0x1a: {  	s8 =	sadd.s32 $0xFFFFE003, lr  }
0x1b: {  	s9 =	sadd.s32 $0xFFFFFEF7, lr;
	s5 =	simm.s32 $0xFFFFFFFF;
	p2 =	slt.u32 s8, $0xFFFFF086  }
0x1c: {  	p1 =	slt.u32 s9, $0xF7A;
	s5 =	simm.s32 @!p2 $0x0  }
0x1d: {  	s5 =	simm.s32 @p1 $0x1;
	p0 =	seq.s32 s7, s2  }
0x1e: {  	s7 =	smul.u32 @!p0 $0xF7A, s2;
	p2 =	seq.s32 @!p0 s5, $0x0  }
0x1f: {  	s9 =	smul.u32 $0xF7A, s1;
	s8 =	simm.s32 @!p0 $0x1BF5;
	p2 =	por !p2, p0  }
0x20: {  	[sflag:s8] =	ssyncset.s32 @!p0 $0xFFFFF086;
	s6 =	sadd.s32 @!p0 s3, s7;
	s7 =	simm.s32 @!p0 $0x108  }
0x21: {  	s3 =	sadd.s32 s3, s9;
	s6 =	sadd.s32 @!p0 $0x88, s6;
	s7 =	simm.s32 @p2 $0x1082  }
0x22: {  	[simem:s7], [sflag:s8] =	dma.local @!p0 [hbm:s6], $0xF7A  }
0x23: {  	s9 =	sor.u32 $0xD0000000, s2;
	s6 =	simm.s32 $0x108;
	_ =	swait.ge @!p0 [sflag:s8], $0x0  }
0x24: {  	s3 =	sadd.s32 $0x88, s3;
	s6 =	simm.s32 @!p1 $0x1082;
	[sflag:s4] =	ssyncset.s32 $0xFFFFF086  }
0x25: {  	[simem:s6], [sflag:s4] =	dma.local [hbm:s3], $0xF7A  }
0x26: {  	[smem:$0x3F9F] =	sst s1;
	(tag) =	ssettag s2;
	_ =	strace s9  }
0x27: {  	s1 =	sld [smem:$0x3FAF]  }
0x28: {  	s2 =	sld [smem:$0x3FB0]  }
0x29: {  	s4 =	sld [smem:$0x3FB2]  }
0x2a: {  	p0 =	seq.s32 s5, $0x0;
	s5 =	sld [smem:$0x3FB3]  }
0x2b: {  	s6 =	sld [smem:$0x3FB4]  }
0x2c: {  	s7 =	sld [smem:$0x3FB5]  }
0x2d: {  	s3 =	simm.s32 $0x108;
	s8 =	sld [smem:$0x3FB6]  }
0x2e: {  	s3 =	simm.s32 @!p0 $0x1082;
	s9 =	sld [smem:$0x3FB7]  }
0x2f: {  	lr =	sadd.s32 s0, s3;
	s0 =	sld [smem:$0x3FAE]  }
0x30: {  	s3 =	sld [smem:$0x3FB1]  }
0x31: {  	[smem:$0x3FBA] =	sst s10  }
0x32: {  	s10 =	sld [smem:$0x3FB8];
	_ =	sdelay $0x3  }
0x33: {  	p0 =	seq.s32 s10, $0x1;
	s10 =	sld [smem:$0x3FBA];
	_ =	sdelay $0x3  }
0x34: {  	[smem:$0x3FBA] =	sst s10  }
0x35: {  	s10 =	sld [smem:$0x3FB9];
	_ =	sdelay $0x3  }
0x36: {  	p1 =	seq.s32 s10, $0x1;
	s10 =	sld [smem:$0x3FBA];
	_ =	sdelay $0x3  }
0x37: {  	[smem:$0x3FBA] =	sst s10  }
0x38: {  	s10 =	sld [smem:$0x3FBB]  }
0x39: {  	_ = 	snop;
	(pc) =	sbr.ind lr, $3  }
0x3a: {  	_ = 	snop  }
0x3b: {  	_ = 	snop  }
0x3c: {  	p2 =	seq.s32 s10, $0x1;
	s10 =	sld [smem:$0x3FBA]  }
0x3d: {  	_ =	shalt  }
0x3e: {  	_ =	shalt  }
0x3f: {  	_ =	shalt  }
0x40: {  	_ =	shalt  }
0x41: {  	_ =	shalt  }
0x42: {  	_ =	shalt  }
0x43: {  	_ =	shalt  }
0x44: {  	_ =	shalt  }
0x45: {  	_ =	shalt  }
0x46: {  	_ =	shalt  }
0x47: {  	_ =	shalt  }
0x48: {  	_ =	shalt  }
0x49: {  	_ =	shalt  }
0x4a: {  	_ =	shalt  }
0x4b: {  	_ =	shalt  }
0x4c: {  	_ =	shalt  }
0x4d: {  	_ =	shalt  }
0x4e: {  	_ =	shalt  }
0x4f: {  	_ =	shalt  }
0x50: {  	_ =	shalt  }
0x51: {  	_ =	shalt  }
0x52: {  	_ =	shalt  }
0x53: {  	_ =	shalt  }
0x54: {  	_ =	shalt  }
0x55: {  	_ =	shalt  }
0x56: {  	_ =	shalt  }
0x57: {  	_ =	shalt  }
0x58: {  	_ =	shalt  }
0x59: {  	_ =	shalt  }
0x5a: {  	_ =	shalt  }
0x5b: {  	_ =	shalt  }
0x5c: {  	_ =	shalt  }
0x5d: {  	_ =	shalt  }
0x5e: {  	_ =	shalt  }
0x5f: {  	_ =	shalt  }
0x60: {  	_ =	shalt  }
0x61: {  	_ =	shalt  }
0x62: {  	_ =	shalt  }
0x63: {  	_ =	shalt  }
0x64: {  	_ =	shalt  }
0x65: {  	_ =	shalt  }
0x66: {  	_ =	shalt  }
0x67: {  	_ =	shalt  }
0x68: {  	_ =	shalt  }
0x69: {  	_ =	shalt  }
0x6a: {  	_ =	shalt  }
0x6b: {  	_ =	shalt  }
0x6c: {  	_ =	shalt  }
0x6d: {  	_ =	shalt  }
0x6e: {  	_ =	shalt  }
0x6f: {  	_ =	shalt  }
0x70: {  	_ =	shalt  }
0x71: {  	_ =	shalt  }
0x72: {  	_ =	shalt  }
0x73: {  	_ =	shalt  }
0x74: {  	_ =	shalt  }
0x75: {  	_ =	shalt  }
0x76: {  	_ =	shalt  }
0x77: {  	_ =	shalt  }
0x78: {  	_ =	shalt  }
0x79: {  	_ =	shalt  }
0x7a: {  	_ =	shalt  }
0x7b: {  	_ =	shalt  }
0x7c: {  	_ =	shalt  }
0x7d: {  	_ =	shalt  }
0x7e: {  	_ =	shalt  }
0x7f: {  	_ =	shalt  }
0x80: {  	_ =	shalt  }
0x81: {  	_ =	shalt  }
0x82: {  	_ =	shalt  }
0x83: {  	_ =	shalt  }
0x84: {  	_ =	shalt  }
0x85: {  	_ =	shalt  }
0x86: {  	_ =	shalt  }
0x87: {  	_ =	shalt  }
.Lfunc_end0:
.L_simem_size_0:
called_computation_lowered:
.L_overlay_start_0:
0x88: {  	s2 =	sld [smem:$0x3FD9]  }
0x89: {  	s3 =	sld [smem:$0x3FFE];
	_ =	sdelay $0x1  }
0x8a: {  	s1 =	srdreg.scid  }
0x8b: {  	s0 =	sand.u32 $0x1, s1  }
0x8c: {  	s18 =	sshll.u32 s0, $0xA;
	s2 =	sadd.s32 s3, s2  }
0x8d: {  	s2 =	sadd.s32 s2, s18  }
0x8e: {  	[smem:$0x3FC6] =	sst s2  }
0x8f: {  	_ = 	snop  }
0x90: {  	s2 =	sld [smem:$0x3FC9]  }
0x91: {  	s19 =	sld [smem:$0x3FC8]  }
0x92: {  	s4 =	sld [smem:$0x3FD0];
	(tm) =	ssettm $0x1  }
0x93: {  	s5 =	sld [smem:$0x3FFB];
	_ =	sdelay $0x3  }
0x94: {  	_ =	strace s5  }
0x95: {  	s5 =	sld [smem:$0x3FFC];
	_ =	sdelay $0x3  }
0x96: {  	_ =	strace s5  }
0x97: {  	s5 =	sld [smem:$0x3FFD];
	_ =	sdelay $0x3  }
0x98: {  	_ =	strace s5  }
0x99: {  	_ =	strace $0x8FFFFFFF  }
0x9a: {  	s20 =	sld [smem:$0x3FDB];
	_ =	sdelay $0x1  }
0x9b: {  	s6 =	simm.s32 $_scs_section_size  }
0x9c: {  	s7 =	simm.s32 $_size__tile_overlayer_lowered;
	s8 =	simm.s32 $_tile_overlayer_lowered  }
0x9d: {  	s23 =	simm.s32 $0x1BFF;
	s22 =	sshll.u32 s8, $0x1;
	s5 =	sadd.s32 s6, s20  }
0x9e: {  	s9 =	simm.s32 $0x0;
	s21 =	sshll.u32 s7, $0x1;
	s7 =	sadd.s32 s22, s5  }
0x9f: {  	[timem:s9], [sflag:s23] =	dma.local [hbm:s7], s21  }
0xa0: {  	_ =	swait.ge [sflag:s23], s21  }
0xa1: {  	s6 =	ssub.s32 $0x0, s21;
	[sflag:s23] =	ssyncset.done $0x0  }
0xa2: {  	[sflag:s23] =	ssyncadd.s32 s6;
	_ =	sdelay $0x1  }
0xa3: {  	s24 =	simm.s32 $0x1B8B  }
0xa4: {  	_ =	swait.ge [sflag:s24], $0x1  }
0xa5: {  	[sflag:s24] =	ssyncset.done $0x0  }
0xa6: {  	s25 =	simm.s32 $0x1B8E;
	[sflag:s24] =	ssyncadd.s32 $0xFFFFFFFF  }
0xa7: {  	s26 =	simm.s32 $execute0_lowered;
	[smem:$0x3FD2] =	sst s25  }
0xa8: {  	s6 =	sshll.u32 s26, $0x1;
	_ =	strace $0x80000046;
	[dreg:$0x1] =	wrdreg $0xFFFFFFFF  }
0xa9: {  	s28 =	simm.s32 $_size_execute0_lowered;
	s5 =	sadd.s32 s5, s6;
	[dreg:$0x0] =	wrdreg $0x0  }
0xaa: {  	s6 =	sshll.u32 s28, $0x1;
	[dreg:$0x2] =	wrdreg s5  }
0xab: {  	[dreg:$0x3] =	wrdreg s6  }
0xac: {  	[dreg:$0x4] =	wrdreg $0xC0  }
0xad: {  	_ =	task [dreg:s9], $0x5FFFF  }
0xae: {  	[dreg:$0x1] =	wrdreg $0xFFFFFFFF  }
0xaf: {  	[dreg:$0x0] =	wrdreg $0x60  }
0xb0: {  	[dreg:$0x2] =	wrdreg s2  }
0xb1: {  	[dreg:$0x3] =	wrdreg s19  }
0xb2: {  	[dreg:$0x4] =	wrdreg s4  }
0xb3: {  	[dreg:$0x5] =	wrdreg $0x9  }
0xb4: {  	_ =	task.clear_ibuf [dreg:s9], $0x6FFFF;
	_ =	strace $0x90000046  }
0xb5: {  	s29 =	simm.s32 $0x9;
	_ =	strace $0x80000048  }
0xb6: {  	_ =	swait.ge [sflag:s29], $0x1  }
0xb7: {  	[sflag:s29] =	ssyncadd.s32 $0xFFFFFFFF  }
0xb8: {  	_ =	strace $0x90000048  }
0xb9: {  	_ =	sfence  }
0xba: {  	s30 =	sld [smem:$0x0];
	_ =	sdelay $0x2  }
0xbb: {  	s31 =	sshll.u32 s1, $0xD;
	s1 =	sshrl.u32 s1, $0x2  }
0xbc: {  	s3 =	sand.u32 $0x4000, s31;
	s1 =	sadd.s32 s1, s30  }
0xbd: {  	s0 =	sor.u32 s3, s0;
	s1 =	sshll.u32 s1, $0x11  }
0xbe: {  	s0 =	sor.u32 s1, s0  }
0xbf: {  	s0 =	sadd.s32 $0x8F2B, s0  }
0xc0: {  	[sflag:s0] =	ssyncadd.remote.s32 $0x1  }
0xc1: {  	_ =	sfence.sel $0xFFFF  }
0xc2: {  	[dreg:$0x0] =	wrdreg $0xFFFFFFFF;
	(pc) =	sbr.abs _section_cstart, $3  }
0xc3: {  	[dreg:$0x1] =	wrdreg $0xFFFFFFFF  }
0xc4: {  	_ =	task.clear_ibuf [dreg:s9], $0x2FFFF;
	_ =	strace $0x9FFFFFFF  }
0xc5: {  	(tm) =	ssettm $0x7FFFFFFF  }
tec
execute0_lowered:
.L_overlay_start_1:
0x0: {  	(tag) =	ssettag $0x1  }
0x1: {  	s0 =	rddreg [dreg:$0x0]  }
0x2: {  	s2 =	rddreg [dreg:$0x1]  }
0x3: {  	s3 =	rddreg [dreg:$0x2]  }
0x4: {  	s1 =	srdreg.scid;
	s5 =	stileid.u32  }
0x5: {  	s4 =	simm.s32 $0x0;
	s21 =	simm.s32 $0x400;
	s13 =	simm.s32 $0xB  }
0x6: {  	s14 =	simm.s32 $0x80;
	s15 =	simm.s32 $0x1C00;
	s16 =	simm.s32 $0x5C00  }
0x7: {  	s28 =	simm.s32 $0x9C00;
	s30 =	simm.s32 $0xDC00;
	s31 =	simm.s32 $0x1  }
0x8: {  	s29 =	simm.s32 $0x3;
	s1 =	sand.u32 $0x1, s1;
	s5 =	sshll.u32 s5, $0x8  }
0x9: {  	[smem:$0x7FF] =	sst s4;
	s25 =	sadd.s32 $0x10000, s3;
	s26 =	sadd.s32 $0x20000, s3  }
0xa: {  	s8 =	sadd.s32 $0x30000, s3;
	s9 =	sadd.s32 $0x40000, s3;
	s10 =	sadd.s32 $0x2D0000, s3  }
0xb: {  	s11 =	sadd.s32 $0x2E0000, s3;
	s12 =	sadd.s32 $0x2F0000, s3;
	s6 =	sshll.u32 s1, $0x7  }
0xc: {  	s17 =	sadd.s32 $0x300000, s3;
	s1 =	ssub.s32 $0x2, s1;
	s6 =	sor.u32 s6, s5  }
0xd: {  	s18 =	sadd.s32 $0x310000, s3;
	s7 =	sshrl.u32 s1, $0x1;
	s5 =	sadd.s32 s0, s6  }
0xe: {  	s22 =	ssub.s32 s1, s7;
	s7 =	sshll.u32 s6, $0x4;
	s23 =	sadd.s32 $0x6000, s5  }
0xf: {  	_ =	strace $0x80000047;
	s24 =	sadd.s32 s3, s7;
	[dreg:$0x4] =	wrdreg s23  }
0x10: {  	s6 =	simm.s32 $0x5;
	s0 =	smax.u32 s22, $0x1;
	[dreg:$0x5] =	wrdreg s24  }
0x11: {  	s1 =	sadd.s32 s7, s25;
	s19 =	sadd.s32 s7, s26;
	[dreg:$0x6] =	wrdreg s0  }
0x12: {  	s20 =	sadd.s32 s7, s8;
	s22 =	sadd.s32 s7, s9;
	[dreg:$0x7] =	wrdreg s1  }
0x13: {  	s25 =	sadd.s32 s7, s12;
	s26 =	sadd.s32 s7, s17;
	[dreg:$0x8] =	wrdreg s19  }
0x14: {  	s12 =	simm.s32 $0x6;
	s8 =	simm.s32 $0x9;
	[dreg:$0x9] =	wrdreg s20  }
0x15: {  	s9 =	simm.s32 $0xA;
	s17 =	simm.s32 $0x0;
	[dreg:$0xa] =	wrdreg s22  }
0x16: {  	s23 =	sadd.s32 s7, s10;
	s24 =	sadd.s32 s7, s11;
	[dreg:$0xd] =	wrdreg s25  }
0x17: {  	[dreg:$0xe] =	wrdreg s26;
	s25 =	sadd.s32 s7, s18;
	s1 =	simm.s32 $0x11C00  }
0x18: {  	s11 =	simm.s32 $0x2;
	s0 =	simm.s32 $0x7;
	[dreg:$0xb] =	wrdreg s23  }
0x19: {  	s26 =	simm.s32 $0x4;
	s10 =	simm.s32 $0x8;
	[dreg:$0xc] =	wrdreg s24  }
.LBB2_1:
0x1a: {  	s18 =	simm.s32 $0x8000  }
0x1b: {  	[tilespmem:s4], [sflag:$0xB] =	stream.strided.gather [hbm4b:s5+s21], $0x1800, s18, s21, $0x38;
	[tilespmem:$0x15C00] =	vst v63  }
0x1c: {  	s22 =	rddreg [dreg:$0x4];
	s19 =	simm.s32 $0x1800  }
0x1d: {  	[tilespmem:s19], [sflag:$0xB] =	stream.linear.gather [hbm4b:s22+s4], $0x100, $0x38;
	[tilespmem:$0x15C00] =	vst v63  }
0x1e: {  	_ =	swait.ge [sflag:s13], $0x1900  }
0x1f: {  	[sflag:s13] =	ssyncset.done $0x0  }
0x20: {  	[sflag:s13] =	ssyncadd.s32 $0xFFFFE700  }
0x21: {  	[tilespmem:s15], [sflag:$0x1] =	stream.indirect.gather [hbm4b:s2+s14], $0x80, s4, s14, $0xb8;
	[tilespmem:$0x15C00] =	vst v63  }
0x22: {  	_ = 	snop  }
0x23: {  	[tilespmem:s16], [sflag:$0x2] =	stream.indirect.gather [hbm4b:s2+s14], $0x80, s14, s14, $0xb8;
	[tilespmem:$0x15C00] =	vst v63  }
0x24: {  	s23 =	simm.s32 $0x100  }
0x25: {  	[tilespmem:s28], [sflag:$0x3] =	stream.indirect.gather [hbm4b:s2+s14], $0x80, s23, s14, $0xb8;
	[tilespmem:$0x15C00] =	vst v63  }
0x26: {  	s24 =	simm.s32 $0x180  }
0x27: {  	[tilespmem:s30], [sflag:$0x4] =	stream.indirect.gather [hbm4b:s2+s14], $0x80, s24, s14, $0xb8;
	[tilespmem:$0x15C00] =	vst v63  }
0x28: {  	_ =	swait.ge [sflag:s31], $0x4000  }
0x29: {  	[sflag:s31] =	ssyncset.done $0x0  }
0x2a: {  	s19 =	simm.s32 $0x0;
	[sflag:s31] =	ssyncadd.s32 $0xFFFFC000  }
0x2b: {  	v1 =	vld [tilespmem:s19+$0x1C70]  }
0x2c: {  	v5 =	vld [tilespmem:s19+$0x1C00]  }
0x2d: {  	v6 =	vld [tilespmem:s19+$0x1C10]  }
0x2e: {  	v4 =	vld [tilespmem:s19+$0x1C20]  }
0x2f: {  	v3 =	vld [tilespmem:s19+$0x1C30]  }
0x30: {  	v0 =	vld [tilespmem:s19+$0x1C40];
	v7 =	vmul.f32 $1.131370830e+01, v1  }
0x31: {  	v1 =	vld [tilespmem:s19+$0x1C50];
	v5 =	vmul.f32 $1.131370830e+01, v5  }
0x32: {  	s20 =	simm.s32 $0x400;
	s18 =	simm.s32 $0x80;
	v2 =	vld [tilespmem:s19+$0x1C60];
	v6 =	vmul.f32 $1.131370830e+01, v6;
	[tilespmem:s19+$0x1C70] =	vst v7  }
.LBB2_2:
0x33: {  	p0 =	sne.s32 s20, $0xFE00;
	v7 =	vld [tilespmem:s18+$0x1C70];
	[tilespmem:s19+$0x1C00] =	vst v5;
	v4 =	vmul.f32 $1.131370830e+01, v4  }
0x34: {  	v5 =	vld [tilespmem:s18+$0x1C00];
	[tilespmem:s19+$0x1C10] =	vst v6;
	v3 =	vmul.f32 $1.131370830e+01, v3  }
0x35: {  	v6 =	vld [tilespmem:s18+$0x1C10];
	[tilespmem:s19+$0x1C20] =	vst v4;
	v0 =	vmul.f32 $1.131370830e+01, v0  }
.Ltmp0:
0x36: {  	v4 =	vld [tilespmem:s18+$0x1C20];
	[tilespmem:s19+$0x1C30] =	vst v3;
	v1 =	vmul.f32 $1.131370830e+01, v1;
	(pc) =	sbr.rel @p0 .LBB2_2-.Ltmp0, $4  }
0x37: {  	v3 =	vld [tilespmem:s18+$0x1C30];
	[tilespmem:s19+$0x1C40] =	vst v0;
	v2 =	vmul.f32 $1.131370830e+01, v2  }
0x38: {  	v0 =	vld [tilespmem:s18+$0x1C40];
	v7 =	vmul.f32 $1.131370830e+01, v7;
	[tilespmem:s19+$0x1C50] =	vst v1  }
0x39: {  	v5 =	vmul.f32 $1.131370830e+01, v5;
	v1 =	vld [tilespmem:s18+$0x1C50];
	[tilespmem:s19+$0x1C60] =	vst v2;
	s19 =	smov.u32 s18  }
0x3a: {  	s18 =	sshra.s32 s20, $0x2;
	s20 =	sadd.s32 $0x200, s20;
	v6 =	vmul.f32 $1.131370830e+01, v6;
	v2 =	vld [tilespmem:s19+$0x1C60];
	[tilespmem:s19+$0x1C70] =	vst v7  }
0x3b: {  	v7 =	vld [tilespmem:s18+$0x1C70];
	[tilespmem:s19+$0x1C00] =	vst v5;
	v4 =	vmul.f32 $1.131370830e+01, v4  }
0x3c: {  	v5 =	vld [tilespmem:s18+$0x1C00];
	[tilespmem:s19+$0x1C10] =	vst v6;
	v3 =	vmul.f32 $1.131370830e+01, v3  }
0x3d: {  	v6 =	vld [tilespmem:s18+$0x1C10];
	[tilespmem:s19+$0x1C20] =	vst v4;
	v0 =	vmul.f32 $1.131370830e+01, v0  }
0x3e: {  	v4 =	vld [tilespmem:s18+$0x1C20];
	[tilespmem:s19+$0x1C30] =	vst v3;
	v1 =	vmul.f32 $1.131370830e+01, v1  }
0x3f: {  	v3 =	vld [tilespmem:s18+$0x1C30];
	[tilespmem:s19+$0x1C40] =	vst v0;
	v0 =	vmul.f32 $1.131370830e+01, v2  }
0x40: {  	v2 =	vld [tilespmem:s18+$0x1C40];
	v7 =	vmul.f32 $1.131370830e+01, v7;
	[tilespmem:s19+$0x1C50] =	vst v1  }
0x41: {  	v1 =	vld [tilespmem:s18+$0x1C50];
	v5 =	vmul.f32 $1.131370830e+01, v5;
	[tilespmem:s19+$0x1C60] =	vst v0  }
0x42: {  	v0 =	vld [tilespmem:s18+$0x1C60];
	v6 =	vmul.f32 $1.131370830e+01, v6;
	[tilespmem:s18+$0x1C70] =	vst v7  }
0x43: {  	[tilespmem:s18+$0x1C00] =	vst v5;
	v4 =	vmul.f32 $1.131370830e+01, v4  }
0x44: {  	[tilespmem:s18+$0x1C10] =	vst v6;
	v3 =	vmul.f32 $1.131370830e+01, v3  }
0x45: {  	[tilespmem:s18+$0x1C20] =	vst v4;
	v2 =	vmul.f32 $1.131370830e+01, v2  }
0x46: {  	[tilespmem:s18+$0x1C30] =	vst v3;
	v1 =	vmul.f32 $1.131370830e+01, v1  }
0x47: {  	[tilespmem:s18+$0x1C40] =	vst v2;
	v0 =	vmul.f32 $1.131370830e+01, v0  }
0x48: {  	[tilespmem:s18+$0x1C50] =	vst v1  }
0x49: {  	s23 =	simm.s32 $0x200;
	[tilespmem:s18+$0x1C60] =	vst v0  }
0x4a: {  	[tilespmem:s1], [sflag:$0x5] =	stream.indirect.gather [hbm4b:s2+s14], $0x80, s23, s14, $0xb8;
	[tilespmem:$0x15C00] =	vst v63  }
0x4b: {  	s24 =	simm.s32 $0x0;
	s19 =	rddreg [dreg:$0x5]  }
0x4c: {  	[hbm4b:s19+s24] =	stream.linear.scatter [tilespmem:s15], [sflag:$0x6], $0x4000, $0x38;
	[tilespmem:$0x15C00] =	vst v63  }
0x4d: {  	_ =	swait.ge [sflag:s11], $0x4000  }
0x4e: {  	[sflag:s11] =	ssyncset.done $0x0  }
0x4f: {  	s19 =	simm.s32 $0x0;
	[sflag:s11] =	ssyncadd.s32 $0xFFFFC000  }
0x50: {  	v1 =	vld [tilespmem:s19+$0x5C70]  }
0x51: {  	v5 =	vld [tilespmem:s19+$0x5C00]  }
0x52: {  	v6 =	vld [tilespmem:s19+$0x5C10]  }
0x53: {  	v4 =	vld [tilespmem:s19+$0x5C20]  }
0x54: {  	v3 =	vld [tilespmem:s19+$0x5C30]  }
0x55: {  	v0 =	vld [tilespmem:s19+$0x5C40];
	v7 =	vmul.f32 $1.131370830e+01, v1  }
0x56: {  	v1 =	vld [tilespmem:s19+$0x5C50];
	v5 =	vmul.f32 $1.131370830e+01, v5  }
0x57: {  	s20 =	simm.s32 $0x400;
	s18 =	simm.s32 $0x80;
	v2 =	vld [tilespmem:s19+$0x5C60];
	v6 =	vmul.f32 $1.131370830e+01, v6;
	[tilespmem:s19+$0x5C70] =	vst v7  }
.LBB2_4:
0x58: {  	p0 =	sne.s32 s20, $0xFE00;
	v7 =	vld [tilespmem:s18+$0x5C70];
	[tilespmem:s19+$0x5C00] =	vst v5;
	v4 =	vmul.f32 $1.131370830e+01, v4  }
0x59: {  	v5 =	vld [tilespmem:s18+$0x5C00];
	[tilespmem:s19+$0x5C10] =	vst v6;
	v3 =	vmul.f32 $1.131370830e+01, v3  }
0x5a: {  	v6 =	vld [tilespmem:s18+$0x5C10];
	[tilespmem:s19+$0x5C20] =	vst v4;
	v0 =	vmul.f32 $1.131370830e+01, v0  }
.Ltmp1:
0x5b: {  	v4 =	vld [tilespmem:s18+$0x5C20];
	[tilespmem:s19+$0x5C30] =	vst v3;
	v1 =	vmul.f32 $1.131370830e+01, v1;
	(pc) =	sbr.rel @p0 .LBB2_4-.Ltmp1, $4  }
0x5c: {  	v3 =	vld [tilespmem:s18+$0x5C30];
	[tilespmem:s19+$0x5C40] =	vst v0;
	v2 =	vmul.f32 $1.131370830e+01, v2  }
0x5d: {  	v0 =	vld [tilespmem:s18+$0x5C40];
	v7 =	vmul.f32 $1.131370830e+01, v7;
	[tilespmem:s19+$0x5C50] =	vst v1  }
0x5e: {  	v5 =	vmul.f32 $1.131370830e+01, v5;
	v1 =	vld [tilespmem:s18+$0x5C50];
	[tilespmem:s19+$0x5C60] =	vst v2;
	s19 =	smov.u32 s18  }
0x5f: {  	s18 =	sshra.s32 s20, $0x2;
	s20 =	sadd.s32 $0x200, s20;
	v6 =	vmul.f32 $1.131370830e+01, v6;
	v2 =	vld [tilespmem:s19+$0x5C60];
	[tilespmem:s19+$0x5C70] =	vst v7  }
0x60: {  	v7 =	vld [tilespmem:s18+$0x5C70];
	[tilespmem:s19+$0x5C00] =	vst v5;
	v4 =	vmul.f32 $1.131370830e+01, v4  }
0x61: {  	v5 =	vld [tilespmem:s18+$0x5C00];
	[tilespmem:s19+$0x5C10] =	vst v6;
	v3 =	vmul.f32 $1.131370830e+01, v3  }
0x62: {  	v6 =	vld [tilespmem:s18+$0x5C10];
	[tilespmem:s19+$0x5C20] =	vst v4;
	v0 =	vmul.f32 $1.131370830e+01, v0  }
0x63: {  	v4 =	vld [tilespmem:s18+$0x5C20];
	[tilespmem:s19+$0x5C30] =	vst v3;
	v1 =	vmul.f32 $1.131370830e+01, v1  }
0x64: {  	v3 =	vld [tilespmem:s18+$0x5C30];
	[tilespmem:s19+$0x5C40] =	vst v0;
	v0 =	vmul.f32 $1.131370830e+01, v2  }
0x65: {  	v2 =	vld [tilespmem:s18+$0x5C40];
	v7 =	vmul.f32 $1.131370830e+01, v7;
	[tilespmem:s19+$0x5C50] =	vst v1  }
0x66: {  	v1 =	vld [tilespmem:s18+$0x5C50];
	v5 =	vmul.f32 $1.131370830e+01, v5;
	[tilespmem:s19+$0x5C60] =	vst v0  }
0x67: {  	v0 =	vld [tilespmem:s18+$0x5C60];
	v6 =	vmul.f32 $1.131370830e+01, v6;
	[tilespmem:s18+$0x5C70] =	vst v7  }
0x68: {  	[tilespmem:s18+$0x5C00] =	vst v5;
	v4 =	vmul.f32 $1.131370830e+01, v4  }
0x69: {  	[tilespmem:s18+$0x5C10] =	vst v6;
	v3 =	vmul.f32 $1.131370830e+01, v3  }
0x6a: {  	[tilespmem:s18+$0x5C20] =	vst v4;
	v2 =	vmul.f32 $1.131370830e+01, v2  }
0x6b: {  	[tilespmem:s18+$0x5C30] =	vst v3;
	v1 =	vmul.f32 $1.131370830e+01, v1  }
0x6c: {  	[tilespmem:s18+$0x5C40] =	vst v2;
	v0 =	vmul.f32 $1.131370830e+01, v0  }
0x6d: {  	[tilespmem:s18+$0x5C50] =	vst v1  }
0x6e: {  	[tilespmem:s18+$0x5C60] =	vst v0  }
0x6f: {  	_ =	swait.ge [sflag:s12], $0x4000  }
0x70: {  	[sflag:s12] =	ssyncset.done $0x0  }
0x71: {  	s22 =	simm.s32 $0x280;
	[sflag:s12] =	ssyncadd.s32 $0xFFFFC000  }
0x72: {  	[tilespmem:s15], [sflag:$0x1] =	stream.indirect.gather [hbm4b:s2+s14], $0x80, s22, s14, $0xb8;
	[tilespmem:$0x15C00] =	vst v63  }
0x73: {  	s23 =	simm.s32 $0x0;
	s24 =	rddreg [dreg:$0x7]  }
0x74: {  	[hbm4b:s24+s23] =	stream.linear.scatter [tilespmem:s16], [sflag:$0x7], $0x4000, $0x38;
	[tilespmem:$0x15C00] =	vst v63  }
0x75: {  	_ =	swait.ge [sflag:s29], $0x4000  }
0x76: {  	[sflag:s29] =	ssyncset.done $0x0  }
0x77: {  	s19 =	simm.s32 $0x0;
	[sflag:s29] =	ssyncadd.s32 $0xFFFFC000  }
0x78: {  	v1 =	vld [tilespmem:s19+$0x9C70]  }
0x79: {  	v5 =	vld [tilespmem:s19+$0x9C00]  }
0x7a: {  	v6 =	vld [tilespmem:s19+$0x9C10]  }
0x7b: {  	v4 =	vld [tilespmem:s19+$0x9C20]  }
0x7c: {  	v3 =	vld [tilespmem:s19+$0x9C30]  }
0x7d: {  	v0 =	vld [tilespmem:s19+$0x9C40];
	v7 =	vmul.f32 $1.131370830e+01, v1  }
0x7e: {  	v1 =	vld [tilespmem:s19+$0x9C50];
	v5 =	vmul.f32 $1.131370830e+01, v5  }
0x7f: {  	s20 =	simm.s32 $0x400;
	s18 =	simm.s32 $0x80;
	v2 =	vld [tilespmem:s19+$0x9C60];
	v6 =	vmul.f32 $1.131370830e+01, v6;
	[tilespmem:s19+$0x9C70] =	vst v7  }
.LBB2_6:
0x80: {  	p0 =	sne.s32 s20, $0xFE00;
	v7 =	vld [tilespmem:s18+$0x9C70];
	[tilespmem:s19+$0x9C00] =	vst v5;
	v4 =	vmul.f32 $1.131370830e+01, v4  }
0x81: {  	v5 =	vld [tilespmem:s18+$0x9C00];
	[tilespmem:s19+$0x9C10] =	vst v6;
	v3 =	vmul.f32 $1.131370830e+01, v3  }
0x82: {  	v6 =	vld [tilespmem:s18+$0x9C10];
	[tilespmem:s19+$0x9C20] =	vst v4;
	v0 =	vmul.f32 $1.131370830e+01, v0  }
.Ltmp2:
0x83: {  	v4 =	vld [tilespmem:s18+$0x9C20];
	[tilespmem:s19+$0x9C30] =	vst v3;
	v1 =	vmul.f32 $1.131370830e+01, v1;
	(pc) =	sbr.rel @p0 .LBB2_6-.Ltmp2, $4  }
0x84: {  	v3 =	vld [tilespmem:s18+$0x9C30];
	[tilespmem:s19+$0x9C40] =	vst v0;
	v2 =	vmul.f32 $1.131370830e+01, v2  }
0x85: {  	v0 =	vld [tilespmem:s18+$0x9C40];
	v7 =	vmul.f32 $1.131370830e+01, v7;
	[tilespmem:s19+$0x9C50] =	vst v1  }
0x86: {  	v5 =	vmul.f32 $1.131370830e+01, v5;
	v1 =	vld [tilespmem:s18+$0x9C50];
	[tilespmem:s19+$0x9C60] =	vst v2;
	s19 =	smov.u32 s18  }
0x87: {  	s18 =	sshra.s32 s20, $0x2;
	s20 =	sadd.s32 $0x200, s20;
	v6 =	vmul.f32 $1.131370830e+01, v6;
	v2 =	vld [tilespmem:s19+$0x9C60];
	[tilespmem:s19+$0x9C70] =	vst v7  }
0x88: {  	v7 =	vld [tilespmem:s18+$0x9C70];
	[tilespmem:s19+$0x9C00] =	vst v5;
	v4 =	vmul.f32 $1.131370830e+01, v4  }
0x89: {  	v5 =	vld [tilespmem:s18+$0x9C00];
	[tilespmem:s19+$0x9C10] =	vst v6;
	v3 =	vmul.f32 $1.131370830e+01, v3  }
0x8a: {  	v6 =	vld [tilespmem:s18+$0x9C10];
	[tilespmem:s19+$0x9C20] =	vst v4;
	v0 =	vmul.f32 $1.131370830e+01, v0  }
0x8b: {  	v4 =	vld [tilespmem:s18+$0x9C20];
	[tilespmem:s19+$0x9C30] =	vst v3;
	v1 =	vmul.f32 $1.131370830e+01, v1  }
0x8c: {  	v3 =	vld [tilespmem:s18+$0x9C30];
	[tilespmem:s19+$0x9C40] =	vst v0;
	v0 =	vmul.f32 $1.131370830e+01, v2  }
0x8d: {  	v2 =	vld [tilespmem:s18+$0x9C40];
	v7 =	vmul.f32 $1.131370830e+01, v7;
	[tilespmem:s19+$0x9C50] =	vst v1  }
0x8e: {  	v1 =	vld [tilespmem:s18+$0x9C50];
	v5 =	vmul.f32 $1.131370830e+01, v5;
	[tilespmem:s19+$0x9C60] =	vst v0  }
0x8f: {  	v0 =	vld [tilespmem:s18+$0x9C60];
	v6 =	vmul.f32 $1.131370830e+01, v6;
	[tilespmem:s18+$0x9C70] =	vst v7  }
0x90: {  	[tilespmem:s18+$0x9C00] =	vst v5;
	v4 =	vmul.f32 $1.131370830e+01, v4  }
0x91: {  	[tilespmem:s18+$0x9C10] =	vst v6;
	v3 =	vmul.f32 $1.131370830e+01, v3  }
0x92: {  	[tilespmem:s18+$0x9C20] =	vst v4;
	v2 =	vmul.f32 $1.131370830e+01, v2  }
0x93: {  	[tilespmem:s18+$0x9C30] =	vst v3;
	v1 =	vmul.f32 $1.131370830e+01, v1  }
0x94: {  	[tilespmem:s18+$0x9C40] =	vst v2;
	v0 =	vmul.f32 $1.131370830e+01, v0  }
0x95: {  	[tilespmem:s18+$0x9C50] =	vst v1  }
0x96: {  	[tilespmem:s18+$0x9C60] =	vst v0  }
0x97: {  	_ =	swait.ge [sflag:s0], $0x4000  }
0x98: {  	[sflag:s0] =	ssyncset.done $0x0  }
0x99: {  	s22 =	simm.s32 $0x300;
	[sflag:s0] =	ssyncadd.s32 $0xFFFFC000  }
0x9a: {  	[tilespmem:s16], [sflag:$0x2] =	stream.indirect.gather [hbm4b:s2+s14], $0x80, s22, s14, $0xb8;
	[tilespmem:$0x15C00] =	vst v63  }
0x9b: {  	s23 =	simm.s32 $0x0;
	s24 =	rddreg [dreg:$0x8]  }
0x9c: {  	[hbm4b:s24+s23] =	stream.linear.scatter [tilespmem:s28], [sflag:$0x8], $0x4000, $0x38;
	[tilespmem:$0x15C00] =	vst v63  }
0x9d: {  	_ =	swait.ge [sflag:s26], $0x4000  }
0x9e: {  	[sflag:s26] =	ssyncset.done $0x0  }
0x9f: {  	s19 =	simm.s32 $0x0;
	[sflag:s26] =	ssyncadd.s32 $0xFFFFC000  }
0xa0: {  	v1 =	vld [tilespmem:s19+$0xDC70]  }
0xa1: {  	v5 =	vld [tilespmem:s19+$0xDC00]  }
0xa2: {  	v6 =	vld [tilespmem:s19+$0xDC10]  }
0xa3: {  	v4 =	vld [tilespmem:s19+$0xDC20]  }
0xa4: {  	v3 =	vld [tilespmem:s19+$0xDC30]  }
0xa5: {  	v0 =	vld [tilespmem:s19+$0xDC40];
	v7 =	vmul.f32 $1.131370830e+01, v1  }
0xa6: {  	v1 =	vld [tilespmem:s19+$0xDC50];
	v5 =	vmul.f32 $1.131370830e+01, v5  }
0xa7: {  	s20 =	simm.s32 $0x400;
	s18 =	simm.s32 $0x80;
	v2 =	vld [tilespmem:s19+$0xDC60];
	v6 =	vmul.f32 $1.131370830e+01, v6;
	[tilespmem:s19+$0xDC70] =	vst v7  }
.LBB2_8:
0xa8: {  	p0 =	sne.s32 s20, $0xFE00;
	v7 =	vld [tilespmem:s18+$0xDC70];
	[tilespmem:s19+$0xDC00] =	vst v5;
	v4 =	vmul.f32 $1.131370830e+01, v4  }
0xa9: {  	v5 =	vld [tilespmem:s18+$0xDC00];
	[tilespmem:s19+$0xDC10] =	vst v6;
	v3 =	vmul.f32 $1.131370830e+01, v3  }
0xaa: {  	v6 =	vld [tilespmem:s18+$0xDC10];
	[tilespmem:s19+$0xDC20] =	vst v4;
	v0 =	vmul.f32 $1.131370830e+01, v0  }
.Ltmp3:
0xab: {  	v4 =	vld [tilespmem:s18+$0xDC20];
	[tilespmem:s19+$0xDC30] =	vst v3;
	v1 =	vmul.f32 $1.131370830e+01, v1;
	(pc) =	sbr.rel @p0 .LBB2_8-.Ltmp3, $4  }
0xac: {  	v3 =	vld [tilespmem:s18+$0xDC30];
	[tilespmem:s19+$0xDC40] =	vst v0;
	v2 =	vmul.f32 $1.131370830e+01, v2  }
0xad: {  	v0 =	vld [tilespmem:s18+$0xDC40];
	v7 =	vmul.f32 $1.131370830e+01, v7;
	[tilespmem:s19+$0xDC50] =	vst v1  }
0xae: {  	v5 =	vmul.f32 $1.131370830e+01, v5;
	v1 =	vld [tilespmem:s18+$0xDC50];
	[tilespmem:s19+$0xDC60] =	vst v2;
	s19 =	smov.u32 s18  }
0xaf: {  	s18 =	sshra.s32 s20, $0x2;
	s20 =	sadd.s32 $0x200, s20;
	v6 =	vmul.f32 $1.131370830e+01, v6;
	v2 =	vld [tilespmem:s19+$0xDC60];
	[tilespmem:s19+$0xDC70] =	vst v7  }
0xb0: {  	v7 =	vld [tilespmem:s18+$0xDC70];
	[tilespmem:s19+$0xDC00] =	vst v5;
	v4 =	vmul.f32 $1.131370830e+01, v4  }
0xb1: {  	v5 =	vld [tilespmem:s18+$0xDC00];
	[tilespmem:s19+$0xDC10] =	vst v6;
	v3 =	vmul.f32 $1.131370830e+01, v3  }
0xb2: {  	v6 =	vld [tilespmem:s18+$0xDC10];
	[tilespmem:s19+$0xDC20] =	vst v4;
	v0 =	vmul.f32 $1.131370830e+01, v0  }
0xb3: {  	v4 =	vld [tilespmem:s18+$0xDC20];
	[tilespmem:s19+$0xDC30] =	vst v3;
	v1 =	vmul.f32 $1.131370830e+01, v1  }
0xb4: {  	v3 =	vld [tilespmem:s18+$0xDC30];
	[tilespmem:s19+$0xDC40] =	vst v0;
	v0 =	vmul.f32 $1.131370830e+01, v2  }
0xb5: {  	v2 =	vld [tilespmem:s18+$0xDC40];
	v7 =	vmul.f32 $1.131370830e+01, v7;
	[tilespmem:s19+$0xDC50] =	vst v1  }
0xb6: {  	v1 =	vld [tilespmem:s18+$0xDC50];
	v5 =	vmul.f32 $1.131370830e+01, v5;
	[tilespmem:s19+$0xDC60] =	vst v0  }
0xb7: {  	v0 =	vld [tilespmem:s18+$0xDC60];
	v6 =	vmul.f32 $1.131370830e+01, v6;
	[tilespmem:s18+$0xDC70] =	vst v7  }
0xb8: {  	[tilespmem:s18+$0xDC00] =	vst v5;
	v4 =	vmul.f32 $1.131370830e+01, v4  }
0xb9: {  	[tilespmem:s18+$0xDC10] =	vst v6;
	v3 =	vmul.f32 $1.131370830e+01, v3  }
0xba: {  	[tilespmem:s18+$0xDC20] =	vst v4;
	v2 =	vmul.f32 $1.131370830e+01, v2  }
0xbb: {  	[tilespmem:s18+$0xDC30] =	vst v3;
	v1 =	vmul.f32 $1.131370830e+01, v1  }
0xbc: {  	[tilespmem:s18+$0xDC40] =	vst v2;
	v0 =	vmul.f32 $1.131370830e+01, v0  }
0xbd: {  	[tilespmem:s18+$0xDC50] =	vst v1  }
0xbe: {  	[tilespmem:s18+$0xDC60] =	vst v0  }
0xbf: {  	_ =	swait.ge [sflag:s10], $0x4000  }
0xc0: {  	[sflag:s10] =	ssyncset.done $0x0  }
0xc1: {  	s22 =	simm.s32 $0x380;
	[sflag:s10] =	ssyncadd.s32 $0xFFFFC000  }
0xc2: {  	[tilespmem:s28], [sflag:$0x3] =	stream.indirect.gather [hbm4b:s2+s14], $0x80, s22, s14, $0xb8;
	[tilespmem:$0x15C00] =	vst v63  }
0xc3: {  	s23 =	simm.s32 $0x0;
	s24 =	rddreg [dreg:$0x9]  }
0xc4: {  	[hbm4b:s24+s23] =	stream.linear.scatter [tilespmem:s30], [sflag:$0x9], $0x4000, $0x38;
	[tilespmem:$0x15C00] =	vst v63  }
0xc5: {  	_ =	swait.ge [sflag:s6], $0x4000  }
0xc6: {  	[sflag:s6] =	ssyncset.done $0x0  }
0xc7: {  	s19 =	simm.s32 $0x0;
	[sflag:s6] =	ssyncadd.s32 $0xFFFFC000  }
0xc8: {  	v1 =	vld [tilespmem:s19+$0x11C70]  }
0xc9: {  	v5 =	vld [tilespmem:s19+$0x11C00]  }
0xca: {  	v6 =	vld [tilespmem:s19+$0x11C10]  }
0xcb: {  	v4 =	vld [tilespmem:s19+$0x11C20]  }
0xcc: {  	v3 =	vld [tilespmem:s19+$0x11C30]  }
0xcd: {  	v0 =	vld [tilespmem:s19+$0x11C40];
	v7 =	vmul.f32 $1.131370830e+01, v1  }
0xce: {  	v1 =	vld [tilespmem:s19+$0x11C50];
	v5 =	vmul.f32 $1.131370830e+01, v5  }
0xcf: {  	s20 =	simm.s32 $0x400;
	s18 =	simm.s32 $0x80;
	v2 =	vld [tilespmem:s19+$0x11C60];
	v6 =	vmul.f32 $1.131370830e+01, v6;
	[tilespmem:s19+$0x11C70] =	vst v7  }
.LBB2_10:
0xd0: {  	p0 =	sne.s32 s20, $0xFE00;
	v7 =	vld [tilespmem:s18+$0x11C70];
	[tilespmem:s19+$0x11C00] =	vst v5;
	v4 =	vmul.f32 $1.131370830e+01, v4  }
0xd1: {  	v5 =	vld [tilespmem:s18+$0x11C00];
	[tilespmem:s19+$0x11C10] =	vst v6;
	v3 =	vmul.f32 $1.131370830e+01, v3  }
0xd2: {  	v6 =	vld [tilespmem:s18+$0x11C10];
	[tilespmem:s19+$0x11C20] =	vst v4;
	v0 =	vmul.f32 $1.131370830e+01, v0  }
.Ltmp4:
0xd3: {  	v4 =	vld [tilespmem:s18+$0x11C20];
	[tilespmem:s19+$0x11C30] =	vst v3;
	v1 =	vmul.f32 $1.131370830e+01, v1;
	(pc) =	sbr.rel @p0 .LBB2_10-.Ltmp4, $4  }
0xd4: {  	v3 =	vld [tilespmem:s18+$0x11C30];
	[tilespmem:s19+$0x11C40] =	vst v0;
	v2 =	vmul.f32 $1.131370830e+01, v2  }
0xd5: {  	v0 =	vld [tilespmem:s18+$0x11C40];
	v7 =	vmul.f32 $1.131370830e+01, v7;
	[tilespmem:s19+$0x11C50] =	vst v1  }
0xd6: {  	v5 =	vmul.f32 $1.131370830e+01, v5;
	v1 =	vld [tilespmem:s18+$0x11C50];
	[tilespmem:s19+$0x11C60] =	vst v2;
	s19 =	smov.u32 s18  }
0xd7: {  	s18 =	sshra.s32 s20, $0x2;
	s20 =	sadd.s32 $0x200, s20;
	v6 =	vmul.f32 $1.131370830e+01, v6;
	v2 =	vld [tilespmem:s19+$0x11C60];
	[tilespmem:s19+$0x11C70] =	vst v7  }
0xd8: {  	v7 =	vld [tilespmem:s18+$0x11C70];
	[tilespmem:s19+$0x11C00] =	vst v5;
	v4 =	vmul.f32 $1.131370830e+01, v4  }
0xd9: {  	v56 =	vld [tilespmem:s18+$0x11C00];
	[tilespmem:s19+$0x11C10] =	vst v6;
	v3 =	vmul.f32 $1.131370830e+01, v3  }
0xda: {  	v57 =	vld [tilespmem:s18+$0x11C10];
	[tilespmem:s19+$0x11C20] =	vst v4;
	v0 =	vmul.f32 $1.131370830e+01, v0  }
0xdb: {  	v58 =	vld [tilespmem:s18+$0x11C20];
	[tilespmem:s19+$0x11C30] =	vst v3;
	v1 =	vmul.f32 $1.131370830e+01, v1  }
0xdc: {  	v59 =	vld [tilespmem:s18+$0x11C30];
	[tilespmem:s19+$0x11C40] =	vst v0;
	v60 =	vmul.f32 $1.131370830e+01, v2  }
0xdd: {  	v61 =	vld [tilespmem:s18+$0x11C40];
	v7 =	vmul.f32 $1.131370830e+01, v7;
	[tilespmem:s19+$0x11C50] =	vst v1  }
0xde: {  	v62 =	vld [tilespmem:s18+$0x11C50];
	v5 =	vmul.f32 $1.131370830e+01, v56;
	[tilespmem:s19+$0x11C60] =	vst v60  }
0xdf: {  	v63 =	vld [tilespmem:s18+$0x11C60];
	v6 =	vmul.f32 $1.131370830e+01, v57;
	[tilespmem:s18+$0x11C70] =	vst v7  }
0xe0: {  	v4 =	vmul.f32 $1.131370830e+01, v58;
	[tilespmem:s18+$0x11C00] =	vst v5  }
0xe1: {  	v3 =	vmul.f32 $1.131370830e+01, v59;
	[tilespmem:s18+$0x11C10] =	vst v6  }
0xe2: {  	v2 =	vmul.f32 $1.131370830e+01, v61;
	[tilespmem:s18+$0x11C20] =	vst v4  }
0xe3: {  	v1 =	vmul.f32 $1.131370830e+01, v62;
	[tilespmem:s18+$0x11C30] =	vst v3  }
0xe4: {  	v0 =	vmul.f32 $1.131370830e+01, v63;
	[tilespmem:s18+$0x11C40] =	vst v2  }
0xe5: {  	[tilespmem:s18+$0x11C50] =	vst v1  }
0xe6: {  	[tilespmem:s18+$0x11C60] =	vst v0  }
0xe7: {  	_ =	swait.ge [sflag:s8], $0x4000  }
0xe8: {  	[sflag:s8] =	ssyncset.done $0x0  }
0xe9: {  	[sflag:s8] =	ssyncadd.s32 $0xFFFFC000  }
0xea: {  	[tilespmem:s30], [sflag:$0x4] =	stream.indirect.gather [hbm4b:s2+s14], $0x80, s21, s14, $0xb8;
	[tilespmem:$0x15C00] =	vst v63  }
0xeb: {  	s18 =	simm.s32 $0x1;
	s24 =	rddreg [dreg:$0xa]  }
0xec: {  	[hbm4b:s24+s4] =	stream.linear.scatter [tilespmem:s1], [sflag:$0xA], $0x4000, $0x38;
	[tilespmem:$0x15C00] =	vst v63  }
.LBB2_12:
0xed: {  	_ =	swait.ge [sflag:s31], $0x4000  }
0xee: {  	[sflag:s31] =	ssyncset.done $0x0  }
0xef: {  	s20 =	simm.s32 $0x0;
	[sflag:s31] =	ssyncadd.s32 $0xFFFFC000  }
0xf0: {  	v1 =	vld [tilespmem:s20+$0x1C70]  }
0xf1: {  	v5 =	vld [tilespmem:s20+$0x1C00]  }
0xf2: {  	v6 =	vld [tilespmem:s20+$0x1C10]  }
0xf3: {  	v4 =	vld [tilespmem:s20+$0x1C20]  }
0xf4: {  	v3 =	vld [tilespmem:s20+$0x1C30]  }
0xf5: {  	v0 =	vld [tilespmem:s20+$0x1C40];
	v7 =	vmul.f32 $1.131370830e+01, v1  }
0xf6: {  	v1 =	vld [tilespmem:s20+$0x1C50];
	v5 =	vmul.f32 $1.131370830e+01, v5  }
0xf7: {  	s19 =	simm.s32 $0x80;
	s21 =	simm.s32 $0x400;
	v2 =	vld [tilespmem:s20+$0x1C60];
	v6 =	vmul.f32 $1.131370830e+01, v6;
	[tilespmem:s20+$0x1C70] =	vst v7  }
.LBB2_13:
0xf8: {  	p0 =	sne.s32 s21, $0xFE00;
	v7 =	vld [tilespmem:s19+$0x1C70];
	[tilespmem:s20+$0x1C00] =	vst v5;
	v4 =	vmul.f32 $1.131370830e+01, v4  }
0xf9: {  	v5 =	vld [tilespmem:s19+$0x1C00];
	[tilespmem:s20+$0x1C10] =	vst v6;
	v3 =	vmul.f32 $1.131370830e+01, v3  }
0xfa: {  	v6 =	vld [tilespmem:s19+$0x1C10];
	[tilespmem:s20+$0x1C20] =	vst v4;
	v0 =	vmul.f32 $1.131370830e+01, v0  }
.Ltmp5:
0xfb: {  	v4 =	vld [tilespmem:s19+$0x1C20];
	[tilespmem:s20+$0x1C30] =	vst v3;
	v1 =	vmul.f32 $1.131370830e+01, v1;
	(pc) =	sbr.rel @p0 .LBB2_13-.Ltmp5, $4  }
0xfc: {  	v3 =	vld [tilespmem:s19+$0x1C30];
	[tilespmem:s20+$0x1C40] =	vst v0;
	v2 =	vmul.f32 $1.131370830e+01, v2  }
0xfd: {  	v0 =	vld [tilespmem:s19+$0x1C40];
	v7 =	vmul.f32 $1.131370830e+01, v7;
	[tilespmem:s20+$0x1C50] =	vst v1  }
0xfe: {  	v5 =	vmul.f32 $1.131370830e+01, v5;
	v1 =	vld [tilespmem:s19+$0x1C50];
	[tilespmem:s20+$0x1C60] =	vst v2;
	s20 =	smov.u32 s19  }
0xff: {  	s19 =	sshra.s32 s21, $0x2;
	s21 =	sadd.s32 $0x200, s21;
	v6 =	vmul.f32 $1.131370830e+01, v6;
	v2 =	vld [tilespmem:s20+$0x1C60];
	[tilespmem:s20+$0x1C70] =	vst v7  }
0x100: {  	v7 =	vld [tilespmem:s19+$0x1C70];
	[tilespmem:s20+$0x1C00] =	vst v5;
	v4 =	vmul.f32 $1.131370830e+01, v4  }
0x101: {  	v5 =	vld [tilespmem:s19+$0x1C00];
	[tilespmem:s20+$0x1C10] =	vst v6;
	v3 =	vmul.f32 $1.131370830e+01, v3  }
0x102: {  	v6 =	vld [tilespmem:s19+$0x1C10];
	[tilespmem:s20+$0x1C20] =	vst v4;
	v0 =	vmul.f32 $1.131370830e+01, v0  }
0x103: {  	v4 =	vld [tilespmem:s19+$0x1C20];
	[tilespmem:s20+$0x1C30] =	vst v3;
	v1 =	vmul.f32 $1.131370830e+01, v1  }
0x104: {  	v3 =	vld [tilespmem:s19+$0x1C30];
	[tilespmem:s20+$0x1C40] =	vst v0;
	v0 =	vmul.f32 $1.131370830e+01, v2  }
0x105: {  	v2 =	vld [tilespmem:s19+$0x1C40];
	v7 =	vmul.f32 $1.131370830e+01, v7;
	[tilespmem:s20+$0x1C50] =	vst v1  }
0x106: {  	v1 =	vld [tilespmem:s19+$0x1C50];
	v5 =	vmul.f32 $1.131370830e+01, v5;
	[tilespmem:s20+$0x1C60] =	vst v0  }
0x107: {  	v0 =	vld [tilespmem:s19+$0x1C60];
	v6 =	vmul.f32 $1.131370830e+01, v6;
	[tilespmem:s19+$0x1C70] =	vst v7  }
0x108: {  	[tilespmem:s19+$0x1C00] =	vst v5;
	v4 =	vmul.f32 $1.131370830e+01, v4  }
0x109: {  	[tilespmem:s19+$0x1C10] =	vst v6;
	v3 =	vmul.f32 $1.131370830e+01, v3  }
0x10a: {  	[tilespmem:s19+$0x1C20] =	vst v4;
	v2 =	vmul.f32 $1.131370830e+01, v2  }
0x10b: {  	s22 =	smul.u32 $0x50000, s18;
	[tilespmem:s19+$0x1C30] =	vst v3;
	v1 =	vmul.f32 $1.131370830e+01, v1  }
0x10c: {  	[tilespmem:s19+$0x1C40] =	vst v2;
	v0 =	vmul.f32 $1.131370830e+01, v0  }
0x10d: {  	s20 =	sadd.s32 s3, s22;
	[tilespmem:s19+$0x1C50] =	vst v1  }
0x10e: {  	s23 =	smul.u32 $0x5, s18;
	s21 =	simm.s32 $0x0;
	s20 =	sadd.s32 s7, s20;
	[tilespmem:s19+$0x1C60] =	vst v0  }
0x10f: {  	[hbm4b:s20+s21] =	stream.linear.scatter [tilespmem:s15], [sflag:$0x6], $0x4000, $0x38;
	[tilespmem:$0x15C00] =	vst v63  }
0x110: {  	s19 =	sadd.s32 $0x4, s23;
	_ =	swait.ge [sflag:s9], $0x4000  }
0x111: {  	s24 =	sshll.u32 s19, $0x7;
	[sflag:s9] =	ssyncset.done $0x0  }
0x112: {  	s20 =	sand.u32 $0x3FFFFF80, s24;
	[sflag:s9] =	ssyncadd.s32 $0xFFFFC000  }
0x113: {  	[tilespmem:s1], [sflag:$0x5] =	stream.indirect.gather [hbm4b:s2+s14], $0x80, s20, s14, $0xb8;
	[tilespmem:$0x15C00] =	vst v63  }
0x114: {  	_ =	swait.ge [sflag:s11], $0x4000  }
0x115: {  	[sflag:s11] =	ssyncset.done $0x0  }
0x116: {  	s21 =	simm.s32 $0x0;
	[sflag:s11] =	ssyncadd.s32 $0xFFFFC000  }
0x117: {  	v1 =	vld [tilespmem:s21+$0x5C70]  }
0x118: {  	v5 =	vld [tilespmem:s21+$0x5C00]  }
0x119: {  	v6 =	vld [tilespmem:s21+$0x5C10]  }
0x11a: {  	v4 =	vld [tilespmem:s21+$0x5C20]  }
0x11b: {  	v3 =	vld [tilespmem:s21+$0x5C30]  }
0x11c: {  	v0 =	vld [tilespmem:s21+$0x5C40];
	v7 =	vmul.f32 $1.131370830e+01, v1  }
0x11d: {  	v1 =	vld [tilespmem:s21+$0x5C50];
	v5 =	vmul.f32 $1.131370830e+01, v5  }
0x11e: {  	s22 =	simm.s32 $0x400;
	s20 =	simm.s32 $0x80;
	v2 =	vld [tilespmem:s21+$0x5C60];
	v6 =	vmul.f32 $1.131370830e+01, v6;
	[tilespmem:s21+$0x5C70] =	vst v7  }
.LBB2_15:
0x11f: {  	p0 =	sne.s32 s22, $0xFE00;
	v7 =	vld [tilespmem:s20+$0x5C70];
	[tilespmem:s21+$0x5C00] =	vst v5;
	v4 =	vmul.f32 $1.131370830e+01, v4  }
0x120: {  	v5 =	vld [tilespmem:s20+$0x5C00];
	[tilespmem:s21+$0x5C10] =	vst v6;
	v3 =	vmul.f32 $1.131370830e+01, v3  }
0x121: {  	v6 =	vld [tilespmem:s20+$0x5C10];
	[tilespmem:s21+$0x5C20] =	vst v4;
	v0 =	vmul.f32 $1.131370830e+01, v0  }
.Ltmp6:
0x122: {  	v4 =	vld [tilespmem:s20+$0x5C20];
	[tilespmem:s21+$0x5C30] =	vst v3;
	v1 =	vmul.f32 $1.131370830e+01, v1;
	(pc) =	sbr.rel @p0 .LBB2_15-.Ltmp6, $4  }
0x123: {  	v3 =	vld [tilespmem:s20+$0x5C30];
	[tilespmem:s21+$0x5C40] =	vst v0;
	v2 =	vmul.f32 $1.131370830e+01, v2  }
0x124: {  	v0 =	vld [tilespmem:s20+$0x5C40];
	v7 =	vmul.f32 $1.131370830e+01, v7;
	[tilespmem:s21+$0x5C50] =	vst v1  }
0x125: {  	v5 =	vmul.f32 $1.131370830e+01, v5;
	v1 =	vld [tilespmem:s20+$0x5C50];
	[tilespmem:s21+$0x5C60] =	vst v2;
	s21 =	smov.u32 s20  }
0x126: {  	s20 =	sshra.s32 s22, $0x2;
	s22 =	sadd.s32 $0x200, s22;
	v6 =	vmul.f32 $1.131370830e+01, v6;
	v2 =	vld [tilespmem:s21+$0x5C60];
	[tilespmem:s21+$0x5C70] =	vst v7  }
0x127: {  	v7 =	vld [tilespmem:s20+$0x5C70];
	[tilespmem:s21+$0x5C00] =	vst v5;
	v4 =	vmul.f32 $1.131370830e+01, v4  }
0x128: {  	v5 =	vld [tilespmem:s20+$0x5C00];
	[tilespmem:s21+$0x5C10] =	vst v6;
	v3 =	vmul.f32 $1.131370830e+01, v3  }
0x129: {  	v6 =	vld [tilespmem:s20+$0x5C10];
	[tilespmem:s21+$0x5C20] =	vst v4;
	v0 =	vmul.f32 $1.131370830e+01, v0  }
0x12a: {  	v4 =	vld [tilespmem:s20+$0x5C20];
	[tilespmem:s21+$0x5C30] =	vst v3;
	v1 =	vmul.f32 $1.131370830e+01, v1  }
0x12b: {  	v3 =	vld [tilespmem:s20+$0x5C30];
	[tilespmem:s21+$0x5C40] =	vst v0;
	v0 =	vmul.f32 $1.131370830e+01, v2  }
0x12c: {  	v2 =	vld [tilespmem:s20+$0x5C40];
	v7 =	vmul.f32 $1.131370830e+01, v7;
	[tilespmem:s21+$0x5C50] =	vst v1  }
0x12d: {  	v1 =	vld [tilespmem:s20+$0x5C50];
	v5 =	vmul.f32 $1.131370830e+01, v5;
	[tilespmem:s21+$0x5C60] =	vst v0  }
0x12e: {  	v0 =	vld [tilespmem:s20+$0x5C60];
	v6 =	vmul.f32 $1.131370830e+01, v6;
	[tilespmem:s20+$0x5C70] =	vst v7  }
0x12f: {  	[tilespmem:s20+$0x5C00] =	vst v5;
	v4 =	vmul.f32 $1.131370830e+01, v4  }
0x130: {  	s23 =	smul.u32 $0x280000, s18;
	[tilespmem:s20+$0x5C10] =	vst v6;
	v3 =	vmul.f32 $1.131370830e+01, v3  }
0x131: {  	[tilespmem:s20+$0x5C20] =	vst v4;
	v2 =	vmul.f32 $1.131370830e+01, v2  }
0x132: {  	s21 =	sshrl.u32 s23, $0x3;
	[tilespmem:s20+$0x5C30] =	vst v3;
	v1 =	vmul.f32 $1.131370830e+01, v1  }
0x133: {  	s21 =	sadd.s32 s3, s21;
	[tilespmem:s20+$0x5C40] =	vst v2;
	v0 =	vmul.f32 $1.131370830e+01, v0  }
0x134: {  	s21 =	sadd.s32 s7, s21;
	[tilespmem:s20+$0x5C50] =	vst v1  }
0x135: {  	s22 =	simm.s32 $0x0;
	s23 =	smul.u32 $0xA00, s18;
	s24 =	sadd.s32 $0x10000, s21;
	[tilespmem:s20+$0x5C60] =	vst v0  }
0x136: {  	[hbm4b:s24+s22] =	stream.linear.scatter [tilespmem:s16], [sflag:$0x7], $0x4000, $0x38;
	[tilespmem:$0x15C00] =	vst v63  }
0x137: {  	_ =	swait.ge [sflag:s12], $0x4000  }
0x138: {  	s20 =	sshra.s32 s23, $0x2;
	[sflag:s12] =	ssyncset.done $0x0  }
0x139: {  	s24 =	sadd.s32 $0x280, s20;
	[sflag:s12] =	ssyncadd.s32 $0xFFFFC000  }
0x13a: {  	[tilespmem:s15], [sflag:$0x1] =	stream.indirect.gather [hbm4b:s2+s14], $0x80, s24, s14, $0xb8;
	[tilespmem:$0x15C00] =	vst v63  }
0x13b: {  	_ =	swait.ge [sflag:s29], $0x4000  }
0x13c: {  	[sflag:s29] =	ssyncset.done $0x0  }
0x13d: {  	s23 =	simm.s32 $0x0;
	[sflag:s29] =	ssyncadd.s32 $0xFFFFC000  }
0x13e: {  	v1 =	vld [tilespmem:s23+$0x9C70]  }
0x13f: {  	v5 =	vld [tilespmem:s23+$0x9C00]  }
0x140: {  	v6 =	vld [tilespmem:s23+$0x9C10]  }
0x141: {  	v4 =	vld [tilespmem:s23+$0x9C20]  }
0x142: {  	v3 =	vld [tilespmem:s23+$0x9C30]  }
0x143: {  	v0 =	vld [tilespmem:s23+$0x9C40];
	v7 =	vmul.f32 $1.131370830e+01, v1  }
0x144: {  	v1 =	vld [tilespmem:s23+$0x9C50];
	v5 =	vmul.f32 $1.131370830e+01, v5  }
0x145: {  	s22 =	simm.s32 $0x80;
	s24 =	simm.s32 $0x400;
	v2 =	vld [tilespmem:s23+$0x9C60];
	v6 =	vmul.f32 $1.131370830e+01, v6;
	[tilespmem:s23+$0x9C70] =	vst v7  }
.LBB2_17:
0x146: {  	p0 =	sne.s32 s24, $0xFE00;
	v7 =	vld [tilespmem:s22+$0x9C70];
	[tilespmem:s23+$0x9C00] =	vst v5;
	v4 =	vmul.f32 $1.131370830e+01, v4  }
0x147: {  	v5 =	vld [tilespmem:s22+$0x9C00];
	[tilespmem:s23+$0x9C10] =	vst v6;
	v3 =	vmul.f32 $1.131370830e+01, v3  }
0x148: {  	v6 =	vld [tilespmem:s22+$0x9C10];
	[tilespmem:s23+$0x9C20] =	vst v4;
	v0 =	vmul.f32 $1.131370830e+01, v0  }
.Ltmp7:
0x149: {  	v4 =	vld [tilespmem:s22+$0x9C20];
	[tilespmem:s23+$0x9C30] =	vst v3;
	v1 =	vmul.f32 $1.131370830e+01, v1;
	(pc) =	sbr.rel @p0 .LBB2_17-.Ltmp7, $4  }
0x14a: {  	v3 =	vld [tilespmem:s22+$0x9C30];
	[tilespmem:s23+$0x9C40] =	vst v0;
	v2 =	vmul.f32 $1.131370830e+01, v2  }
0x14b: {  	v0 =	vld [tilespmem:s22+$0x9C40];
	v7 =	vmul.f32 $1.131370830e+01, v7;
	[tilespmem:s23+$0x9C50] =	vst v1  }
0x14c: {  	v5 =	vmul.f32 $1.131370830e+01, v5;
	v1 =	vld [tilespmem:s22+$0x9C50];
	[tilespmem:s23+$0x9C60] =	vst v2;
	s23 =	smov.u32 s22  }
0x14d: {  	s22 =	sshra.s32 s24, $0x2;
	s24 =	sadd.s32 $0x200, s24;
	v6 =	vmul.f32 $1.131370830e+01, v6;
	v2 =	vld [tilespmem:s23+$0x9C60];
	[tilespmem:s23+$0x9C70] =	vst v7  }
0x14e: {  	v7 =	vld [tilespmem:s22+$0x9C70];
	[tilespmem:s23+$0x9C00] =	vst v5;
	v4 =	vmul.f32 $1.131370830e+01, v4  }
0x14f: {  	v5 =	vld [tilespmem:s22+$0x9C00];
	[tilespmem:s23+$0x9C10] =	vst v6;
	v3 =	vmul.f32 $1.131370830e+01, v3  }
0x150: {  	v6 =	vld [tilespmem:s22+$0x9C10];
	[tilespmem:s23+$0x9C20] =	vst v4;
	v0 =	vmul.f32 $1.131370830e+01, v0  }
0x151: {  	v4 =	vld [tilespmem:s22+$0x9C20];
	[tilespmem:s23+$0x9C30] =	vst v3;
	v1 =	vmul.f32 $1.131370830e+01, v1  }
0x152: {  	v3 =	vld [tilespmem:s22+$0x9C30];
	[tilespmem:s23+$0x9C40] =	vst v0;
	v0 =	vmul.f32 $1.131370830e+01, v2  }
0x153: {  	v2 =	vld [tilespmem:s22+$0x9C40];
	v7 =	vmul.f32 $1.131370830e+01, v7;
	[tilespmem:s23+$0x9C50] =	vst v1  }
0x154: {  	v1 =	vld [tilespmem:s22+$0x9C50];
	v5 =	vmul.f32 $1.131370830e+01, v5;
	[tilespmem:s23+$0x9C60] =	vst v0  }
0x155: {  	v0 =	vld [tilespmem:s22+$0x9C60];
	v6 =	vmul.f32 $1.131370830e+01, v6;
	[tilespmem:s22+$0x9C70] =	vst v7  }
0x156: {  	[tilespmem:s22+$0x9C00] =	vst v5;
	v4 =	vmul.f32 $1.131370830e+01, v4  }
0x157: {  	[tilespmem:s22+$0x9C10] =	vst v6;
	v3 =	vmul.f32 $1.131370830e+01, v3  }
0x158: {  	[tilespmem:s22+$0x9C20] =	vst v4;
	v2 =	vmul.f32 $1.131370830e+01, v2  }
0x159: {  	[tilespmem:s22+$0x9C30] =	vst v3;
	v1 =	vmul.f32 $1.131370830e+01, v1  }
0x15a: {  	[tilespmem:s22+$0x9C40] =	vst v2;
	v0 =	vmul.f32 $1.131370830e+01, v0  }
0x15b: {  	[tilespmem:s22+$0x9C50] =	vst v1  }
0x15c: {  	s24 =	simm.s32 $0x0;
	s23 =	sadd.s32 $0x20000, s21;
	[tilespmem:s22+$0x9C60] =	vst v0  }
0x15d: {  	[hbm4b:s23+s24] =	stream.linear.scatter [tilespmem:s28], [sflag:$0x8], $0x4000, $0x38;
	[tilespmem:$0x15C00] =	vst v63  }
0x15e: {  	_ =	swait.ge [sflag:s0], $0x4000  }
0x15f: {  	[sflag:s0] =	ssyncset.done $0x0  }
0x160: {  	s24 =	sadd.s32 $0x300, s20;
	[sflag:s0] =	ssyncadd.s32 $0xFFFFC000  }
0x161: {  	[tilespmem:s16], [sflag:$0x2] =	stream.indirect.gather [hbm4b:s2+s14], $0x80, s24, s14, $0xb8;
	[tilespmem:$0x15C00] =	vst v63  }
0x162: {  	_ =	swait.ge [sflag:s26], $0x4000  }
0x163: {  	[sflag:s26] =	ssyncset.done $0x0  }
0x164: {  	s23 =	simm.s32 $0x0;
	[sflag:s26] =	ssyncadd.s32 $0xFFFFC000  }
0x165: {  	v1 =	vld [tilespmem:s23+$0xDC70]  }
0x166: {  	v5 =	vld [tilespmem:s23+$0xDC00]  }
0x167: {  	v6 =	vld [tilespmem:s23+$0xDC10]  }
0x168: {  	v4 =	vld [tilespmem:s23+$0xDC20]  }
0x169: {  	v3 =	vld [tilespmem:s23+$0xDC30]  }
0x16a: {  	v0 =	vld [tilespmem:s23+$0xDC40];
	v7 =	vmul.f32 $1.131370830e+01, v1  }
0x16b: {  	v1 =	vld [tilespmem:s23+$0xDC50];
	v5 =	vmul.f32 $1.131370830e+01, v5  }
0x16c: {  	s22 =	simm.s32 $0x80;
	s24 =	simm.s32 $0x400;
	v2 =	vld [tilespmem:s23+$0xDC60];
	v6 =	vmul.f32 $1.131370830e+01, v6;
	[tilespmem:s23+$0xDC70] =	vst v7  }
.LBB2_19:
0x16d: {  	p0 =	sne.s32 s24, $0xFE00;
	v7 =	vld [tilespmem:s22+$0xDC70];
	[tilespmem:s23+$0xDC00] =	vst v5;
	v4 =	vmul.f32 $1.131370830e+01, v4  }
0x16e: {  	v5 =	vld [tilespmem:s22+$0xDC00];
	[tilespmem:s23+$0xDC10] =	vst v6;
	v3 =	vmul.f32 $1.131370830e+01, v3  }
0x16f: {  	v6 =	vld [tilespmem:s22+$0xDC10];
	[tilespmem:s23+$0xDC20] =	vst v4;
	v0 =	vmul.f32 $1.131370830e+01, v0  }
.Ltmp8:
0x170: {  	v4 =	vld [tilespmem:s22+$0xDC20];
	[tilespmem:s23+$0xDC30] =	vst v3;
	v1 =	vmul.f32 $1.131370830e+01, v1;
	(pc) =	sbr.rel @p0 .LBB2_19-.Ltmp8, $4  }
0x171: {  	v3 =	vld [tilespmem:s22+$0xDC30];
	[tilespmem:s23+$0xDC40] =	vst v0;
	v2 =	vmul.f32 $1.131370830e+01, v2  }
0x172: {  	v0 =	vld [tilespmem:s22+$0xDC40];
	v7 =	vmul.f32 $1.131370830e+01, v7;
	[tilespmem:s23+$0xDC50] =	vst v1  }
0x173: {  	v5 =	vmul.f32 $1.131370830e+01, v5;
	v1 =	vld [tilespmem:s22+$0xDC50];
	[tilespmem:s23+$0xDC60] =	vst v2;
	s23 =	smov.u32 s22  }
0x174: {  	s22 =	sshra.s32 s24, $0x2;
	s24 =	sadd.s32 $0x200, s24;
	v6 =	vmul.f32 $1.131370830e+01, v6;
	v2 =	vld [tilespmem:s23+$0xDC60];
	[tilespmem:s23+$0xDC70] =	vst v7  }
0x175: {  	v7 =	vld [tilespmem:s22+$0xDC70];
	[tilespmem:s23+$0xDC00] =	vst v5;
	v4 =	vmul.f32 $1.131370830e+01, v4  }
0x176: {  	v5 =	vld [tilespmem:s22+$0xDC00];
	[tilespmem:s23+$0xDC10] =	vst v6;
	v3 =	vmul.f32 $1.131370830e+01, v3  }
0x177: {  	v6 =	vld [tilespmem:s22+$0xDC10];
	[tilespmem:s23+$0xDC20] =	vst v4;
	v0 =	vmul.f32 $1.131370830e+01, v0  }
0x178: {  	v4 =	vld [tilespmem:s22+$0xDC20];
	[tilespmem:s23+$0xDC30] =	vst v3;
	v1 =	vmul.f32 $1.131370830e+01, v1  }
0x179: {  	v3 =	vld [tilespmem:s22+$0xDC30];
	[tilespmem:s23+$0xDC40] =	vst v0;
	v0 =	vmul.f32 $1.131370830e+01, v2  }
0x17a: {  	v2 =	vld [tilespmem:s22+$0xDC40];
	v7 =	vmul.f32 $1.131370830e+01, v7;
	[tilespmem:s23+$0xDC50] =	vst v1  }
0x17b: {  	v1 =	vld [tilespmem:s22+$0xDC50];
	v5 =	vmul.f32 $1.131370830e+01, v5;
	[tilespmem:s23+$0xDC60] =	vst v0  }
0x17c: {  	v0 =	vld [tilespmem:s22+$0xDC60];
	v6 =	vmul.f32 $1.131370830e+01, v6;
	[tilespmem:s22+$0xDC70] =	vst v7  }
0x17d: {  	[tilespmem:s22+$0xDC00] =	vst v5;
	v4 =	vmul.f32 $1.131370830e+01, v4  }
0x17e: {  	[tilespmem:s22+$0xDC10] =	vst v6;
	v3 =	vmul.f32 $1.131370830e+01, v3  }
0x17f: {  	[tilespmem:s22+$0xDC20] =	vst v4;
	v2 =	vmul.f32 $1.131370830e+01, v2  }
0x180: {  	[tilespmem:s22+$0xDC30] =	vst v3;
	v1 =	vmul.f32 $1.131370830e+01, v1  }
0x181: {  	[tilespmem:s22+$0xDC40] =	vst v2;
	v0 =	vmul.f32 $1.131370830e+01, v0  }
0x182: {  	[tilespmem:s22+$0xDC50] =	vst v1  }
0x183: {  	s21 =	sadd.s32 $0x30000, s21;
	s23 =	simm.s32 $0x0;
	[tilespmem:s22+$0xDC60] =	vst v0  }
0x184: {  	[hbm4b:s21+s23] =	stream.linear.scatter [tilespmem:s30], [sflag:$0x9], $0x4000, $0x38;
	[tilespmem:$0x15C00] =	vst v63  }
0x185: {  	_ =	swait.ge [sflag:s10], $0x4000  }
0x186: {  	[sflag:s10] =	ssyncset.done $0x0  }
0x187: {  	s24 =	sadd.s32 $0x380, s20;
	[sflag:s10] =	ssyncadd.s32 $0xFFFFC000  }
0x188: {  	[tilespmem:s28], [sflag:$0x3] =	stream.indirect.gather [hbm4b:s2+s14], $0x80, s24, s14, $0xb8;
	[tilespmem:$0x15C00] =	vst v63  }
0x189: {  	_ =	swait.ge [sflag:s6], $0x4000  }
0x18a: {  	[sflag:s6] =	ssyncset.done $0x0  }
0x18b: {  	s22 =	simm.s32 $0x0;
	[sflag:s6] =	ssyncadd.s32 $0xFFFFC000  }
0x18c: {  	v1 =	vld [tilespmem:s22+$0x11C70]  }
0x18d: {  	v5 =	vld [tilespmem:s22+$0x11C00]  }
0x18e: {  	v6 =	vld [tilespmem:s22+$0x11C10]  }
0x18f: {  	v4 =	vld [tilespmem:s22+$0x11C20]  }
0x190: {  	v3 =	vld [tilespmem:s22+$0x11C30]  }
0x191: {  	v0 =	vld [tilespmem:s22+$0x11C40];
	v7 =	vmul.f32 $1.131370830e+01, v1  }
0x192: {  	v1 =	vld [tilespmem:s22+$0x11C50];
	v5 =	vmul.f32 $1.131370830e+01, v5  }
0x193: {  	s21 =	simm.s32 $0x80;
	s23 =	simm.s32 $0x400;
	v2 =	vld [tilespmem:s22+$0x11C60];
	v6 =	vmul.f32 $1.131370830e+01, v6;
	[tilespmem:s22+$0x11C70] =	vst v7  }
.LBB2_21:
0x194: {  	p0 =	sne.s32 s23, $0xFE00;
	v7 =	vld [tilespmem:s21+$0x11C70];
	[tilespmem:s22+$0x11C00] =	vst v5;
	v4 =	vmul.f32 $1.131370830e+01, v4  }
0x195: {  	v5 =	vld [tilespmem:s21+$0x11C00];
	[tilespmem:s22+$0x11C10] =	vst v6;
	v3 =	vmul.f32 $1.131370830e+01, v3  }
0x196: {  	v6 =	vld [tilespmem:s21+$0x11C10];
	[tilespmem:s22+$0x11C20] =	vst v4;
	v0 =	vmul.f32 $1.131370830e+01, v0  }
.Ltmp9:
0x197: {  	v4 =	vld [tilespmem:s21+$0x11C20];
	[tilespmem:s22+$0x11C30] =	vst v3;
	v1 =	vmul.f32 $1.131370830e+01, v1;
	(pc) =	sbr.rel @p0 .LBB2_21-.Ltmp9, $4  }
0x198: {  	v3 =	vld [tilespmem:s21+$0x11C30];
	[tilespmem:s22+$0x11C40] =	vst v0;
	v2 =	vmul.f32 $1.131370830e+01, v2  }
0x199: {  	v0 =	vld [tilespmem:s21+$0x11C40];
	v7 =	vmul.f32 $1.131370830e+01, v7;
	[tilespmem:s22+$0x11C50] =	vst v1  }
0x19a: {  	v5 =	vmul.f32 $1.131370830e+01, v5;
	v1 =	vld [tilespmem:s21+$0x11C50];
	[tilespmem:s22+$0x11C60] =	vst v2;
	s22 =	smov.u32 s21  }
0x19b: {  	s21 =	sshra.s32 s23, $0x2;
	s23 =	sadd.s32 $0x200, s23;
	v6 =	vmul.f32 $1.131370830e+01, v6;
	v2 =	vld [tilespmem:s22+$0x11C60];
	[tilespmem:s22+$0x11C70] =	vst v7  }
0x19c: {  	v7 =	vld [tilespmem:s21+$0x11C70];
	[tilespmem:s22+$0x11C00] =	vst v5;
	v4 =	vmul.f32 $1.131370830e+01, v4  }
0x19d: {  	v56 =	vld [tilespmem:s21+$0x11C00];
	[tilespmem:s22+$0x11C10] =	vst v6;
	v3 =	vmul.f32 $1.131370830e+01, v3  }
0x19e: {  	v57 =	vld [tilespmem:s21+$0x11C10];
	[tilespmem:s22+$0x11C20] =	vst v4;
	v0 =	vmul.f32 $1.131370830e+01, v0  }
0x19f: {  	v58 =	vld [tilespmem:s21+$0x11C20];
	[tilespmem:s22+$0x11C30] =	vst v3;
	v1 =	vmul.f32 $1.131370830e+01, v1  }
0x1a0: {  	v59 =	vld [tilespmem:s21+$0x11C30];
	[tilespmem:s22+$0x11C40] =	vst v0;
	v60 =	vmul.f32 $1.131370830e+01, v2  }
0x1a1: {  	v61 =	vld [tilespmem:s21+$0x11C40];
	v7 =	vmul.f32 $1.131370830e+01, v7;
	[tilespmem:s22+$0x11C50] =	vst v1  }
0x1a2: {  	v62 =	vld [tilespmem:s21+$0x11C50];
	v5 =	vmul.f32 $1.131370830e+01, v56;
	[tilespmem:s22+$0x11C60] =	vst v60  }
0x1a3: {  	v63 =	vld [tilespmem:s21+$0x11C60];
	v6 =	vmul.f32 $1.131370830e+01, v57;
	[tilespmem:s21+$0x11C70] =	vst v7  }
0x1a4: {  	v4 =	vmul.f32 $1.131370830e+01, v58;
	[tilespmem:s21+$0x11C00] =	vst v5  }
0x1a5: {  	v3 =	vmul.f32 $1.131370830e+01, v59;
	[tilespmem:s21+$0x11C10] =	vst v6  }
0x1a6: {  	v2 =	vmul.f32 $1.131370830e+01, v61;
	[tilespmem:s21+$0x11C20] =	vst v4  }
0x1a7: {  	v1 =	vmul.f32 $1.131370830e+01, v62;
	[tilespmem:s21+$0x11C30] =	vst v3  }
0x1a8: {  	s19 =	sshll.u32 s19, $0x10;
	v0 =	vmul.f32 $1.131370830e+01, v63;
	[tilespmem:s21+$0x11C40] =	vst v2  }
0x1a9: {  	s18 =	sadd.s32 $0x1, s18;
	s19 =	sadd.s32 s3, s19;
	[tilespmem:s21+$0x11C50] =	vst v1  }
0x1aa: {  	p0 =	sne.s32 s18, $0x9;
	s19 =	sadd.s32 s7, s19;
	[tilespmem:s21+$0x11C60] =	vst v0  }
0x1ab: {  	[hbm4b:s19+s4] =	stream.linear.scatter [tilespmem:s1], [sflag:$0xA], $0x4000, $0x38;
	[tilespmem:$0x15C00] =	vst v63  }
.Ltmp10:
0x1ac: {  	_ = 	snop;
	(pc) =	sbr.rel @p0 .LBB2_12-.Ltmp10, $4  }
0x1ad: {  	_ =	swait.ge [sflag:s8], $0x4000  }
0x1ae: {  	[sflag:s8] =	ssyncset.done $0x0  }
0x1af: {  	s24 =	sadd.s32 $0x400, s20;
	[sflag:s8] =	ssyncadd.s32 $0xFFFFC000  }
0x1b0: {  	[tilespmem:s30], [sflag:$0x4] =	stream.indirect.gather [hbm4b:s2+s14], $0x80, s24, s14, $0xb8;
	[tilespmem:$0x15C00] =	vst v63  }
0x1b1: {  	_ =	swait.ge [sflag:s31], $0x4000  }
0x1b2: {  	[sflag:s31] =	ssyncset.done $0x0  }
0x1b3: {  	s19 =	simm.s32 $0x0;
	[sflag:s31] =	ssyncadd.s32 $0xFFFFC000  }
0x1b4: {  	v1 =	vld [tilespmem:s19+$0x1C70]  }
0x1b5: {  	v5 =	vld [tilespmem:s19+$0x1C00]  }
0x1b6: {  	v6 =	vld [tilespmem:s19+$0x1C10]  }
0x1b7: {  	v4 =	vld [tilespmem:s19+$0x1C20]  }
0x1b8: {  	v3 =	vld [tilespmem:s19+$0x1C30]  }
0x1b9: {  	v0 =	vld [tilespmem:s19+$0x1C40];
	v7 =	vmul.f32 $1.131370830e+01, v1  }
0x1ba: {  	v1 =	vld [tilespmem:s19+$0x1C50];
	v5 =	vmul.f32 $1.131370830e+01, v5  }
0x1bb: {  	s18 =	simm.s32 $0x80;
	s20 =	simm.s32 $0x400;
	v2 =	vld [tilespmem:s19+$0x1C60];
	v6 =	vmul.f32 $1.131370830e+01, v6;
	[tilespmem:s19+$0x1C70] =	vst v7  }
.LBB2_24:
0x1bc: {  	p0 =	sne.s32 s20, $0xFE00;
	v7 =	vld [tilespmem:s18+$0x1C70];
	[tilespmem:s19+$0x1C00] =	vst v5;
	v4 =	vmul.f32 $1.131370830e+01, v4  }
0x1bd: {  	v5 =	vld [tilespmem:s18+$0x1C00];
	[tilespmem:s19+$0x1C10] =	vst v6;
	v3 =	vmul.f32 $1.131370830e+01, v3  }
0x1be: {  	v6 =	vld [tilespmem:s18+$0x1C10];
	[tilespmem:s19+$0x1C20] =	vst v4;
	v0 =	vmul.f32 $1.131370830e+01, v0  }
.Ltmp11:
0x1bf: {  	v4 =	vld [tilespmem:s18+$0x1C20];
	[tilespmem:s19+$0x1C30] =	vst v3;
	v1 =	vmul.f32 $1.131370830e+01, v1;
	(pc) =	sbr.rel @p0 .LBB2_24-.Ltmp11, $4  }
0x1c0: {  	v3 =	vld [tilespmem:s18+$0x1C30];
	[tilespmem:s19+$0x1C40] =	vst v0;
	v2 =	vmul.f32 $1.131370830e+01, v2  }
0x1c1: {  	v0 =	vld [tilespmem:s18+$0x1C40];
	v7 =	vmul.f32 $1.131370830e+01, v7;
	[tilespmem:s19+$0x1C50] =	vst v1  }
0x1c2: {  	v5 =	vmul.f32 $1.131370830e+01, v5;
	v1 =	vld [tilespmem:s18+$0x1C50];
	[tilespmem:s19+$0x1C60] =	vst v2;
	s19 =	smov.u32 s18  }
0x1c3: {  	s18 =	sshra.s32 s20, $0x2;
	s20 =	sadd.s32 $0x200, s20;
	v6 =	vmul.f32 $1.131370830e+01, v6;
	v2 =	vld [tilespmem:s19+$0x1C60];
	[tilespmem:s19+$0x1C70] =	vst v7  }
0x1c4: {  	v7 =	vld [tilespmem:s18+$0x1C70];
	[tilespmem:s19+$0x1C00] =	vst v5;
	v4 =	vmul.f32 $1.131370830e+01, v4  }
0x1c5: {  	v5 =	vld [tilespmem:s18+$0x1C00];
	[tilespmem:s19+$0x1C10] =	vst v6;
	v3 =	vmul.f32 $1.131370830e+01, v3  }
0x1c6: {  	v6 =	vld [tilespmem:s18+$0x1C10];
	[tilespmem:s19+$0x1C20] =	vst v4;
	v0 =	vmul.f32 $1.131370830e+01, v0  }
0x1c7: {  	v4 =	vld [tilespmem:s18+$0x1C20];
	[tilespmem:s19+$0x1C30] =	vst v3;
	v1 =	vmul.f32 $1.131370830e+01, v1  }
0x1c8: {  	v3 =	vld [tilespmem:s18+$0x1C30];
	[tilespmem:s19+$0x1C40] =	vst v0;
	v0 =	vmul.f32 $1.131370830e+01, v2  }
0x1c9: {  	v2 =	vld [tilespmem:s18+$0x1C40];
	v7 =	vmul.f32 $1.131370830e+01, v7;
	[tilespmem:s19+$0x1C50] =	vst v1  }
0x1ca: {  	v1 =	vld [tilespmem:s18+$0x1C50];
	v5 =	vmul.f32 $1.131370830e+01, v5;
	[tilespmem:s19+$0x1C60] =	vst v0  }
0x1cb: {  	v0 =	vld [tilespmem:s18+$0x1C60];
	v6 =	vmul.f32 $1.131370830e+01, v6;
	[tilespmem:s18+$0x1C70] =	vst v7  }
0x1cc: {  	[tilespmem:s18+$0x1C00] =	vst v5;
	v4 =	vmul.f32 $1.131370830e+01, v4  }
0x1cd: {  	[tilespmem:s18+$0x1C10] =	vst v6;
	v3 =	vmul.f32 $1.131370830e+01, v3  }
0x1ce: {  	[tilespmem:s18+$0x1C20] =	vst v4;
	v2 =	vmul.f32 $1.131370830e+01, v2  }
0x1cf: {  	[tilespmem:s18+$0x1C30] =	vst v3;
	v1 =	vmul.f32 $1.131370830e+01, v1  }
0x1d0: {  	[tilespmem:s18+$0x1C40] =	vst v2;
	v0 =	vmul.f32 $1.131370830e+01, v0  }
0x1d1: {  	[tilespmem:s18+$0x1C50] =	vst v1  }
0x1d2: {  	[tilespmem:s18+$0x1C60] =	vst v0  }
0x1d3: {  	_ =	swait.ge [sflag:s9], $0x4000  }
0x1d4: {  	[sflag:s9] =	ssyncset.done $0x0  }
0x1d5: {  	s22 =	simm.s32 $0x1880;
	[sflag:s9] =	ssyncadd.s32 $0xFFFFC000  }
0x1d6: {  	[tilespmem:s1], [sflag:$0x5] =	stream.indirect.gather [hbm4b:s2+s14], $0x80, s22, s14, $0xb8;
	[tilespmem:$0x15C00] =	vst v63  }
0x1d7: {  	s23 =	simm.s32 $0x0;
	s24 =	rddreg [dreg:$0xb]  }
0x1d8: {  	[hbm4b:s24+s23] =	stream.linear.scatter [tilespmem:s15], [sflag:$0x6], $0x4000, $0x38;
	[tilespmem:$0x15C00] =	vst v63  }
0x1d9: {  	_ =	swait.ge [sflag:s11], $0x4000  }
0x1da: {  	[sflag:s11] =	ssyncset.done $0x0  }
0x1db: {  	s19 =	simm.s32 $0x0;
	[sflag:s11] =	ssyncadd.s32 $0xFFFFC000  }
0x1dc: {  	v1 =	vld [tilespmem:s19+$0x5C70]  }
0x1dd: {  	v5 =	vld [tilespmem:s19+$0x5C00]  }
0x1de: {  	v6 =	vld [tilespmem:s19+$0x5C10]  }
0x1df: {  	v4 =	vld [tilespmem:s19+$0x5C20]  }
0x1e0: {  	v3 =	vld [tilespmem:s19+$0x5C30]  }
0x1e1: {  	v0 =	vld [tilespmem:s19+$0x5C40];
	v7 =	vmul.f32 $1.131370830e+01, v1  }
0x1e2: {  	v1 =	vld [tilespmem:s19+$0x5C50];
	v5 =	vmul.f32 $1.131370830e+01, v5  }
0x1e3: {  	s20 =	simm.s32 $0x400;
	s18 =	simm.s32 $0x80;
	v2 =	vld [tilespmem:s19+$0x5C60];
	v6 =	vmul.f32 $1.131370830e+01, v6;
	[tilespmem:s19+$0x5C70] =	vst v7  }
.LBB2_26:
0x1e4: {  	p0 =	sne.s32 s20, $0xFE00;
	v7 =	vld [tilespmem:s18+$0x5C70];
	[tilespmem:s19+$0x5C00] =	vst v5;
	v4 =	vmul.f32 $1.131370830e+01, v4  }
0x1e5: {  	v5 =	vld [tilespmem:s18+$0x5C00];
	[tilespmem:s19+$0x5C10] =	vst v6;
	v3 =	vmul.f32 $1.131370830e+01, v3  }
0x1e6: {  	v6 =	vld [tilespmem:s18+$0x5C10];
	[tilespmem:s19+$0x5C20] =	vst v4;
	v0 =	vmul.f32 $1.131370830e+01, v0  }
.Ltmp12:
0x1e7: {  	v4 =	vld [tilespmem:s18+$0x5C20];
	[tilespmem:s19+$0x5C30] =	vst v3;
	v1 =	vmul.f32 $1.131370830e+01, v1;
	(pc) =	sbr.rel @p0 .LBB2_26-.Ltmp12, $4  }
0x1e8: {  	v3 =	vld [tilespmem:s18+$0x5C30];
	[tilespmem:s19+$0x5C40] =	vst v0;
	v2 =	vmul.f32 $1.131370830e+01, v2  }
0x1e9: {  	v0 =	vld [tilespmem:s18+$0x5C40];
	v7 =	vmul.f32 $1.131370830e+01, v7;
	[tilespmem:s19+$0x5C50] =	vst v1  }
0x1ea: {  	v5 =	vmul.f32 $1.131370830e+01, v5;
	v1 =	vld [tilespmem:s18+$0x5C50];
	[tilespmem:s19+$0x5C60] =	vst v2;
	s19 =	smov.u32 s18  }
0x1eb: {  	s18 =	sshra.s32 s20, $0x2;
	s20 =	sadd.s32 $0x200, s20;
	v6 =	vmul.f32 $1.131370830e+01, v6;
	v2 =	vld [tilespmem:s19+$0x5C60];
	[tilespmem:s19+$0x5C70] =	vst v7  }
0x1ec: {  	v7 =	vld [tilespmem:s18+$0x5C70];
	[tilespmem:s19+$0x5C00] =	vst v5;
	v4 =	vmul.f32 $1.131370830e+01, v4  }
0x1ed: {  	v5 =	vld [tilespmem:s18+$0x5C00];
	[tilespmem:s19+$0x5C10] =	vst v6;
	v3 =	vmul.f32 $1.131370830e+01, v3  }
0x1ee: {  	v6 =	vld [tilespmem:s18+$0x5C10];
	[tilespmem:s19+$0x5C20] =	vst v4;
	v0 =	vmul.f32 $1.131370830e+01, v0  }
0x1ef: {  	v4 =	vld [tilespmem:s18+$0x5C20];
	[tilespmem:s19+$0x5C30] =	vst v3;
	v1 =	vmul.f32 $1.131370830e+01, v1  }
0x1f0: {  	v3 =	vld [tilespmem:s18+$0x5C30];
	[tilespmem:s19+$0x5C40] =	vst v0;
	v0 =	vmul.f32 $1.131370830e+01, v2  }
0x1f1: {  	v2 =	vld [tilespmem:s18+$0x5C40];
	v7 =	vmul.f32 $1.131370830e+01, v7;
	[tilespmem:s19+$0x5C50] =	vst v1  }
0x1f2: {  	v1 =	vld [tilespmem:s18+$0x5C50];
	v5 =	vmul.f32 $1.131370830e+01, v5;
	[tilespmem:s19+$0x5C60] =	vst v0  }
0x1f3: {  	v0 =	vld [tilespmem:s18+$0x5C60];
	v6 =	vmul.f32 $1.131370830e+01, v6;
	[tilespmem:s18+$0x5C70] =	vst v7  }
0x1f4: {  	[tilespmem:s18+$0x5C00] =	vst v5;
	v4 =	vmul.f32 $1.131370830e+01, v4  }
0x1f5: {  	[tilespmem:s18+$0x5C10] =	vst v6;
	v3 =	vmul.f32 $1.131370830e+01, v3  }
0x1f6: {  	[tilespmem:s18+$0x5C20] =	vst v4;
	v2 =	vmul.f32 $1.131370830e+01, v2  }
0x1f7: {  	[tilespmem:s18+$0x5C30] =	vst v3;
	v1 =	vmul.f32 $1.131370830e+01, v1  }
0x1f8: {  	[tilespmem:s18+$0x5C40] =	vst v2;
	v0 =	vmul.f32 $1.131370830e+01, v0  }
0x1f9: {  	[tilespmem:s18+$0x5C50] =	vst v1  }
0x1fa: {  	[tilespmem:s18+$0x5C60] =	vst v0  }
0x1fb: {  	_ =	swait.ge [sflag:s12], $0x4000  }
0x1fc: {  	[sflag:s12] =	ssyncset.done $0x0  }
0x1fd: {  	s23 =	simm.s32 $0x0;
	s24 =	rddreg [dreg:$0xc];
	[sflag:s12] =	ssyncadd.s32 $0xFFFFC000  }
0x1fe: {  	[hbm4b:s24+s23] =	stream.linear.scatter [tilespmem:s16], [sflag:$0x7], $0x4000, $0x38;
	[tilespmem:$0x15C00] =	vst v63  }
0x1ff: {  	_ =	swait.ge [sflag:s29], $0x4000  }
0x200: {  	[sflag:s29] =	ssyncset.done $0x0  }
0x201: {  	s19 =	simm.s32 $0x0;
	[sflag:s29] =	ssyncadd.s32 $0xFFFFC000  }
0x202: {  	v1 =	vld [tilespmem:s19+$0x9C70]  }
0x203: {  	v5 =	vld [tilespmem:s19+$0x9C00]  }
0x204: {  	v6 =	vld [tilespmem:s19+$0x9C10]  }
0x205: {  	v4 =	vld [tilespmem:s19+$0x9C20]  }
0x206: {  	v3 =	vld [tilespmem:s19+$0x9C30]  }
0x207: {  	v0 =	vld [tilespmem:s19+$0x9C40];
	v7 =	vmul.f32 $1.131370830e+01, v1  }
0x208: {  	v1 =	vld [tilespmem:s19+$0x9C50];
	v5 =	vmul.f32 $1.131370830e+01, v5  }
0x209: {  	s20 =	simm.s32 $0x400;
	s18 =	simm.s32 $0x80;
	v2 =	vld [tilespmem:s19+$0x9C60];
	v6 =	vmul.f32 $1.131370830e+01, v6;
	[tilespmem:s19+$0x9C70] =	vst v7  }
.LBB2_28:
0x20a: {  	p0 =	sne.s32 s20, $0xFE00;
	v7 =	vld [tilespmem:s18+$0x9C70];
	[tilespmem:s19+$0x9C00] =	vst v5;
	v4 =	vmul.f32 $1.131370830e+01, v4  }
0x20b: {  	v5 =	vld [tilespmem:s18+$0x9C00];
	[tilespmem:s19+$0x9C10] =	vst v6;
	v3 =	vmul.f32 $1.131370830e+01, v3  }
0x20c: {  	v6 =	vld [tilespmem:s18+$0x9C10];
	[tilespmem:s19+$0x9C20] =	vst v4;
	v0 =	vmul.f32 $1.131370830e+01, v0  }
.Ltmp13:
0x20d: {  	v4 =	vld [tilespmem:s18+$0x9C20];
	[tilespmem:s19+$0x9C30] =	vst v3;
	v1 =	vmul.f32 $1.131370830e+01, v1;
	(pc) =	sbr.rel @p0 .LBB2_28-.Ltmp13, $4  }
0x20e: {  	v3 =	vld [tilespmem:s18+$0x9C30];
	[tilespmem:s19+$0x9C40] =	vst v0;
	v2 =	vmul.f32 $1.131370830e+01, v2  }
0x20f: {  	v0 =	vld [tilespmem:s18+$0x9C40];
	v7 =	vmul.f32 $1.131370830e+01, v7;
	[tilespmem:s19+$0x9C50] =	vst v1  }
0x210: {  	v5 =	vmul.f32 $1.131370830e+01, v5;
	v1 =	vld [tilespmem:s18+$0x9C50];
	[tilespmem:s19+$0x9C60] =	vst v2;
	s19 =	smov.u32 s18  }
0x211: {  	s18 =	sshra.s32 s20, $0x2;
	s20 =	sadd.s32 $0x200, s20;
	v6 =	vmul.f32 $1.131370830e+01, v6;
	v2 =	vld [tilespmem:s19+$0x9C60];
	[tilespmem:s19+$0x9C70] =	vst v7  }
0x212: {  	v7 =	vld [tilespmem:s18+$0x9C70];
	[tilespmem:s19+$0x9C00] =	vst v5;
	v4 =	vmul.f32 $1.131370830e+01, v4  }
0x213: {  	v5 =	vld [tilespmem:s18+$0x9C00];
	[tilespmem:s19+$0x9C10] =	vst v6;
	v3 =	vmul.f32 $1.131370830e+01, v3  }
0x214: {  	v6 =	vld [tilespmem:s18+$0x9C10];
	[tilespmem:s19+$0x9C20] =	vst v4;
	v0 =	vmul.f32 $1.131370830e+01, v0  }
0x215: {  	v4 =	vld [tilespmem:s18+$0x9C20];
	[tilespmem:s19+$0x9C30] =	vst v3;
	v1 =	vmul.f32 $1.131370830e+01, v1  }
0x216: {  	v3 =	vld [tilespmem:s18+$0x9C30];
	[tilespmem:s19+$0x9C40] =	vst v0;
	v0 =	vmul.f32 $1.131370830e+01, v2  }
0x217: {  	v2 =	vld [tilespmem:s18+$0x9C40];
	v7 =	vmul.f32 $1.131370830e+01, v7;
	[tilespmem:s19+$0x9C50] =	vst v1  }
0x218: {  	v1 =	vld [tilespmem:s18+$0x9C50];
	v5 =	vmul.f32 $1.131370830e+01, v5;
	[tilespmem:s19+$0x9C60] =	vst v0  }
0x219: {  	v0 =	vld [tilespmem:s18+$0x9C60];
	v6 =	vmul.f32 $1.131370830e+01, v6;
	[tilespmem:s18+$0x9C70] =	vst v7  }
0x21a: {  	[tilespmem:s18+$0x9C00] =	vst v5;
	v4 =	vmul.f32 $1.131370830e+01, v4  }
0x21b: {  	[tilespmem:s18+$0x9C10] =	vst v6;
	v3 =	vmul.f32 $1.131370830e+01, v3  }
0x21c: {  	[tilespmem:s18+$0x9C20] =	vst v4;
	v2 =	vmul.f32 $1.131370830e+01, v2  }
0x21d: {  	[tilespmem:s18+$0x9C30] =	vst v3;
	v1 =	vmul.f32 $1.131370830e+01, v1  }
0x21e: {  	[tilespmem:s18+$0x9C40] =	vst v2;
	v0 =	vmul.f32 $1.131370830e+01, v0  }
0x21f: {  	[tilespmem:s18+$0x9C50] =	vst v1  }
0x220: {  	[tilespmem:s18+$0x9C60] =	vst v0  }
0x221: {  	_ =	swait.ge [sflag:s0], $0x4000  }
0x222: {  	[sflag:s0] =	ssyncset.done $0x0  }
0x223: {  	s23 =	simm.s32 $0x0;
	s24 =	rddreg [dreg:$0xd];
	[sflag:s0] =	ssyncadd.s32 $0xFFFFC000  }
0x224: {  	[hbm4b:s24+s23] =	stream.linear.scatter [tilespmem:s28], [sflag:$0x8], $0x4000, $0x38;
	[tilespmem:$0x15C00] =	vst v63  }
0x225: {  	_ =	swait.ge [sflag:s26], $0x4000  }
0x226: {  	[sflag:s26] =	ssyncset.done $0x0  }
0x227: {  	s19 =	simm.s32 $0x0;
	[sflag:s26] =	ssyncadd.s32 $0xFFFFC000  }
0x228: {  	v1 =	vld [tilespmem:s19+$0xDC70]  }
0x229: {  	v5 =	vld [tilespmem:s19+$0xDC00]  }
0x22a: {  	v6 =	vld [tilespmem:s19+$0xDC10]  }
0x22b: {  	v4 =	vld [tilespmem:s19+$0xDC20]  }
0x22c: {  	v3 =	vld [tilespmem:s19+$0xDC30]  }
0x22d: {  	v0 =	vld [tilespmem:s19+$0xDC40];
	v7 =	vmul.f32 $1.131370830e+01, v1  }
0x22e: {  	v1 =	vld [tilespmem:s19+$0xDC50];
	v5 =	vmul.f32 $1.131370830e+01, v5  }
0x22f: {  	s20 =	simm.s32 $0x400;
	s21 =	simm.s32 $0x400;
	s18 =	simm.s32 $0x80;
	v2 =	vld [tilespmem:s19+$0xDC60];
	v6 =	vmul.f32 $1.131370830e+01, v6;
	[tilespmem:s19+$0xDC70] =	vst v7  }
.LBB2_30:
0x230: {  	p0 =	sne.s32 s20, $0xFE00;
	v7 =	vld [tilespmem:s18+$0xDC70];
	[tilespmem:s19+$0xDC00] =	vst v5;
	v4 =	vmul.f32 $1.131370830e+01, v4  }
0x231: {  	v5 =	vld [tilespmem:s18+$0xDC00];
	[tilespmem:s19+$0xDC10] =	vst v6;
	v3 =	vmul.f32 $1.131370830e+01, v3  }
0x232: {  	v6 =	vld [tilespmem:s18+$0xDC10];
	[tilespmem:s19+$0xDC20] =	vst v4;
	v0 =	vmul.f32 $1.131370830e+01, v0  }
.Ltmp14:
0x233: {  	v4 =	vld [tilespmem:s18+$0xDC20];
	[tilespmem:s19+$0xDC30] =	vst v3;
	v1 =	vmul.f32 $1.131370830e+01, v1;
	(pc) =	sbr.rel @p0 .LBB2_30-.Ltmp14, $4  }
0x234: {  	v3 =	vld [tilespmem:s18+$0xDC30];
	[tilespmem:s19+$0xDC40] =	vst v0;
	v2 =	vmul.f32 $1.131370830e+01, v2  }
0x235: {  	v0 =	vld [tilespmem:s18+$0xDC40];
	v7 =	vmul.f32 $1.131370830e+01, v7;
	[tilespmem:s19+$0xDC50] =	vst v1  }
0x236: {  	v5 =	vmul.f32 $1.131370830e+01, v5;
	v1 =	vld [tilespmem:s18+$0xDC50];
	[tilespmem:s19+$0xDC60] =	vst v2;
	s19 =	smov.u32 s18  }
0x237: {  	s18 =	sshra.s32 s20, $0x2;
	s20 =	sadd.s32 $0x200, s20;
	v6 =	vmul.f32 $1.131370830e+01, v6;
	v2 =	vld [tilespmem:s19+$0xDC60];
	[tilespmem:s19+$0xDC70] =	vst v7  }
0x238: {  	v7 =	vld [tilespmem:s18+$0xDC70];
	[tilespmem:s19+$0xDC00] =	vst v5;
	v4 =	vmul.f32 $1.131370830e+01, v4  }
0x239: {  	v5 =	vld [tilespmem:s18+$0xDC00];
	[tilespmem:s19+$0xDC10] =	vst v6;
	v3 =	vmul.f32 $1.131370830e+01, v3  }
0x23a: {  	v6 =	vld [tilespmem:s18+$0xDC10];
	[tilespmem:s19+$0xDC20] =	vst v4;
	v0 =	vmul.f32 $1.131370830e+01, v0  }
0x23b: {  	v4 =	vld [tilespmem:s18+$0xDC20];
	[tilespmem:s19+$0xDC30] =	vst v3;
	v1 =	vmul.f32 $1.131370830e+01, v1  }
0x23c: {  	v3 =	vld [tilespmem:s18+$0xDC30];
	[tilespmem:s19+$0xDC40] =	vst v0;
	v0 =	vmul.f32 $1.131370830e+01, v2  }
0x23d: {  	v2 =	vld [tilespmem:s18+$0xDC40];
	v7 =	vmul.f32 $1.131370830e+01, v7;
	[tilespmem:s19+$0xDC50] =	vst v1  }
0x23e: {  	v1 =	vld [tilespmem:s18+$0xDC50];
	v5 =	vmul.f32 $1.131370830e+01, v5;
	[tilespmem:s19+$0xDC60] =	vst v0  }
0x23f: {  	v0 =	vld [tilespmem:s18+$0xDC60];
	v6 =	vmul.f32 $1.131370830e+01, v6;
	[tilespmem:s18+$0xDC70] =	vst v7  }
0x240: {  	[tilespmem:s18+$0xDC00] =	vst v5;
	v4 =	vmul.f32 $1.131370830e+01, v4  }
0x241: {  	[tilespmem:s18+$0xDC10] =	vst v6;
	v3 =	vmul.f32 $1.131370830e+01, v3  }
0x242: {  	[tilespmem:s18+$0xDC20] =	vst v4;
	v2 =	vmul.f32 $1.131370830e+01, v2  }
0x243: {  	[tilespmem:s18+$0xDC30] =	vst v3;
	v1 =	vmul.f32 $1.131370830e+01, v1  }
0x244: {  	[tilespmem:s18+$0xDC40] =	vst v2;
	v0 =	vmul.f32 $1.131370830e+01, v0  }
0x245: {  	[tilespmem:s18+$0xDC50] =	vst v1  }
0x246: {  	[tilespmem:s18+$0xDC60] =	vst v0  }
0x247: {  	_ =	swait.ge [sflag:s10], $0x4000  }
0x248: {  	[sflag:s10] =	ssyncset.done $0x0  }
0x249: {  	s23 =	simm.s32 $0x0;
	s24 =	rddreg [dreg:$0xe];
	[sflag:s10] =	ssyncadd.s32 $0xFFFFC000  }
0x24a: {  	[hbm4b:s24+s23] =	stream.linear.scatter [tilespmem:s30], [sflag:$0x9], $0x4000, $0x38;
	[tilespmem:$0x15C00] =	vst v63  }
0x24b: {  	_ =	swait.ge [sflag:s6], $0x4000  }
0x24c: {  	[sflag:s6] =	ssyncset.done $0x0  }
0x24d: {  	s19 =	simm.s32 $0x0;
	[sflag:s6] =	ssyncadd.s32 $0xFFFFC000  }
0x24e: {  	v1 =	vld [tilespmem:s19+$0x11C70]  }
0x24f: {  	v5 =	vld [tilespmem:s19+$0x11C00]  }
0x250: {  	v6 =	vld [tilespmem:s19+$0x11C10]  }
0x251: {  	v4 =	vld [tilespmem:s19+$0x11C20]  }
0x252: {  	v3 =	vld [tilespmem:s19+$0x11C30]  }
0x253: {  	v0 =	vld [tilespmem:s19+$0x11C40];
	v7 =	vmul.f32 $1.131370830e+01, v1  }
0x254: {  	v1 =	vld [tilespmem:s19+$0x11C50];
	v5 =	vmul.f32 $1.131370830e+01, v5  }
0x255: {  	s20 =	simm.s32 $0x400;
	s18 =	simm.s32 $0x80;
	v2 =	vld [tilespmem:s19+$0x11C60];
	v6 =	vmul.f32 $1.131370830e+01, v6;
	[tilespmem:s19+$0x11C70] =	vst v7  }
.LBB2_32:
0x256: {  	p0 =	sne.s32 s20, $0xFE00;
	v7 =	vld [tilespmem:s18+$0x11C70];
	[tilespmem:s19+$0x11C00] =	vst v5;
	v4 =	vmul.f32 $1.131370830e+01, v4  }
0x257: {  	v5 =	vld [tilespmem:s18+$0x11C00];
	[tilespmem:s19+$0x11C10] =	vst v6;
	v3 =	vmul.f32 $1.131370830e+01, v3  }
0x258: {  	v6 =	vld [tilespmem:s18+$0x11C10];
	[tilespmem:s19+$0x11C20] =	vst v4;
	v0 =	vmul.f32 $1.131370830e+01, v0  }
.Ltmp15:
0x259: {  	v4 =	vld [tilespmem:s18+$0x11C20];
	[tilespmem:s19+$0x11C30] =	vst v3;
	v1 =	vmul.f32 $1.131370830e+01, v1;
	(pc) =	sbr.rel @p0 .LBB2_32-.Ltmp15, $4  }
0x25a: {  	v3 =	vld [tilespmem:s18+$0x11C30];
	[tilespmem:s19+$0x11C40] =	vst v0;
	v2 =	vmul.f32 $1.131370830e+01, v2  }
0x25b: {  	v0 =	vld [tilespmem:s18+$0x11C40];
	v7 =	vmul.f32 $1.131370830e+01, v7;
	[tilespmem:s19+$0x11C50] =	vst v1  }
0x25c: {  	v5 =	vmul.f32 $1.131370830e+01, v5;
	v1 =	vld [tilespmem:s18+$0x11C50];
	[tilespmem:s19+$0x11C60] =	vst v2;
	s19 =	smov.u32 s18  }
0x25d: {  	s18 =	sshra.s32 s20, $0x2;
	s20 =	sadd.s32 $0x200, s20;
	v6 =	vmul.f32 $1.131370830e+01, v6;
	v2 =	vld [tilespmem:s19+$0x11C60];
	[tilespmem:s19+$0x11C70] =	vst v7  }
0x25e: {  	v7 =	vld [tilespmem:s18+$0x11C70];
	[tilespmem:s19+$0x11C00] =	vst v5;
	v4 =	vmul.f32 $1.131370830e+01, v4  }
0x25f: {  	v56 =	vld [tilespmem:s18+$0x11C00];
	[tilespmem:s19+$0x11C10] =	vst v6;
	v3 =	vmul.f32 $1.131370830e+01, v3  }
0x260: {  	v57 =	vld [tilespmem:s18+$0x11C10];
	[tilespmem:s19+$0x11C20] =	vst v4;
	v0 =	vmul.f32 $1.131370830e+01, v0  }
0x261: {  	v58 =	vld [tilespmem:s18+$0x11C20];
	[tilespmem:s19+$0x11C30] =	vst v3;
	v1 =	vmul.f32 $1.131370830e+01, v1  }
0x262: {  	v59 =	vld [tilespmem:s18+$0x11C30];
	[tilespmem:s19+$0x11C40] =	vst v0;
	v60 =	vmul.f32 $1.131370830e+01, v2  }
0x263: {  	v61 =	vld [tilespmem:s18+$0x11C40];
	v7 =	vmul.f32 $1.131370830e+01, v7;
	[tilespmem:s19+$0x11C50] =	vst v1  }
0x264: {  	v62 =	vld [tilespmem:s18+$0x11C50];
	v5 =	vmul.f32 $1.131370830e+01, v56;
	[tilespmem:s19+$0x11C60] =	vst v60  }
0x265: {  	v63 =	vld [tilespmem:s18+$0x11C60];
	v6 =	vmul.f32 $1.131370830e+01, v57;
	[tilespmem:s18+$0x11C70] =	vst v7  }
0x266: {  	v4 =	vmul.f32 $1.131370830e+01, v58;
	[tilespmem:s18+$0x11C00] =	vst v5  }
0x267: {  	v3 =	vmul.f32 $1.131370830e+01, v59;
	[tilespmem:s18+$0x11C10] =	vst v6  }
0x268: {  	v2 =	vmul.f32 $1.131370830e+01, v61;
	[tilespmem:s18+$0x11C20] =	vst v4  }
0x269: {  	v1 =	vmul.f32 $1.131370830e+01, v62;
	[tilespmem:s18+$0x11C30] =	vst v3  }
0x26a: {  	v0 =	vmul.f32 $1.131370830e+01, v63;
	[tilespmem:s18+$0x11C40] =	vst v2  }
0x26b: {  	[tilespmem:s18+$0x11C50] =	vst v1  }
0x26c: {  	[tilespmem:s18+$0x11C60] =	vst v0  }
0x26d: {  	_ =	swait.ge [sflag:s8], $0x4000  }
0x26e: {  	[sflag:s8] =	ssyncset.done $0x0  }
0x26f: {  	[sflag:s8] =	ssyncadd.s32 $0xFFFFC000  }
0x270: {  	[hbm4b:s25+s4] =	stream.linear.scatter [tilespmem:s1], [sflag:$0xA], $0x4000, $0x38;
	[tilespmem:$0x15C00] =	vst v63  }
0x271: {  	_ =	swait.ge [sflag:s9], $0x4000  }
0x272: {  	s17 =	sadd.s32 $0x1, s17;
	s24 =	rddreg [dreg:$0x6]  }
0x273: {  	p0 =	sne.s32 s17, s24  }
.Ltmp16:
0x274: {  	_ = 	snop;
	(pc) =	sbr.rel @p0 .LBB2_1-.Ltmp16, $3  }
0x275: {  	_ =	sdelay $0x1  }
0x276: {  	[sflag:s9] =	ssyncset.done $0x0  }
0x277: {  	[sflag:s9] =	ssyncadd.s32 $0xFFFFC000  }
0x278: {  	_ =	sfence.sel $0x180000  }
0x279: {  	[bflag:$0x0] =	sbarrier.arrive $0xFFFF  }
0x27a: {  	_ =	strace $0x90000047  }
0x27b: {  	s0 =	stileid.u32;
	[bflag:$0x2] =	sbarrier.arrive $0xFFFF  }
0x27c: {  	p0 =	sne.s32 s0, $0x0;
	s0 =	rddreg [dreg:$0x3]  }
0x27d: {  	s0 =	sadd.s32 @!p0 $0x100000, s0  }
0x27e: {  	[sflag:s0] =	ssyncadd.tile.s32 @!p0 $0x1;
	_ =	shalt  }
.Lfunc_end2:
_tile_overlayer_lowered:
.L_overlay_start_2:
0x27f: {  	(tag) =	ssettag $0x2  }
0x280: {  	s0 =	rddreg [dreg:$0x0];
	s2 =	stileid.u32  }
0x281: {  	s1 =	rddreg [dreg:$0x1];
	p0 =	sne.s32 s2, $0x0  }
0x282: {  	s3 =	rddreg [dreg:$0x2];
	[bflag:$0x3] =	sbarrier.arrive $0xFFFF;
	s2 =	simm.s32 @!p0 $0x1C0B  }
0x283: {  	[timem:s3], [sflag:s2] =	dma.local @!p0 [hbm:s0], s1  }
0x284: {  	s0 =	simm.s32 @!p0 $0xB  }
0x285: {  	_ =	swait.ge @!p0 [sflag:s0], s1  }
0x286: {  	s1 =	ssub.s32 @!p0 $0x0, s1;
	[sflag:s0] =	ssyncset.done @!p0 $0x0  }
0x287: {  	[sflag:s0] =	ssyncadd.s32 @!p0 s1  }
0x288: {  	[bflag:$0x3] =	sbarrier.arrive $0xFFFF  }
0x289: {  	_ =	shalt  }

</sc_bundles>
